<compile_context>
chip_gen: v7x
topology: tpu7x:2x2x1
jax: 0.10.2.dev20260603
libtpu: 0.0.44.dev20260713+nightly
codegen_flags: <defaults>
</compile_context>

<pallas_src>
import functools

import jax
import jax.numpy as jnp
from jax import lax
from jax.experimental import pallas as pl
from jax.experimental.pallas import tpu as pltpu
from jax.experimental.pallas import tpu_sc as plsc

N_TP = 3
N_GP = 5
N_EXP = N_TP * N_GP
RAWOB = 128
D_IN = RAWOB + N_TP
DP = 256
H = 128
N_ACT = 32
OUTW = 128
NT = 1024
NA = 16
T = NT * NA
R = 128
C = 128
BLK = 512
TPAD = T + N_EXP * BLK + BLK
NBP = TPAD // BLK

SC_NC = 2
SC_NS = 16
NW = SC_NC * SC_NS
TOK_W = T // NW
GPK = 8
CHUNK = 128
NCH = TOK_W // CHUNK
SUBB = 16


def _route_body(pick_ref, dest_ref, blk_ref):
    p = pick_ref[...]
    i0 = lax.broadcasted_iota(jnp.int32, (R, C), 0)
    i1 = lax.broadcasted_iota(jnp.int32, (R, C), 1)
    su = (i0 < i1).astype(jnp.float32)
    sl = (i0 > i1).astype(jnp.float32)
    ib = lax.broadcasted_iota(jnp.int32, (1, NBP), 1)
    dest = jnp.zeros((R, C), jnp.int32)
    blk = jnp.full((1, NBP), -1, jnp.int32)
    off = 0
    for e in range(N_EXP):
        oh = (p == e).astype(jnp.float32)
        cs = jnp.dot(oh, su, preferred_element_type=jnp.float32)
        rowtot = jnp.sum(oh, axis=1, keepdims=True)
        rowpref = jnp.dot(sl, rowtot, preferred_element_type=jnp.float32)
        rank = (rowpref + cs).astype(jnp.int32)
        cnt = jnp.sum(oh).astype(jnp.int32)
        dest = jnp.where(p == e, off + rank, dest)
        blk = blk + (ib * BLK >= off).astype(jnp.int32)
        off = off + ((cnt + BLK - 1) // BLK) * BLK
    dest_ref[...] = dest
    blk_ref[...] = blk


def _expert_body(be_ref, x_ref, *refs):
    bf = jnp.bfloat16
    (Wc1_ref, bc1_ref, Wc2_ref, bc2_ref, Wc3_ref, bc3_ref,
     out_ref) = refs[6 * SUBB:]
    for j in range(SUBB):
        W1_ref, b1_ref, W2_ref, b2_ref, W3_ref, b3_ref = refs[6 * j:6 * j + 6]
        xi = x_ref[pl.ds(j * BLK, BLK), :]
        x0 = lax.bitcast_convert_type(xi << 16, jnp.float32)
        x1 = lax.bitcast_convert_type(
            xi[:, :GPK] & jnp.int32(-65536), jnp.float32)
        h = jnp.tanh(
            jnp.dot(x0, W1_ref[0, 0], preferred_element_type=jnp.float32)
            + jnp.dot(x1, W1_ref[0, 1, :GPK], preferred_element_type=jnp.float32)
            + b1_ref[0])
        h = jnp.tanh(jnp.dot(h.astype(bf), W2_ref[0],
                             preferred_element_type=jnp.float32) + b2_ref[0])
        y = jnp.dot(h.astype(bf), W3_ref[0],
                    preferred_element_type=jnp.float32) + b3_ref[0]
        hc = jnp.tanh(
            jnp.dot(x0, Wc1_ref[0], preferred_element_type=jnp.float32)
            + jnp.dot(x1, Wc1_ref[1, :GPK], preferred_element_type=jnp.float32)
            + bc1_ref[...])
        hc = jnp.tanh(jnp.dot(hc.astype(bf), Wc2_ref[...],
                              preferred_element_type=jnp.float32) + bc2_ref[...])
        v = jnp.dot(hc.astype(bf), Wc3_ref[...],
                    preferred_element_type=jnp.float32) + bc3_ref[...]
        out_ref[pl.ds(j * BLK, BLK), :] = jnp.concatenate(
            [y, v, jnp.zeros((BLK, OUTW - N_ACT - 1), jnp.float32)], axis=1)


def _scatter_body(x_hbm, dest_hbm, xs_hbm, idx_v, xbuf, sem):
    wid = lax.axis_index("s") * SC_NC + lax.axis_index("c")
    pltpu.sync_copy(dest_hbm.at[pl.ds(wid * NCH, NCH)], idx_v)
    pltpu.sync_copy(x_hbm.at[pl.ds(wid * TOK_W, TOK_W)], xbuf)
    copies = [
        pltpu.async_copy(xbuf.at[pl.ds(j * CHUNK, CHUNK)],
                         xs_hbm.at[idx_v.at[j]], sem)
        for j in range(NCH)
    ]
    for cp in copies:
        cp.wait()


def _gather_body(z_hbm, dest_hbm, out_hbm, idx_v, zbuf, sem):
    wid = lax.axis_index("s") * SC_NC + lax.axis_index("c")
    pltpu.sync_copy(dest_hbm.at[pl.ds(wid * NCH, NCH)], idx_v)
    copies = [
        pltpu.async_copy(z_hbm.at[idx_v.at[j]],
                         zbuf.at[pl.ds(j * CHUNK, CHUNK)], sem)
        for j in range(NCH)
    ]
    for cp in copies:
        cp.wait()
    pltpu.sync_copy(zbuf, out_hbm.at[pl.ds(wid * TOK_W, TOK_W)])


def kernel(obs, gp_sel_summary, hete_pick, W1, b1, W2, b2, W3, b3,
           Wc1, bc1, Wc2, bc2, Wc3, bc3):
    bf = jnp.bfloat16
    lo = lax.bitcast_convert_type(obs.reshape(T, RAWOB).astype(bf),
                                  jnp.uint16).astype(jnp.uint32)
    hi = lax.bitcast_convert_type(
        jnp.pad(gp_sel_summary.reshape(T, N_TP).astype(bf),
                ((0, 0), (0, RAWOB - N_TP))), jnp.uint16).astype(jnp.uint32)
    x = lax.bitcast_convert_type((hi << 16) | lo, jnp.int32)
    pick2 = hete_pick.reshape(R, C).astype(jnp.int32)
    W1p = jnp.pad(W1, ((0, 0), (0, DP - D_IN), (0, 0))).astype(bf)
    W1p = W1p.reshape(N_EXP, 2, RAWOB, H)
    Wc1p = jnp.pad(Wc1, ((0, DP - D_IN), (0, 0))).astype(bf)
    Wc1p = Wc1p.reshape(2, RAWOB, H)

    dest2, blk2 = pl.pallas_call(
        _route_body,
        out_shape=(jax.ShapeDtypeStruct((R, C), jnp.int32),
                   jax.ShapeDtypeStruct((1, NBP), jnp.int32)),
    )(pick2)
    blkexp = blk2.reshape(NBP)

    mesh = plsc.VectorSubcoreMesh(core_axis_name="c", subcore_axis_name="s")
    xs = functools.partial(
        pl.kernel, mesh=mesh,
        out_type=jax.ShapeDtypeStruct((TPAD, RAWOB), jnp.int32),
        scratch_types=[pltpu.VMEM((NCH, CHUNK), jnp.int32),
                       pltpu.VMEM((TOK_W, RAWOB), jnp.int32),
                       pltpu.SemaphoreType.DMA],
    )(_scatter_body)(x, dest2)

    full = lambda *s: pl.BlockSpec(s, lambda i, be: (0,) * len(s))
    def _wspecs(j):
        em = lambda i, be, j=j: (be[SUBB * i + j], 0, 0)
        em4 = lambda i, be, j=j: (be[SUBB * i + j], 0, 0, 0)
        return [
            pl.BlockSpec((1, 2, RAWOB, H), em4),
            pl.BlockSpec((1, 1, H), em),
            pl.BlockSpec((1, H, H), em),
            pl.BlockSpec((1, 1, H), em),
            pl.BlockSpec((1, H, N_ACT), em),
            pl.BlockSpec((1, 1, N_ACT), em),
        ]
    wargs = (W1p, b1.reshape(N_EXP, 1, H),
             W2.astype(bf), b2.reshape(N_EXP, 1, H),
             W3.astype(bf), b3.reshape(N_EXP, 1, N_ACT))
    z = pl.pallas_call(
        _expert_body,
        grid_spec=pltpu.PrefetchScalarGridSpec(
            num_scalar_prefetch=1,
            grid=(NBP // SUBB,),
            in_specs=[
                pl.BlockSpec((SUBB * BLK, RAWOB), lambda i, be: (i, 0)),
            ] + sum([_wspecs(j) for j in range(SUBB)], []) + [
                full(2, RAWOB, H), full(H), full(H, H), full(H), full(H, 1),
                full(1),
            ],
            out_specs=pl.BlockSpec((SUBB * BLK, OUTW), lambda i, be: (i, 0)),
        ),
        out_shape=jax.ShapeDtypeStruct((TPAD, OUTW), jnp.float32),
        compiler_params=pltpu.CompilerParams(
            dimension_semantics=("arbitrary",)),
    )(blkexp, xs, *(wargs * SUBB),
      Wc1p, bc1, Wc2.astype(bf), bc2, Wc3.astype(bf), bc3)

    out = functools.partial(
        pl.kernel, mesh=mesh,
        out_type=jax.ShapeDtypeStruct((T, OUTW), jnp.float32),
        scratch_types=[pltpu.VMEM((NCH, CHUNK), jnp.int32),
                       pltpu.VMEM((TOK_W, OUTW), jnp.float32),
                       pltpu.SemaphoreType.DMA],
    )(_gather_body)(z, dest2)

    return out[:, :N_ACT + 1].reshape(NT, NA, N_ACT + 1)

# --- scband reference (transcript-rebuilt; emitter-appended) ---
"""Pipeline reference for scband-hete-net-58969900974561 (READ-ONLY COPY).

The authoritative reference and input builder live on the scoring server;
editing this copy changes nothing except your own understanding.
"""

import jax, jax.numpy as jnp
import numpy as np

N_TP = 3          # number of hete types (from hete_type=[0,0,1,1,2])
N_GP = 5          # hete_n_net_placeholder (policy-group placeholders)
N_EXP = N_TP * N_GP
RAWOB = 128
D_IN = RAWOB + N_TP   # obs concatenated with hete group-selection summary
H = 128
N_ACT = 32
NT = 1024         # n_threads
NA = 16           # n_agents


def _mlp(x, W1, b1, W2, b2, W3, b3):
    h = jnp.tanh(x @ W1 + b1)
    h = jnp.tanh(h @ W2 + b2)
    return h @ W3 + b3


def setup_inputs(seed: int = 0) -> dict:
    key = jax.random.key(seed)
    ks = jax.random.split(key, 16)
    obs = jax.random.normal(ks[0], (NT, NA, RAWOB), dtype=jnp.float32)
    hete_pick = jax.random.randint(ks[1], (NT, NA), 0, N_EXP, dtype=jnp.int64) if jax.config.jax_enable_x64 else jax.random.randint(ks[1], (NT, NA), 0, N_EXP, dtype=jnp.int32)
    gp_sel_summary = jax.random.uniform(ks[2], (NT, NA, N_TP), dtype=jnp.float32)
    s1 = 1.0 / np.sqrt(D_IN)
    s2 = 1.0 / np.sqrt(H)
    W1 = jax.random.normal(ks[3], (N_EXP, D_IN, H), dtype=jnp.float32) * s1
    b1 = jnp.zeros((N_EXP, H), dtype=jnp.float32)
    W2 = jax.random.normal(ks[4], (N_EXP, H, H), dtype=jnp.float32) * s2
    b2 = jnp.zeros((N_EXP, H), dtype=jnp.float32)
    W3 = jax.random.normal(ks[5], (N_EXP, H, N_ACT), dtype=jnp.float32) * s2
    b3 = jnp.zeros((N_EXP, N_ACT), dtype=jnp.float32)
    Wc1 = jax.random.normal(ks[6], (D_IN, H), dtype=jnp.float32) * s1
    bc1 = jnp.zeros((H,), dtype=jnp.float32)
    Wc2 = jax.random.normal(ks[7], (H, H), dtype=jnp.float32) * s2
    bc2 = jnp.zeros((H,), dtype=jnp.float32)
    Wc3 = jax.random.normal(ks[8], (H, 1), dtype=jnp.float32) * s2
    bc3 = jnp.zeros((1,), dtype=jnp.float32)
    return {
        'obs': obs, 'gp_sel_summary': gp_sel_summary, 'hete_pick': hete_pick,
        'W1': W1, 'b1': b1, 'W2': W2, 'b2': b2, 'W3': W3, 'b3': b3,
        'Wc1': Wc1, 'bc1': bc1, 'Wc2': Wc2, 'bc2': bc2, 'Wc3': Wc3, 'bc3': bc3,
    }


def reference(obs, gp_sel_summary, hete_pick, W1, b1, W2, b2, W3, b3,
              Wc1, bc1, Wc2, bc2, Wc3, bc3):
    # HeteNet.act_lowlevel: append hete group-selection info to obs, then
    # distribute_compute: each (thread,agent) token routed (hard, top-1) to
    # its (type,group) policy net selected by hete_pick; outputs scattered
    # back into the full thread x agent grid. Central critic runs on all tokens.
    x = jnp.concatenate([obs, gp_sel_summary], axis=-1)          # [NT, NA, D_IN]
    flat = x.reshape(-1, D_IN)                                    # [T, D_IN]
    pick = hete_pick.reshape(-1)                                  # routing ids
    out = jnp.zeros((flat.shape[0], N_ACT), dtype=jnp.float32)
    for e in range(N_EXP):
        ye = _mlp(flat, W1[e], b1[e], W2[e], b2[e], W3[e], b3[e])
        out = jnp.where((pick == e)[:, None], ye, out)            # scatter back (_create_tensor_ph_or_fill_)
    val = _mlp(flat, Wc1, bc1, Wc2, bc2, Wc3, bc3)                # NetCentralCritic
    logits = out.reshape(NT, NA, N_ACT)
    value = val.reshape(NT, NA, 1)
    return jnp.concatenate([logits, value], axis=-1)              # [NT, NA, N_ACT+1]


if False:  # reference __main__ guard neutralized (emitter)
    inp = setup_inputs()
    o = reference(**inp)
    print(o.shape)

if __name__ == "__main__":
    import jax
    _d = setup_inputs()
    print(jax.jit(kernel)(*tuple(_d.values())))

</pallas_src>

<mosaic_0001>
#map = affine_map<(d0, d1) -> (0, 0)>
module attributes {stable_mosaic.version = 14 : i64} {
  func.func @_gather_body(%arg0: i32, %arg1: i32, %arg2: memref<24576x128xf32, #tpu.memory_space<hbm>>, %arg3: memref<128x128xi32, #tpu.memory_space<hbm>>, %arg4: memref<16384x128xf32, #tpu.memory_space<hbm>>, %arg5: memref<4x128xi32, #tpu.memory_space<vmem>>, %arg6: memref<512x128xf32, #tpu.memory_space<vmem>>, %arg7: memref<!tpu.dma_semaphore, #tpu.memory_space<semaphore_mem>>) attributes {dimension_semantics = [#tpu.dimension_semantics<core_parallel>, #tpu.dimension_semantics<subcore_parallel>], iteration_bounds = array<i64: 2, 16>, scalar_prefetch = 0 : i64, scratch_operands = 3 : i64, tpu.core_type = #tpu.core_type<sc_vector_subcore>, window_params = [{transform_indices = #map}, {transform_indices = #map}, {transform_indices = #map}]} {
    %mul3A = arith.constant 2 : i32
    %mul3A_0 = arith.muli %arg1, %mul3A : i32
    %add3A = arith.addi %mul3A_0, %arg0 : i32
    %mul3A_1 = arith.constant 4 : i32
    %mul3A_2 = arith.muli %add3A, %mul3A_1 : i32
    "tpu.region"() ({
      %run_scoped3A = tpu.sem_alloc : memref<!tpu.dma_semaphore, #tpu.memory_space<semaphore_mem>>
      %dma_start3A_83 = arith.constant 0 : i32
      %dma_start3A_84 = tpu.memref_slice %arg3[%mul3A_2, %dma_start3A_83] : memref<128x128xi32, #tpu.memory_space<hbm>> -> memref<4x128xi32, #tpu.memory_space<hbm>>
      %dma_start3A_85 = arith.constant 0 : i32
      %dma_start3A_86 = tpu.memref_slice %arg3[%mul3A_2, %dma_start3A_85] : memref<128x128xi32, #tpu.memory_space<hbm>> -> memref<4x128xi32, #tpu.memory_space<hbm>>
      tpu.enqueue_dma source(%dma_start3A_86 : memref<4x128xi32, #tpu.memory_space<hbm>>) target(%arg5 : memref<4x128xi32, #tpu.memory_space<vmem>>) target_semaphore(%run_scoped3A : memref<!tpu.dma_semaphore, #tpu.memory_space<semaphore_mem>>)
      %dma_wait3A_87 = arith.constant 0 : i32
      %dma_wait3A_88 = tpu.memref_slice %arg3[%mul3A_2, %dma_wait3A_87] : memref<128x128xi32, #tpu.memory_space<hbm>> -> memref<4x128xi32, #tpu.memory_space<hbm>>
      %dma_wait3A_89 = arith.constant 0 : i32
      %dma_wait3A_90 = tpu.memref_slice %arg3[%mul3A_2, %dma_wait3A_89] : memref<128x128xi32, #tpu.memory_space<hbm>> -> memref<4x128xi32, #tpu.memory_space<hbm>>
      tpu.wait_dma2 semaphore(%run_scoped3A : memref<!tpu.dma_semaphore, #tpu.memory_space<semaphore_mem>>) src(%dma_wait3A_90 : memref<4x128xi32, #tpu.memory_space<hbm>>) dst(%arg5 : memref<4x128xi32, #tpu.memory_space<vmem>>)
      tpu.yield
    }) : () -> ()
    %dma_start3A = arith.constant 0 : i32
    %dma_start3A_3 = arith.constant 0 : i32
    %dma_start3A_4 = arith.constant 0 : i32
    %dma_start3A_5 = tpu.memref_slice %arg6[%dma_start3A_3, %dma_start3A_4] : memref<512x128xf32, #tpu.memory_space<vmem>> -> memref<128x128xf32, #tpu.memory_space<vmem>>
    %dma_start3A_6 = arith.constant 0 : i32
    %dma_start3A_7 = tpu.memref_slice %arg5[%dma_start3A, %dma_start3A_6] : memref<4x128xi32, #tpu.memory_space<vmem>> -> memref<1x128xi32, #tpu.memory_space<vmem>>
    %dma_start3A_8 = tpu.memref_squeeze %dma_start3A_7 : memref<1x128xi32, #tpu.memory_space<vmem>> -> memref<128xi32, #tpu.memory_space<vmem>>
    %dma_start3A_9 = arith.constant 0 : i32
    %dma_start3A_10 = arith.constant 0 : i32
    %dma_start3A_11 = tpu.memref_slice %arg2[%dma_start3A_9, %dma_start3A_10] : memref<24576x128xf32, #tpu.memory_space<hbm>> -> memref<24576x128xf32, #tpu.memory_space<hbm>>
    tpu.enqueue_indirect_dma source(%dma_start3A_11 : memref<24576x128xf32, #tpu.memory_space<hbm>>) target(%dma_start3A_5 : memref<128x128xf32, #tpu.memory_space<vmem>>) offsets(%dma_start3A_8 : memref<128xi32, #tpu.memory_space<vmem>>) semaphore(%arg7 : memref<!tpu.dma_semaphore, #tpu.memory_space<semaphore_mem>>)
    %dma_start3A_12 = arith.constant 1 : i32
    %dma_start3A_13 = arith.constant 128 : i32
    %dma_start3A_14 = arith.constant 0 : i32
    %dma_start3A_15 = tpu.memref_slice %arg6[%dma_start3A_13, %dma_start3A_14] : memref<512x128xf32, #tpu.memory_space<vmem>> -> memref<128x128xf32, #tpu.memory_space<vmem>>
    %dma_start3A_16 = arith.constant 0 : i32
    %dma_start3A_17 = tpu.memref_slice %arg5[%dma_start3A_12, %dma_start3A_16] : memref<4x128xi32, #tpu.memory_space<vmem>> -> memref<1x128xi32, #tpu.memory_space<vmem>>
    %dma_start3A_18 = tpu.memref_squeeze %dma_start3A_17 : memref<1x128xi32, #tpu.memory_space<vmem>> -> memref<128xi32, #tpu.memory_space<vmem>>
    %dma_start3A_19 = arith.constant 0 : i32
    %dma_start3A_20 = arith.constant 0 : i32
    %dma_start3A_21 = tpu.memref_slice %arg2[%dma_start3A_19, %dma_start3A_20] : memref<24576x128xf32, #tpu.memory_space<hbm>> -> memref<24576x128xf32, #tpu.memory_space<hbm>>
    tpu.enqueue_indirect_dma source(%dma_start3A_21 : memref<24576x128xf32, #tpu.memory_space<hbm>>) target(%dma_start3A_15 : memref<128x128xf32, #tpu.memory_space<vmem>>) offsets(%dma_start3A_18 : memref<128xi32, #tpu.memory_space<vmem>>) semaphore(%arg7 : memref<!tpu.dma_semaphore, #tpu.memory_space<semaphore_mem>>)
    %dma_start3A_22 = arith.constant 2 : i32
    %dma_start3A_23 = arith.constant 256 : i32
    %dma_start3A_24 = arith.constant 0 : i32
    %dma_start3A_25 = tpu.memref_slice %arg6[%dma_start3A_23, %dma_start3A_24] : memref<512x128xf32, #tpu.memory_space<vmem>> -> memref<128x128xf32, #tpu.memory_space<vmem>>
    %dma_start3A_26 = arith.constant 0 : i32
    %dma_start3A_27 = tpu.memref_slice %arg5[%dma_start3A_22, %dma_start3A_26] : memref<4x128xi32, #tpu.memory_space<vmem>> -> memref<1x128xi32, #tpu.memory_space<vmem>>
    %dma_start3A_28 = tpu.memref_squeeze %dma_start3A_27 : memref<1x128xi32, #tpu.memory_space<vmem>> -> memref<128xi32, #tpu.memory_space<vmem>>
    %dma_start3A_29 = arith.constant 0 : i32
    %dma_start3A_30 = arith.constant 0 : i32
    %dma_start3A_31 = tpu.memref_slice %arg2[%dma_start3A_29, %dma_start3A_30] : memref<24576x128xf32, #tpu.memory_space<hbm>> -> memref<24576x128xf32, #tpu.memory_space<hbm>>
    tpu.enqueue_indirect_dma source(%dma_start3A_31 : memref<24576x128xf32, #tpu.memory_space<hbm>>) target(%dma_start3A_25 : memref<128x128xf32, #tpu.memory_space<vmem>>) offsets(%dma_start3A_28 : memref<128xi32, #tpu.memory_space<vmem>>) semaphore(%arg7 : memref<!tpu.dma_semaphore, #tpu.memory_space<semaphore_mem>>)
    %dma_start3A_32 = arith.constant 3 : i32
    %dma_start3A_33 = arith.constant 384 : i32
    %dma_start3A_34 = arith.constant 0 : i32
    %dma_start3A_35 = tpu.memref_slice %arg6[%dma_start3A_33, %dma_start3A_34] : memref<512x128xf32, #tpu.memory_space<vmem>> -> memref<128x128xf32, #tpu.memory_space<vmem>>
    %dma_start3A_36 = arith.constant 0 : i32
    %dma_start3A_37 = tpu.memref_slice %arg5[%dma_start3A_32, %dma_start3A_36] : memref<4x128xi32, #tpu.memory_space<vmem>> -> memref<1x128xi32, #tpu.memory_space<vmem>>
    %dma_start3A_38 = tpu.memref_squeeze %dma_start3A_37 : memref<1x128xi32, #tpu.memory_space<vmem>> -> memref<128xi32, #tpu.memory_space<vmem>>
    %dma_start3A_39 = arith.constant 0 : i32
    %dma_start3A_40 = arith.constant 0 : i32
    %dma_start3A_41 = tpu.memref_slice %arg2[%dma_start3A_39, %dma_start3A_40] : memref<24576x128xf32, #tpu.memory_space<hbm>> -> memref<24576x128xf32, #tpu.memory_space<hbm>>
    tpu.enqueue_indirect_dma source(%dma_start3A_41 : memref<24576x128xf32, #tpu.memory_space<hbm>>) target(%dma_start3A_35 : memref<128x128xf32, #tpu.memory_space<vmem>>) offsets(%dma_start3A_38 : memref<128xi32, #tpu.memory_space<vmem>>) semaphore(%arg7 : memref<!tpu.dma_semaphore, #tpu.memory_space<semaphore_mem>>)
    %dma_wait3A = arith.constant 0 : i32
    %dma_wait3A_42 = arith.constant 0 : i32
    %dma_wait3A_43 = arith.constant 0 : i32
    %dma_wait3A_44 = tpu.memref_slice %arg6[%dma_wait3A_42, %dma_wait3A_43] : memref<512x128xf32, #tpu.memory_space<vmem>> -> memref<128x128xf32, #tpu.memory_space<vmem>>
    %dma_wait3A_45 = arith.constant 0 : i32
    %dma_wait3A_46 = tpu.memref_slice %arg5[%dma_wait3A, %dma_wait3A_45] : memref<4x128xi32, #tpu.memory_space<vmem>> -> memref<1x128xi32, #tpu.memory_space<vmem>>
    %dma_wait3A_47 = tpu.memref_squeeze %dma_wait3A_46 : memref<1x128xi32, #tpu.memory_space<vmem>> -> memref<128xi32, #tpu.memory_space<vmem>>
    %dma_wait3A_48 = arith.constant 0 : i32
    %dma_wait3A_49 = arith.constant 0 : i32
    %dma_wait3A_50 = tpu.memref_slice %arg2[%dma_wait3A_48, %dma_wait3A_49] : memref<24576x128xf32, #tpu.memory_space<hbm>> -> memref<24576x128xf32, #tpu.memory_space<hbm>>
    tpu.wait_indirect_dma semaphore(%arg7 : memref<!tpu.dma_semaphore, #tpu.memory_space<semaphore_mem>>) src(%dma_wait3A_50 : memref<24576x128xf32, #tpu.memory_space<hbm>>) dst(%dma_wait3A_44 : memref<128x128xf32, #tpu.memory_space<vmem>>)
    %dma_wait3A_51 = arith.constant 1 : i32
    %dma_wait3A_52 = arith.constant 128 : i32
    %dma_wait3A_53 = arith.constant 0 : i32
    %dma_wait3A_54 = tpu.memref_slice %arg6[%dma_wait3A_52, %dma_wait3A_53] : memref<512x128xf32, #tpu.memory_space<vmem>> -> memref<128x128xf32, #tpu.memory_space<vmem>>
    %dma_wait3A_55 = arith.constant 0 : i32
    %dma_wait3A_56 = tpu.memref_slice %arg5[%dma_wait3A_51, %dma_wait3A_55] : memref<4x128xi32, #tpu.memory_space<vmem>> -> memref<1x128xi32, #tpu.memory_space<vmem>>
    %dma_wait3A_57 = tpu.memref_squeeze %dma_wait3A_56 : memref<1x128xi32, #tpu.memory_space<vmem>> -> memref<128xi32, #tpu.memory_space<vmem>>
    %dma_wait3A_58 = arith.constant 0 : i32
    %dma_wait3A_59 = arith.constant 0 : i32
    %dma_wait3A_60 = tpu.memref_slice %arg2[%dma_wait3A_58, %dma_wait3A_59] : memref<24576x128xf32, #tpu.memory_space<hbm>> -> memref<24576x128xf32, #tpu.memory_space<hbm>>
    tpu.wait_indirect_dma semaphore(%arg7 : memref<!tpu.dma_semaphore, #tpu.memory_space<semaphore_mem>>) src(%dma_wait3A_60 : memref<24576x128xf32, #tpu.memory_space<hbm>>) dst(%dma_wait3A_54 : memref<128x128xf32, #tpu.memory_space<vmem>>)
    %dma_wait3A_61 = arith.constant 2 : i32
    %dma_wait3A_62 = arith.constant 256 : i32
    %dma_wait3A_63 = arith.constant 0 : i32
    %dma_wait3A_64 = tpu.memref_slice %arg6[%dma_wait3A_62, %dma_wait3A_63] : memref<512x128xf32, #tpu.memory_space<vmem>> -> memref<128x128xf32, #tpu.memory_space<vmem>>
    %dma_wait3A_65 = arith.constant 0 : i32
    %dma_wait3A_66 = tpu.memref_slice %arg5[%dma_wait3A_61, %dma_wait3A_65] : memref<4x128xi32, #tpu.memory_space<vmem>> -> memref<1x128xi32, #tpu.memory_space<vmem>>
    %dma_wait3A_67 = tpu.memref_squeeze %dma_wait3A_66 : memref<1x128xi32, #tpu.memory_space<vmem>> -> memref<128xi32, #tpu.memory_space<vmem>>
    %dma_wait3A_68 = arith.constant 0 : i32
    %dma_wait3A_69 = arith.constant 0 : i32
    %dma_wait3A_70 = tpu.memref_slice %arg2[%dma_wait3A_68, %dma_wait3A_69] : memref<24576x128xf32, #tpu.memory_space<hbm>> -> memref<24576x128xf32, #tpu.memory_space<hbm>>
    tpu.wait_indirect_dma semaphore(%arg7 : memref<!tpu.dma_semaphore, #tpu.memory_space<semaphore_mem>>) src(%dma_wait3A_70 : memref<24576x128xf32, #tpu.memory_space<hbm>>) dst(%dma_wait3A_64 : memref<128x128xf32, #tpu.memory_space<vmem>>)
    %dma_wait3A_71 = arith.constant 3 : i32
    %dma_wait3A_72 = arith.constant 384 : i32
    %dma_wait3A_73 = arith.constant 0 : i32
    %dma_wait3A_74 = tpu.memref_slice %arg6[%dma_wait3A_72, %dma_wait3A_73] : memref<512x128xf32, #tpu.memory_space<vmem>> -> memref<128x128xf32, #tpu.memory_space<vmem>>
    %dma_wait3A_75 = arith.constant 0 : i32
    %dma_wait3A_76 = tpu.memref_slice %arg5[%dma_wait3A_71, %dma_wait3A_75] : memref<4x128xi32, #tpu.memory_space<vmem>> -> memref<1x128xi32, #tpu.memory_space<vmem>>
    %dma_wait3A_77 = tpu.memref_squeeze %dma_wait3A_76 : memref<1x128xi32, #tpu.memory_space<vmem>> -> memref<128xi32, #tpu.memory_space<vmem>>
    %dma_wait3A_78 = arith.constant 0 : i32
    %dma_wait3A_79 = arith.constant 0 : i32
    %dma_wait3A_80 = tpu.memref_slice %arg2[%dma_wait3A_78, %dma_wait3A_79] : memref<24576x128xf32, #tpu.memory_space<hbm>> -> memref<24576x128xf32, #tpu.memory_space<hbm>>
    tpu.wait_indirect_dma semaphore(%arg7 : memref<!tpu.dma_semaphore, #tpu.memory_space<semaphore_mem>>) src(%dma_wait3A_80 : memref<24576x128xf32, #tpu.memory_space<hbm>>) dst(%dma_wait3A_74 : memref<128x128xf32, #tpu.memory_space<vmem>>)
    %mul3A_81 = arith.constant 512 : i32
    %mul3A_82 = arith.muli %add3A, %mul3A_81 : i32
    "tpu.region"() ({
      %run_scoped3A = tpu.sem_alloc : memref<!tpu.dma_semaphore, #tpu.memory_space<semaphore_mem>>
      %dma_start3A_83 = arith.constant 0 : i32
      %dma_start3A_84 = tpu.memref_slice %arg4[%mul3A_82, %dma_start3A_83] : memref<16384x128xf32, #tpu.memory_space<hbm>> -> memref<512x128xf32, #tpu.memory_space<hbm>>
      %dma_start3A_85 = arith.constant 0 : i32
      %dma_start3A_86 = tpu.memref_slice %arg4[%mul3A_82, %dma_start3A_85] : memref<16384x128xf32, #tpu.memory_space<hbm>> -> memref<512x128xf32, #tpu.memory_space<hbm>>
      tpu.enqueue_dma source(%arg6 : memref<512x128xf32, #tpu.memory_space<vmem>>) target(%dma_start3A_86 : memref<512x128xf32, #tpu.memory_space<hbm>>) target_semaphore(%run_scoped3A : memref<!tpu.dma_semaphore, #tpu.memory_space<semaphore_mem>>)
      %dma_wait3A_87 = arith.constant 0 : i32
      %dma_wait3A_88 = tpu.memref_slice %arg4[%mul3A_82, %dma_wait3A_87] : memref<16384x128xf32, #tpu.memory_space<hbm>> -> memref<512x128xf32, #tpu.memory_space<hbm>>
      %dma_wait3A_89 = arith.constant 0 : i32
      %dma_wait3A_90 = tpu.memref_slice %arg4[%mul3A_82, %dma_wait3A_89] : memref<16384x128xf32, #tpu.memory_space<hbm>> -> memref<512x128xf32, #tpu.memory_space<hbm>>
      tpu.wait_dma2 semaphore(%run_scoped3A : memref<!tpu.dma_semaphore, #tpu.memory_space<semaphore_mem>>) src(%arg6 : memref<512x128xf32, #tpu.memory_space<vmem>>) dst(%dma_wait3A_90 : memref<512x128xf32, #tpu.memory_space<hbm>>)
      tpu.yield
    }) : () -> ()
    return
  }
}

#map = affine_map<(d0, d1) -> (0, 0)>
module attributes {stable_mosaic.version = 14 : i64} {
  func.func @_scatter_body(%arg0: i32, %arg1: i32, %arg2: memref<16384x128xi32, #tpu.memory_space<hbm>>, %arg3: memref<128x128xi32, #tpu.memory_space<hbm>>, %arg4: memref<24576x128xi32, #tpu.memory_space<hbm>>, %arg5: memref<4x128xi32, #tpu.memory_space<vmem>>, %arg6: memref<512x128xi32, #tpu.memory_space<vmem>>, %arg7: memref<!tpu.dma_semaphore, #tpu.memory_space<semaphore_mem>>) attributes {dimension_semantics = [#tpu.dimension_semantics<core_parallel>, #tpu.dimension_semantics<subcore_parallel>], iteration_bounds = array<i64: 2, 16>, scalar_prefetch = 0 : i64, scratch_operands = 3 : i64, tpu.core_type = #tpu.core_type<sc_vector_subcore>, window_params = [{transform_indices = #map}, {transform_indices = #map}, {transform_indices = #map}]} {
    %mul3A = arith.constant 2 : i32
    %mul3A_0 = arith.muli %arg1, %mul3A : i32
    %add3A = arith.addi %mul3A_0, %arg0 : i32
    %mul3A_1 = arith.constant 4 : i32
    %mul3A_2 = arith.muli %add3A, %mul3A_1 : i32
    "tpu.region"() ({
      %run_scoped3A = tpu.sem_alloc : memref<!tpu.dma_semaphore, #tpu.memory_space<semaphore_mem>>
      %dma_start3A_83 = arith.constant 0 : i32
      %dma_start3A_84 = tpu.memref_slice %arg3[%mul3A_2, %dma_start3A_83] : memref<128x128xi32, #tpu.memory_space<hbm>> -> memref<4x128xi32, #tpu.memory_space<hbm>>
      %dma_start3A_85 = arith.constant 0 : i32
      %dma_start3A_86 = tpu.memref_slice %arg3[%mul3A_2, %dma_start3A_85] : memref<128x128xi32, #tpu.memory_space<hbm>> -> memref<4x128xi32, #tpu.memory_space<hbm>>
      tpu.enqueue_dma source(%dma_start3A_86 : memref<4x128xi32, #tpu.memory_space<hbm>>) target(%arg5 : memref<4x128xi32, #tpu.memory_space<vmem>>) target_semaphore(%run_scoped3A : memref<!tpu.dma_semaphore, #tpu.memory_space<semaphore_mem>>)
      %dma_wait3A_87 = arith.constant 0 : i32
      %dma_wait3A_88 = tpu.memref_slice %arg3[%mul3A_2, %dma_wait3A_87] : memref<128x128xi32, #tpu.memory_space<hbm>> -> memref<4x128xi32, #tpu.memory_space<hbm>>
      %dma_wait3A_89 = arith.constant 0 : i32
      %dma_wait3A_90 = tpu.memref_slice %arg3[%mul3A_2, %dma_wait3A_89] : memref<128x128xi32, #tpu.memory_space<hbm>> -> memref<4x128xi32, #tpu.memory_space<hbm>>
      tpu.wait_dma2 semaphore(%run_scoped3A : memref<!tpu.dma_semaphore, #tpu.memory_space<semaphore_mem>>) src(%dma_wait3A_90 : memref<4x128xi32, #tpu.memory_space<hbm>>) dst(%arg5 : memref<4x128xi32, #tpu.memory_space<vmem>>)
      tpu.yield
    }) : () -> ()
    %mul3A_3 = arith.constant 512 : i32
    %mul3A_4 = arith.muli %add3A, %mul3A_3 : i32
    "tpu.region"() ({
      %run_scoped3A = tpu.sem_alloc : memref<!tpu.dma_semaphore, #tpu.memory_space<semaphore_mem>>
      %dma_start3A_83 = arith.constant 0 : i32
      %dma_start3A_84 = tpu.memref_slice %arg2[%mul3A_4, %dma_start3A_83] : memref<16384x128xi32, #tpu.memory_space<hbm>> -> memref<512x128xi32, #tpu.memory_space<hbm>>
      %dma_start3A_85 = arith.constant 0 : i32
      %dma_start3A_86 = tpu.memref_slice %arg2[%mul3A_4, %dma_start3A_85] : memref<16384x128xi32, #tpu.memory_space<hbm>> -> memref<512x128xi32, #tpu.memory_space<hbm>>
      tpu.enqueue_dma source(%dma_start3A_86 : memref<512x128xi32, #tpu.memory_space<hbm>>) target(%arg6 : memref<512x128xi32, #tpu.memory_space<vmem>>) target_semaphore(%run_scoped3A : memref<!tpu.dma_semaphore, #tpu.memory_space<semaphore_mem>>)
      %dma_wait3A_87 = arith.constant 0 : i32
      %dma_wait3A_88 = tpu.memref_slice %arg2[%mul3A_4, %dma_wait3A_87] : memref<16384x128xi32, #tpu.memory_space<hbm>> -> memref<512x128xi32, #tpu.memory_space<hbm>>
      %dma_wait3A_89 = arith.constant 0 : i32
      %dma_wait3A_90 = tpu.memref_slice %arg2[%mul3A_4, %dma_wait3A_89] : memref<16384x128xi32, #tpu.memory_space<hbm>> -> memref<512x128xi32, #tpu.memory_space<hbm>>
      tpu.wait_dma2 semaphore(%run_scoped3A : memref<!tpu.dma_semaphore, #tpu.memory_space<semaphore_mem>>) src(%dma_wait3A_90 : memref<512x128xi32, #tpu.memory_space<hbm>>) dst(%arg6 : memref<512x128xi32, #tpu.memory_space<vmem>>)
      tpu.yield
    }) : () -> ()
    %dma_start3A = arith.constant 0 : i32
    %dma_start3A_5 = arith.constant 0 : i32
    %dma_start3A_6 = arith.constant 0 : i32
    %dma_start3A_7 = tpu.memref_slice %arg6[%dma_start3A_5, %dma_start3A_6] : memref<512x128xi32, #tpu.memory_space<vmem>> -> memref<128x128xi32, #tpu.memory_space<vmem>>
    %dma_start3A_8 = arith.constant 0 : i32
    %dma_start3A_9 = tpu.memref_slice %arg5[%dma_start3A, %dma_start3A_8] : memref<4x128xi32, #tpu.memory_space<vmem>> -> memref<1x128xi32, #tpu.memory_space<vmem>>
    %dma_start3A_10 = tpu.memref_squeeze %dma_start3A_9 : memref<1x128xi32, #tpu.memory_space<vmem>> -> memref<128xi32, #tpu.memory_space<vmem>>
    %dma_start3A_11 = arith.constant 0 : i32
    %dma_start3A_12 = arith.constant 0 : i32
    %dma_start3A_13 = tpu.memref_slice %arg4[%dma_start3A_11, %dma_start3A_12] : memref<24576x128xi32, #tpu.memory_space<hbm>> -> memref<24576x128xi32, #tpu.memory_space<hbm>>
    tpu.enqueue_indirect_dma source(%dma_start3A_7 : memref<128x128xi32, #tpu.memory_space<vmem>>) target(%dma_start3A_13 : memref<24576x128xi32, #tpu.memory_space<hbm>>) offsets(%dma_start3A_10 : memref<128xi32, #tpu.memory_space<vmem>>) semaphore(%arg7 : memref<!tpu.dma_semaphore, #tpu.memory_space<semaphore_mem>>)
    %dma_start3A_14 = arith.constant 1 : i32
    %dma_start3A_15 = arith.constant 128 : i32
    %dma_start3A_16 = arith.constant 0 : i32
    %dma_start3A_17 = tpu.memref_slice %arg6[%dma_start3A_15, %dma_start3A_16] : memref<512x128xi32, #tpu.memory_space<vmem>> -> memref<128x128xi32, #tpu.memory_space<vmem>>
    %dma_start3A_18 = arith.constant 0 : i32
    %dma_start3A_19 = tpu.memref_slice %arg5[%dma_start3A_14, %dma_start3A_18] : memref<4x128xi32, #tpu.memory_space<vmem>> -> memref<1x128xi32, #tpu.memory_space<vmem>>
    %dma_start3A_20 = tpu.memref_squeeze %dma_start3A_19 : memref<1x128xi32, #tpu.memory_space<vmem>> -> memref<128xi32, #tpu.memory_space<vmem>>
    %dma_start3A_21 = arith.constant 0 : i32
    %dma_start3A_22 = arith.constant 0 : i32
    %dma_start3A_23 = tpu.memref_slice %arg4[%dma_start3A_21, %dma_start3A_22] : memref<24576x128xi32, #tpu.memory_space<hbm>> -> memref<24576x128xi32, #tpu.memory_space<hbm>>
    tpu.enqueue_indirect_dma source(%dma_start3A_17 : memref<128x128xi32, #tpu.memory_space<vmem>>) target(%dma_start3A_23 : memref<24576x128xi32, #tpu.memory_space<hbm>>) offsets(%dma_start3A_20 : memref<128xi32, #tpu.memory_space<vmem>>) semaphore(%arg7 : memref<!tpu.dma_semaphore, #tpu.memory_space<semaphore_mem>>)
    %dma_start3A_24 = arith.constant 2 : i32
    %dma_start3A_25 = arith.constant 256 : i32
    %dma_start3A_26 = arith.constant 0 : i32
    %dma_start3A_27 = tpu.memref_slice %arg6[%dma_start3A_25, %dma_start3A_26] : memref<512x128xi32, #tpu.memory_space<vmem>> -> memref<128x128xi32, #tpu.memory_space<vmem>>
    %dma_start3A_28 = arith.constant 0 : i32
    %dma_start3A_29 = tpu.memref_slice %arg5[%dma_start3A_24, %dma_start3A_28] : memref<4x128xi32, #tpu.memory_space<vmem>> -> memref<1x128xi32, #tpu.memory_space<vmem>>
    %dma_start3A_30 = tpu.memref_squeeze %dma_start3A_29 : memref<1x128xi32, #tpu.memory_space<vmem>> -> memref<128xi32, #tpu.memory_space<vmem>>
    %dma_start3A_31 = arith.constant 0 : i32
    %dma_start3A_32 = arith.constant 0 : i32
    %dma_start3A_33 = tpu.memref_slice %arg4[%dma_start3A_31, %dma_start3A_32] : memref<24576x128xi32, #tpu.memory_space<hbm>> -> memref<24576x128xi32, #tpu.memory_space<hbm>>
    tpu.enqueue_indirect_dma source(%dma_start3A_27 : memref<128x128xi32, #tpu.memory_space<vmem>>) target(%dma_start3A_33 : memref<24576x128xi32, #tpu.memory_space<hbm>>) offsets(%dma_start3A_30 : memref<128xi32, #tpu.memory_space<vmem>>) semaphore(%arg7 : memref<!tpu.dma_semaphore, #tpu.memory_space<semaphore_mem>>)
    %dma_start3A_34 = arith.constant 3 : i32
    %dma_start3A_35 = arith.constant 384 : i32
    %dma_start3A_36 = arith.constant 0 : i32
    %dma_start3A_37 = tpu.memref_slice %arg6[%dma_start3A_35, %dma_start3A_36] : memref<512x128xi32, #tpu.memory_space<vmem>> -> memref<128x128xi32, #tpu.memory_space<vmem>>
    %dma_start3A_38 = arith.constant 0 : i32
    %dma_start3A_39 = tpu.memref_slice %arg5[%dma_start3A_34, %dma_start3A_38] : memref<4x128xi32, #tpu.memory_space<vmem>> -> memref<1x128xi32, #tpu.memory_space<vmem>>
    %dma_start3A_40 = tpu.memref_squeeze %dma_start3A_39 : memref<1x128xi32, #tpu.memory_space<vmem>> -> memref<128xi32, #tpu.memory_space<vmem>>
    %dma_start3A_41 = arith.constant 0 : i32
    %dma_start3A_42 = arith.constant 0 : i32
    %dma_start3A_43 = tpu.memref_slice %arg4[%dma_start3A_41, %dma_start3A_42] : memref<24576x128xi32, #tpu.memory_space<hbm>> -> memref<24576x128xi32, #tpu.memory_space<hbm>>
    tpu.enqueue_indirect_dma source(%dma_start3A_37 : memref<128x128xi32, #tpu.memory_space<vmem>>) target(%dma_start3A_43 : memref<24576x128xi32, #tpu.memory_space<hbm>>) offsets(%dma_start3A_40 : memref<128xi32, #tpu.memory_space<vmem>>) semaphore(%arg7 : memref<!tpu.dma_semaphore, #tpu.memory_space<semaphore_mem>>)
    %dma_wait3A = arith.constant 0 : i32
    %dma_wait3A_44 = arith.constant 0 : i32
    %dma_wait3A_45 = arith.constant 0 : i32
    %dma_wait3A_46 = tpu.memref_slice %arg6[%dma_wait3A_44, %dma_wait3A_45] : memref<512x128xi32, #tpu.memory_space<vmem>> -> memref<128x128xi32, #tpu.memory_space<vmem>>
    %dma_wait3A_47 = arith.constant 0 : i32
    %dma_wait3A_48 = tpu.memref_slice %arg5[%dma_wait3A, %dma_wait3A_47] : memref<4x128xi32, #tpu.memory_space<vmem>> -> memref<1x128xi32, #tpu.memory_space<vmem>>
    %dma_wait3A_49 = tpu.memref_squeeze %dma_wait3A_48 : memref<1x128xi32, #tpu.memory_space<vmem>> -> memref<128xi32, #tpu.memory_space<vmem>>
    %dma_wait3A_50 = arith.constant 0 : i32
    %dma_wait3A_51 = arith.constant 0 : i32
    %dma_wait3A_52 = tpu.memref_slice %arg4[%dma_wait3A_50, %dma_wait3A_51] : memref<24576x128xi32, #tpu.memory_space<hbm>> -> memref<24576x128xi32, #tpu.memory_space<hbm>>
    tpu.wait_indirect_dma semaphore(%arg7 : memref<!tpu.dma_semaphore, #tpu.memory_space<semaphore_mem>>) src(%dma_wait3A_46 : memref<128x128xi32, #tpu.memory_space<vmem>>) dst(%dma_wait3A_52 : memref<24576x128xi32, #tpu.memory_space<hbm>>)
    %dma_wait3A_53 = arith.constant 1 : i32
    %dma_wait3A_54 = arith.constant 128 : i32
    %dma_wait3A_55 = arith.constant 0 : i32
    %dma_wait3A_56 = tpu.memref_slice %arg6[%dma_wait3A_54, %dma_wait3A_55] : memref<512x128xi32, #tpu.memory_space<vmem>> -> memref<128x128xi32, #tpu.memory_space<vmem>>
    %dma_wait3A_57 = arith.constant 0 : i32
    %dma_wait3A_58 = tpu.memref_slice %arg5[%dma_wait3A_53, %dma_wait3A_57] : memref<4x128xi32, #tpu.memory_space<vmem>> -> memref<1x128xi32, #tpu.memory_space<vmem>>
    %dma_wait3A_59 = tpu.memref_squeeze %dma_wait3A_58 : memref<1x128xi32, #tpu.memory_space<vmem>> -> memref<128xi32, #tpu.memory_space<vmem>>
    %dma_wait3A_60 = arith.constant 0 : i32
    %dma_wait3A_61 = arith.constant 0 : i32
    %dma_wait3A_62 = tpu.memref_slice %arg4[%dma_wait3A_60, %dma_wait3A_61] : memref<24576x128xi32, #tpu.memory_space<hbm>> -> memref<24576x128xi32, #tpu.memory_space<hbm>>
    tpu.wait_indirect_dma semaphore(%arg7 : memref<!tpu.dma_semaphore, #tpu.memory_space<semaphore_mem>>) src(%dma_wait3A_56 : memref<128x128xi32, #tpu.memory_space<vmem>>) dst(%dma_wait3A_62 : memref<24576x128xi32, #tpu.memory_space<hbm>>)
    %dma_wait3A_63 = arith.constant 2 : i32
    %dma_wait3A_64 = arith.constant 256 : i32
    %dma_wait3A_65 = arith.constant 0 : i32
    %dma_wait3A_66 = tpu.memref_slice %arg6[%dma_wait3A_64, %dma_wait3A_65] : memref<512x128xi32, #tpu.memory_space<vmem>> -> memref<128x128xi32, #tpu.memory_space<vmem>>
    %dma_wait3A_67 = arith.constant 0 : i32
    %dma_wait3A_68 = tpu.memref_slice %arg5[%dma_wait3A_63, %dma_wait3A_67] : memref<4x128xi32, #tpu.memory_space<vmem>> -> memref<1x128xi32, #tpu.memory_space<vmem>>
    %dma_wait3A_69 = tpu.memref_squeeze %dma_wait3A_68 : memref<1x128xi32, #tpu.memory_space<vmem>> -> memref<128xi32, #tpu.memory_space<vmem>>
    %dma_wait3A_70 = arith.constant 0 : i32
    %dma_wait3A_71 = arith.constant 0 : i32
    %dma_wait3A_72 = tpu.memref_slice %arg4[%dma_wait3A_70, %dma_wait3A_71] : memref<24576x128xi32, #tpu.memory_space<hbm>> -> memref<24576x128xi32, #tpu.memory_space<hbm>>
    tpu.wait_indirect_dma semaphore(%arg7 : memref<!tpu.dma_semaphore, #tpu.memory_space<semaphore_mem>>) src(%dma_wait3A_66 : memref<128x128xi32, #tpu.memory_space<vmem>>) dst(%dma_wait3A_72 : memref<24576x128xi32, #tpu.memory_space<hbm>>)
    %dma_wait3A_73 = arith.constant 3 : i32
    %dma_wait3A_74 = arith.constant 384 : i32
    %dma_wait3A_75 = arith.constant 0 : i32
    %dma_wait3A_76 = tpu.memref_slice %arg6[%dma_wait3A_74, %dma_wait3A_75] : memref<512x128xi32, #tpu.memory_space<vmem>> -> memref<128x128xi32, #tpu.memory_space<vmem>>
    %dma_wait3A_77 = arith.constant 0 : i32
    %dma_wait3A_78 = tpu.memref_slice %arg5[%dma_wait3A_73, %dma_wait3A_77] : memref<4x128xi32, #tpu.memory_space<vmem>> -> memref<1x128xi32, #tpu.memory_space<vmem>>
    %dma_wait3A_79 = tpu.memref_squeeze %dma_wait3A_78 : memref<1x128xi32, #tpu.memory_space<vmem>> -> memref<128xi32, #tpu.memory_space<vmem>>
    %dma_wait3A_80 = arith.constant 0 : i32
    %dma_wait3A_81 = arith.constant 0 : i32
    %dma_wait3A_82 = tpu.memref_slice %arg4[%dma_wait3A_80, %dma_wait3A_81] : memref<24576x128xi32, #tpu.memory_space<hbm>> -> memref<24576x128xi32, #tpu.memory_space<hbm>>
    tpu.wait_indirect_dma semaphore(%arg7 : memref<!tpu.dma_semaphore, #tpu.memory_space<semaphore_mem>>) src(%dma_wait3A_76 : memref<128x128xi32, #tpu.memory_space<vmem>>) dst(%dma_wait3A_82 : memref<24576x128xi32, #tpu.memory_space<hbm>>)
    return
  }
}

module attributes {stable_mosaic.version = 14 : i64} {
  func.func @_route_body(%arg0: memref<128x128xi32, #tpu.memory_space<vmem>>, %arg1: memref<128x128xi32, #tpu.memory_space<vmem>>, %arg2: memref<1x48xi32, #tpu.memory_space<vmem>>) attributes {dimension_semantics = [], scalar_prefetch = 0 : i64, scratch_operands = 0 : i64, tpu.core_type = #tpu.core_type<tc>} {
    %get3A = arith.constant 0 : index
    %get3A_0 = arith.constant 0 : index
    %get3A_1 = vector.load %arg0[%get3A, %get3A_0] : memref<128x128xi32, #tpu.memory_space<vmem>>, vector<128x128xi32>
    %iota3A = tpu.iota {dimensions = array<i32: 0>} : vector<128x128xi32>
    %iota3A_2 = tpu.iota {dimensions = array<i32: 1>} : vector<128x128xi32>
    %lt3A = arith.cmpi slt, %iota3A, %iota3A_2 : vector<128x128xi32>
    %convert_element_type3A = arith.extui %lt3A : vector<128x128xi1> to vector<128x128xi32>
    %convert_element_type3A_3 = arith.sitofp %convert_element_type3A : vector<128x128xi32> to vector<128x128xf32>
    %gt3A = arith.cmpi sgt, %iota3A, %iota3A_2 : vector<128x128xi32>
    %convert_element_type3A_4 = arith.extui %gt3A : vector<128x128xi1> to vector<128x128xi32>
    %convert_element_type3A_5 = arith.sitofp %convert_element_type3A_4 : vector<128x128xi32> to vector<128x128xf32>
    %iota3A_6 = tpu.iota {dimensions = array<i32: 1>} : vector<1x48xi32>
    %broadcast_in_dim3A = arith.constant 0 : i32
    %broadcast_in_dim3A_7 = vector.broadcast %broadcast_in_dim3A : i32 to vector<128x128xi32>
    %broadcast_in_dim3A_8 = arith.constant -1 : i32
    %broadcast_in_dim3A_9 = vector.broadcast %broadcast_in_dim3A_8 : i32 to vector<1x48xi32>
    %eq3A = arith.constant 0 : i32
    %eq3A_10 = vector.broadcast %eq3A : i32 to vector<128x128xi32>
    %eq3A_11 = arith.cmpi eq, %get3A_1, %eq3A_10 : vector<128x128xi32>
    %convert_element_type3A_12 = arith.extui %eq3A_11 : vector<128x128xi1> to vector<128x128xi32>
    %convert_element_type3A_13 = arith.sitofp %convert_element_type3A_12 : vector<128x128xi32> to vector<128x128xf32>
    %dot_general3A = arith.constant dense<0.000000e+00> : vector<128x128xf32>
    %dot_general3A_14 = tpu.matmul %convert_element_type3A_13, %convert_element_type3A_3, %dot_general3A {dimension_numbers = #tpu.dot_dimension_numbers<[1], [0], [0], [1], [0, 0, 1, 1], [], []>, transpose_lhs_hint = false} : vector<128x128xf32>, vector<128x128xf32>, vector<128x128xf32> -> vector<128x128xf32>
    %reduce_sum3A = arith.constant dense<0.000000e+00> : vector<128xf32>
    %reduce_sum3A_15 = vector.multi_reduction <add>, %convert_element_type3A_13, %reduce_sum3A [1] : vector<128x128xf32> to vector<128xf32>
    %broadcast_in_dim3A_16 = vector.shape_cast %reduce_sum3A_15 : vector<128xf32> to vector<128x1xf32>
    %dot_general3A_17 = arith.constant dense<0.000000e+00> : vector<128x1xf32>
    %dot_general3A_18 = tpu.matmul %convert_element_type3A_5, %broadcast_in_dim3A_16, %dot_general3A_17 {dimension_numbers = #tpu.dot_dimension_numbers<[1], [0], [0], [1], [0, 0, 1, 1], [], []>, transpose_lhs_hint = false} : vector<128x128xf32>, vector<128x1xf32>, vector<128x1xf32> -> vector<128x1xf32>
    %add3A = vector.broadcast %dot_general3A_18 : vector<128x1xf32> to vector<128x128xf32>
    %add3A_19 = arith.addf %add3A, %dot_general3A_14 : vector<128x128xf32>
    %convert_element_type3A_20 = arith.fptosi %add3A_19 : vector<128x128xf32> to vector<128x128xi32>
    %reduce_sum3A_21 = vector.shape_cast %convert_element_type3A_13 : vector<128x128xf32> to vector<1x128x128xf32>
    %reduce_sum3A_22 = arith.constant dense<0.000000e+00> : vector<1xf32>
    %reduce_sum3A_23 = vector.multi_reduction <add>, %reduce_sum3A_21, %reduce_sum3A_22 [1, 2] : vector<1x128x128xf32> to vector<1xf32>
    %reduce_sum3A_24 = vector.shape_cast %reduce_sum3A_23 : vector<1xf32> to vector<1x1x1xf32>
    %reduce_sum3A_25 = vector.extract %reduce_sum3A_24[0, 0, 0] : f32 from vector<1x1x1xf32>
    %convert_element_type3A_26 = arith.fptosi %reduce_sum3A_25 : f32 to i32
    %eq3A_27 = arith.constant 0 : i32
    %eq3A_28 = vector.broadcast %eq3A_27 : i32 to vector<128x128xi32>
    %eq3A_29 = arith.cmpi eq, %get3A_1, %eq3A_28 : vector<128x128xi32>
    %add3A_30 = arith.constant 0 : i32
    %add3A_31 = vector.broadcast %add3A_30 : i32 to vector<128x128xi32>
    %add3A_32 = arith.addi %add3A_31, %convert_element_type3A_20 : vector<128x128xi32>
    %select_n3A = arith.select %eq3A_29, %add3A_32, %broadcast_in_dim3A_7 : vector<128x128xi1>, vector<128x128xi32>
    %mul3A = arith.constant 512 : i32
    %mul3A_33 = vector.broadcast %mul3A : i32 to vector<1x48xi32>
    %mul3A_34 = arith.muli %iota3A_6, %mul3A_33 : vector<1x48xi32>
    %ge3A = arith.constant 0 : i32
    %ge3A_35 = vector.broadcast %ge3A : i32 to vector<1x48xi32>
    %ge3A_36 = arith.cmpi sge, %mul3A_34, %ge3A_35 : vector<1x48xi32>
    %convert_element_type3A_37 = arith.extui %ge3A_36 : vector<1x48xi1> to vector<1x48xi32>
    %add3A_38 = arith.addi %broadcast_in_dim3A_9, %convert_element_type3A_37 : vector<1x48xi32>
    %add3A_39 = arith.constant 512 : i32
    %add3A_40 = arith.addi %convert_element_type3A_26, %add3A_39 : i32
    %sub3A = arith.constant 1 : i32
    %sub3A_41 = arith.subi %add3A_40, %sub3A : i32
    %jit3A = arith.constant 512 : i32
    %div3A = arith.divsi %sub3A_41, %jit3A : i32
    %sign3A = arith.constant 0 : i32
    %sign3A_42 = arith.cmpi sgt, %sub3A_41, %sign3A : i32
    %sign3A_43 = arith.extui %sign3A_42 : i1 to i32
    %sign3A_44 = arith.constant 0 : i32
    %sign3A_45 = arith.cmpi slt, %sub3A_41, %sign3A_44 : i32
    %sign3A_46 = arith.extui %sign3A_45 : i1 to i32
    %sign3A_47 = arith.subi %sign3A_43, %sign3A_46 : i32
    %sign3A_48 = arith.constant 0 : i32
    %sign3A_49 = arith.cmpi sgt, %jit3A, %sign3A_48 : i32
    %sign3A_50 = arith.extui %sign3A_49 : i1 to i32
    %sign3A_51 = arith.constant 0 : i32
    %sign3A_52 = arith.cmpi slt, %jit3A, %sign3A_51 : i32
    %sign3A_53 = arith.extui %sign3A_52 : i1 to i32
    %sign3A_54 = arith.subi %sign3A_50, %sign3A_53 : i32
    %ne3A = arith.cmpi ne, %sign3A_47, %sign3A_54 : i32
    %rem3A = arith.remsi %sub3A_41, %jit3A : i32
    %ne3A_55 = arith.constant 0 : i32
    %ne3A_56 = arith.cmpi ne, %rem3A, %ne3A_55 : i32
    %and3A = arith.andi %ne3A, %ne3A_56 : i1
    %sub3A_57 = arith.constant 1 : i32
    %sub3A_58 = arith.subi %div3A, %sub3A_57 : i32
    %select_n3A_59 = arith.select %and3A, %sub3A_58, %div3A : i32
    %mul3A_60 = arith.constant 512 : i32
    %mul3A_61 = arith.muli %select_n3A_59, %mul3A_60 : i32
    %add3A_62 = arith.constant 0 : i32
    %add3A_63 = arith.addi %add3A_62, %mul3A_61 : i32
    %eq3A_64 = arith.constant 1 : i32
    %eq3A_65 = vector.broadcast %eq3A_64 : i32 to vector<128x128xi32>
    %eq3A_66 = arith.cmpi eq, %get3A_1, %eq3A_65 : vector<128x128xi32>
    %convert_element_type3A_67 = arith.extui %eq3A_66 : vector<128x128xi1> to vector<128x128xi32>
    %convert_element_type3A_68 = arith.sitofp %convert_element_type3A_67 : vector<128x128xi32> to vector<128x128xf32>
    %dot_general3A_69 = arith.constant dense<0.000000e+00> : vector<128x128xf32>
    %dot_general3A_70 = tpu.matmul %convert_element_type3A_68, %convert_element_type3A_3, %dot_general3A_69 {dimension_numbers = #tpu.dot_dimension_numbers<[1], [0], [0], [1], [0, 0, 1, 1], [], []>, transpose_lhs_hint = false} : vector<128x128xf32>, vector<128x128xf32>, vector<128x128xf32> -> vector<128x128xf32>
    %reduce_sum3A_71 = arith.constant dense<0.000000e+00> : vector<128xf32>
    %reduce_sum3A_72 = vector.multi_reduction <add>, %convert_element_type3A_68, %reduce_sum3A_71 [1] : vector<128x128xf32> to vector<128xf32>
    %broadcast_in_dim3A_73 = vector.shape_cast %reduce_sum3A_72 : vector<128xf32> to vector<128x1xf32>
    %dot_general3A_74 = arith.constant dense<0.000000e+00> : vector<128x1xf32>
    %dot_general3A_75 = tpu.matmul %convert_element_type3A_5, %broadcast_in_dim3A_73, %dot_general3A_74 {dimension_numbers = #tpu.dot_dimension_numbers<[1], [0], [0], [1], [0, 0, 1, 1], [], []>, transpose_lhs_hint = false} : vector<128x128xf32>, vector<128x1xf32>, vector<128x1xf32> -> vector<128x1xf32>
    %add3A_76 = vector.broadcast %dot_general3A_75 : vector<128x1xf32> to vector<128x128xf32>
    %add3A_77 = arith.addf %add3A_76, %dot_general3A_70 : vector<128x128xf32>
    %convert_element_type3A_78 = arith.fptosi %add3A_77 : vector<128x128xf32> to vector<128x128xi32>
    %reduce_sum3A_79 = vector.shape_cast %convert_element_type3A_68 : vector<128x128xf32> to vector<1x128x128xf32>
    %reduce_sum3A_80 = arith.constant dense<0.000000e+00> : vector<1xf32>
    %reduce_sum3A_81 = vector.multi_reduction <add>, %reduce_sum3A_79, %reduce_sum3A_80 [1, 2] : vector<1x128x128xf32> to vector<1xf32>
    %reduce_sum3A_82 = vector.shape_cast %reduce_sum3A_81 : vector<1xf32> to vector<1x1x1xf32>
    %reduce_sum3A_83 = vector.extract %reduce_sum3A_82[0, 0, 0] : f32 from vector<1x1x1xf32>
    %convert_element_type3A_84 = arith.fptosi %reduce_sum3A_83 : f32 to i32
    %eq3A_85 = arith.constant 1 : i32
    %eq3A_86 = vector.broadcast %eq3A_85 : i32 to vector<128x128xi32>
    %eq3A_87 = arith.cmpi eq, %get3A_1, %eq3A_86 : vector<128x128xi32>
    %add3A_88 = vector.broadcast %add3A_63 : i32 to vector<128x128xi32>
    %add3A_89 = arith.addi %add3A_88, %convert_element_type3A_78 : vector<128x128xi32>
    %select_n3A_90 = arith.select %eq3A_87, %add3A_89, %select_n3A : vector<128x128xi1>, vector<128x128xi32>
    %mul3A_91 = arith.constant 512 : i32
    %mul3A_92 = vector.broadcast %mul3A_91 : i32 to vector<1x48xi32>
    %mul3A_93 = arith.muli %iota3A_6, %mul3A_92 : vector<1x48xi32>
    %ge3A_94 = vector.broadcast %add3A_63 : i32 to vector<1x48xi32>
    %ge3A_95 = arith.cmpi sge, %mul3A_93, %ge3A_94 : vector<1x48xi32>
    %convert_element_type3A_96 = arith.extui %ge3A_95 : vector<1x48xi1> to vector<1x48xi32>
    %add3A_97 = arith.addi %add3A_38, %convert_element_type3A_96 : vector<1x48xi32>
    %add3A_98 = arith.constant 512 : i32
    %add3A_99 = arith.addi %convert_element_type3A_84, %add3A_98 : i32
    %sub3A_100 = arith.constant 1 : i32
    %sub3A_101 = arith.subi %add3A_99, %sub3A_100 : i32
    %jit3A_102 = arith.constant 512 : i32
    %div3A_103 = arith.divsi %sub3A_101, %jit3A_102 : i32
    %sign3A_104 = arith.constant 0 : i32
    %sign3A_105 = arith.cmpi sgt, %sub3A_101, %sign3A_104 : i32
    %sign3A_106 = arith.extui %sign3A_105 : i1 to i32
    %sign3A_107 = arith.constant 0 : i32
    %sign3A_108 = arith.cmpi slt, %sub3A_101, %sign3A_107 : i32
    %sign3A_109 = arith.extui %sign3A_108 : i1 to i32
    %sign3A_110 = arith.subi %sign3A_106, %sign3A_109 : i32
    %sign3A_111 = arith.constant 0 : i32
    %sign3A_112 = arith.cmpi sgt, %jit3A_102, %sign3A_111 : i32
    %sign3A_113 = arith.extui %sign3A_112 : i1 to i32
    %sign3A_114 = arith.constant 0 : i32
    %sign3A_115 = arith.cmpi slt, %jit3A_102, %sign3A_114 : i32
    %sign3A_116 = arith.extui %sign3A_115 : i1 to i32
    %sign3A_117 = arith.subi %sign3A_113, %sign3A_116 : i32
    %ne3A_118 = arith.cmpi ne, %sign3A_110, %sign3A_117 : i32
    %rem3A_119 = arith.remsi %sub3A_101, %jit3A_102 : i32
    %ne3A_120 = arith.constant 0 : i32
    %ne3A_121 = arith.cmpi ne, %rem3A_119, %ne3A_120 : i32
    %and3A_122 = arith.andi %ne3A_118, %ne3A_121 : i1
    %sub3A_123 = arith.constant 1 : i32
    %sub3A_124 = arith.subi %div3A_103, %sub3A_123 : i32
    %select_n3A_125 = arith.select %and3A_122, %sub3A_124, %div3A_103 : i32
    %mul3A_126 = arith.constant 512 : i32
    %mul3A_127 = arith.muli %select_n3A_125, %mul3A_126 : i32
    %add3A_128 = arith.addi %add3A_63, %mul3A_127 : i32
    %eq3A_129 = arith.constant 2 : i32
    %eq3A_130 = vector.broadcast %eq3A_129 : i32 to vector<128x128xi32>
    %eq3A_131 = arith.cmpi eq, %get3A_1, %eq3A_130 : vector<128x128xi32>
    %convert_element_type3A_132 = arith.extui %eq3A_131 : vector<128x128xi1> to vector<128x128xi32>
    %convert_element_type3A_133 = arith.sitofp %convert_element_type3A_132 : vector<128x128xi32> to vector<128x128xf32>
    %dot_general3A_134 = arith.constant dense<0.000000e+00> : vector<128x128xf32>
    %dot_general3A_135 = tpu.matmul %convert_element_type3A_133, %convert_element_type3A_3, %dot_general3A_134 {dimension_numbers = #tpu.dot_dimension_numbers<[1], [0], [0], [1], [0, 0, 1, 1], [], []>, transpose_lhs_hint = false} : vector<128x128xf32>, vector<128x128xf32>, vector<128x128xf32> -> vector<128x128xf32>
    %reduce_sum3A_136 = arith.constant dense<0.000000e+00> : vector<128xf32>
    %reduce_sum3A_137 = vector.multi_reduction <add>, %convert_element_type3A_133, %reduce_sum3A_136 [1] : vector<128x128xf32> to vector<128xf32>
    %broadcast_in_dim3A_138 = vector.shape_cast %reduce_sum3A_137 : vector<128xf32> to vector<128x1xf32>
    %dot_general3A_139 = arith.constant dense<0.000000e+00> : vector<128x1xf32>
    %dot_general3A_140 = tpu.matmul %convert_element_type3A_5, %broadcast_in_dim3A_138, %dot_general3A_139 {dimension_numbers = #tpu.dot_dimension_numbers<[1], [0], [0], [1], [0, 0, 1, 1], [], []>, transpose_lhs_hint = false} : vector<128x128xf32>, vector<128x1xf32>, vector<128x1xf32> -> vector<128x1xf32>
    %add3A_141 = vector.broadcast %dot_general3A_140 : vector<128x1xf32> to vector<128x128xf32>
    %add3A_142 = arith.addf %add3A_141, %dot_general3A_135 : vector<128x128xf32>
    %convert_element_type3A_143 = arith.fptosi %add3A_142 : vector<128x128xf32> to vector<128x128xi32>
    %reduce_sum3A_144 = vector.shape_cast %convert_element_type3A_133 : vector<128x128xf32> to vector<1x128x128xf32>
    %reduce_sum3A_145 = arith.constant dense<0.000000e+00> : vector<1xf32>
    %reduce_sum3A_146 = vector.multi_reduction <add>, %reduce_sum3A_144, %reduce_sum3A_145 [1, 2] : vector<1x128x128xf32> to vector<1xf32>
    %reduce_sum3A_147 = vector.shape_cast %reduce_sum3A_146 : vector<1xf32> to vector<1x1x1xf32>
    %reduce_sum3A_148 = vector.extract %reduce_sum3A_147[0, 0, 0] : f32 from vector<1x1x1xf32>
    %convert_element_type3A_149 = arith.fptosi %reduce_sum3A_148 : f32 to i32
    %eq3A_150 = arith.constant 2 : i32
    %eq3A_151 = vector.broadcast %eq3A_150 : i32 to vector<128x128xi32>
    %eq3A_152 = arith.cmpi eq, %get3A_1, %eq3A_151 : vector<128x128xi32>
    %add3A_153 = vector.broadcast %add3A_128 : i32 to vector<128x128xi32>
    %add3A_154 = arith.addi %add3A_153, %convert_element_type3A_143 : vector<128x128xi32>
    %select_n3A_155 = arith.select %eq3A_152, %add3A_154, %select_n3A_90 : vector<128x128xi1>, vector<128x128xi32>
    %mul3A_156 = arith.constant 512 : i32
    %mul3A_157 = vector.broadcast %mul3A_156 : i32 to vector<1x48xi32>
    %mul3A_158 = arith.muli %iota3A_6, %mul3A_157 : vector<1x48xi32>
    %ge3A_159 = vector.broadcast %add3A_128 : i32 to vector<1x48xi32>
    %ge3A_160 = arith.cmpi sge, %mul3A_158, %ge3A_159 : vector<1x48xi32>
    %convert_element_type3A_161 = arith.extui %ge3A_160 : vector<1x48xi1> to vector<1x48xi32>
    %add3A_162 = arith.addi %add3A_97, %convert_element_type3A_161 : vector<1x48xi32>
    %add3A_163 = arith.constant 512 : i32
    %add3A_164 = arith.addi %convert_element_type3A_149, %add3A_163 : i32
    %sub3A_165 = arith.constant 1 : i32
    %sub3A_166 = arith.subi %add3A_164, %sub3A_165 : i32
    %jit3A_167 = arith.constant 512 : i32
    %div3A_168 = arith.divsi %sub3A_166, %jit3A_167 : i32
    %sign3A_169 = arith.constant 0 : i32
    %sign3A_170 = arith.cmpi sgt, %sub3A_166, %sign3A_169 : i32
    %sign3A_171 = arith.extui %sign3A_170 : i1 to i32
    %sign3A_172 = arith.constant 0 : i32
    %sign3A_173 = arith.cmpi slt, %sub3A_166, %sign3A_172 : i32
    %sign3A_174 = arith.extui %sign3A_173 : i1 to i32
    %sign3A_175 = arith.subi %sign3A_171, %sign3A_174 : i32
    %sign3A_176 = arith.constant 0 : i32
    %sign3A_177 = arith.cmpi sgt, %jit3A_167, %sign3A_176 : i32
    %sign3A_178 = arith.extui %sign3A_177 : i1 to i32
    %sign3A_179 = arith.constant 0 : i32
    %sign3A_180 = arith.cmpi slt, %jit3A_167, %sign3A_179 : i32
    %sign3A_181 = arith.extui %sign3A_180 : i1 to i32
    %sign3A_182 = arith.subi %sign3A_178, %sign3A_181 : i32
    %ne3A_183 = arith.cmpi ne, %sign3A_175, %sign3A_182 : i32
    %rem3A_184 = arith.remsi %sub3A_166, %jit3A_167 : i32
    %ne3A_185 = arith.constant 0 : i32
    %ne3A_186 = arith.cmpi ne, %rem3A_184, %ne3A_185 : i32
    %and3A_187 = arith.andi %ne3A_183, %ne3A_186 : i1
    %sub3A_188 = arith.constant 1 : i32
    %sub3A_189 = arith.subi %div3A_168, %sub3A_188 : i32
    %select_n3A_190 = arith.select %and3A_187, %sub3A_189, %div3A_168 : i32
    %mul3A_191 = arith.constant 512 : i32
    %mul3A_192 = arith.muli %select_n3A_190, %mul3A_191 : i32
    %add3A_193 = arith.addi %add3A_128, %mul3A_192 : i32
    %eq3A_194 = arith.constant 3 : i32
    %eq3A_195 = vector.broadcast %eq3A_194 : i32 to vector<128x128xi32>
    %eq3A_196 = arith.cmpi eq, %get3A_1, %eq3A_195 : vector<128x128xi32>
    %convert_element_type3A_197 = arith.extui %eq3A_196 : vector<128x128xi1> to vector<128x128xi32>
    %convert_element_type3A_198 = arith.sitofp %convert_element_type3A_197 : vector<128x128xi32> to vector<128x128xf32>
    %dot_general3A_199 = arith.constant dense<0.000000e+00> : vector<128x128xf32>
    %dot_general3A_200 = tpu.matmul %convert_element_type3A_198, %convert_element_type3A_3, %dot_general3A_199 {dimension_numbers = #tpu.dot_dimension_numbers<[1], [0], [0], [1], [0, 0, 1, 1], [], []>, transpose_lhs_hint = false} : vector<128x128xf32>, vector<128x128xf32>, vector<128x128xf32> -> vector<128x128xf32>
    %reduce_sum3A_201 = arith.constant dense<0.000000e+00> : vector<128xf32>
    %reduce_sum3A_202 = vector.multi_reduction <add>, %convert_element_type3A_198, %reduce_sum3A_201 [1] : vector<128x128xf32> to vector<128xf32>
    %broadcast_in_dim3A_203 = vector.shape_cast %reduce_sum3A_202 : vector<128xf32> to vector<128x1xf32>
    %dot_general3A_204 = arith.constant dense<0.000000e+00> : vector<128x1xf32>
    %dot_general3A_205 = tpu.matmul %convert_element_type3A_5, %broadcast_in_dim3A_203, %dot_general3A_204 {dimension_numbers = #tpu.dot_dimension_numbers<[1], [0], [0], [1], [0, 0, 1, 1], [], []>, transpose_lhs_hint = false} : vector<128x128xf32>, vector<128x1xf32>, vector<128x1xf32> -> vector<128x1xf32>
    %add3A_206 = vector.broadcast %dot_general3A_205 : vector<128x1xf32> to vector<128x128xf32>
    %add3A_207 = arith.addf %add3A_206, %dot_general3A_200 : vector<128x128xf32>
    %convert_element_type3A_208 = arith.fptosi %add3A_207 : vector<128x128xf32> to vector<128x128xi32>
    %reduce_sum3A_209 = vector.shape_cast %convert_element_type3A_198 : vector<128x128xf32> to vector<1x128x128xf32>
    %reduce_sum3A_210 = arith.constant dense<0.000000e+00> : vector<1xf32>
    %reduce_sum3A_211 = vector.multi_reduction <add>, %reduce_sum3A_209, %reduce_sum3A_210 [1, 2] : vector<1x128x128xf32> to vector<1xf32>
    %reduce_sum3A_212 = vector.shape_cast %reduce_sum3A_211 : vector<1xf32> to vector<1x1x1xf32>
    %reduce_sum3A_213 = vector.extract %reduce_sum3A_212[0, 0, 0] : f32 from vector<1x1x1xf32>
    %convert_element_type3A_214 = arith.fptosi %reduce_sum3A_213 : f32 to i32
    %eq3A_215 = arith.constant 3 : i32
    %eq3A_216 = vector.broadcast %eq3A_215 : i32 to vector<128x128xi32>
    %eq3A_217 = arith.cmpi eq, %get3A_1, %eq3A_216 : vector<128x128xi32>
    %add3A_218 = vector.broadcast %add3A_193 : i32 to vector<128x128xi32>
    %add3A_219 = arith.addi %add3A_218, %convert_element_type3A_208 : vector<128x128xi32>
    %select_n3A_220 = arith.select %eq3A_217, %add3A_219, %select_n3A_155 : vector<128x128xi1>, vector<128x128xi32>
    %mul3A_221 = arith.constant 512 : i32
    %mul3A_222 = vector.broadcast %mul3A_221 : i32 to vector<1x48xi32>
    %mul3A_223 = arith.muli %iota3A_6, %mul3A_222 : vector<1x48xi32>
    %ge3A_224 = vector.broadcast %add3A_193 : i32 to vector<1x48xi32>
    %ge3A_225 = arith.cmpi sge, %mul3A_223, %ge3A_224 : vector<1x48xi32>
    %convert_element_type3A_226 = arith.extui %ge3A_225 : vector<1x48xi1> to vector<1x48xi32>
    %add3A_227 = arith.addi %add3A_162, %convert_element_type3A_226 : vector<1x48xi32>
    %add3A_228 = arith.constant 512 : i32
    %add3A_229 = arith.addi %convert_element_type3A_214, %add3A_228 : i32
    %sub3A_230 = arith.constant 1 : i32
    %sub3A_231 = arith.subi %add3A_229, %sub3A_230 : i32
    %jit3A_232 = arith.constant 512 : i32
    %div3A_233 = arith.divsi %sub3A_231, %jit3A_232 : i32
    %sign3A_234 = arith.constant 0 : i32
    %sign3A_235 = arith.cmpi sgt, %sub3A_231, %sign3A_234 : i32
    %sign3A_236 = arith.extui %sign3A_235 : i1 to i32
    %sign3A_237 = arith.constant 0 : i32
    %sign3A_238 = arith.cmpi slt, %sub3A_231, %sign3A_237 : i32
    %sign3A_239 = arith.extui %sign3A_238 : i1 to i32
    %sign3A_240 = arith.subi %sign3A_236, %sign3A_239 : i32
    %sign3A_241 = arith.constant 0 : i32
    %sign3A_242 = arith.cmpi sgt, %jit3A_232, %sign3A_241 : i32
    %sign3A_243 = arith.extui %sign3A_242 : i1 to i32
    %sign3A_244 = arith.constant 0 : i32
    %sign3A_245 = arith.cmpi slt, %jit3A_232, %sign3A_244 : i32
    %sign3A_246 = arith.extui %sign3A_245 : i1 to i32
    %sign3A_247 = arith.subi %sign3A_243, %sign3A_246 : i32
    %ne3A_248 = arith.cmpi ne, %sign3A_240, %sign3A_247 : i32
    %rem3A_249 = arith.remsi %sub3A_231, %jit3A_232 : i32
    %ne3A_250 = arith.constant 0 : i32
    %ne3A_251 = arith.cmpi ne, %rem3A_249, %ne3A_250 : i32
    %and3A_252 = arith.andi %ne3A_248, %ne3A_251 : i1
    %sub3A_253 = arith.constant 1 : i32
    %sub3A_254 = arith.subi %div3A_233, %sub3A_253 : i32
    %select_n3A_255 = arith.select %and3A_252, %sub3A_254, %div3A_233 : i32
    %mul3A_256 = arith.constant 512 : i32
    %mul3A_257 = arith.muli %select_n3A_255, %mul3A_256 : i32
    %add3A_258 = arith.addi %add3A_193, %mul3A_257 : i32
    %eq3A_259 = arith.constant 4 : i32
    %eq3A_260 = vector.broadcast %eq3A_259 : i32 to vector<128x128xi32>
    %eq3A_261 = arith.cmpi eq, %get3A_1, %eq3A_260 : vector<128x128xi32>
    %convert_element_type3A_262 = arith.extui %eq3A_261 : vector<128x128xi1> to vector<128x128xi32>
    %convert_element_type3A_263 = arith.sitofp %convert_element_type3A_262 : vector<128x128xi32> to vector<128x128xf32>
    %dot_general3A_264 = arith.constant dense<0.000000e+00> : vector<128x128xf32>
    %dot_general3A_265 = tpu.matmul %convert_element_type3A_263, %convert_element_type3A_3, %dot_general3A_264 {dimension_numbers = #tpu.dot_dimension_numbers<[1], [0], [0], [1], [0, 0, 1, 1], [], []>, transpose_lhs_hint = false} : vector<128x128xf32>, vector<128x128xf32>, vector<128x128xf32> -> vector<128x128xf32>
    %reduce_sum3A_266 = arith.constant dense<0.000000e+00> : vector<128xf32>
    %reduce_sum3A_267 = vector.multi_reduction <add>, %convert_element_type3A_263, %reduce_sum3A_266 [1] : vector<128x128xf32> to vector<128xf32>
    %broadcast_in_dim3A_268 = vector.shape_cast %reduce_sum3A_267 : vector<128xf32> to vector<128x1xf32>
    %dot_general3A_269 = arith.constant dense<0.000000e+00> : vector<128x1xf32>
    %dot_general3A_270 = tpu.matmul %convert_element_type3A_5, %broadcast_in_dim3A_268, %dot_general3A_269 {dimension_numbers = #tpu.dot_dimension_numbers<[1], [0], [0], [1], [0, 0, 1, 1], [], []>, transpose_lhs_hint = false} : vector<128x128xf32>, vector<128x1xf32>, vector<128x1xf32> -> vector<128x1xf32>
    %add3A_271 = vector.broadcast %dot_general3A_270 : vector<128x1xf32> to vector<128x128xf32>
    %add3A_272 = arith.addf %add3A_271, %dot_general3A_265 : vector<128x128xf32>
    %convert_element_type3A_273 = arith.fptosi %add3A_272 : vector<128x128xf32> to vector<128x128xi32>
    %reduce_sum3A_274 = vector.shape_cast %convert_element_type3A_263 : vector<128x128xf32> to vector<1x128x128xf32>
    %reduce_sum3A_275 = arith.constant dense<0.000000e+00> : vector<1xf32>
    %reduce_sum3A_276 = vector.multi_reduction <add>, %reduce_sum3A_274, %reduce_sum3A_275 [1, 2] : vector<1x128x128xf32> to vector<1xf32>
    %reduce_sum3A_277 = vector.shape_cast %reduce_sum3A_276 : vector<1xf32> to vector<1x1x1xf32>
    %reduce_sum3A_278 = vector.extract %reduce_sum3A_277[0, 0, 0] : f32 from vector<1x1x1xf32>
    %convert_element_type3A_279 = arith.fptosi %reduce_sum3A_278 : f32 to i32
    %eq3A_280 = arith.constant 4 : i32
    %eq3A_281 = vector.broadcast %eq3A_280 : i32 to vector<128x128xi32>
    %eq3A_282 = arith.cmpi eq, %get3A_1, %eq3A_281 : vector<128x128xi32>
    %add3A_283 = vector.broadcast %add3A_258 : i32 to vector<128x128xi32>
    %add3A_284 = arith.addi %add3A_283, %convert_element_type3A_273 : vector<128x128xi32>
    %select_n3A_285 = arith.select %eq3A_282, %add3A_284, %select_n3A_220 : vector<128x128xi1>, vector<128x128xi32>
    %mul3A_286 = arith.constant 512 : i32
    %mul3A_287 = vector.broadcast %mul3A_286 : i32 to vector<1x48xi32>
    %mul3A_288 = arith.muli %iota3A_6, %mul3A_287 : vector<1x48xi32>
    %ge3A_289 = vector.broadcast %add3A_258 : i32 to vector<1x48xi32>
    %ge3A_290 = arith.cmpi sge, %mul3A_288, %ge3A_289 : vector<1x48xi32>
    %convert_element_type3A_291 = arith.extui %ge3A_290 : vector<1x48xi1> to vector<1x48xi32>
    %add3A_292 = arith.addi %add3A_227, %convert_element_type3A_291 : vector<1x48xi32>
    %add3A_293 = arith.constant 512 : i32
    %add3A_294 = arith.addi %convert_element_type3A_279, %add3A_293 : i32
    %sub3A_295 = arith.constant 1 : i32
    %sub3A_296 = arith.subi %add3A_294, %sub3A_295 : i32
    %jit3A_297 = arith.constant 512 : i32
    %div3A_298 = arith.divsi %sub3A_296, %jit3A_297 : i32
    %sign3A_299 = arith.constant 0 : i32
    %sign3A_300 = arith.cmpi sgt, %sub3A_296, %sign3A_299 : i32
    %sign3A_301 = arith.extui %sign3A_300 : i1 to i32
    %sign3A_302 = arith.constant 0 : i32
    %sign3A_303 = arith.cmpi slt, %sub3A_296, %sign3A_302 : i32
    %sign3A_304 = arith.extui %sign3A_303 : i1 to i32
    %sign3A_305 = arith.subi %sign3A_301, %sign3A_304 : i32
    %sign3A_306 = arith.constant 0 : i32
    %sign3A_307 = arith.cmpi sgt, %jit3A_297, %sign3A_306 : i32
    %sign3A_308 = arith.extui %sign3A_307 : i1 to i32
    %sign3A_309 = arith.constant 0 : i32
    %sign3A_310 = arith.cmpi slt, %jit3A_297, %sign3A_309 : i32
    %sign3A_311 = arith.extui %sign3A_310 : i1 to i32
    %sign3A_312 = arith.subi %sign3A_308, %sign3A_311 : i32
    %ne3A_313 = arith.cmpi ne, %sign3A_305, %sign3A_312 : i32
    %rem3A_314 = arith.remsi %sub3A_296, %jit3A_297 : i32
    %ne3A_315 = arith.constant 0 : i32
    %ne3A_316 = arith.cmpi ne, %rem3A_314, %ne3A_315 : i32
    %and3A_317 = arith.andi %ne3A_313, %ne3A_316 : i1
    %sub3A_318 = arith.constant 1 : i32
    %sub3A_319 = arith.subi %div3A_298, %sub3A_318 : i32
    %select_n3A_320 = arith.select %and3A_317, %sub3A_319, %div3A_298 : i32
    %mul3A_321 = arith.constant 512 : i32
    %mul3A_322 = arith.muli %select_n3A_320, %mul3A_321 : i32
    %add3A_323 = arith.addi %add3A_258, %mul3A_322 : i32
    %eq3A_324 = arith.constant 5 : i32
    %eq3A_325 = vector.broadcast %eq3A_324 : i32 to vector<128x128xi32>
    %eq3A_326 = arith.cmpi eq, %get3A_1, %eq3A_325 : vector<128x128xi32>
    %convert_element_type3A_327 = arith.extui %eq3A_326 : vector<128x128xi1> to vector<128x128xi32>
    %convert_element_type3A_328 = arith.sitofp %convert_element_type3A_327 : vector<128x128xi32> to vector<128x128xf32>
    %dot_general3A_329 = arith.constant dense<0.000000e+00> : vector<128x128xf32>
    %dot_general3A_330 = tpu.matmul %convert_element_type3A_328, %convert_element_type3A_3, %dot_general3A_329 {dimension_numbers = #tpu.dot_dimension_numbers<[1], [0], [0], [1], [0, 0, 1, 1], [], []>, transpose_lhs_hint = false} : vector<128x128xf32>, vector<128x128xf32>, vector<128x128xf32> -> vector<128x128xf32>
    %reduce_sum3A_331 = arith.constant dense<0.000000e+00> : vector<128xf32>
    %reduce_sum3A_332 = vector.multi_reduction <add>, %convert_element_type3A_328, %reduce_sum3A_331 [1] : vector<128x128xf32> to vector<128xf32>
    %broadcast_in_dim3A_333 = vector.shape_cast %reduce_sum3A_332 : vector<128xf32> to vector<128x1xf32>
    %dot_general3A_334 = arith.constant dense<0.000000e+00> : vector<128x1xf32>
    %dot_general3A_335 = tpu.matmul %convert_element_type3A_5, %broadcast_in_dim3A_333, %dot_general3A_334 {dimension_numbers = #tpu.dot_dimension_numbers<[1], [0], [0], [1], [0, 0, 1, 1], [], []>, transpose_lhs_hint = false} : vector<128x128xf32>, vector<128x1xf32>, vector<128x1xf32> -> vector<128x1xf32>
    %add3A_336 = vector.broadcast %dot_general3A_335 : vector<128x1xf32> to vector<128x128xf32>
    %add3A_337 = arith.addf %add3A_336, %dot_general3A_330 : vector<128x128xf32>
    %convert_element_type3A_338 = arith.fptosi %add3A_337 : vector<128x128xf32> to vector<128x128xi32>
    %reduce_sum3A_339 = vector.shape_cast %convert_element_type3A_328 : vector<128x128xf32> to vector<1x128x128xf32>
    %reduce_sum3A_340 = arith.constant dense<0.000000e+00> : vector<1xf32>
    %reduce_sum3A_341 = vector.multi_reduction <add>, %reduce_sum3A_339, %reduce_sum3A_340 [1, 2] : vector<1x128x128xf32> to vector<1xf32>
    %reduce_sum3A_342 = vector.shape_cast %reduce_sum3A_341 : vector<1xf32> to vector<1x1x1xf32>
    %reduce_sum3A_343 = vector.extract %reduce_sum3A_342[0, 0, 0] : f32 from vector<1x1x1xf32>
    %convert_element_type3A_344 = arith.fptosi %reduce_sum3A_343 : f32 to i32
    %eq3A_345 = arith.constant 5 : i32
    %eq3A_346 = vector.broadcast %eq3A_345 : i32 to vector<128x128xi32>
    %eq3A_347 = arith.cmpi eq, %get3A_1, %eq3A_346 : vector<128x128xi32>
    %add3A_348 = vector.broadcast %add3A_323 : i32 to vector<128x128xi32>
    %add3A_349 = arith.addi %add3A_348, %convert_element_type3A_338 : vector<128x128xi32>
    %select_n3A_350 = arith.select %eq3A_347, %add3A_349, %select_n3A_285 : vector<128x128xi1>, vector<128x128xi32>
    %mul3A_351 = arith.constant 512 : i32
    %mul3A_352 = vector.broadcast %mul3A_351 : i32 to vector<1x48xi32>
    %mul3A_353 = arith.muli %iota3A_6, %mul3A_352 : vector<1x48xi32>
    %ge3A_354 = vector.broadcast %add3A_323 : i32 to vector<1x48xi32>
    %ge3A_355 = arith.cmpi sge, %mul3A_353, %ge3A_354 : vector<1x48xi32>
    %convert_element_type3A_356 = arith.extui %ge3A_355 : vector<1x48xi1> to vector<1x48xi32>
    %add3A_357 = arith.addi %add3A_292, %convert_element_type3A_356 : vector<1x48xi32>
    %add3A_358 = arith.constant 512 : i32
    %add3A_359 = arith.addi %convert_element_type3A_344, %add3A_358 : i32
    %sub3A_360 = arith.constant 1 : i32
    %sub3A_361 = arith.subi %add3A_359, %sub3A_360 : i32
    %jit3A_362 = arith.constant 512 : i32
    %div3A_363 = arith.divsi %sub3A_361, %jit3A_362 : i32
    %sign3A_364 = arith.constant 0 : i32
    %sign3A_365 = arith.cmpi sgt, %sub3A_361, %sign3A_364 : i32
    %sign3A_366 = arith.extui %sign3A_365 : i1 to i32
    %sign3A_367 = arith.constant 0 : i32
    %sign3A_368 = arith.cmpi slt, %sub3A_361, %sign3A_367 : i32
    %sign3A_369 = arith.extui %sign3A_368 : i1 to i32
    %sign3A_370 = arith.subi %sign3A_366, %sign3A_369 : i32
    %sign3A_371 = arith.constant 0 : i32
    %sign3A_372 = arith.cmpi sgt, %jit3A_362, %sign3A_371 : i32
    %sign3A_373 = arith.extui %sign3A_372 : i1 to i32
    %sign3A_374 = arith.constant 0 : i32
    %sign3A_375 = arith.cmpi slt, %jit3A_362, %sign3A_374 : i32
    %sign3A_376 = arith.extui %sign3A_375 : i1 to i32
    %sign3A_377 = arith.subi %sign3A_373, %sign3A_376 : i32
    %ne3A_378 = arith.cmpi ne, %sign3A_370, %sign3A_377 : i32
    %rem3A_379 = arith.remsi %sub3A_361, %jit3A_362 : i32
    %ne3A_380 = arith.constant 0 : i32
    %ne3A_381 = arith.cmpi ne, %rem3A_379, %ne3A_380 : i32
    %and3A_382 = arith.andi %ne3A_378, %ne3A_381 : i1
    %sub3A_383 = arith.constant 1 : i32
    %sub3A_384 = arith.subi %div3A_363, %sub3A_383 : i32
    %select_n3A_385 = arith.select %and3A_382, %sub3A_384, %div3A_363 : i32
    %mul3A_386 = arith.constant 512 : i32
    %mul3A_387 = arith.muli %select_n3A_385, %mul3A_386 : i32
    %add3A_388 = arith.addi %add3A_323, %mul3A_387 : i32
    %eq3A_389 = arith.constant 6 : i32
    %eq3A_390 = vector.broadcast %eq3A_389 : i32 to vector<128x128xi32>
    %eq3A_391 = arith.cmpi eq, %get3A_1, %eq3A_390 : vector<128x128xi32>
    %convert_element_type3A_392 = arith.extui %eq3A_391 : vector<128x128xi1> to vector<128x128xi32>
    %convert_element_type3A_393 = arith.sitofp %convert_element_type3A_392 : vector<128x128xi32> to vector<128x128xf32>
    %dot_general3A_394 = arith.constant dense<0.000000e+00> : vector<128x128xf32>
    %dot_general3A_395 = tpu.matmul %convert_element_type3A_393, %convert_element_type3A_3, %dot_general3A_394 {dimension_numbers = #tpu.dot_dimension_numbers<[1], [0], [0], [1], [0, 0, 1, 1], [], []>, transpose_lhs_hint = false} : vector<128x128xf32>, vector<128x128xf32>, vector<128x128xf32> -> vector<128x128xf32>
    %reduce_sum3A_396 = arith.constant dense<0.000000e+00> : vector<128xf32>
    %reduce_sum3A_397 = vector.multi_reduction <add>, %convert_element_type3A_393, %reduce_sum3A_396 [1] : vector<128x128xf32> to vector<128xf32>
    %broadcast_in_dim3A_398 = vector.shape_cast %reduce_sum3A_397 : vector<128xf32> to vector<128x1xf32>
    %dot_general3A_399 = arith.constant dense<0.000000e+00> : vector<128x1xf32>
    %dot_general3A_400 = tpu.matmul %convert_element_type3A_5, %broadcast_in_dim3A_398, %dot_general3A_399 {dimension_numbers = #tpu.dot_dimension_numbers<[1], [0], [0], [1], [0, 0, 1, 1], [], []>, transpose_lhs_hint = false} : vector<128x128xf32>, vector<128x1xf32>, vector<128x1xf32> -> vector<128x1xf32>
    %add3A_401 = vector.broadcast %dot_general3A_400 : vector<128x1xf32> to vector<128x128xf32>
    %add3A_402 = arith.addf %add3A_401, %dot_general3A_395 : vector<128x128xf32>
    %convert_element_type3A_403 = arith.fptosi %add3A_402 : vector<128x128xf32> to vector<128x128xi32>
    %reduce_sum3A_404 = vector.shape_cast %convert_element_type3A_393 : vector<128x128xf32> to vector<1x128x128xf32>
    %reduce_sum3A_405 = arith.constant dense<0.000000e+00> : vector<1xf32>
    %reduce_sum3A_406 = vector.multi_reduction <add>, %reduce_sum3A_404, %reduce_sum3A_405 [1, 2] : vector<1x128x128xf32> to vector<1xf32>
    %reduce_sum3A_407 = vector.shape_cast %reduce_sum3A_406 : vector<1xf32> to vector<1x1x1xf32>
    %reduce_sum3A_408 = vector.extract %reduce_sum3A_407[0, 0, 0] : f32 from vector<1x1x1xf32>
    %convert_element_type3A_409 = arith.fptosi %reduce_sum3A_408 : f32 to i32
    %eq3A_410 = arith.constant 6 : i32
    %eq3A_411 = vector.broadcast %eq3A_410 : i32 to vector<128x128xi32>
    %eq3A_412 = arith.cmpi eq, %get3A_1, %eq3A_411 : vector<128x128xi32>
    %add3A_413 = vector.broadcast %add3A_388 : i32 to vector<128x128xi32>
    %add3A_414 = arith.addi %add3A_413, %convert_element_type3A_403 : vector<128x128xi32>
    %select_n3A_415 = arith.select %eq3A_412, %add3A_414, %select_n3A_350 : vector<128x128xi1>, vector<128x128xi32>
    %mul3A_416 = arith.constant 512 : i32
    %mul3A_417 = vector.broadcast %mul3A_416 : i32 to vector<1x48xi32>
    %mul3A_418 = arith.muli %iota3A_6, %mul3A_417 : vector<1x48xi32>
    %ge3A_419 = vector.broadcast %add3A_388 : i32 to vector<1x48xi32>
    %ge3A_420 = arith.cmpi sge, %mul3A_418, %ge3A_419 : vector<1x48xi32>
    %convert_element_type3A_421 = arith.extui %ge3A_420 : vector<1x48xi1> to vector<1x48xi32>
    %add3A_422 = arith.addi %add3A_357, %convert_element_type3A_421 : vector<1x48xi32>
    %add3A_423 = arith.constant 512 : i32
    %add3A_424 = arith.addi %convert_element_type3A_409, %add3A_423 : i32
    %sub3A_425 = arith.constant 1 : i32
    %sub3A_426 = arith.subi %add3A_424, %sub3A_425 : i32
    %jit3A_427 = arith.constant 512 : i32
    %div3A_428 = arith.divsi %sub3A_426, %jit3A_427 : i32
    %sign3A_429 = arith.constant 0 : i32
    %sign3A_430 = arith.cmpi sgt, %sub3A_426, %sign3A_429 : i32
    %sign3A_431 = arith.extui %sign3A_430 : i1 to i32
    %sign3A_432 = arith.constant 0 : i32
    %sign3A_433 = arith.cmpi slt, %sub3A_426, %sign3A_432 : i32
    %sign3A_434 = arith.extui %sign3A_433 : i1 to i32
    %sign3A_435 = arith.subi %sign3A_431, %sign3A_434 : i32
    %sign3A_436 = arith.constant 0 : i32
    %sign3A_437 = arith.cmpi sgt, %jit3A_427, %sign3A_436 : i32
    %sign3A_438 = arith.extui %sign3A_437 : i1 to i32
    %sign3A_439 = arith.constant 0 : i32
    %sign3A_440 = arith.cmpi slt, %jit3A_427, %sign3A_439 : i32
    %sign3A_441 = arith.extui %sign3A_440 : i1 to i32
    %sign3A_442 = arith.subi %sign3A_438, %sign3A_441 : i32
    %ne3A_443 = arith.cmpi ne, %sign3A_435, %sign3A_442 : i32
    %rem3A_444 = arith.remsi %sub3A_426, %jit3A_427 : i32
    %ne3A_445 = arith.constant 0 : i32
    %ne3A_446 = arith.cmpi ne, %rem3A_444, %ne3A_445 : i32
    %and3A_447 = arith.andi %ne3A_443, %ne3A_446 : i1
    %sub3A_448 = arith.constant 1 : i32
    %sub3A_449 = arith.subi %div3A_428, %sub3A_448 : i32
    %select_n3A_450 = arith.select %and3A_447, %sub3A_449, %div3A_428 : i32
    %mul3A_451 = arith.constant 512 : i32
    %mul3A_452 = arith.muli %select_n3A_450, %mul3A_451 : i32
    %add3A_453 = arith.addi %add3A_388, %mul3A_452 : i32
    %eq3A_454 = arith.constant 7 : i32
    %eq3A_455 = vector.broadcast %eq3A_454 : i32 to vector<128x128xi32>
    %eq3A_456 = arith.cmpi eq, %get3A_1, %eq3A_455 : vector<128x128xi32>
    %convert_element_type3A_457 = arith.extui %eq3A_456 : vector<128x128xi1> to vector<128x128xi32>
    %convert_element_type3A_458 = arith.sitofp %convert_element_type3A_457 : vector<128x128xi32> to vector<128x128xf32>
    %dot_general3A_459 = arith.constant dense<0.000000e+00> : vector<128x128xf32>
    %dot_general3A_460 = tpu.matmul %convert_element_type3A_458, %convert_element_type3A_3, %dot_general3A_459 {dimension_numbers = #tpu.dot_dimension_numbers<[1], [0], [0], [1], [0, 0, 1, 1], [], []>, transpose_lhs_hint = false} : vector<128x128xf32>, vector<128x128xf32>, vector<128x128xf32> -> vector<128x128xf32>
    %reduce_sum3A_461 = arith.constant dense<0.000000e+00> : vector<128xf32>
    %reduce_sum3A_462 = vector.multi_reduction <add>, %convert_element_type3A_458, %reduce_sum3A_461 [1] : vector<128x128xf32> to vector<128xf32>
    %broadcast_in_dim3A_463 = vector.shape_cast %reduce_sum3A_462 : vector<128xf32> to vector<128x1xf32>
    %dot_general3A_464 = arith.constant dense<0.000000e+00> : vector<128x1xf32>
    %dot_general3A_465 = tpu.matmul %convert_element_type3A_5, %broadcast_in_dim3A_463, %dot_general3A_464 {dimension_numbers = #tpu.dot_dimension_numbers<[1], [0], [0], [1], [0, 0, 1, 1], [], []>, transpose_lhs_hint = false} : vector<128x128xf32>, vector<128x1xf32>, vector<128x1xf32> -> vector<128x1xf32>
    %add3A_466 = vector.broadcast %dot_general3A_465 : vector<128x1xf32> to vector<128x128xf32>
    %add3A_467 = arith.addf %add3A_466, %dot_general3A_460 : vector<128x128xf32>
    %convert_element_type3A_468 = arith.fptosi %add3A_467 : vector<128x128xf32> to vector<128x128xi32>
    %reduce_sum3A_469 = vector.shape_cast %convert_element_type3A_458 : vector<128x128xf32> to vector<1x128x128xf32>
    %reduce_sum3A_470 = arith.constant dense<0.000000e+00> : vector<1xf32>
    %reduce_sum3A_471 = vector.multi_reduction <add>, %reduce_sum3A_469, %reduce_sum3A_470 [1, 2] : vector<1x128x128xf32> to vector<1xf32>
    %reduce_sum3A_472 = vector.shape_cast %reduce_sum3A_471 : vector<1xf32> to vector<1x1x1xf32>
    %reduce_sum3A_473 = vector.extract %reduce_sum3A_472[0, 0, 0] : f32 from vector<1x1x1xf32>
    %convert_element_type3A_474 = arith.fptosi %reduce_sum3A_473 : f32 to i32
    %eq3A_475 = arith.constant 7 : i32
    %eq3A_476 = vector.broadcast %eq3A_475 : i32 to vector<128x128xi32>
    %eq3A_477 = arith.cmpi eq, %get3A_1, %eq3A_476 : vector<128x128xi32>
    %add3A_478 = vector.broadcast %add3A_453 : i32 to vector<128x128xi32>
    %add3A_479 = arith.addi %add3A_478, %convert_element_type3A_468 : vector<128x128xi32>
    %select_n3A_480 = arith.select %eq3A_477, %add3A_479, %select_n3A_415 : vector<128x128xi1>, vector<128x128xi32>
    %mul3A_481 = arith.constant 512 : i32
    %mul3A_482 = vector.broadcast %mul3A_481 : i32 to vector<1x48xi32>
    %mul3A_483 = arith.muli %iota3A_6, %mul3A_482 : vector<1x48xi32>
    %ge3A_484 = vector.broadcast %add3A_453 : i32 to vector<1x48xi32>
    %ge3A_485 = arith.cmpi sge, %mul3A_483, %ge3A_484 : vector<1x48xi32>
    %convert_element_type3A_486 = arith.extui %ge3A_485 : vector<1x48xi1> to vector<1x48xi32>
    %add3A_487 = arith.addi %add3A_422, %convert_element_type3A_486 : vector<1x48xi32>
    %add3A_488 = arith.constant 512 : i32
    %add3A_489 = arith.addi %convert_element_type3A_474, %add3A_488 : i32
    %sub3A_490 = arith.constant 1 : i32
    %sub3A_491 = arith.subi %add3A_489, %sub3A_490 : i32
    %jit3A_492 = arith.constant 512 : i32
    %div3A_493 = arith.divsi %sub3A_491, %jit3A_492 : i32
    %sign3A_494 = arith.constant 0 : i32
    %sign3A_495 = arith.cmpi sgt, %sub3A_491, %sign3A_494 : i32
    %sign3A_496 = arith.extui %sign3A_495 : i1 to i32
    %sign3A_497 = arith.constant 0 : i32
    %sign3A_498 = arith.cmpi slt, %sub3A_491, %sign3A_497 : i32
    %sign3A_499 = arith.extui %sign3A_498 : i1 to i32
    %sign3A_500 = arith.subi %sign3A_496, %sign3A_499 : i32
    %sign3A_501 = arith.constant 0 : i32
    %sign3A_502 = arith.cmpi sgt, %jit3A_492, %sign3A_501 : i32
    %sign3A_503 = arith.extui %sign3A_502 : i1 to i32
    %sign3A_504 = arith.constant 0 : i32
    %sign3A_505 = arith.cmpi slt, %jit3A_492, %sign3A_504 : i32
    %sign3A_506 = arith.extui %sign3A_505 : i1 to i32
    %sign3A_507 = arith.subi %sign3A_503, %sign3A_506 : i32
    %ne3A_508 = arith.cmpi ne, %sign3A_500, %sign3A_507 : i32
    %rem3A_509 = arith.remsi %sub3A_491, %jit3A_492 : i32
    %ne3A_510 = arith.constant 0 : i32
    %ne3A_511 = arith.cmpi ne, %rem3A_509, %ne3A_510 : i32
    %and3A_512 = arith.andi %ne3A_508, %ne3A_511 : i1
    %sub3A_513 = arith.constant 1 : i32
    %sub3A_514 = arith.subi %div3A_493, %sub3A_513 : i32
    %select_n3A_515 = arith.select %and3A_512, %sub3A_514, %div3A_493 : i32
    %mul3A_516 = arith.constant 512 : i32
    %mul3A_517 = arith.muli %select_n3A_515, %mul3A_516 : i32
    %add3A_518 = arith.addi %add3A_453, %mul3A_517 : i32
    %eq3A_519 = arith.constant 8 : i32
    %eq3A_520 = vector.broadcast %eq3A_519 : i32 to vector<128x128xi32>
    %eq3A_521 = arith.cmpi eq, %get3A_1, %eq3A_520 : vector<128x128xi32>
    %convert_element_type3A_522 = arith.extui %eq3A_521 : vector<128x128xi1> to vector<128x128xi32>
    %convert_element_type3A_523 = arith.sitofp %convert_element_type3A_522 : vector<128x128xi32> to vector<128x128xf32>
    %dot_general3A_524 = arith.constant dense<0.000000e+00> : vector<128x128xf32>
    %dot_general3A_525 = tpu.matmul %convert_element_type3A_523, %convert_element_type3A_3, %dot_general3A_524 {dimension_numbers = #tpu.dot_dimension_numbers<[1], [0], [0], [1], [0, 0, 1, 1], [], []>, transpose_lhs_hint = false} : vector<128x128xf32>, vector<128x128xf32>, vector<128x128xf32> -> vector<128x128xf32>
    %reduce_sum3A_526 = arith.constant dense<0.000000e+00> : vector<128xf32>
    %reduce_sum3A_527 = vector.multi_reduction <add>, %convert_element_type3A_523, %reduce_sum3A_526 [1] : vector<128x128xf32> to vector<128xf32>
    %broadcast_in_dim3A_528 = vector.shape_cast %reduce_sum3A_527 : vector<128xf32> to vector<128x1xf32>
    %dot_general3A_529 = arith.constant dense<0.000000e+00> : vector<128x1xf32>
    %dot_general3A_530 = tpu.matmul %convert_element_type3A_5, %broadcast_in_dim3A_528, %dot_general3A_529 {dimension_numbers = #tpu.dot_dimension_numbers<[1], [0], [0], [1], [0, 0, 1, 1], [], []>, transpose_lhs_hint = false} : vector<128x128xf32>, vector<128x1xf32>, vector<128x1xf32> -> vector<128x1xf32>
    %add3A_531 = vector.broadcast %dot_general3A_530 : vector<128x1xf32> to vector<128x128xf32>
    %add3A_532 = arith.addf %add3A_531, %dot_general3A_525 : vector<128x128xf32>
    %convert_element_type3A_533 = arith.fptosi %add3A_532 : vector<128x128xf32> to vector<128x128xi32>
    %reduce_sum3A_534 = vector.shape_cast %convert_element_type3A_523 : vector<128x128xf32> to vector<1x128x128xf32>
    %reduce_sum3A_535 = arith.constant dense<0.000000e+00> : vector<1xf32>
    %reduce_sum3A_536 = vector.multi_reduction <add>, %reduce_sum3A_534, %reduce_sum3A_535 [1, 2] : vector<1x128x128xf32> to vector<1xf32>
    %reduce_sum3A_537 = vector.shape_cast %reduce_sum3A_536 : vector<1xf32> to vector<1x1x1xf32>
    %reduce_sum3A_538 = vector.extract %reduce_sum3A_537[0, 0, 0] : f32 from vector<1x1x1xf32>
    %convert_element_type3A_539 = arith.fptosi %reduce_sum3A_538 : f32 to i32
    %eq3A_540 = arith.constant 8 : i32
    %eq3A_541 = vector.broadcast %eq3A_540 : i32 to vector<128x128xi32>
    %eq3A_542 = arith.cmpi eq, %get3A_1, %eq3A_541 : vector<128x128xi32>
    %add3A_543 = vector.broadcast %add3A_518 : i32 to vector<128x128xi32>
    %add3A_544 = arith.addi %add3A_543, %convert_element_type3A_533 : vector<128x128xi32>
    %select_n3A_545 = arith.select %eq3A_542, %add3A_544, %select_n3A_480 : vector<128x128xi1>, vector<128x128xi32>
    %mul3A_546 = arith.constant 512 : i32
    %mul3A_547 = vector.broadcast %mul3A_546 : i32 to vector<1x48xi32>
    %mul3A_548 = arith.muli %iota3A_6, %mul3A_547 : vector<1x48xi32>
    %ge3A_549 = vector.broadcast %add3A_518 : i32 to vector<1x48xi32>
    %ge3A_550 = arith.cmpi sge, %mul3A_548, %ge3A_549 : vector<1x48xi32>
    %convert_element_type3A_551 = arith.extui %ge3A_550 : vector<1x48xi1> to vector<1x48xi32>
    %add3A_552 = arith.addi %add3A_487, %convert_element_type3A_551 : vector<1x48xi32>
    %add3A_553 = arith.constant 512 : i32
    %add3A_554 = arith.addi %convert_element_type3A_539, %add3A_553 : i32
    %sub3A_555 = arith.constant 1 : i32
    %sub3A_556 = arith.subi %add3A_554, %sub3A_555 : i32
    %jit3A_557 = arith.constant 512 : i32
    %div3A_558 = arith.divsi %sub3A_556, %jit3A_557 : i32
    %sign3A_559 = arith.constant 0 : i32
    %sign3A_560 = arith.cmpi sgt, %sub3A_556, %sign3A_559 : i32
    %sign3A_561 = arith.extui %sign3A_560 : i1 to i32
    %sign3A_562 = arith.constant 0 : i32
    %sign3A_563 = arith.cmpi slt, %sub3A_556, %sign3A_562 : i32
    %sign3A_564 = arith.extui %sign3A_563 : i1 to i32
    %sign3A_565 = arith.subi %sign3A_561, %sign3A_564 : i32
    %sign3A_566 = arith.constant 0 : i32
    %sign3A_567 = arith.cmpi sgt, %jit3A_557, %sign3A_566 : i32
    %sign3A_568 = arith.extui %sign3A_567 : i1 to i32
    %sign3A_569 = arith.constant 0 : i32
    %sign3A_570 = arith.cmpi slt, %jit3A_557, %sign3A_569 : i32
    %sign3A_571 = arith.extui %sign3A_570 : i1 to i32
    %sign3A_572 = arith.subi %sign3A_568, %sign3A_571 : i32
    %ne3A_573 = arith.cmpi ne, %sign3A_565, %sign3A_572 : i32
    %rem3A_574 = arith.remsi %sub3A_556, %jit3A_557 : i32
    %ne3A_575 = arith.constant 0 : i32
    %ne3A_576 = arith.cmpi ne, %rem3A_574, %ne3A_575 : i32
    %and3A_577 = arith.andi %ne3A_573, %ne3A_576 : i1
    %sub3A_578 = arith.constant 1 : i32
    %sub3A_579 = arith.subi %div3A_558, %sub3A_578 : i32
    %select_n3A_580 = arith.select %and3A_577, %sub3A_579, %div3A_558 : i32
    %mul3A_581 = arith.constant 512 : i32
    %mul3A_582 = arith.muli %select_n3A_580, %mul3A_581 : i32
    %add3A_583 = arith.addi %add3A_518, %mul3A_582 : i32
    %eq3A_584 = arith.constant 9 : i32
    %eq3A_585 = vector.broadcast %eq3A_584 : i32 to vector<128x128xi32>
    %eq3A_586 = arith.cmpi eq, %get3A_1, %eq3A_585 : vector<128x128xi32>
    %convert_element_type3A_587 = arith.extui %eq3A_586 : vector<128x128xi1> to vector<128x128xi32>
    %convert_element_type3A_588 = arith.sitofp %convert_element_type3A_587 : vector<128x128xi32> to vector<128x128xf32>
    %dot_general3A_589 = arith.constant dense<0.000000e+00> : vector<128x128xf32>
    %dot_general3A_590 = tpu.matmul %convert_element_type3A_588, %convert_element_type3A_3, %dot_general3A_589 {dimension_numbers = #tpu.dot_dimension_numbers<[1], [0], [0], [1], [0, 0, 1, 1], [], []>, transpose_lhs_hint = false} : vector<128x128xf32>, vector<128x128xf32>, vector<128x128xf32> -> vector<128x128xf32>
    %reduce_sum3A_591 = arith.constant dense<0.000000e+00> : vector<128xf32>
    %reduce_sum3A_592 = vector.multi_reduction <add>, %convert_element_type3A_588, %reduce_sum3A_591 [1] : vector<128x128xf32> to vector<128xf32>
    %broadcast_in_dim3A_593 = vector.shape_cast %reduce_sum3A_592 : vector<128xf32> to vector<128x1xf32>
    %dot_general3A_594 = arith.constant dense<0.000000e+00> : vector<128x1xf32>
    %dot_general3A_595 = tpu.matmul %convert_element_type3A_5, %broadcast_in_dim3A_593, %dot_general3A_594 {dimension_numbers = #tpu.dot_dimension_numbers<[1], [0], [0], [1], [0, 0, 1, 1], [], []>, transpose_lhs_hint = false} : vector<128x128xf32>, vector<128x1xf32>, vector<128x1xf32> -> vector<128x1xf32>
    %add3A_596 = vector.broadcast %dot_general3A_595 : vector<128x1xf32> to vector<128x128xf32>
    %add3A_597 = arith.addf %add3A_596, %dot_general3A_590 : vector<128x128xf32>
    %convert_element_type3A_598 = arith.fptosi %add3A_597 : vector<128x128xf32> to vector<128x128xi32>
    %reduce_sum3A_599 = vector.shape_cast %convert_element_type3A_588 : vector<128x128xf32> to vector<1x128x128xf32>
    %reduce_sum3A_600 = arith.constant dense<0.000000e+00> : vector<1xf32>
    %reduce_sum3A_601 = vector.multi_reduction <add>, %reduce_sum3A_599, %reduce_sum3A_600 [1, 2] : vector<1x128x128xf32> to vector<1xf32>
    %reduce_sum3A_602 = vector.shape_cast %reduce_sum3A_601 : vector<1xf32> to vector<1x1x1xf32>
    %reduce_sum3A_603 = vector.extract %reduce_sum3A_602[0, 0, 0] : f32 from vector<1x1x1xf32>
    %convert_element_type3A_604 = arith.fptosi %reduce_sum3A_603 : f32 to i32
    %eq3A_605 = arith.constant 9 : i32
    %eq3A_606 = vector.broadcast %eq3A_605 : i32 to vector<128x128xi32>
    %eq3A_607 = arith.cmpi eq, %get3A_1, %eq3A_606 : vector<128x128xi32>
    %add3A_608 = vector.broadcast %add3A_583 : i32 to vector<128x128xi32>
    %add3A_609 = arith.addi %add3A_608, %convert_element_type3A_598 : vector<128x128xi32>
    %select_n3A_610 = arith.select %eq3A_607, %add3A_609, %select_n3A_545 : vector<128x128xi1>, vector<128x128xi32>
    %mul3A_611 = arith.constant 512 : i32
    %mul3A_612 = vector.broadcast %mul3A_611 : i32 to vector<1x48xi32>
    %mul3A_613 = arith.muli %iota3A_6, %mul3A_612 : vector<1x48xi32>
    %ge3A_614 = vector.broadcast %add3A_583 : i32 to vector<1x48xi32>
    %ge3A_615 = arith.cmpi sge, %mul3A_613, %ge3A_614 : vector<1x48xi32>
    %convert_element_type3A_616 = arith.extui %ge3A_615 : vector<1x48xi1> to vector<1x48xi32>
    %add3A_617 = arith.addi %add3A_552, %convert_element_type3A_616 : vector<1x48xi32>
    %add3A_618 = arith.constant 512 : i32
    %add3A_619 = arith.addi %convert_element_type3A_604, %add3A_618 : i32
    %sub3A_620 = arith.constant 1 : i32
    %sub3A_621 = arith.subi %add3A_619, %sub3A_620 : i32
    %jit3A_622 = arith.constant 512 : i32
    %div3A_623 = arith.divsi %sub3A_621, %jit3A_622 : i32
    %sign3A_624 = arith.constant 0 : i32
    %sign3A_625 = arith.cmpi sgt, %sub3A_621, %sign3A_624 : i32
    %sign3A_626 = arith.extui %sign3A_625 : i1 to i32
    %sign3A_627 = arith.constant 0 : i32
    %sign3A_628 = arith.cmpi slt, %sub3A_621, %sign3A_627 : i32
    %sign3A_629 = arith.extui %sign3A_628 : i1 to i32
    %sign3A_630 = arith.subi %sign3A_626, %sign3A_629 : i32
    %sign3A_631 = arith.constant 0 : i32
    %sign3A_632 = arith.cmpi sgt, %jit3A_622, %sign3A_631 : i32
    %sign3A_633 = arith.extui %sign3A_632 : i1 to i32
    %sign3A_634 = arith.constant 0 : i32
    %sign3A_635 = arith.cmpi slt, %jit3A_622, %sign3A_634 : i32
    %sign3A_636 = arith.extui %sign3A_635 : i1 to i32
    %sign3A_637 = arith.subi %sign3A_633, %sign3A_636 : i32
    %ne3A_638 = arith.cmpi ne, %sign3A_630, %sign3A_637 : i32
    %rem3A_639 = arith.remsi %sub3A_621, %jit3A_622 : i32
    %ne3A_640 = arith.constant 0 : i32
    %ne3A_641 = arith.cmpi ne, %rem3A_639, %ne3A_640 : i32
    %and3A_642 = arith.andi %ne3A_638, %ne3A_641 : i1
    %sub3A_643 = arith.constant 1 : i32
    %sub3A_644 = arith.subi %div3A_623, %sub3A_643 : i32
    %select_n3A_645 = arith.select %and3A_642, %sub3A_644, %div3A_623 : i32
    %mul3A_646 = arith.constant 512 : i32
    %mul3A_647 = arith.muli %select_n3A_645, %mul3A_646 : i32
    %add3A_648 = arith.addi %add3A_583, %mul3A_647 : i32
    %eq3A_649 = arith.constant 10 : i32
    %eq3A_650 = vector.broadcast %eq3A_649 : i32 to vector<128x128xi32>
    %eq3A_651 = arith.cmpi eq, %get3A_1, %eq3A_650 : vector<128x128xi32>
    %convert_element_type3A_652 = arith.extui %eq3A_651 : vector<128x128xi1> to vector<128x128xi32>
    %convert_element_type3A_653 = arith.sitofp %convert_element_type3A_652 : vector<128x128xi32> to vector<128x128xf32>
    %dot_general3A_654 = arith.constant dense<0.000000e+00> : vector<128x128xf32>
    %dot_general3A_655 = tpu.matmul %convert_element_type3A_653, %convert_element_type3A_3, %dot_general3A_654 {dimension_numbers = #tpu.dot_dimension_numbers<[1], [0], [0], [1], [0, 0, 1, 1], [], []>, transpose_lhs_hint = false} : vector<128x128xf32>, vector<128x128xf32>, vector<128x128xf32> -> vector<128x128xf32>
    %reduce_sum3A_656 = arith.constant dense<0.000000e+00> : vector<128xf32>
    %reduce_sum3A_657 = vector.multi_reduction <add>, %convert_element_type3A_653, %reduce_sum3A_656 [1] : vector<128x128xf32> to vector<128xf32>
    %broadcast_in_dim3A_658 = vector.shape_cast %reduce_sum3A_657 : vector<128xf32> to vector<128x1xf32>
    %dot_general3A_659 = arith.constant dense<0.000000e+00> : vector<128x1xf32>
    %dot_general3A_660 = tpu.matmul %convert_element_type3A_5, %broadcast_in_dim3A_658, %dot_general3A_659 {dimension_numbers = #tpu.dot_dimension_numbers<[1], [0], [0], [1], [0, 0, 1, 1], [], []>, transpose_lhs_hint = false} : vector<128x128xf32>, vector<128x1xf32>, vector<128x1xf32> -> vector<128x1xf32>
    %add3A_661 = vector.broadcast %dot_general3A_660 : vector<128x1xf32> to vector<128x128xf32>
    %add3A_662 = arith.addf %add3A_661, %dot_general3A_655 : vector<128x128xf32>
    %convert_element_type3A_663 = arith.fptosi %add3A_662 : vector<128x128xf32> to vector<128x128xi32>
    %reduce_sum3A_664 = vector.shape_cast %convert_element_type3A_653 : vector<128x128xf32> to vector<1x128x128xf32>
    %reduce_sum3A_665 = arith.constant dense<0.000000e+00> : vector<1xf32>
    %reduce_sum3A_666 = vector.multi_reduction <add>, %reduce_sum3A_664, %reduce_sum3A_665 [1, 2] : vector<1x128x128xf32> to vector<1xf32>
    %reduce_sum3A_667 = vector.shape_cast %reduce_sum3A_666 : vector<1xf32> to vector<1x1x1xf32>
    %reduce_sum3A_668 = vector.extract %reduce_sum3A_667[0, 0, 0] : f32 from vector<1x1x1xf32>
    %convert_element_type3A_669 = arith.fptosi %reduce_sum3A_668 : f32 to i32
    %eq3A_670 = arith.constant 10 : i32
    %eq3A_671 = vector.broadcast %eq3A_670 : i32 to vector<128x128xi32>
    %eq3A_672 = arith.cmpi eq, %get3A_1, %eq3A_671 : vector<128x128xi32>
    %add3A_673 = vector.broadcast %add3A_648 : i32 to vector<128x128xi32>
    %add3A_674 = arith.addi %add3A_673, %convert_element_type3A_663 : vector<128x128xi32>
    %select_n3A_675 = arith.select %eq3A_672, %add3A_674, %select_n3A_610 : vector<128x128xi1>, vector<128x128xi32>
    %mul3A_676 = arith.constant 512 : i32
    %mul3A_677 = vector.broadcast %mul3A_676 : i32 to vector<1x48xi32>
    %mul3A_678 = arith.muli %iota3A_6, %mul3A_677 : vector<1x48xi32>
    %ge3A_679 = vector.broadcast %add3A_648 : i32 to vector<1x48xi32>
    %ge3A_680 = arith.cmpi sge, %mul3A_678, %ge3A_679 : vector<1x48xi32>
    %convert_element_type3A_681 = arith.extui %ge3A_680 : vector<1x48xi1> to vector<1x48xi32>
    %add3A_682 = arith.addi %add3A_617, %convert_element_type3A_681 : vector<1x48xi32>
    %add3A_683 = arith.constant 512 : i32
    %add3A_684 = arith.addi %convert_element_type3A_669, %add3A_683 : i32
    %sub3A_685 = arith.constant 1 : i32
    %sub3A_686 = arith.subi %add3A_684, %sub3A_685 : i32
    %jit3A_687 = arith.constant 512 : i32
    %div3A_688 = arith.divsi %sub3A_686, %jit3A_687 : i32
    %sign3A_689 = arith.constant 0 : i32
    %sign3A_690 = arith.cmpi sgt, %sub3A_686, %sign3A_689 : i32
    %sign3A_691 = arith.extui %sign3A_690 : i1 to i32
    %sign3A_692 = arith.constant 0 : i32
    %sign3A_693 = arith.cmpi slt, %sub3A_686, %sign3A_692 : i32
    %sign3A_694 = arith.extui %sign3A_693 : i1 to i32
    %sign3A_695 = arith.subi %sign3A_691, %sign3A_694 : i32
    %sign3A_696 = arith.constant 0 : i32
    %sign3A_697 = arith.cmpi sgt, %jit3A_687, %sign3A_696 : i32
    %sign3A_698 = arith.extui %sign3A_697 : i1 to i32
    %sign3A_699 = arith.constant 0 : i32
    %sign3A_700 = arith.cmpi slt, %jit3A_687, %sign3A_699 : i32
    %sign3A_701 = arith.extui %sign3A_700 : i1 to i32
    %sign3A_702 = arith.subi %sign3A_698, %sign3A_701 : i32
    %ne3A_703 = arith.cmpi ne, %sign3A_695, %sign3A_702 : i32
    %rem3A_704 = arith.remsi %sub3A_686, %jit3A_687 : i32
    %ne3A_705 = arith.constant 0 : i32
    %ne3A_706 = arith.cmpi ne, %rem3A_704, %ne3A_705 : i32
    %and3A_707 = arith.andi %ne3A_703, %ne3A_706 : i1
    %sub3A_708 = arith.constant 1 : i32
    %sub3A_709 = arith.subi %div3A_688, %sub3A_708 : i32
    %select_n3A_710 = arith.select %and3A_707, %sub3A_709, %div3A_688 : i32
    %mul3A_711 = arith.constant 512 : i32
    %mul3A_712 = arith.muli %select_n3A_710, %mul3A_711 : i32
    %add3A_713 = arith.addi %add3A_648, %mul3A_712 : i32
    %eq3A_714 = arith.constant 11 : i32
    %eq3A_715 = vector.broadcast %eq3A_714 : i32 to vector<128x128xi32>
    %eq3A_716 = arith.cmpi eq, %get3A_1, %eq3A_715 : vector<128x128xi32>
    %convert_element_type3A_717 = arith.extui %eq3A_716 : vector<128x128xi1> to vector<128x128xi32>
    %convert_element_type3A_718 = arith.sitofp %convert_element_type3A_717 : vector<128x128xi32> to vector<128x128xf32>
    %dot_general3A_719 = arith.constant dense<0.000000e+00> : vector<128x128xf32>
    %dot_general3A_720 = tpu.matmul %convert_element_type3A_718, %convert_element_type3A_3, %dot_general3A_719 {dimension_numbers = #tpu.dot_dimension_numbers<[1], [0], [0], [1], [0, 0, 1, 1], [], []>, transpose_lhs_hint = false} : vector<128x128xf32>, vector<128x128xf32>, vector<128x128xf32> -> vector<128x128xf32>
    %reduce_sum3A_721 = arith.constant dense<0.000000e+00> : vector<128xf32>
    %reduce_sum3A_722 = vector.multi_reduction <add>, %convert_element_type3A_718, %reduce_sum3A_721 [1] : vector<128x128xf32> to vector<128xf32>
    %broadcast_in_dim3A_723 = vector.shape_cast %reduce_sum3A_722 : vector<128xf32> to vector<128x1xf32>
    %dot_general3A_724 = arith.constant dense<0.000000e+00> : vector<128x1xf32>
    %dot_general3A_725 = tpu.matmul %convert_element_type3A_5, %broadcast_in_dim3A_723, %dot_general3A_724 {dimension_numbers = #tpu.dot_dimension_numbers<[1], [0], [0], [1], [0, 0, 1, 1], [], []>, transpose_lhs_hint = false} : vector<128x128xf32>, vector<128x1xf32>, vector<128x1xf32> -> vector<128x1xf32>
    %add3A_726 = vector.broadcast %dot_general3A_725 : vector<128x1xf32> to vector<128x128xf32>
    %add3A_727 = arith.addf %add3A_726, %dot_general3A_720 : vector<128x128xf32>
    %convert_element_type3A_728 = arith.fptosi %add3A_727 : vector<128x128xf32> to vector<128x128xi32>
    %reduce_sum3A_729 = vector.shape_cast %convert_element_type3A_718 : vector<128x128xf32> to vector<1x128x128xf32>
    %reduce_sum3A_730 = arith.constant dense<0.000000e+00> : vector<1xf32>
    %reduce_sum3A_731 = vector.multi_reduction <add>, %reduce_sum3A_729, %reduce_sum3A_730 [1, 2] : vector<1x128x128xf32> to vector<1xf32>
    %reduce_sum3A_732 = vector.shape_cast %reduce_sum3A_731 : vector<1xf32> to vector<1x1x1xf32>
    %reduce_sum3A_733 = vector.extract %reduce_sum3A_732[0, 0, 0] : f32 from vector<1x1x1xf32>
    %convert_element_type3A_734 = arith.fptosi %reduce_sum3A_733 : f32 to i32
    %eq3A_735 = arith.constant 11 : i32
    %eq3A_736 = vector.broadcast %eq3A_735 : i32 to vector<128x128xi32>
    %eq3A_737 = arith.cmpi eq, %get3A_1, %eq3A_736 : vector<128x128xi32>
    %add3A_738 = vector.broadcast %add3A_713 : i32 to vector<128x128xi32>
    %add3A_739 = arith.addi %add3A_738, %convert_element_type3A_728 : vector<128x128xi32>
    %select_n3A_740 = arith.select %eq3A_737, %add3A_739, %select_n3A_675 : vector<128x128xi1>, vector<128x128xi32>
    %mul3A_741 = arith.constant 512 : i32
    %mul3A_742 = vector.broadcast %mul3A_741 : i32 to vector<1x48xi32>
    %mul3A_743 = arith.muli %iota3A_6, %mul3A_742 : vector<1x48xi32>
    %ge3A_744 = vector.broadcast %add3A_713 : i32 to vector<1x48xi32>
    %ge3A_745 = arith.cmpi sge, %mul3A_743, %ge3A_744 : vector<1x48xi32>
    %convert_element_type3A_746 = arith.extui %ge3A_745 : vector<1x48xi1> to vector<1x48xi32>
    %add3A_747 = arith.addi %add3A_682, %convert_element_type3A_746 : vector<1x48xi32>
    %add3A_748 = arith.constant 512 : i32
    %add3A_749 = arith.addi %convert_element_type3A_734, %add3A_748 : i32
    %sub3A_750 = arith.constant 1 : i32
    %sub3A_751 = arith.subi %add3A_749, %sub3A_750 : i32
    %jit3A_752 = arith.constant 512 : i32
    %div3A_753 = arith.divsi %sub3A_751, %jit3A_752 : i32
    %sign3A_754 = arith.constant 0 : i32
    %sign3A_755 = arith.cmpi sgt, %sub3A_751, %sign3A_754 : i32
    %sign3A_756 = arith.extui %sign3A_755 : i1 to i32
    %sign3A_757 = arith.constant 0 : i32
    %sign3A_758 = arith.cmpi slt, %sub3A_751, %sign3A_757 : i32
    %sign3A_759 = arith.extui %sign3A_758 : i1 to i32
    %sign3A_760 = arith.subi %sign3A_756, %sign3A_759 : i32
    %sign3A_761 = arith.constant 0 : i32
    %sign3A_762 = arith.cmpi sgt, %jit3A_752, %sign3A_761 : i32
    %sign3A_763 = arith.extui %sign3A_762 : i1 to i32
    %sign3A_764 = arith.constant 0 : i32
    %sign3A_765 = arith.cmpi slt, %jit3A_752, %sign3A_764 : i32
    %sign3A_766 = arith.extui %sign3A_765 : i1 to i32
    %sign3A_767 = arith.subi %sign3A_763, %sign3A_766 : i32
    %ne3A_768 = arith.cmpi ne, %sign3A_760, %sign3A_767 : i32
    %rem3A_769 = arith.remsi %sub3A_751, %jit3A_752 : i32
    %ne3A_770 = arith.constant 0 : i32
    %ne3A_771 = arith.cmpi ne, %rem3A_769, %ne3A_770 : i32
    %and3A_772 = arith.andi %ne3A_768, %ne3A_771 : i1
    %sub3A_773 = arith.constant 1 : i32
    %sub3A_774 = arith.subi %div3A_753, %sub3A_773 : i32
    %select_n3A_775 = arith.select %and3A_772, %sub3A_774, %div3A_753 : i32
    %mul3A_776 = arith.constant 512 : i32
    %mul3A_777 = arith.muli %select_n3A_775, %mul3A_776 : i32
    %add3A_778 = arith.addi %add3A_713, %mul3A_777 : i32
    %eq3A_779 = arith.constant 12 : i32
    %eq3A_780 = vector.broadcast %eq3A_779 : i32 to vector<128x128xi32>
    %eq3A_781 = arith.cmpi eq, %get3A_1, %eq3A_780 : vector<128x128xi32>
    %convert_element_type3A_782 = arith.extui %eq3A_781 : vector<128x128xi1> to vector<128x128xi32>
    %convert_element_type3A_783 = arith.sitofp %convert_element_type3A_782 : vector<128x128xi32> to vector<128x128xf32>
    %dot_general3A_784 = arith.constant dense<0.000000e+00> : vector<128x128xf32>
    %dot_general3A_785 = tpu.matmul %convert_element_type3A_783, %convert_element_type3A_3, %dot_general3A_784 {dimension_numbers = #tpu.dot_dimension_numbers<[1], [0], [0], [1], [0, 0, 1, 1], [], []>, transpose_lhs_hint = false} : vector<128x128xf32>, vector<128x128xf32>, vector<128x128xf32> -> vector<128x128xf32>
    %reduce_sum3A_786 = arith.constant dense<0.000000e+00> : vector<128xf32>
    %reduce_sum3A_787 = vector.multi_reduction <add>, %convert_element_type3A_783, %reduce_sum3A_786 [1] : vector<128x128xf32> to vector<128xf32>
    %broadcast_in_dim3A_788 = vector.shape_cast %reduce_sum3A_787 : vector<128xf32> to vector<128x1xf32>
    %dot_general3A_789 = arith.constant dense<0.000000e+00> : vector<128x1xf32>
    %dot_general3A_790 = tpu.matmul %convert_element_type3A_5, %broadcast_in_dim3A_788, %dot_general3A_789 {dimension_numbers = #tpu.dot_dimension_numbers<[1], [0], [0], [1], [0, 0, 1, 1], [], []>, transpose_lhs_hint = false} : vector<128x128xf32>, vector<128x1xf32>, vector<128x1xf32> -> vector<128x1xf32>
    %add3A_791 = vector.broadcast %dot_general3A_790 : vector<128x1xf32> to vector<128x128xf32>
    %add3A_792 = arith.addf %add3A_791, %dot_general3A_785 : vector<128x128xf32>
    %convert_element_type3A_793 = arith.fptosi %add3A_792 : vector<128x128xf32> to vector<128x128xi32>
    %reduce_sum3A_794 = vector.shape_cast %convert_element_type3A_783 : vector<128x128xf32> to vector<1x128x128xf32>
    %reduce_sum3A_795 = arith.constant dense<0.000000e+00> : vector<1xf32>
    %reduce_sum3A_796 = vector.multi_reduction <add>, %reduce_sum3A_794, %reduce_sum3A_795 [1, 2] : vector<1x128x128xf32> to vector<1xf32>
    %reduce_sum3A_797 = vector.shape_cast %reduce_sum3A_796 : vector<1xf32> to vector<1x1x1xf32>
    %reduce_sum3A_798 = vector.extract %reduce_sum3A_797[0, 0, 0] : f32 from vector<1x1x1xf32>
    %convert_element_type3A_799 = arith.fptosi %reduce_sum3A_798 : f32 to i32
    %eq3A_800 = arith.constant 12 : i32
    %eq3A_801 = vector.broadcast %eq3A_800 : i32 to vector<128x128xi32>
    %eq3A_802 = arith.cmpi eq, %get3A_1, %eq3A_801 : vector<128x128xi32>
    %add3A_803 = vector.broadcast %add3A_778 : i32 to vector<128x128xi32>
    %add3A_804 = arith.addi %add3A_803, %convert_element_type3A_793 : vector<128x128xi32>
    %select_n3A_805 = arith.select %eq3A_802, %add3A_804, %select_n3A_740 : vector<128x128xi1>, vector<128x128xi32>
    %mul3A_806 = arith.constant 512 : i32
    %mul3A_807 = vector.broadcast %mul3A_806 : i32 to vector<1x48xi32>
    %mul3A_808 = arith.muli %iota3A_6, %mul3A_807 : vector<1x48xi32>
    %ge3A_809 = vector.broadcast %add3A_778 : i32 to vector<1x48xi32>
    %ge3A_810 = arith.cmpi sge, %mul3A_808, %ge3A_809 : vector<1x48xi32>
    %convert_element_type3A_811 = arith.extui %ge3A_810 : vector<1x48xi1> to vector<1x48xi32>
    %add3A_812 = arith.addi %add3A_747, %convert_element_type3A_811 : vector<1x48xi32>
    %add3A_813 = arith.constant 512 : i32
    %add3A_814 = arith.addi %convert_element_type3A_799, %add3A_813 : i32
    %sub3A_815 = arith.constant 1 : i32
    %sub3A_816 = arith.subi %add3A_814, %sub3A_815 : i32
    %jit3A_817 = arith.constant 512 : i32
    %div3A_818 = arith.divsi %sub3A_816, %jit3A_817 : i32
    %sign3A_819 = arith.constant 0 : i32
    %sign3A_820 = arith.cmpi sgt, %sub3A_816, %sign3A_819 : i32
    %sign3A_821 = arith.extui %sign3A_820 : i1 to i32
    %sign3A_822 = arith.constant 0 : i32
    %sign3A_823 = arith.cmpi slt, %sub3A_816, %sign3A_822 : i32
    %sign3A_824 = arith.extui %sign3A_823 : i1 to i32
    %sign3A_825 = arith.subi %sign3A_821, %sign3A_824 : i32
    %sign3A_826 = arith.constant 0 : i32
    %sign3A_827 = arith.cmpi sgt, %jit3A_817, %sign3A_826 : i32
    %sign3A_828 = arith.extui %sign3A_827 : i1 to i32
    %sign3A_829 = arith.constant 0 : i32
    %sign3A_830 = arith.cmpi slt, %jit3A_817, %sign3A_829 : i32
    %sign3A_831 = arith.extui %sign3A_830 : i1 to i32
    %sign3A_832 = arith.subi %sign3A_828, %sign3A_831 : i32
    %ne3A_833 = arith.cmpi ne, %sign3A_825, %sign3A_832 : i32
    %rem3A_834 = arith.remsi %sub3A_816, %jit3A_817 : i32
    %ne3A_835 = arith.constant 0 : i32
    %ne3A_836 = arith.cmpi ne, %rem3A_834, %ne3A_835 : i32
    %and3A_837 = arith.andi %ne3A_833, %ne3A_836 : i1
    %sub3A_838 = arith.constant 1 : i32
    %sub3A_839 = arith.subi %div3A_818, %sub3A_838 : i32
    %select_n3A_840 = arith.select %and3A_837, %sub3A_839, %div3A_818 : i32
    %mul3A_841 = arith.constant 512 : i32
    %mul3A_842 = arith.muli %select_n3A_840, %mul3A_841 : i32
    %add3A_843 = arith.addi %add3A_778, %mul3A_842 : i32
    %eq3A_844 = arith.constant 13 : i32
    %eq3A_845 = vector.broadcast %eq3A_844 : i32 to vector<128x128xi32>
    %eq3A_846 = arith.cmpi eq, %get3A_1, %eq3A_845 : vector<128x128xi32>
    %convert_element_type3A_847 = arith.extui %eq3A_846 : vector<128x128xi1> to vector<128x128xi32>
    %convert_element_type3A_848 = arith.sitofp %convert_element_type3A_847 : vector<128x128xi32> to vector<128x128xf32>
    %dot_general3A_849 = arith.constant dense<0.000000e+00> : vector<128x128xf32>
    %dot_general3A_850 = tpu.matmul %convert_element_type3A_848, %convert_element_type3A_3, %dot_general3A_849 {dimension_numbers = #tpu.dot_dimension_numbers<[1], [0], [0], [1], [0, 0, 1, 1], [], []>, transpose_lhs_hint = false} : vector<128x128xf32>, vector<128x128xf32>, vector<128x128xf32> -> vector<128x128xf32>
    %reduce_sum3A_851 = arith.constant dense<0.000000e+00> : vector<128xf32>
    %reduce_sum3A_852 = vector.multi_reduction <add>, %convert_element_type3A_848, %reduce_sum3A_851 [1] : vector<128x128xf32> to vector<128xf32>
    %broadcast_in_dim3A_853 = vector.shape_cast %reduce_sum3A_852 : vector<128xf32> to vector<128x1xf32>
    %dot_general3A_854 = arith.constant dense<0.000000e+00> : vector<128x1xf32>
    %dot_general3A_855 = tpu.matmul %convert_element_type3A_5, %broadcast_in_dim3A_853, %dot_general3A_854 {dimension_numbers = #tpu.dot_dimension_numbers<[1], [0], [0], [1], [0, 0, 1, 1], [], []>, transpose_lhs_hint = false} : vector<128x128xf32>, vector<128x1xf32>, vector<128x1xf32> -> vector<128x1xf32>
    %add3A_856 = vector.broadcast %dot_general3A_855 : vector<128x1xf32> to vector<128x128xf32>
    %add3A_857 = arith.addf %add3A_856, %dot_general3A_850 : vector<128x128xf32>
    %convert_element_type3A_858 = arith.fptosi %add3A_857 : vector<128x128xf32> to vector<128x128xi32>
    %reduce_sum3A_859 = vector.shape_cast %convert_element_type3A_848 : vector<128x128xf32> to vector<1x128x128xf32>
    %reduce_sum3A_860 = arith.constant dense<0.000000e+00> : vector<1xf32>
    %reduce_sum3A_861 = vector.multi_reduction <add>, %reduce_sum3A_859, %reduce_sum3A_860 [1, 2] : vector<1x128x128xf32> to vector<1xf32>
    %reduce_sum3A_862 = vector.shape_cast %reduce_sum3A_861 : vector<1xf32> to vector<1x1x1xf32>
    %reduce_sum3A_863 = vector.extract %reduce_sum3A_862[0, 0, 0] : f32 from vector<1x1x1xf32>
    %convert_element_type3A_864 = arith.fptosi %reduce_sum3A_863 : f32 to i32
    %eq3A_865 = arith.constant 13 : i32
    %eq3A_866 = vector.broadcast %eq3A_865 : i32 to vector<128x128xi32>
    %eq3A_867 = arith.cmpi eq, %get3A_1, %eq3A_866 : vector<128x128xi32>
    %add3A_868 = vector.broadcast %add3A_843 : i32 to vector<128x128xi32>
    %add3A_869 = arith.addi %add3A_868, %convert_element_type3A_858 : vector<128x128xi32>
    %select_n3A_870 = arith.select %eq3A_867, %add3A_869, %select_n3A_805 : vector<128x128xi1>, vector<128x128xi32>
    %mul3A_871 = arith.constant 512 : i32
    %mul3A_872 = vector.broadcast %mul3A_871 : i32 to vector<1x48xi32>
    %mul3A_873 = arith.muli %iota3A_6, %mul3A_872 : vector<1x48xi32>
    %ge3A_874 = vector.broadcast %add3A_843 : i32 to vector<1x48xi32>
    %ge3A_875 = arith.cmpi sge, %mul3A_873, %ge3A_874 : vector<1x48xi32>
    %convert_element_type3A_876 = arith.extui %ge3A_875 : vector<1x48xi1> to vector<1x48xi32>
    %add3A_877 = arith.addi %add3A_812, %convert_element_type3A_876 : vector<1x48xi32>
    %add3A_878 = arith.constant 512 : i32
    %add3A_879 = arith.addi %convert_element_type3A_864, %add3A_878 : i32
    %sub3A_880 = arith.constant 1 : i32
    %sub3A_881 = arith.subi %add3A_879, %sub3A_880 : i32
    %jit3A_882 = arith.constant 512 : i32
    %div3A_883 = arith.divsi %sub3A_881, %jit3A_882 : i32
    %sign3A_884 = arith.constant 0 : i32
    %sign3A_885 = arith.cmpi sgt, %sub3A_881, %sign3A_884 : i32
    %sign3A_886 = arith.extui %sign3A_885 : i1 to i32
    %sign3A_887 = arith.constant 0 : i32
    %sign3A_888 = arith.cmpi slt, %sub3A_881, %sign3A_887 : i32
    %sign3A_889 = arith.extui %sign3A_888 : i1 to i32
    %sign3A_890 = arith.subi %sign3A_886, %sign3A_889 : i32
    %sign3A_891 = arith.constant 0 : i32
    %sign3A_892 = arith.cmpi sgt, %jit3A_882, %sign3A_891 : i32
    %sign3A_893 = arith.extui %sign3A_892 : i1 to i32
    %sign3A_894 = arith.constant 0 : i32
    %sign3A_895 = arith.cmpi slt, %jit3A_882, %sign3A_894 : i32
    %sign3A_896 = arith.extui %sign3A_895 : i1 to i32
    %sign3A_897 = arith.subi %sign3A_893, %sign3A_896 : i32
    %ne3A_898 = arith.cmpi ne, %sign3A_890, %sign3A_897 : i32
    %rem3A_899 = arith.remsi %sub3A_881, %jit3A_882 : i32
    %ne3A_900 = arith.constant 0 : i32
    %ne3A_901 = arith.cmpi ne, %rem3A_899, %ne3A_900 : i32
    %and3A_902 = arith.andi %ne3A_898, %ne3A_901 : i1
    %sub3A_903 = arith.constant 1 : i32
    %sub3A_904 = arith.subi %div3A_883, %sub3A_903 : i32
    %select_n3A_905 = arith.select %and3A_902, %sub3A_904, %div3A_883 : i32
    %mul3A_906 = arith.constant 512 : i32
    %mul3A_907 = arith.muli %select_n3A_905, %mul3A_906 : i32
    %add3A_908 = arith.addi %add3A_843, %mul3A_907 : i32
    %eq3A_909 = arith.constant 14 : i32
    %eq3A_910 = vector.broadcast %eq3A_909 : i32 to vector<128x128xi32>
    %eq3A_911 = arith.cmpi eq, %get3A_1, %eq3A_910 : vector<128x128xi32>
    %convert_element_type3A_912 = arith.extui %eq3A_911 : vector<128x128xi1> to vector<128x128xi32>
    %convert_element_type3A_913 = arith.sitofp %convert_element_type3A_912 : vector<128x128xi32> to vector<128x128xf32>
    %dot_general3A_914 = arith.constant dense<0.000000e+00> : vector<128x128xf32>
    %dot_general3A_915 = tpu.matmul %convert_element_type3A_913, %convert_element_type3A_3, %dot_general3A_914 {dimension_numbers = #tpu.dot_dimension_numbers<[1], [0], [0], [1], [0, 0, 1, 1], [], []>, transpose_lhs_hint = false} : vector<128x128xf32>, vector<128x128xf32>, vector<128x128xf32> -> vector<128x128xf32>
    %reduce_sum3A_916 = arith.constant dense<0.000000e+00> : vector<128xf32>
    %reduce_sum3A_917 = vector.multi_reduction <add>, %convert_element_type3A_913, %reduce_sum3A_916 [1] : vector<128x128xf32> to vector<128xf32>
    %broadcast_in_dim3A_918 = vector.shape_cast %reduce_sum3A_917 : vector<128xf32> to vector<128x1xf32>
    %dot_general3A_919 = arith.constant dense<0.000000e+00> : vector<128x1xf32>
    %dot_general3A_920 = tpu.matmul %convert_element_type3A_5, %broadcast_in_dim3A_918, %dot_general3A_919 {dimension_numbers = #tpu.dot_dimension_numbers<[1], [0], [0], [1], [0, 0, 1, 1], [], []>, transpose_lhs_hint = false} : vector<128x128xf32>, vector<128x1xf32>, vector<128x1xf32> -> vector<128x1xf32>
    %add3A_921 = vector.broadcast %dot_general3A_920 : vector<128x1xf32> to vector<128x128xf32>
    %add3A_922 = arith.addf %add3A_921, %dot_general3A_915 : vector<128x128xf32>
    %convert_element_type3A_923 = arith.fptosi %add3A_922 : vector<128x128xf32> to vector<128x128xi32>
    %eq3A_924 = arith.constant 14 : i32
    %eq3A_925 = vector.broadcast %eq3A_924 : i32 to vector<128x128xi32>
    %eq3A_926 = arith.cmpi eq, %get3A_1, %eq3A_925 : vector<128x128xi32>
    %add3A_927 = vector.broadcast %add3A_908 : i32 to vector<128x128xi32>
    %add3A_928 = arith.addi %add3A_927, %convert_element_type3A_923 : vector<128x128xi32>
    %select_n3A_929 = arith.select %eq3A_926, %add3A_928, %select_n3A_870 : vector<128x128xi1>, vector<128x128xi32>
    %mul3A_930 = arith.constant 512 : i32
    %mul3A_931 = vector.broadcast %mul3A_930 : i32 to vector<1x48xi32>
    %mul3A_932 = arith.muli %iota3A_6, %mul3A_931 : vector<1x48xi32>
    %ge3A_933 = vector.broadcast %add3A_908 : i32 to vector<1x48xi32>
    %ge3A_934 = arith.cmpi sge, %mul3A_932, %ge3A_933 : vector<1x48xi32>
    %convert_element_type3A_935 = arith.extui %ge3A_934 : vector<1x48xi1> to vector<1x48xi32>
    %add3A_936 = arith.addi %add3A_877, %convert_element_type3A_935 : vector<1x48xi32>
    %swap3A = arith.constant 0 : index
    %swap3A_937 = arith.constant 0 : index
    %swap3A_938 = vector.load %arg1[%swap3A, %swap3A_937] : memref<128x128xi32, #tpu.memory_space<vmem>>, vector<128x128xi32>
    tpu.vector_store %arg1[%swap3A, %swap3A_937], %select_n3A_929 {strides = array<i32>} : memref<128x128xi32, #tpu.memory_space<vmem>>, vector<128x128xi32>,
    %swap3A_939 = arith.constant 0 : index
    %swap3A_940 = arith.constant 0 : index
    %swap3A_941 = vector.load %arg2[%swap3A_939, %swap3A_940] : memref<1x48xi32, #tpu.memory_space<vmem>>, vector<1x48xi32>
    tpu.vector_store %arg2[%swap3A_939, %swap3A_940], %add3A_936 {strides = array<i32>} : memref<1x48xi32, #tpu.memory_space<vmem>>, vector<1x48xi32>,
    return
  }
}

module attributes {stable_mosaic.version = 14 : i64} {
  func.func @_expert_body(%arg0: i32, %arg1: memref<48xi32, #tpu.memory_space<smem>>, %arg2: memref<8192x128xi32, #tpu.memory_space<vmem>>, %arg3: memref<1x2x128x128xbf16, #tpu.memory_space<vmem>>, %arg4: memref<1x1x128xf32, #tpu.memory_space<vmem>>, %arg5: memref<1x128x128xbf16, #tpu.memory_space<vmem>>, %arg6: memref<1x1x128xf32, #tpu.memory_space<vmem>>, %arg7: memref<1x128x32xbf16, #tpu.memory_space<vmem>>, %arg8: memref<1x1x32xf32, #tpu.memory_space<vmem>>, %arg9: memref<1x2x128x128xbf16, #tpu.memory_space<vmem>>, %arg10: memref<1x1x128xf32, #tpu.memory_space<vmem>>, %arg11: memref<1x128x128xbf16, #tpu.memory_space<vmem>>, %arg12: memref<1x1x128xf32, #tpu.memory_space<vmem>>, %arg13: memref<1x128x32xbf16, #tpu.memory_space<vmem>>, %arg14: memref<1x1x32xf32, #tpu.memory_space<vmem>>, %arg15: memref<1x2x128x128xbf16, #tpu.memory_space<vmem>>, %arg16: memref<1x1x128xf32, #tpu.memory_space<vmem>>, %arg17: memref<1x128x128xbf16, #tpu.memory_space<vmem>>, %arg18: memref<1x1x128xf32, #tpu.memory_space<vmem>>, %arg19: memref<1x128x32xbf16, #tpu.memory_space<vmem>>, %arg20: memref<1x1x32xf32, #tpu.memory_space<vmem>>, %arg21: memref<1x2x128x128xbf16, #tpu.memory_space<vmem>>, %arg22: memref<1x1x128xf32, #tpu.memory_space<vmem>>, %arg23: memref<1x128x128xbf16, #tpu.memory_space<vmem>>, %arg24: memref<1x1x128xf32, #tpu.memory_space<vmem>>, %arg25: memref<1x128x32xbf16, #tpu.memory_space<vmem>>, %arg26: memref<1x1x32xf32, #tpu.memory_space<vmem>>, %arg27: memref<1x2x128x128xbf16, #tpu.memory_space<vmem>>, %arg28: memref<1x1x128xf32, #tpu.memory_space<vmem>>, %arg29: memref<1x128x128xbf16, #tpu.memory_space<vmem>>, %arg30: memref<1x1x128xf32, #tpu.memory_space<vmem>>, %arg31: memref<1x128x32xbf16, #tpu.memory_space<vmem>>, %arg32: memref<1x1x32xf32, #tpu.memory_space<vmem>>, %arg33: memref<1x2x128x128xbf16, #tpu.memory_space<vmem>>, %arg34: memref<1x1x128xf32, #tpu.memory_space<vmem>>, %arg35: memref<1x128x128xbf16, #tpu.memory_space<vmem>>, %arg36: memref<1x1x128xf32, #tpu.memory_space<vmem>>, %arg37: memref<1x128x32xbf16, #tpu.memory_space<vmem>>, %arg38: memref<1x1x32xf32, #tpu.memory_space<vmem>>, %arg39: memref<1x2x128x128xbf16, #tpu.memory_space<vmem>>, %arg40: memref<1x1x128xf32, #tpu.memory_space<vmem>>, %arg41: memref<1x128x128xbf16, #tpu.memory_space<vmem>>, %arg42: memref<1x1x128xf32, #tpu.memory_space<vmem>>, %arg43: memref<1x128x32xbf16, #tpu.memory_space<vmem>>, %arg44: memref<1x1x32xf32, #tpu.memory_space<vmem>>, %arg45: memref<1x2x128x128xbf16, #tpu.memory_space<vmem>>, %arg46: memref<1x1x128xf32, #tpu.memory_space<vmem>>, %arg47: memref<1x128x128xbf16, #tpu.memory_space<vmem>>, %arg48: memref<1x1x128xf32, #tpu.memory_space<vmem>>, %arg49: memref<1x128x32xbf16, #tpu.memory_space<vmem>>, %arg50: memref<1x1x32xf32, #tpu.memory_space<vmem>>, %arg51: memref<1x2x128x128xbf16, #tpu.memory_space<vmem>>, %arg52: memref<1x1x128xf32, #tpu.memory_space<vmem>>, %arg53: memref<1x128x128xbf16, #tpu.memory_space<vmem>>, %arg54: memref<1x1x128xf32, #tpu.memory_space<vmem>>, %arg55: memref<1x128x32xbf16, #tpu.memory_space<vmem>>, %arg56: memref<1x1x32xf32, #tpu.memory_space<vmem>>, %arg57: memref<1x2x128x128xbf16, #tpu.memory_space<vmem>>, %arg58: memref<1x1x128xf32, #tpu.memory_space<vmem>>, %arg59: memref<1x128x128xbf16, #tpu.memory_space<vmem>>, %arg60: memref<1x1x128xf32, #tpu.memory_space<vmem>>, %arg61: memref<1x128x32xbf16, #tpu.memory_space<vmem>>, %arg62: memref<1x1x32xf32, #tpu.memory_space<vmem>>, %arg63: memref<1x2x128x128xbf16, #tpu.memory_space<vmem>>, %arg64: memref<1x1x128xf32, #tpu.memory_space<vmem>>, %arg65: memref<1x128x128xbf16, #tpu.memory_space<vmem>>, %arg66: memref<1x1x128xf32, #tpu.memory_space<vmem>>, %arg67: memref<1x128x32xbf16, #tpu.memory_space<vmem>>, %arg68: memref<1x1x32xf32, #tpu.memory_space<vmem>>, %arg69: memref<1x2x128x128xbf16, #tpu.memory_space<vmem>>, %arg70: memref<1x1x128xf32, #tpu.memory_space<vmem>>, %arg71: memref<1x128x128xbf16, #tpu.memory_space<vmem>>, %arg72: memref<1x1x128xf32, #tpu.memory_space<vmem>>, %arg73: memref<1x128x32xbf16, #tpu.memory_space<vmem>>, %arg74: memref<1x1x32xf32, #tpu.memory_space<vmem>>, %arg75: memref<1x2x128x128xbf16, #tpu.memory_space<vmem>>, %arg76: memref<1x1x128xf32, #tpu.memory_space<vmem>>, %arg77: memref<1x128x128xbf16, #tpu.memory_space<vmem>>, %arg78: memref<1x1x128xf32, #tpu.memory_space<vmem>>, %arg79: memref<1x128x32xbf16, #tpu.memory_space<vmem>>, %arg80: memref<1x1x32xf32, #tpu.memory_space<vmem>>, %arg81: memref<1x2x128x128xbf16, #tpu.memory_space<vmem>>, %arg82: memref<1x1x128xf32, #tpu.memory_space<vmem>>, %arg83: memref<1x128x128xbf16, #tpu.memory_space<vmem>>, %arg84: memref<1x1x128xf32, #tpu.memory_space<vmem>>, %arg85: memref<1x128x32xbf16, #tpu.memory_space<vmem>>, %arg86: memref<1x1x32xf32, #tpu.memory_space<vmem>>, %arg87: memref<1x2x128x128xbf16, #tpu.memory_space<vmem>>, %arg88: memref<1x1x128xf32, #tpu.memory_space<vmem>>, %arg89: memref<1x128x128xbf16, #tpu.memory_space<vmem>>, %arg90: memref<1x1x128xf32, #tpu.memory_space<vmem>>, %arg91: memref<1x128x32xbf16, #tpu.memory_space<vmem>>, %arg92: memref<1x1x32xf32, #tpu.memory_space<vmem>>, %arg93: memref<1x2x128x128xbf16, #tpu.memory_space<vmem>>, %arg94: memref<1x1x128xf32, #tpu.memory_space<vmem>>, %arg95: memref<1x128x128xbf16, #tpu.memory_space<vmem>>, %arg96: memref<1x1x128xf32, #tpu.memory_space<vmem>>, %arg97: memref<1x128x32xbf16, #tpu.memory_space<vmem>>, %arg98: memref<1x1x32xf32, #tpu.memory_space<vmem>>, %arg99: memref<2x128x128xbf16, #tpu.memory_space<vmem>>, %arg100: memref<128xf32, #tpu.memory_space<vmem>>, %arg101: memref<128x128xbf16, #tpu.memory_space<vmem>>, %arg102: memref<128xf32, #tpu.memory_space<vmem>>, %arg103: memref<128x1xbf16, #tpu.memory_space<vmem>>, %arg104: memref<1xf32, #tpu.memory_space<vmem>>, %arg105: memref<8192x128xf32, #tpu.memory_space<vmem>>) attributes {dimension_semantics = [#tpu.dimension_semantics<arbitrary>], iteration_bounds = array<i64: 3>, scalar_prefetch = 1 : i64, scratch_operands = 0 : i64, tpu.core_type = #tpu.core_type<tc>, window_params = [{transform_indices = @transform_0, window_bounds = array<i64: 8192, 128>}, {transform_indices = @transform_1, window_bounds = array<i64: 1, 2, 128, 128>}, {transform_indices = @transform_2, window_bounds = array<i64: 1, 1, 128>}, {transform_indices = @transform_3, window_bounds = array<i64: 1, 128, 128>}, {transform_indices = @transform_4, window_bounds = array<i64: 1, 1, 128>}, {transform_indices = @transform_5, window_bounds = array<i64: 1, 128, 32>}, {transform_indices = @transform_6, window_bounds = array<i64: 1, 1, 32>}, {transform_indices = @transform_7, window_bounds = array<i64: 1, 2, 128, 128>}, {transform_indices = @transform_8, window_bounds = array<i64: 1, 1, 128>}, {transform_indices = @transform_9, window_bounds = array<i64: 1, 128, 128>}, {transform_indices = @transform_10, window_bounds = array<i64: 1, 1, 128>}, {transform_indices = @transform_11, window_bounds = array<i64: 1, 128, 32>}, {transform_indices = @transform_12, window_bounds = array<i64: 1, 1, 32>}, {transform_indices = @transform_13, window_bounds = array<i64: 1, 2, 128, 128>}, {transform_indices = @transform_14, window_bounds = array<i64: 1, 1, 128>}, {transform_indices = @transform_15, window_bounds = array<i64: 1, 128, 128>}, {transform_indices = @transform_16, window_bounds = array<i64: 1, 1, 128>}, {transform_indices = @transform_17, window_bounds = array<i64: 1, 128, 32>}, {transform_indices = @transform_18, window_bounds = array<i64: 1, 1, 32>}, {transform_indices = @transform_19, window_bounds = array<i64: 1, 2, 128, 128>}, {transform_indices = @transform_20, window_bounds = array<i64: 1, 1, 128>}, {transform_indices = @transform_21, window_bounds = array<i64: 1, 128, 128>}, {transform_indices = @transform_22, window_bounds = array<i64: 1, 1, 128>}, {transform_indices = @transform_23, window_bounds = array<i64: 1, 128, 32>}, {transform_indices = @transform_24, window_bounds = array<i64: 1, 1, 32>}, {transform_indices = @transform_25, window_bounds = array<i64: 1, 2, 128, 128>}, {transform_indices = @transform_26, window_bounds = array<i64: 1, 1, 128>}, {transform_indices = @transform_27, window_bounds = array<i64: 1, 128, 128>}, {transform_indices = @transform_28, window_bounds = array<i64: 1, 1, 128>}, {transform_indices = @transform_29, window_bounds = array<i64: 1, 128, 32>}, {transform_indices = @transform_30, window_bounds = array<i64: 1, 1, 32>}, {transform_indices = @transform_31, window_bounds = array<i64: 1, 2, 128, 128>}, {transform_indices = @transform_32, window_bounds = array<i64: 1, 1, 128>}, {transform_indices = @transform_33, window_bounds = array<i64: 1, 128, 128>}, {transform_indices = @transform_34, window_bounds = array<i64: 1, 1, 128>}, {transform_indices = @transform_35, window_bounds = array<i64: 1, 128, 32>}, {transform_indices = @transform_36, window_bounds = array<i64: 1, 1, 32>}, {transform_indices = @transform_37, window_bounds = array<i64: 1, 2, 128, 128>}, {transform_indices = @transform_38, window_bounds = array<i64: 1, 1, 128>}, {transform_indices = @transform_39, window_bounds = array<i64: 1, 128, 128>}, {transform_indices = @transform_40, window_bounds = array<i64: 1, 1, 128>}, {transform_indices = @transform_41, window_bounds = array<i64: 1, 128, 32>}, {transform_indices = @transform_42, window_bounds = array<i64: 1, 1, 32>}, {transform_indices = @transform_43, window_bounds = array<i64: 1, 2, 128, 128>}, {transform_indices = @transform_44, window_bounds = array<i64: 1, 1, 128>}, {transform_indices = @transform_45, window_bounds = array<i64: 1, 128, 128>}, {transform_indices = @transform_46, window_bounds = array<i64: 1, 1, 128>}, {transform_indices = @transform_47, window_bounds = array<i64: 1, 128, 32>}, {transform_indices = @transform_48, window_bounds = array<i64: 1, 1, 32>}, {transform_indices = @transform_49, window_bounds = array<i64: 1, 2, 128, 128>}, {transform_indices = @transform_50, window_bounds = array<i64: 1, 1, 128>}, {transform_indices = @transform_51, window_bounds = array<i64: 1, 128, 128>}, {transform_indices = @transform_52, window_bounds = array<i64: 1, 1, 128>}, {transform_indices = @transform_53, window_bounds = array<i64: 1, 128, 32>}, {transform_indices = @transform_54, window_bounds = array<i64: 1, 1, 32>}, {transform_indices = @transform_55, window_bounds = array<i64: 1, 2, 128, 128>}, {transform_indices = @transform_56, window_bounds = array<i64: 1, 1, 128>}, {transform_indices = @transform_57, window_bounds = array<i64: 1, 128, 128>}, {transform_indices = @transform_58, window_bounds = array<i64: 1, 1, 128>}, {transform_indices = @transform_59, window_bounds = array<i64: 1, 128, 32>}, {transform_indices = @transform_60, window_bounds = array<i64: 1, 1, 32>}, {transform_indices = @transform_61, window_bounds = array<i64: 1, 2, 128, 128>}, {transform_indices = @transform_62, window_bounds = array<i64: 1, 1, 128>}, {transform_indices = @transform_63, window_bounds = array<i64: 1, 128, 128>}, {transform_indices = @transform_64, window_bounds = array<i64: 1, 1, 128>}, {transform_indices = @transform_65, window_bounds = array<i64: 1, 128, 32>}, {transform_indices = @transform_66, window_bounds = array<i64: 1, 1, 32>}, {transform_indices = @transform_67, window_bounds = array<i64: 1, 2, 128, 128>}, {transform_indices = @transform_68, window_bounds = array<i64: 1, 1, 128>}, {transform_indices = @transform_69, window_bounds = array<i64: 1, 128, 128>}, {transform_indices = @transform_70, window_bounds = array<i64: 1, 1, 128>}, {transform_indices = @transform_71, window_bounds = array<i64: 1, 128, 32>}, {transform_indices = @transform_72, window_bounds = array<i64: 1, 1, 32>}, {transform_indices = @transform_73, window_bounds = array<i64: 1, 2, 128, 128>}, {transform_indices = @transform_74, window_bounds = array<i64: 1, 1, 128>}, {transform_indices = @transform_75, window_bounds = array<i64: 1, 128, 128>}, {transform_indices = @transform_76, window_bounds = array<i64: 1, 1, 128>}, {transform_indices = @transform_77, window_bounds = array<i64: 1, 128, 32>}, {transform_indices = @transform_78, window_bounds = array<i64: 1, 1, 32>}, {transform_indices = @transform_79, window_bounds = array<i64: 1, 2, 128, 128>}, {transform_indices = @transform_80, window_bounds = array<i64: 1, 1, 128>}, {transform_indices = @transform_81, window_bounds = array<i64: 1, 128, 128>}, {transform_indices = @transform_82, window_bounds = array<i64: 1, 1, 128>}, {transform_indices = @transform_83, window_bounds = array<i64: 1, 128, 32>}, {transform_indices = @transform_84, window_bounds = array<i64: 1, 1, 32>}, {transform_indices = @transform_85, window_bounds = array<i64: 1, 2, 128, 128>}, {transform_indices = @transform_86, window_bounds = array<i64: 1, 1, 128>}, {transform_indices = @transform_87, window_bounds = array<i64: 1, 128, 128>}, {transform_indices = @transform_88, window_bounds = array<i64: 1, 1, 128>}, {transform_indices = @transform_89, window_bounds = array<i64: 1, 128, 32>}, {transform_indices = @transform_90, window_bounds = array<i64: 1, 1, 32>}, {transform_indices = @transform_91, window_bounds = array<i64: 1, 2, 128, 128>}, {transform_indices = @transform_92, window_bounds = array<i64: 1, 1, 128>}, {transform_indices = @transform_93, window_bounds = array<i64: 1, 128, 128>}, {transform_indices = @transform_94, window_bounds = array<i64: 1, 1, 128>}, {transform_indices = @transform_95, window_bounds = array<i64: 1, 128, 32>}, {transform_indices = @transform_96, window_bounds = array<i64: 1, 1, 32>}, {pipeline_mode = #tpu.pipeline_mode<synchronous>, transform_indices = @transform_97, window_bounds = array<i64: 2, 128, 128>}, {pipeline_mode = #tpu.pipeline_mode<synchronous>, transform_indices = @transform_98, window_bounds = array<i64: 128>}, {pipeline_mode = #tpu.pipeline_mode<synchronous>, transform_indices = @transform_99, window_bounds = array<i64: 128, 128>}, {pipeline_mode = #tpu.pipeline_mode<synchronous>, transform_indices = @transform_100, window_bounds = array<i64: 128>}, {pipeline_mode = #tpu.pipeline_mode<synchronous>, transform_indices = @transform_101, window_bounds = array<i64: 128, 1>}, {pipeline_mode = #tpu.pipeline_mode<synchronous>, transform_indices = @transform_102, window_bounds = array<i64: 1>}, {transform_indices = @transform_103, window_bounds = array<i64: 8192, 128>}]} {
    %get3A = arith.constant 0 : index
    %get3A_0 = arith.constant 0 : index
    %get3A_1 = vector.load %arg2[%get3A, %get3A_0] : memref<8192x128xi32, #tpu.memory_space<vmem>>, vector<512x128xi32>
    %shift_left3A = arith.constant 16 : i32
    %shift_left3A_2 = vector.broadcast %shift_left3A : i32 to vector<512x128xi32>
    %shift_left3A_3 = arith.shli %get3A_1, %shift_left3A_2 : vector<512x128xi32>
    %bitcast_convert_type3A = tpu.bitcast %shift_left3A_3 : vector<512x128xi32> -> vector<512x128xf32>
    %slice3A = vector.extract_strided_slice %get3A_1 {offsets = [0, 0], sizes = [512, 8], strides = [1, 1]} : vector<512x128xi32> to vector<512x8xi32>
    %and3A = arith.constant -65536 : i32
    %and3A_4 = vector.broadcast %and3A : i32 to vector<512x8xi32>
    %and3A_5 = arith.andi %slice3A, %and3A_4 : vector<512x8xi32>
    %bitcast_convert_type3A_6 = tpu.bitcast %and3A_5 : vector<512x8xi32> -> vector<512x8xf32>
    %get3A_7 = arith.constant 0 : index
    %get3A_8 = arith.constant 0 : index
    %get3A_9 = arith.constant 0 : index
    %get3A_10 = arith.constant 0 : index
    %get3A_11 = vector.load %arg3[%get3A_7, %get3A_8, %get3A_9, %get3A_10] : memref<1x2x128x128xbf16, #tpu.memory_space<vmem>>, vector<1x1x128x128xbf16>
    %get3A_12 = vector.shape_cast %get3A_11 : vector<1x1x128x128xbf16> to vector<128x128xbf16>
    %dot_general3A = arith.constant dense<0.000000e+00> : vector<512x128xf32>
    %dot_general3A_13 = tpu.matmul %bitcast_convert_type3A, %get3A_12, %dot_general3A {dimension_numbers = #tpu.dot_dimension_numbers<[1], [0], [0], [1], [0, 0, 1, 1], [], []>, transpose_lhs_hint = false} : vector<512x128xf32>, vector<128x128xbf16>, vector<512x128xf32> -> vector<512x128xf32>
    %get3A_14 = arith.constant 0 : index
    %get3A_15 = arith.constant 1 : index
    %get3A_16 = arith.constant 0 : index
    %get3A_17 = arith.constant 0 : index
    %get3A_18 = vector.load %arg3[%get3A_14, %get3A_15, %get3A_16, %get3A_17] : memref<1x2x128x128xbf16, #tpu.memory_space<vmem>>, vector<1x1x8x128xbf16>
    %get3A_19 = vector.shape_cast %get3A_18 : vector<1x1x8x128xbf16> to vector<8x128xbf16>
    %dot_general3A_20 = arith.constant dense<0.000000e+00> : vector<512x128xf32>
    %dot_general3A_21 = tpu.matmul %bitcast_convert_type3A_6, %get3A_19, %dot_general3A_20 {dimension_numbers = #tpu.dot_dimension_numbers<[1], [0], [0], [1], [0, 0, 1, 1], [], []>, transpose_lhs_hint = false} : vector<512x8xf32>, vector<8x128xbf16>, vector<512x128xf32> -> vector<512x128xf32>
    %add3A = arith.addf %dot_general3A_13, %dot_general3A_21 : vector<512x128xf32>
    %get3A_22 = arith.constant 0 : index
    %get3A_23 = arith.constant 0 : index
    %get3A_24 = arith.constant 0 : index
    %get3A_25 = vector.load %arg4[%get3A_22, %get3A_23, %get3A_24] : memref<1x1x128xf32, #tpu.memory_space<vmem>>, vector<1x1x128xf32>
    %get3A_26 = vector.shape_cast %get3A_25 : vector<1x1x128xf32> to vector<1x128xf32>
    %add3A_27 = vector.broadcast %get3A_26 : vector<1x128xf32> to vector<512x128xf32>
    %add3A_28 = arith.addf %add3A, %add3A_27 : vector<512x128xf32>
    %tanh3A = math.tanh %add3A_28 : vector<512x128xf32>
    %convert_element_type3A = arith.truncf %tanh3A : vector<512x128xf32> to vector<512x128xbf16>
    %get3A_29 = arith.constant 0 : index
    %get3A_30 = arith.constant 0 : index
    %get3A_31 = arith.constant 0 : index
    %get3A_32 = vector.load %arg5[%get3A_29, %get3A_30, %get3A_31] : memref<1x128x128xbf16, #tpu.memory_space<vmem>>, vector<1x128x128xbf16>
    %get3A_33 = vector.shape_cast %get3A_32 : vector<1x128x128xbf16> to vector<128x128xbf16>
    %dot_general3A_34 = arith.constant dense<0.000000e+00> : vector<512x128xf32>
    %dot_general3A_35 = tpu.matmul %convert_element_type3A, %get3A_33, %dot_general3A_34 {dimension_numbers = #tpu.dot_dimension_numbers<[1], [0], [0], [1], [0, 0, 1, 1], [], []>, transpose_lhs_hint = false} : vector<512x128xbf16>, vector<128x128xbf16>, vector<512x128xf32> -> vector<512x128xf32>
    %get3A_36 = arith.constant 0 : index
    %get3A_37 = arith.constant 0 : index
    %get3A_38 = arith.constant 0 : index
    %get3A_39 = vector.load %arg6[%get3A_36, %get3A_37, %get3A_38] : memref<1x1x128xf32, #tpu.memory_space<vmem>>, vector<1x1x128xf32>
    %get3A_40 = vector.shape_cast %get3A_39 : vector<1x1x128xf32> to vector<1x128xf32>
    %add3A_41 = vector.broadcast %get3A_40 : vector<1x128xf32> to vector<512x128xf32>
    %add3A_42 = arith.addf %dot_general3A_35, %add3A_41 : vector<512x128xf32>
    %tanh3A_43 = math.tanh %add3A_42 : vector<512x128xf32>
    %convert_element_type3A_44 = arith.truncf %tanh3A_43 : vector<512x128xf32> to vector<512x128xbf16>
    %get3A_45 = arith.constant 0 : index
    %get3A_46 = arith.constant 0 : index
    %get3A_47 = arith.constant 0 : index
    %get3A_48 = vector.load %arg7[%get3A_45, %get3A_46, %get3A_47] : memref<1x128x32xbf16, #tpu.memory_space<vmem>>, vector<1x128x32xbf16>
    %get3A_49 = vector.shape_cast %get3A_48 : vector<1x128x32xbf16> to vector<128x32xbf16>
    %dot_general3A_50 = arith.constant dense<0.000000e+00> : vector<512x32xf32>
    %dot_general3A_51 = tpu.matmul %convert_element_type3A_44, %get3A_49, %dot_general3A_50 {dimension_numbers = #tpu.dot_dimension_numbers<[1], [0], [0], [1], [0, 0, 1, 1], [], []>, transpose_lhs_hint = false} : vector<512x128xbf16>, vector<128x32xbf16>, vector<512x32xf32> -> vector<512x32xf32>
    %get3A_52 = arith.constant 0 : index
    %get3A_53 = arith.constant 0 : index
    %get3A_54 = arith.constant 0 : index
    %get3A_55 = vector.load %arg8[%get3A_52, %get3A_53, %get3A_54] : memref<1x1x32xf32, #tpu.memory_space<vmem>>, vector<1x1x32xf32>
    %get3A_56 = vector.shape_cast %get3A_55 : vector<1x1x32xf32> to vector<1x32xf32>
    %add3A_57 = vector.broadcast %get3A_56 : vector<1x32xf32> to vector<512x32xf32>
    %add3A_58 = arith.addf %dot_general3A_51, %add3A_57 : vector<512x32xf32>
    %get3A_59 = arith.constant 0 : index
    %get3A_60 = arith.constant 0 : index
    %get3A_61 = arith.constant 0 : index
    %get3A_62 = vector.load %arg99[%get3A_59, %get3A_60, %get3A_61] : memref<2x128x128xbf16, #tpu.memory_space<vmem>>, vector<1x128x128xbf16>
    %get3A_63 = vector.shape_cast %get3A_62 : vector<1x128x128xbf16> to vector<128x128xbf16>
    %dot_general3A_64 = arith.constant dense<0.000000e+00> : vector<512x128xf32>
    %dot_general3A_65 = tpu.matmul %bitcast_convert_type3A, %get3A_63, %dot_general3A_64 {dimension_numbers = #tpu.dot_dimension_numbers<[1], [0], [0], [1], [0, 0, 1, 1], [], []>, transpose_lhs_hint = false} : vector<512x128xf32>, vector<128x128xbf16>, vector<512x128xf32> -> vector<512x128xf32>
    %get3A_66 = arith.constant 1 : index
    %get3A_67 = arith.constant 0 : index
    %get3A_68 = arith.constant 0 : index
    %get3A_69 = vector.load %arg99[%get3A_66, %get3A_67, %get3A_68] : memref<2x128x128xbf16, #tpu.memory_space<vmem>>, vector<1x8x128xbf16>
    %get3A_70 = vector.shape_cast %get3A_69 : vector<1x8x128xbf16> to vector<8x128xbf16>
    %dot_general3A_71 = arith.constant dense<0.000000e+00> : vector<512x128xf32>
    %dot_general3A_72 = tpu.matmul %bitcast_convert_type3A_6, %get3A_70, %dot_general3A_71 {dimension_numbers = #tpu.dot_dimension_numbers<[1], [0], [0], [1], [0, 0, 1, 1], [], []>, transpose_lhs_hint = false} : vector<512x8xf32>, vector<8x128xbf16>, vector<512x128xf32> -> vector<512x128xf32>
    %add3A_73 = arith.addf %dot_general3A_65, %dot_general3A_72 : vector<512x128xf32>
    %get3A_74 = arith.constant 0 : index
    %get3A_75 = vector.load %arg100[%get3A_74] : memref<128xf32, #tpu.memory_space<vmem>>, vector<128xf32>
    %broadcast_in_dim3A = vector.shape_cast %get3A_75 : vector<128xf32> to vector<1x128xf32>
    %add3A_76 = vector.broadcast %broadcast_in_dim3A : vector<1x128xf32> to vector<512x128xf32>
    %add3A_77 = arith.addf %add3A_73, %add3A_76 : vector<512x128xf32>
    %tanh3A_78 = math.tanh %add3A_77 : vector<512x128xf32>
    %convert_element_type3A_79 = arith.truncf %tanh3A_78 : vector<512x128xf32> to vector<512x128xbf16>
    %get3A_80 = arith.constant 0 : index
    %get3A_81 = arith.constant 0 : index
    %get3A_82 = vector.load %arg101[%get3A_80, %get3A_81] : memref<128x128xbf16, #tpu.memory_space<vmem>>, vector<128x128xbf16>
    %dot_general3A_83 = arith.constant dense<0.000000e+00> : vector<512x128xf32>
    %dot_general3A_84 = tpu.matmul %convert_element_type3A_79, %get3A_82, %dot_general3A_83 {dimension_numbers = #tpu.dot_dimension_numbers<[1], [0], [0], [1], [0, 0, 1, 1], [], []>, transpose_lhs_hint = false} : vector<512x128xbf16>, vector<128x128xbf16>, vector<512x128xf32> -> vector<512x128xf32>
    %get3A_85 = arith.constant 0 : index
    %get3A_86 = vector.load %arg102[%get3A_85] : memref<128xf32, #tpu.memory_space<vmem>>, vector<128xf32>
    %broadcast_in_dim3A_87 = vector.shape_cast %get3A_86 : vector<128xf32> to vector<1x128xf32>
    %add3A_88 = vector.broadcast %broadcast_in_dim3A_87 : vector<1x128xf32> to vector<512x128xf32>
    %add3A_89 = arith.addf %dot_general3A_84, %add3A_88 : vector<512x128xf32>
    %tanh3A_90 = math.tanh %add3A_89 : vector<512x128xf32>
    %convert_element_type3A_91 = arith.truncf %tanh3A_90 : vector<512x128xf32> to vector<512x128xbf16>
    %get3A_92 = arith.constant 0 : index
    %get3A_93 = arith.constant 0 : index
    %get3A_94 = vector.load %arg103[%get3A_92, %get3A_93] : memref<128x1xbf16, #tpu.memory_space<vmem>>, vector<128x1xbf16>
    %dot_general3A_95 = arith.constant dense<0.000000e+00> : vector<512x1xf32>
    %dot_general3A_96 = tpu.matmul %convert_element_type3A_91, %get3A_94, %dot_general3A_95 {dimension_numbers = #tpu.dot_dimension_numbers<[1], [0], [0], [1], [0, 0, 1, 1], [], []>, transpose_lhs_hint = false} : vector<512x128xbf16>, vector<128x1xbf16>, vector<512x1xf32> -> vector<512x1xf32>
    %get3A_97 = arith.constant 0 : index
    %get3A_98 = vector.load %arg104[%get3A_97] : memref<1xf32, #tpu.memory_space<vmem>>, vector<1xf32>
    %broadcast_in_dim3A_99 = vector.shape_cast %get3A_98 : vector<1xf32> to vector<1x1xf32>
    %add3A_100 = vector.broadcast %broadcast_in_dim3A_99 : vector<1x1xf32> to vector<512x1xf32>
    %add3A_101 = arith.addf %dot_general3A_96, %add3A_100 : vector<512x1xf32>
    %broadcast_in_dim3A_102 = arith.constant 0.000000e+00 : f32
    %broadcast_in_dim3A_103 = vector.broadcast %broadcast_in_dim3A_102 : f32 to vector<512x95xf32>
    %concatenate3A = tpu.concatenate %add3A_58, %add3A_101, %broadcast_in_dim3A_103 in 1 : vector<512x32xf32>, vector<512x1xf32>, vector<512x95xf32> -> vector<512x128xf32>
    %swap3A = arith.constant 0 : index
    %swap3A_104 = arith.constant 0 : index
    %swap3A_105 = vector.load %arg105[%swap3A, %swap3A_104] : memref<8192x128xf32, #tpu.memory_space<vmem>>, vector<512x128xf32>
    tpu.vector_store %arg105[%swap3A, %swap3A_104], %concatenate3A {strides = array<i32>} : memref<8192x128xf32, #tpu.memory_space<vmem>>, vector<512x128xf32>,
    %get3A_106 = arith.constant 512 : index
    %get3A_107 = arith.constant 0 : index
    %get3A_108 = vector.load %arg2[%get3A_106, %get3A_107] : memref<8192x128xi32, #tpu.memory_space<vmem>>, vector<512x128xi32>
    %shift_left3A_109 = arith.constant 16 : i32
    %shift_left3A_110 = vector.broadcast %shift_left3A_109 : i32 to vector<512x128xi32>
    %shift_left3A_111 = arith.shli %get3A_108, %shift_left3A_110 : vector<512x128xi32>
    %bitcast_convert_type3A_112 = tpu.bitcast %shift_left3A_111 : vector<512x128xi32> -> vector<512x128xf32>
    %slice3A_113 = vector.extract_strided_slice %get3A_108 {offsets = [0, 0], sizes = [512, 8], strides = [1, 1]} : vector<512x128xi32> to vector<512x8xi32>
    %and3A_114 = arith.constant -65536 : i32
    %and3A_115 = vector.broadcast %and3A_114 : i32 to vector<512x8xi32>
    %and3A_116 = arith.andi %slice3A_113, %and3A_115 : vector<512x8xi32>
    %bitcast_convert_type3A_117 = tpu.bitcast %and3A_116 : vector<512x8xi32> -> vector<512x8xf32>
    %get3A_118 = arith.constant 0 : index
    %get3A_119 = arith.constant 0 : index
    %get3A_120 = arith.constant 0 : index
    %get3A_121 = arith.constant 0 : index
    %get3A_122 = vector.load %arg9[%get3A_118, %get3A_119, %get3A_120, %get3A_121] : memref<1x2x128x128xbf16, #tpu.memory_space<vmem>>, vector<1x1x128x128xbf16>
    %get3A_123 = vector.shape_cast %get3A_122 : vector<1x1x128x128xbf16> to vector<128x128xbf16>
    %dot_general3A_124 = arith.constant dense<0.000000e+00> : vector<512x128xf32>
    %dot_general3A_125 = tpu.matmul %bitcast_convert_type3A_112, %get3A_123, %dot_general3A_124 {dimension_numbers = #tpu.dot_dimension_numbers<[1], [0], [0], [1], [0, 0, 1, 1], [], []>, transpose_lhs_hint = false} : vector<512x128xf32>, vector<128x128xbf16>, vector<512x128xf32> -> vector<512x128xf32>
    %get3A_126 = arith.constant 0 : index
    %get3A_127 = arith.constant 1 : index
    %get3A_128 = arith.constant 0 : index
    %get3A_129 = arith.constant 0 : index
    %get3A_130 = vector.load %arg9[%get3A_126, %get3A_127, %get3A_128, %get3A_129] : memref<1x2x128x128xbf16, #tpu.memory_space<vmem>>, vector<1x1x8x128xbf16>
    %get3A_131 = vector.shape_cast %get3A_130 : vector<1x1x8x128xbf16> to vector<8x128xbf16>
    %dot_general3A_132 = arith.constant dense<0.000000e+00> : vector<512x128xf32>
    %dot_general3A_133 = tpu.matmul %bitcast_convert_type3A_117, %get3A_131, %dot_general3A_132 {dimension_numbers = #tpu.dot_dimension_numbers<[1], [0], [0], [1], [0, 0, 1, 1], [], []>, transpose_lhs_hint = false} : vector<512x8xf32>, vector<8x128xbf16>, vector<512x128xf32> -> vector<512x128xf32>
    %add3A_134 = arith.addf %dot_general3A_125, %dot_general3A_133 : vector<512x128xf32>
    %get3A_135 = arith.constant 0 : index
    %get3A_136 = arith.constant 0 : index
    %get3A_137 = arith.constant 0 : index
    %get3A_138 = vector.load %arg10[%get3A_135, %get3A_136, %get3A_137] : memref<1x1x128xf32, #tpu.memory_space<vmem>>, vector<1x1x128xf32>
    %get3A_139 = vector.shape_cast %get3A_138 : vector<1x1x128xf32> to vector<1x128xf32>
    %add3A_140 = vector.broadcast %get3A_139 : vector<1x128xf32> to vector<512x128xf32>
    %add3A_141 = arith.addf %add3A_134, %add3A_140 : vector<512x128xf32>
    %tanh3A_142 = math.tanh %add3A_141 : vector<512x128xf32>
    %convert_element_type3A_143 = arith.truncf %tanh3A_142 : vector<512x128xf32> to vector<512x128xbf16>
    %get3A_144 = arith.constant 0 : index
    %get3A_145 = arith.constant 0 : index
    %get3A_146 = arith.constant 0 : index
    %get3A_147 = vector.load %arg11[%get3A_144, %get3A_145, %get3A_146] : memref<1x128x128xbf16, #tpu.memory_space<vmem>>, vector<1x128x128xbf16>
    %get3A_148 = vector.shape_cast %get3A_147 : vector<1x128x128xbf16> to vector<128x128xbf16>
    %dot_general3A_149 = arith.constant dense<0.000000e+00> : vector<512x128xf32>
    %dot_general3A_150 = tpu.matmul %convert_element_type3A_143, %get3A_148, %dot_general3A_149 {dimension_numbers = #tpu.dot_dimension_numbers<[1], [0], [0], [1], [0, 0, 1, 1], [], []>, transpose_lhs_hint = false} : vector<512x128xbf16>, vector<128x128xbf16>, vector<512x128xf32> -> vector<512x128xf32>
    %get3A_151 = arith.constant 0 : index
    %get3A_152 = arith.constant 0 : index
    %get3A_153 = arith.constant 0 : index
    %get3A_154 = vector.load %arg12[%get3A_151, %get3A_152, %get3A_153] : memref<1x1x128xf32, #tpu.memory_space<vmem>>, vector<1x1x128xf32>
    %get3A_155 = vector.shape_cast %get3A_154 : vector<1x1x128xf32> to vector<1x128xf32>
    %add3A_156 = vector.broadcast %get3A_155 : vector<1x128xf32> to vector<512x128xf32>
    %add3A_157 = arith.addf %dot_general3A_150, %add3A_156 : vector<512x128xf32>
    %tanh3A_158 = math.tanh %add3A_157 : vector<512x128xf32>
    %convert_element_type3A_159 = arith.truncf %tanh3A_158 : vector<512x128xf32> to vector<512x128xbf16>
    %get3A_160 = arith.constant 0 : index
    %get3A_161 = arith.constant 0 : index
    %get3A_162 = arith.constant 0 : index
    %get3A_163 = vector.load %arg13[%get3A_160, %get3A_161, %get3A_162] : memref<1x128x32xbf16, #tpu.memory_space<vmem>>, vector<1x128x32xbf16>
    %get3A_164 = vector.shape_cast %get3A_163 : vector<1x128x32xbf16> to vector<128x32xbf16>
    %dot_general3A_165 = arith.constant dense<0.000000e+00> : vector<512x32xf32>
    %dot_general3A_166 = tpu.matmul %convert_element_type3A_159, %get3A_164, %dot_general3A_165 {dimension_numbers = #tpu.dot_dimension_numbers<[1], [0], [0], [1], [0, 0, 1, 1], [], []>, transpose_lhs_hint = false} : vector<512x128xbf16>, vector<128x32xbf16>, vector<512x32xf32> -> vector<512x32xf32>
    %get3A_167 = arith.constant 0 : index
    %get3A_168 = arith.constant 0 : index
    %get3A_169 = arith.constant 0 : index
    %get3A_170 = vector.load %arg14[%get3A_167, %get3A_168, %get3A_169] : memref<1x1x32xf32, #tpu.memory_space<vmem>>, vector<1x1x32xf32>
    %get3A_171 = vector.shape_cast %get3A_170 : vector<1x1x32xf32> to vector<1x32xf32>
    %add3A_172 = vector.broadcast %get3A_171 : vector<1x32xf32> to vector<512x32xf32>
    %add3A_173 = arith.addf %dot_general3A_166, %add3A_172 : vector<512x32xf32>
    %get3A_174 = arith.constant 0 : index
    %get3A_175 = arith.constant 0 : index
    %get3A_176 = arith.constant 0 : index
    %get3A_177 = vector.load %arg99[%get3A_174, %get3A_175, %get3A_176] : memref<2x128x128xbf16, #tpu.memory_space<vmem>>, vector<1x128x128xbf16>
    %get3A_178 = vector.shape_cast %get3A_177 : vector<1x128x128xbf16> to vector<128x128xbf16>
    %dot_general3A_179 = arith.constant dense<0.000000e+00> : vector<512x128xf32>
    %dot_general3A_180 = tpu.matmul %bitcast_convert_type3A_112, %get3A_178, %dot_general3A_179 {dimension_numbers = #tpu.dot_dimension_numbers<[1], [0], [0], [1], [0, 0, 1, 1], [], []>, transpose_lhs_hint = false} : vector<512x128xf32>, vector<128x128xbf16>, vector<512x128xf32> -> vector<512x128xf32>
    %get3A_181 = arith.constant 1 : index
    %get3A_182 = arith.constant 0 : index
    %get3A_183 = arith.constant 0 : index
    %get3A_184 = vector.load %arg99[%get3A_181, %get3A_182, %get3A_183] : memref<2x128x128xbf16, #tpu.memory_space<vmem>>, vector<1x8x128xbf16>
    %get3A_185 = vector.shape_cast %get3A_184 : vector<1x8x128xbf16> to vector<8x128xbf16>
    %dot_general3A_186 = arith.constant dense<0.000000e+00> : vector<512x128xf32>
    %dot_general3A_187 = tpu.matmul %bitcast_convert_type3A_117, %get3A_185, %dot_general3A_186 {dimension_numbers = #tpu.dot_dimension_numbers<[1], [0], [0], [1], [0, 0, 1, 1], [], []>, transpose_lhs_hint = false} : vector<512x8xf32>, vector<8x128xbf16>, vector<512x128xf32> -> vector<512x128xf32>
    %add3A_188 = arith.addf %dot_general3A_180, %dot_general3A_187 : vector<512x128xf32>
    %get3A_189 = arith.constant 0 : index
    %get3A_190 = vector.load %arg100[%get3A_189] : memref<128xf32, #tpu.memory_space<vmem>>, vector<128xf32>
    %broadcast_in_dim3A_191 = vector.shape_cast %get3A_190 : vector<128xf32> to vector<1x128xf32>
    %add3A_192 = vector.broadcast %broadcast_in_dim3A_191 : vector<1x128xf32> to vector<512x128xf32>
    %add3A_193 = arith.addf %add3A_188, %add3A_192 : vector<512x128xf32>
    %tanh3A_194 = math.tanh %add3A_193 : vector<512x128xf32>
    %convert_element_type3A_195 = arith.truncf %tanh3A_194 : vector<512x128xf32> to vector<512x128xbf16>
    %get3A_196 = arith.constant 0 : index
    %get3A_197 = arith.constant 0 : index
    %get3A_198 = vector.load %arg101[%get3A_196, %get3A_197] : memref<128x128xbf16, #tpu.memory_space<vmem>>, vector<128x128xbf16>
    %dot_general3A_199 = arith.constant dense<0.000000e+00> : vector<512x128xf32>
    %dot_general3A_200 = tpu.matmul %convert_element_type3A_195, %get3A_198, %dot_general3A_199 {dimension_numbers = #tpu.dot_dimension_numbers<[1], [0], [0], [1], [0, 0, 1, 1], [], []>, transpose_lhs_hint = false} : vector<512x128xbf16>, vector<128x128xbf16>, vector<512x128xf32> -> vector<512x128xf32>
    %get3A_201 = arith.constant 0 : index
    %get3A_202 = vector.load %arg102[%get3A_201] : memref<128xf32, #tpu.memory_space<vmem>>, vector<128xf32>
    %broadcast_in_dim3A_203 = vector.shape_cast %get3A_202 : vector<128xf32> to vector<1x128xf32>
    %add3A_204 = vector.broadcast %broadcast_in_dim3A_203 : vector<1x128xf32> to vector<512x128xf32>
    %add3A_205 = arith.addf %dot_general3A_200, %add3A_204 : vector<512x128xf32>
    %tanh3A_206 = math.tanh %add3A_205 : vector<512x128xf32>
    %convert_element_type3A_207 = arith.truncf %tanh3A_206 : vector<512x128xf32> to vector<512x128xbf16>
    %get3A_208 = arith.constant 0 : index
    %get3A_209 = arith.constant 0 : index
    %get3A_210 = vector.load %arg103[%get3A_208, %get3A_209] : memref<128x1xbf16, #tpu.memory_space<vmem>>, vector<128x1xbf16>
    %dot_general3A_211 = arith.constant dense<0.000000e+00> : vector<512x1xf32>
    %dot_general3A_212 = tpu.matmul %convert_element_type3A_207, %get3A_210, %dot_general3A_211 {dimension_numbers = #tpu.dot_dimension_numbers<[1], [0], [0], [1], [0, 0, 1, 1], [], []>, transpose_lhs_hint = false} : vector<512x128xbf16>, vector<128x1xbf16>, vector<512x1xf32> -> vector<512x1xf32>
    %get3A_213 = arith.constant 0 : index
    %get3A_214 = vector.load %arg104[%get3A_213] : memref<1xf32, #tpu.memory_space<vmem>>, vector<1xf32>
    %broadcast_in_dim3A_215 = vector.shape_cast %get3A_214 : vector<1xf32> to vector<1x1xf32>
    %add3A_216 = vector.broadcast %broadcast_in_dim3A_215 : vector<1x1xf32> to vector<512x1xf32>
    %add3A_217 = arith.addf %dot_general3A_212, %add3A_216 : vector<512x1xf32>
    %broadcast_in_dim3A_218 = arith.constant 0.000000e+00 : f32
    %broadcast_in_dim3A_219 = vector.broadcast %broadcast_in_dim3A_218 : f32 to vector<512x95xf32>
    %concatenate3A_220 = tpu.concatenate %add3A_173, %add3A_217, %broadcast_in_dim3A_219 in 1 : vector<512x32xf32>, vector<512x1xf32>, vector<512x95xf32> -> vector<512x128xf32>
    %swap3A_221 = arith.constant 512 : index
    %swap3A_222 = arith.constant 0 : index
    %swap3A_223 = vector.load %arg105[%swap3A_221, %swap3A_222] : memref<8192x128xf32, #tpu.memory_space<vmem>>, vector<512x128xf32>
    tpu.vector_store %arg105[%swap3A_221, %swap3A_222], %concatenate3A_220 {strides = array<i32>} : memref<8192x128xf32, #tpu.memory_space<vmem>>, vector<512x128xf32>,
    %get3A_224 = arith.constant 1024 : index
    %get3A_225 = arith.constant 0 : index
    %get3A_226 = vector.load %arg2[%get3A_224, %get3A_225] : memref<8192x128xi32, #tpu.memory_space<vmem>>, vector<512x128xi32>
    %shift_left3A_227 = arith.constant 16 : i32
    %shift_left3A_228 = vector.broadcast %shift_left3A_227 : i32 to vector<512x128xi32>
    %shift_left3A_229 = arith.shli %get3A_226, %shift_left3A_228 : vector<512x128xi32>
    %bitcast_convert_type3A_230 = tpu.bitcast %shift_left3A_229 : vector<512x128xi32> -> vector<512x128xf32>
    %slice3A_231 = vector.extract_strided_slice %get3A_226 {offsets = [0, 0], sizes = [512, 8], strides = [1, 1]} : vector<512x128xi32> to vector<512x8xi32>
    %and3A_232 = arith.constant -65536 : i32
    %and3A_233 = vector.broadcast %and3A_232 : i32 to vector<512x8xi32>
    %and3A_234 = arith.andi %slice3A_231, %and3A_233 : vector<512x8xi32>
    %bitcast_convert_type3A_235 = tpu.bitcast %and3A_234 : vector<512x8xi32> -> vector<512x8xf32>
    %get3A_236 = arith.constant 0 : index
    %get3A_237 = arith.constant 0 : index
    %get3A_238 = arith.constant 0 : index
    %get3A_239 = arith.constant 0 : index
    %get3A_240 = vector.load %arg15[%get3A_236, %get3A_237, %get3A_238, %get3A_239] : memref<1x2x128x128xbf16, #tpu.memory_space<vmem>>, vector<1x1x128x128xbf16>
    %get3A_241 = vector.shape_cast %get3A_240 : vector<1x1x128x128xbf16> to vector<128x128xbf16>
    %dot_general3A_242 = arith.constant dense<0.000000e+00> : vector<512x128xf32>
    %dot_general3A_243 = tpu.matmul %bitcast_convert_type3A_230, %get3A_241, %dot_general3A_242 {dimension_numbers = #tpu.dot_dimension_numbers<[1], [0], [0], [1], [0, 0, 1, 1], [], []>, transpose_lhs_hint = false} : vector<512x128xf32>, vector<128x128xbf16>, vector<512x128xf32> -> vector<512x128xf32>
    %get3A_244 = arith.constant 0 : index
    %get3A_245 = arith.constant 1 : index
    %get3A_246 = arith.constant 0 : index
    %get3A_247 = arith.constant 0 : index
    %get3A_248 = vector.load %arg15[%get3A_244, %get3A_245, %get3A_246, %get3A_247] : memref<1x2x128x128xbf16, #tpu.memory_space<vmem>>, vector<1x1x8x128xbf16>
    %get3A_249 = vector.shape_cast %get3A_248 : vector<1x1x8x128xbf16> to vector<8x128xbf16>
    %dot_general3A_250 = arith.constant dense<0.000000e+00> : vector<512x128xf32>
    %dot_general3A_251 = tpu.matmul %bitcast_convert_type3A_235, %get3A_249, %dot_general3A_250 {dimension_numbers = #tpu.dot_dimension_numbers<[1], [0], [0], [1], [0, 0, 1, 1], [], []>, transpose_lhs_hint = false} : vector<512x8xf32>, vector<8x128xbf16>, vector<512x128xf32> -> vector<512x128xf32>
    %add3A_252 = arith.addf %dot_general3A_243, %dot_general3A_251 : vector<512x128xf32>
    %get3A_253 = arith.constant 0 : index
    %get3A_254 = arith.constant 0 : index
    %get3A_255 = arith.constant 0 : index
    %get3A_256 = vector.load %arg16[%get3A_253, %get3A_254, %get3A_255] : memref<1x1x128xf32, #tpu.memory_space<vmem>>, vector<1x1x128xf32>
    %get3A_257 = vector.shape_cast %get3A_256 : vector<1x1x128xf32> to vector<1x128xf32>
    %add3A_258 = vector.broadcast %get3A_257 : vector<1x128xf32> to vector<512x128xf32>
    %add3A_259 = arith.addf %add3A_252, %add3A_258 : vector<512x128xf32>
    %tanh3A_260 = math.tanh %add3A_259 : vector<512x128xf32>
    %convert_element_type3A_261 = arith.truncf %tanh3A_260 : vector<512x128xf32> to vector<512x128xbf16>
    %get3A_262 = arith.constant 0 : index
    %get3A_263 = arith.constant 0 : index
    %get3A_264 = arith.constant 0 : index
    %get3A_265 = vector.load %arg17[%get3A_262, %get3A_263, %get3A_264] : memref<1x128x128xbf16, #tpu.memory_space<vmem>>, vector<1x128x128xbf16>
    %get3A_266 = vector.shape_cast %get3A_265 : vector<1x128x128xbf16> to vector<128x128xbf16>
    %dot_general3A_267 = arith.constant dense<0.000000e+00> : vector<512x128xf32>
    %dot_general3A_268 = tpu.matmul %convert_element_type3A_261, %get3A_266, %dot_general3A_267 {dimension_numbers = #tpu.dot_dimension_numbers<[1], [0], [0], [1], [0, 0, 1, 1], [], []>, transpose_lhs_hint = false} : vector<512x128xbf16>, vector<128x128xbf16>, vector<512x128xf32> -> vector<512x128xf32>
    %get3A_269 = arith.constant 0 : index
    %get3A_270 = arith.constant 0 : index
    %get3A_271 = arith.constant 0 : index
    %get3A_272 = vector.load %arg18[%get3A_269, %get3A_270, %get3A_271] : memref<1x1x128xf32, #tpu.memory_space<vmem>>, vector<1x1x128xf32>
    %get3A_273 = vector.shape_cast %get3A_272 : vector<1x1x128xf32> to vector<1x128xf32>
    %add3A_274 = vector.broadcast %get3A_273 : vector<1x128xf32> to vector<512x128xf32>
    %add3A_275 = arith.addf %dot_general3A_268, %add3A_274 : vector<512x128xf32>
    %tanh3A_276 = math.tanh %add3A_275 : vector<512x128xf32>
    %convert_element_type3A_277 = arith.truncf %tanh3A_276 : vector<512x128xf32> to vector<512x128xbf16>
    %get3A_278 = arith.constant 0 : index
    %get3A_279 = arith.constant 0 : index
    %get3A_280 = arith.constant 0 : index
    %get3A_281 = vector.load %arg19[%get3A_278, %get3A_279, %get3A_280] : memref<1x128x32xbf16, #tpu.memory_space<vmem>>, vector<1x128x32xbf16>
    %get3A_282 = vector.shape_cast %get3A_281 : vector<1x128x32xbf16> to vector<128x32xbf16>
    %dot_general3A_283 = arith.constant dense<0.000000e+00> : vector<512x32xf32>
    %dot_general3A_284 = tpu.matmul %convert_element_type3A_277, %get3A_282, %dot_general3A_283 {dimension_numbers = #tpu.dot_dimension_numbers<[1], [0], [0], [1], [0, 0, 1, 1], [], []>, transpose_lhs_hint = false} : vector<512x128xbf16>, vector<128x32xbf16>, vector<512x32xf32> -> vector<512x32xf32>
    %get3A_285 = arith.constant 0 : index
    %get3A_286 = arith.constant 0 : index
    %get3A_287 = arith.constant 0 : index
    %get3A_288 = vector.load %arg20[%get3A_285, %get3A_286, %get3A_287] : memref<1x1x32xf32, #tpu.memory_space<vmem>>, vector<1x1x32xf32>
    %get3A_289 = vector.shape_cast %get3A_288 : vector<1x1x32xf32> to vector<1x32xf32>
    %add3A_290 = vector.broadcast %get3A_289 : vector<1x32xf32> to vector<512x32xf32>
    %add3A_291 = arith.addf %dot_general3A_284, %add3A_290 : vector<512x32xf32>
    %get3A_292 = arith.constant 0 : index
    %get3A_293 = arith.constant 0 : index
    %get3A_294 = arith.constant 0 : index
    %get3A_295 = vector.load %arg99[%get3A_292, %get3A_293, %get3A_294] : memref<2x128x128xbf16, #tpu.memory_space<vmem>>, vector<1x128x128xbf16>
    %get3A_296 = vector.shape_cast %get3A_295 : vector<1x128x128xbf16> to vector<128x128xbf16>
    %dot_general3A_297 = arith.constant dense<0.000000e+00> : vector<512x128xf32>
    %dot_general3A_298 = tpu.matmul %bitcast_convert_type3A_230, %get3A_296, %dot_general3A_297 {dimension_numbers = #tpu.dot_dimension_numbers<[1], [0], [0], [1], [0, 0, 1, 1], [], []>, transpose_lhs_hint = false} : vector<512x128xf32>, vector<128x128xbf16>, vector<512x128xf32> -> vector<512x128xf32>
    %get3A_299 = arith.constant 1 : index
    %get3A_300 = arith.constant 0 : index
    %get3A_301 = arith.constant 0 : index
    %get3A_302 = vector.load %arg99[%get3A_299, %get3A_300, %get3A_301] : memref<2x128x128xbf16, #tpu.memory_space<vmem>>, vector<1x8x128xbf16>
    %get3A_303 = vector.shape_cast %get3A_302 : vector<1x8x128xbf16> to vector<8x128xbf16>
    %dot_general3A_304 = arith.constant dense<0.000000e+00> : vector<512x128xf32>
    %dot_general3A_305 = tpu.matmul %bitcast_convert_type3A_235, %get3A_303, %dot_general3A_304 {dimension_numbers = #tpu.dot_dimension_numbers<[1], [0], [0], [1], [0, 0, 1, 1], [], []>, transpose_lhs_hint = false} : vector<512x8xf32>, vector<8x128xbf16>, vector<512x128xf32> -> vector<512x128xf32>
    %add3A_306 = arith.addf %dot_general3A_298, %dot_general3A_305 : vector<512x128xf32>
    %get3A_307 = arith.constant 0 : index
    %get3A_308 = vector.load %arg100[%get3A_307] : memref<128xf32, #tpu.memory_space<vmem>>, vector<128xf32>
    %broadcast_in_dim3A_309 = vector.shape_cast %get3A_308 : vector<128xf32> to vector<1x128xf32>
    %add3A_310 = vector.broadcast %broadcast_in_dim3A_309 : vector<1x128xf32> to vector<512x128xf32>
    %add3A_311 = arith.addf %add3A_306, %add3A_310 : vector<512x128xf32>
    %tanh3A_312 = math.tanh %add3A_311 : vector<512x128xf32>
    %convert_element_type3A_313 = arith.truncf %tanh3A_312 : vector<512x128xf32> to vector<512x128xbf16>
    %get3A_314 = arith.constant 0 : index
    %get3A_315 = arith.constant 0 : index
    %get3A_316 = vector.load %arg101[%get3A_314, %get3A_315] : memref<128x128xbf16, #tpu.memory_space<vmem>>, vector<128x128xbf16>
    %dot_general3A_317 = arith.constant dense<0.000000e+00> : vector<512x128xf32>
    %dot_general3A_318 = tpu.matmul %convert_element_type3A_313, %get3A_316, %dot_general3A_317 {dimension_numbers = #tpu.dot_dimension_numbers<[1], [0], [0], [1], [0, 0, 1, 1], [], []>, transpose_lhs_hint = false} : vector<512x128xbf16>, vector<128x128xbf16>, vector<512x128xf32> -> vector<512x128xf32>
    %get3A_319 = arith.constant 0 : index
    %get3A_320 = vector.load %arg102[%get3A_319] : memref<128xf32, #tpu.memory_space<vmem>>, vector<128xf32>
    %broadcast_in_dim3A_321 = vector.shape_cast %get3A_320 : vector<128xf32> to vector<1x128xf32>
    %add3A_322 = vector.broadcast %broadcast_in_dim3A_321 : vector<1x128xf32> to vector<512x128xf32>
    %add3A_323 = arith.addf %dot_general3A_318, %add3A_322 : vector<512x128xf32>
    %tanh3A_324 = math.tanh %add3A_323 : vector<512x128xf32>
    %convert_element_type3A_325 = arith.truncf %tanh3A_324 : vector<512x128xf32> to vector<512x128xbf16>
    %get3A_326 = arith.constant 0 : index
    %get3A_327 = arith.constant 0 : index
    %get3A_328 = vector.load %arg103[%get3A_326, %get3A_327] : memref<128x1xbf16, #tpu.memory_space<vmem>>, vector<128x1xbf16>
    %dot_general3A_329 = arith.constant dense<0.000000e+00> : vector<512x1xf32>
    %dot_general3A_330 = tpu.matmul %convert_element_type3A_325, %get3A_328, %dot_general3A_329 {dimension_numbers = #tpu.dot_dimension_numbers<[1], [0], [0], [1], [0, 0, 1, 1], [], []>, transpose_lhs_hint = false} : vector<512x128xbf16>, vector<128x1xbf16>, vector<512x1xf32> -> vector<512x1xf32>
    %get3A_331 = arith.constant 0 : index
    %get3A_332 = vector.load %arg104[%get3A_331] : memref<1xf32, #tpu.memory_space<vmem>>, vector<1xf32>
    %broadcast_in_dim3A_333 = vector.shape_cast %get3A_332 : vector<1xf32> to vector<1x1xf32>
    %add3A_334 = vector.broadcast %broadcast_in_dim3A_333 : vector<1x1xf32> to vector<512x1xf32>
    %add3A_335 = arith.addf %dot_general3A_330, %add3A_334 : vector<512x1xf32>
    %broadcast_in_dim3A_336 = arith.constant 0.000000e+00 : f32
    %broadcast_in_dim3A_337 = vector.broadcast %broadcast_in_dim3A_336 : f32 to vector<512x95xf32>
    %concatenate3A_338 = tpu.concatenate %add3A_291, %add3A_335, %broadcast_in_dim3A_337 in 1 : vector<512x32xf32>, vector<512x1xf32>, vector<512x95xf32> -> vector<512x128xf32>
    %swap3A_339 = arith.constant 1024 : index
    %swap3A_340 = arith.constant 0 : index
    %swap3A_341 = vector.load %arg105[%swap3A_339, %swap3A_340] : memref<8192x128xf32, #tpu.memory_space<vmem>>, vector<512x128xf32>
    tpu.vector_store %arg105[%swap3A_339, %swap3A_340], %concatenate3A_338 {strides = array<i32>} : memref<8192x128xf32, #tpu.memory_space<vmem>>, vector<512x128xf32>,
    %get3A_342 = arith.constant 1536 : index
    %get3A_343 = arith.constant 0 : index
    %get3A_344 = vector.load %arg2[%get3A_342, %get3A_343] : memref<8192x128xi32, #tpu.memory_space<vmem>>, vector<512x128xi32>
    %shift_left3A_345 = arith.constant 16 : i32
    %shift_left3A_346 = vector.broadcast %shift_left3A_345 : i32 to vector<512x128xi32>
    %shift_left3A_347 = arith.shli %get3A_344, %shift_left3A_346 : vector<512x128xi32>
    %bitcast_convert_type3A_348 = tpu.bitcast %shift_left3A_347 : vector<512x128xi32> -> vector<512x128xf32>
    %slice3A_349 = vector.extract_strided_slice %get3A_344 {offsets = [0, 0], sizes = [512, 8], strides = [1, 1]} : vector<512x128xi32> to vector<512x8xi32>
    %and3A_350 = arith.constant -65536 : i32
    %and3A_351 = vector.broadcast %and3A_350 : i32 to vector<512x8xi32>
    %and3A_352 = arith.andi %slice3A_349, %and3A_351 : vector<512x8xi32>
    %bitcast_convert_type3A_353 = tpu.bitcast %and3A_352 : vector<512x8xi32> -> vector<512x8xf32>
    %get3A_354 = arith.constant 0 : index
    %get3A_355 = arith.constant 0 : index
    %get3A_356 = arith.constant 0 : index
    %get3A_357 = arith.constant 0 : index
    %get3A_358 = vector.load %arg21[%get3A_354, %get3A_355, %get3A_356, %get3A_357] : memref<1x2x128x128xbf16, #tpu.memory_space<vmem>>, vector<1x1x128x128xbf16>
    %get3A_359 = vector.shape_cast %get3A_358 : vector<1x1x128x128xbf16> to vector<128x128xbf16>
    %dot_general3A_360 = arith.constant dense<0.000000e+00> : vector<512x128xf32>
    %dot_general3A_361 = tpu.matmul %bitcast_convert_type3A_348, %get3A_359, %dot_general3A_360 {dimension_numbers = #tpu.dot_dimension_numbers<[1], [0], [0], [1], [0, 0, 1, 1], [], []>, transpose_lhs_hint = false} : vector<512x128xf32>, vector<128x128xbf16>, vector<512x128xf32> -> vector<512x128xf32>
    %get3A_362 = arith.constant 0 : index
    %get3A_363 = arith.constant 1 : index
    %get3A_364 = arith.constant 0 : index
    %get3A_365 = arith.constant 0 : index
    %get3A_366 = vector.load %arg21[%get3A_362, %get3A_363, %get3A_364, %get3A_365] : memref<1x2x128x128xbf16, #tpu.memory_space<vmem>>, vector<1x1x8x128xbf16>
    %get3A_367 = vector.shape_cast %get3A_366 : vector<1x1x8x128xbf16> to vector<8x128xbf16>
    %dot_general3A_368 = arith.constant dense<0.000000e+00> : vector<512x128xf32>
    %dot_general3A_369 = tpu.matmul %bitcast_convert_type3A_353, %get3A_367, %dot_general3A_368 {dimension_numbers = #tpu.dot_dimension_numbers<[1], [0], [0], [1], [0, 0, 1, 1], [], []>, transpose_lhs_hint = false} : vector<512x8xf32>, vector<8x128xbf16>, vector<512x128xf32> -> vector<512x128xf32>
    %add3A_370 = arith.addf %dot_general3A_361, %dot_general3A_369 : vector<512x128xf32>
    %get3A_371 = arith.constant 0 : index
    %get3A_372 = arith.constant 0 : index
    %get3A_373 = arith.constant 0 : index
    %get3A_374 = vector.load %arg22[%get3A_371, %get3A_372, %get3A_373] : memref<1x1x128xf32, #tpu.memory_space<vmem>>, vector<1x1x128xf32>
    %get3A_375 = vector.shape_cast %get3A_374 : vector<1x1x128xf32> to vector<1x128xf32>
    %add3A_376 = vector.broadcast %get3A_375 : vector<1x128xf32> to vector<512x128xf32>
    %add3A_377 = arith.addf %add3A_370, %add3A_376 : vector<512x128xf32>
    %tanh3A_378 = math.tanh %add3A_377 : vector<512x128xf32>
    %convert_element_type3A_379 = arith.truncf %tanh3A_378 : vector<512x128xf32> to vector<512x128xbf16>
    %get3A_380 = arith.constant 0 : index
    %get3A_381 = arith.constant 0 : index
    %get3A_382 = arith.constant 0 : index
    %get3A_383 = vector.load %arg23[%get3A_380, %get3A_381, %get3A_382] : memref<1x128x128xbf16, #tpu.memory_space<vmem>>, vector<1x128x128xbf16>
    %get3A_384 = vector.shape_cast %get3A_383 : vector<1x128x128xbf16> to vector<128x128xbf16>
    %dot_general3A_385 = arith.constant dense<0.000000e+00> : vector<512x128xf32>
    %dot_general3A_386 = tpu.matmul %convert_element_type3A_379, %get3A_384, %dot_general3A_385 {dimension_numbers = #tpu.dot_dimension_numbers<[1], [0], [0], [1], [0, 0, 1, 1], [], []>, transpose_lhs_hint = false} : vector<512x128xbf16>, vector<128x128xbf16>, vector<512x128xf32> -> vector<512x128xf32>
    %get3A_387 = arith.constant 0 : index
    %get3A_388 = arith.constant 0 : index
    %get3A_389 = arith.constant 0 : index
    %get3A_390 = vector.load %arg24[%get3A_387, %get3A_388, %get3A_389] : memref<1x1x128xf32, #tpu.memory_space<vmem>>, vector<1x1x128xf32>
    %get3A_391 = vector.shape_cast %get3A_390 : vector<1x1x128xf32> to vector<1x128xf32>
    %add3A_392 = vector.broadcast %get3A_391 : vector<1x128xf32> to vector<512x128xf32>
    %add3A_393 = arith.addf %dot_general3A_386, %add3A_392 : vector<512x128xf32>
    %tanh3A_394 = math.tanh %add3A_393 : vector<512x128xf32>
    %convert_element_type3A_395 = arith.truncf %tanh3A_394 : vector<512x128xf32> to vector<512x128xbf16>
    %get3A_396 = arith.constant 0 : index
    %get3A_397 = arith.constant 0 : index
    %get3A_398 = arith.constant 0 : index
    %get3A_399 = vector.load %arg25[%get3A_396, %get3A_397, %get3A_398] : memref<1x128x32xbf16, #tpu.memory_space<vmem>>, vector<1x128x32xbf16>
    %get3A_400 = vector.shape_cast %get3A_399 : vector<1x128x32xbf16> to vector<128x32xbf16>
    %dot_general3A_401 = arith.constant dense<0.000000e+00> : vector<512x32xf32>
    %dot_general3A_402 = tpu.matmul %convert_element_type3A_395, %get3A_400, %dot_general3A_401 {dimension_numbers = #tpu.dot_dimension_numbers<[1], [0], [0], [1], [0, 0, 1, 1], [], []>, transpose_lhs_hint = false} : vector<512x128xbf16>, vector<128x32xbf16>, vector<512x32xf32> -> vector<512x32xf32>
    %get3A_403 = arith.constant 0 : index
    %get3A_404 = arith.constant 0 : index
    %get3A_405 = arith.constant 0 : index
    %get3A_406 = vector.load %arg26[%get3A_403, %get3A_404, %get3A_405] : memref<1x1x32xf32, #tpu.memory_space<vmem>>, vector<1x1x32xf32>
    %get3A_407 = vector.shape_cast %get3A_406 : vector<1x1x32xf32> to vector<1x32xf32>
    %add3A_408 = vector.broadcast %get3A_407 : vector<1x32xf32> to vector<512x32xf32>
    %add3A_409 = arith.addf %dot_general3A_402, %add3A_408 : vector<512x32xf32>
    %get3A_410 = arith.constant 0 : index
    %get3A_411 = arith.constant 0 : index
    %get3A_412 = arith.constant 0 : index
    %get3A_413 = vector.load %arg99[%get3A_410, %get3A_411, %get3A_412] : memref<2x128x128xbf16, #tpu.memory_space<vmem>>, vector<1x128x128xbf16>
    %get3A_414 = vector.shape_cast %get3A_413 : vector<1x128x128xbf16> to vector<128x128xbf16>
    %dot_general3A_415 = arith.constant dense<0.000000e+00> : vector<512x128xf32>
    %dot_general3A_416 = tpu.matmul %bitcast_convert_type3A_348, %get3A_414, %dot_general3A_415 {dimension_numbers = #tpu.dot_dimension_numbers<[1], [0], [0], [1], [0, 0, 1, 1], [], []>, transpose_lhs_hint = false} : vector<512x128xf32>, vector<128x128xbf16>, vector<512x128xf32> -> vector<512x128xf32>
    %get3A_417 = arith.constant 1 : index
    %get3A_418 = arith.constant 0 : index
    %get3A_419 = arith.constant 0 : index
    %get3A_420 = vector.load %arg99[%get3A_417, %get3A_418, %get3A_419] : memref<2x128x128xbf16, #tpu.memory_space<vmem>>, vector<1x8x128xbf16>
    %get3A_421 = vector.shape_cast %get3A_420 : vector<1x8x128xbf16> to vector<8x128xbf16>
    %dot_general3A_422 = arith.constant dense<0.000000e+00> : vector<512x128xf32>
    %dot_general3A_423 = tpu.matmul %bitcast_convert_type3A_353, %get3A_421, %dot_general3A_422 {dimension_numbers = #tpu.dot_dimension_numbers<[1], [0], [0], [1], [0, 0, 1, 1], [], []>, transpose_lhs_hint = false} : vector<512x8xf32>, vector<8x128xbf16>, vector<512x128xf32> -> vector<512x128xf32>
    %add3A_424 = arith.addf %dot_general3A_416, %dot_general3A_423 : vector<512x128xf32>
    %get3A_425 = arith.constant 0 : index
    %get3A_426 = vector.load %arg100[%get3A_425] : memref<128xf32, #tpu.memory_space<vmem>>, vector<128xf32>
    %broadcast_in_dim3A_427 = vector.shape_cast %get3A_426 : vector<128xf32> to vector<1x128xf32>
    %add3A_428 = vector.broadcast %broadcast_in_dim3A_427 : vector<1x128xf32> to vector<512x128xf32>
    %add3A_429 = arith.addf %add3A_424, %add3A_428 : vector<512x128xf32>
    %tanh3A_430 = math.tanh %add3A_429 : vector<512x128xf32>
    %convert_element_type3A_431 = arith.truncf %tanh3A_430 : vector<512x128xf32> to vector<512x128xbf16>
    %get3A_432 = arith.constant 0 : index
    %get3A_433 = arith.constant 0 : index
    %get3A_434 = vector.load %arg101[%get3A_432, %get3A_433] : memref<128x128xbf16, #tpu.memory_space<vmem>>, vector<128x128xbf16>
    %dot_general3A_435 = arith.constant dense<0.000000e+00> : vector<512x128xf32>
    %dot_general3A_436 = tpu.matmul %convert_element_type3A_431, %get3A_434, %dot_general3A_435 {dimension_numbers = #tpu.dot_dimension_numbers<[1], [0], [0], [1], [0, 0, 1, 1], [], []>, transpose_lhs_hint = false} : vector<512x128xbf16>, vector<128x128xbf16>, vector<512x128xf32> -> vector<512x128xf32>
    %get3A_437 = arith.constant 0 : index
    %get3A_438 = vector.load %arg102[%get3A_437] : memref<128xf32, #tpu.memory_space<vmem>>, vector<128xf32>
    %broadcast_in_dim3A_439 = vector.shape_cast %get3A_438 : vector<128xf32> to vector<1x128xf32>
    %add3A_440 = vector.broadcast %broadcast_in_dim3A_439 : vector<1x128xf32> to vector<512x128xf32>
    %add3A_441 = arith.addf %dot_general3A_436, %add3A_440 : vector<512x128xf32>
    %tanh3A_442 = math.tanh %add3A_441 : vector<512x128xf32>
    %convert_element_type3A_443 = arith.truncf %tanh3A_442 : vector<512x128xf32> to vector<512x128xbf16>
    %get3A_444 = arith.constant 0 : index
    %get3A_445 = arith.constant 0 : index
    %get3A_446 = vector.load %arg103[%get3A_444, %get3A_445] : memref<128x1xbf16, #tpu.memory_space<vmem>>, vector<128x1xbf16>
    %dot_general3A_447 = arith.constant dense<0.000000e+00> : vector<512x1xf32>
    %dot_general3A_448 = tpu.matmul %convert_element_type3A_443, %get3A_446, %dot_general3A_447 {dimension_numbers = #tpu.dot_dimension_numbers<[1], [0], [0], [1], [0, 0, 1, 1], [], []>, transpose_lhs_hint = false} : vector<512x128xbf16>, vector<128x1xbf16>, vector<512x1xf32> -> vector<512x1xf32>
    %get3A_449 = arith.constant 0 : index
    %get3A_450 = vector.load %arg104[%get3A_449] : memref<1xf32, #tpu.memory_space<vmem>>, vector<1xf32>
    %broadcast_in_dim3A_451 = vector.shape_cast %get3A_450 : vector<1xf32> to vector<1x1xf32>
    %add3A_452 = vector.broadcast %broadcast_in_dim3A_451 : vector<1x1xf32> to vector<512x1xf32>
    %add3A_453 = arith.addf %dot_general3A_448, %add3A_452 : vector<512x1xf32>
    %broadcast_in_dim3A_454 = arith.constant 0.000000e+00 : f32
    %broadcast_in_dim3A_455 = vector.broadcast %broadcast_in_dim3A_454 : f32 to vector<512x95xf32>
    %concatenate3A_456 = tpu.concatenate %add3A_409, %add3A_453, %broadcast_in_dim3A_455 in 1 : vector<512x32xf32>, vector<512x1xf32>, vector<512x95xf32> -> vector<512x128xf32>
    %swap3A_457 = arith.constant 1536 : index
    %swap3A_458 = arith.constant 0 : index
    %swap3A_459 = vector.load %arg105[%swap3A_457, %swap3A_458] : memref<8192x128xf32, #tpu.memory_space<vmem>>, vector<512x128xf32>
    tpu.vector_store %arg105[%swap3A_457, %swap3A_458], %concatenate3A_456 {strides = array<i32>} : memref<8192x128xf32, #tpu.memory_space<vmem>>, vector<512x128xf32>,
    %get3A_460 = arith.constant 2048 : index
    %get3A_461 = arith.constant 0 : index
    %get3A_462 = vector.load %arg2[%get3A_460, %get3A_461] : memref<8192x128xi32, #tpu.memory_space<vmem>>, vector<512x128xi32>
    %shift_left3A_463 = arith.constant 16 : i32
    %shift_left3A_464 = vector.broadcast %shift_left3A_463 : i32 to vector<512x128xi32>
    %shift_left3A_465 = arith.shli %get3A_462, %shift_left3A_464 : vector<512x128xi32>
    %bitcast_convert_type3A_466 = tpu.bitcast %shift_left3A_465 : vector<512x128xi32> -> vector<512x128xf32>
    %slice3A_467 = vector.extract_strided_slice %get3A_462 {offsets = [0, 0], sizes = [512, 8], strides = [1, 1]} : vector<512x128xi32> to vector<512x8xi32>
    %and3A_468 = arith.constant -65536 : i32
    %and3A_469 = vector.broadcast %and3A_468 : i32 to vector<512x8xi32>
    %and3A_470 = arith.andi %slice3A_467, %and3A_469 : vector<512x8xi32>
    %bitcast_convert_type3A_471 = tpu.bitcast %and3A_470 : vector<512x8xi32> -> vector<512x8xf32>
    %get3A_472 = arith.constant 0 : index
    %get3A_473 = arith.constant 0 : index
    %get3A_474 = arith.constant 0 : index
    %get3A_475 = arith.constant 0 : index
    %get3A_476 = vector.load %arg27[%get3A_472, %get3A_473, %get3A_474, %get3A_475] : memref<1x2x128x128xbf16, #tpu.memory_space<vmem>>, vector<1x1x128x128xbf16>
    %get3A_477 = vector.shape_cast %get3A_476 : vector<1x1x128x128xbf16> to vector<128x128xbf16>
    %dot_general3A_478 = arith.constant dense<0.000000e+00> : vector<512x128xf32>
    %dot_general3A_479 = tpu.matmul %bitcast_convert_type3A_466, %get3A_477, %dot_general3A_478 {dimension_numbers = #tpu.dot_dimension_numbers<[1], [0], [0], [1], [0, 0, 1, 1], [], []>, transpose_lhs_hint = false} : vector<512x128xf32>, vector<128x128xbf16>, vector<512x128xf32> -> vector<512x128xf32>
    %get3A_480 = arith.constant 0 : index
    %get3A_481 = arith.constant 1 : index
    %get3A_482 = arith.constant 0 : index
    %get3A_483 = arith.constant 0 : index
    %get3A_484 = vector.load %arg27[%get3A_480, %get3A_481, %get3A_482, %get3A_483] : memref<1x2x128x128xbf16, #tpu.memory_space<vmem>>, vector<1x1x8x128xbf16>
    %get3A_485 = vector.shape_cast %get3A_484 : vector<1x1x8x128xbf16> to vector<8x128xbf16>
    %dot_general3A_486 = arith.constant dense<0.000000e+00> : vector<512x128xf32>
    %dot_general3A_487 = tpu.matmul %bitcast_convert_type3A_471, %get3A_485, %dot_general3A_486 {dimension_numbers = #tpu.dot_dimension_numbers<[1], [0], [0], [1], [0, 0, 1, 1], [], []>, transpose_lhs_hint = false} : vector<512x8xf32>, vector<8x128xbf16>, vector<512x128xf32> -> vector<512x128xf32>
    %add3A_488 = arith.addf %dot_general3A_479, %dot_general3A_487 : vector<512x128xf32>
    %get3A_489 = arith.constant 0 : index
    %get3A_490 = arith.constant 0 : index
    %get3A_491 = arith.constant 0 : index
    %get3A_492 = vector.load %arg28[%get3A_489, %get3A_490, %get3A_491] : memref<1x1x128xf32, #tpu.memory_space<vmem>>, vector<1x1x128xf32>
    %get3A_493 = vector.shape_cast %get3A_492 : vector<1x1x128xf32> to vector<1x128xf32>
    %add3A_494 = vector.broadcast %get3A_493 : vector<1x128xf32> to vector<512x128xf32>
    %add3A_495 = arith.addf %add3A_488, %add3A_494 : vector<512x128xf32>
    %tanh3A_496 = math.tanh %add3A_495 : vector<512x128xf32>
    %convert_element_type3A_497 = arith.truncf %tanh3A_496 : vector<512x128xf32> to vector<512x128xbf16>
    %get3A_498 = arith.constant 0 : index
    %get3A_499 = arith.constant 0 : index
    %get3A_500 = arith.constant 0 : index
    %get3A_501 = vector.load %arg29[%get3A_498, %get3A_499, %get3A_500] : memref<1x128x128xbf16, #tpu.memory_space<vmem>>, vector<1x128x128xbf16>
    %get3A_502 = vector.shape_cast %get3A_501 : vector<1x128x128xbf16> to vector<128x128xbf16>
    %dot_general3A_503 = arith.constant dense<0.000000e+00> : vector<512x128xf32>
    %dot_general3A_504 = tpu.matmul %convert_element_type3A_497, %get3A_502, %dot_general3A_503 {dimension_numbers = #tpu.dot_dimension_numbers<[1], [0], [0], [1], [0, 0, 1, 1], [], []>, transpose_lhs_hint = false} : vector<512x128xbf16>, vector<128x128xbf16>, vector<512x128xf32> -> vector<512x128xf32>
    %get3A_505 = arith.constant 0 : index
    %get3A_506 = arith.constant 0 : index
    %get3A_507 = arith.constant 0 : index
    %get3A_508 = vector.load %arg30[%get3A_505, %get3A_506, %get3A_507] : memref<1x1x128xf32, #tpu.memory_space<vmem>>, vector<1x1x128xf32>
    %get3A_509 = vector.shape_cast %get3A_508 : vector<1x1x128xf32> to vector<1x128xf32>
    %add3A_510 = vector.broadcast %get3A_509 : vector<1x128xf32> to vector<512x128xf32>
    %add3A_511 = arith.addf %dot_general3A_504, %add3A_510 : vector<512x128xf32>
    %tanh3A_512 = math.tanh %add3A_511 : vector<512x128xf32>
    %convert_element_type3A_513 = arith.truncf %tanh3A_512 : vector<512x128xf32> to vector<512x128xbf16>
    %get3A_514 = arith.constant 0 : index
    %get3A_515 = arith.constant 0 : index
    %get3A_516 = arith.constant 0 : index
    %get3A_517 = vector.load %arg31[%get3A_514, %get3A_515, %get3A_516] : memref<1x128x32xbf16, #tpu.memory_space<vmem>>, vector<1x128x32xbf16>
    %get3A_518 = vector.shape_cast %get3A_517 : vector<1x128x32xbf16> to vector<128x32xbf16>
    %dot_general3A_519 = arith.constant dense<0.000000e+00> : vector<512x32xf32>
    %dot_general3A_520 = tpu.matmul %convert_element_type3A_513, %get3A_518, %dot_general3A_519 {dimension_numbers = #tpu.dot_dimension_numbers<[1], [0], [0], [1], [0, 0, 1, 1], [], []>, transpose_lhs_hint = false} : vector<512x128xbf16>, vector<128x32xbf16>, vector<512x32xf32> -> vector<512x32xf32>
    %get3A_521 = arith.constant 0 : index
    %get3A_522 = arith.constant 0 : index
    %get3A_523 = arith.constant 0 : index
    %get3A_524 = vector.load %arg32[%get3A_521, %get3A_522, %get3A_523] : memref<1x1x32xf32, #tpu.memory_space<vmem>>, vector<1x1x32xf32>
    %get3A_525 = vector.shape_cast %get3A_524 : vector<1x1x32xf32> to vector<1x32xf32>
    %add3A_526 = vector.broadcast %get3A_525 : vector<1x32xf32> to vector<512x32xf32>
    %add3A_527 = arith.addf %dot_general3A_520, %add3A_526 : vector<512x32xf32>
    %get3A_528 = arith.constant 0 : index
    %get3A_529 = arith.constant 0 : index
    %get3A_530 = arith.constant 0 : index
    %get3A_531 = vector.load %arg99[%get3A_528, %get3A_529, %get3A_530] : memref<2x128x128xbf16, #tpu.memory_space<vmem>>, vector<1x128x128xbf16>
    %get3A_532 = vector.shape_cast %get3A_531 : vector<1x128x128xbf16> to vector<128x128xbf16>
    %dot_general3A_533 = arith.constant dense<0.000000e+00> : vector<512x128xf32>
    %dot_general3A_534 = tpu.matmul %bitcast_convert_type3A_466, %get3A_532, %dot_general3A_533 {dimension_numbers = #tpu.dot_dimension_numbers<[1], [0], [0], [1], [0, 0, 1, 1], [], []>, transpose_lhs_hint = false} : vector<512x128xf32>, vector<128x128xbf16>, vector<512x128xf32> -> vector<512x128xf32>
    %get3A_535 = arith.constant 1 : index
    %get3A_536 = arith.constant 0 : index
    %get3A_537 = arith.constant 0 : index
    %get3A_538 = vector.load %arg99[%get3A_535, %get3A_536, %get3A_537] : memref<2x128x128xbf16, #tpu.memory_space<vmem>>, vector<1x8x128xbf16>
    %get3A_539 = vector.shape_cast %get3A_538 : vector<1x8x128xbf16> to vector<8x128xbf16>
    %dot_general3A_540 = arith.constant dense<0.000000e+00> : vector<512x128xf32>
    %dot_general3A_541 = tpu.matmul %bitcast_convert_type3A_471, %get3A_539, %dot_general3A_540 {dimension_numbers = #tpu.dot_dimension_numbers<[1], [0], [0], [1], [0, 0, 1, 1], [], []>, transpose_lhs_hint = false} : vector<512x8xf32>, vector<8x128xbf16>, vector<512x128xf32> -> vector<512x128xf32>
    %add3A_542 = arith.addf %dot_general3A_534, %dot_general3A_541 : vector<512x128xf32>
    %get3A_543 = arith.constant 0 : index
    %get3A_544 = vector.load %arg100[%get3A_543] : memref<128xf32, #tpu.memory_space<vmem>>, vector<128xf32>
    %broadcast_in_dim3A_545 = vector.shape_cast %get3A_544 : vector<128xf32> to vector<1x128xf32>
    %add3A_546 = vector.broadcast %broadcast_in_dim3A_545 : vector<1x128xf32> to vector<512x128xf32>
    %add3A_547 = arith.addf %add3A_542, %add3A_546 : vector<512x128xf32>
    %tanh3A_548 = math.tanh %add3A_547 : vector<512x128xf32>
    %convert_element_type3A_549 = arith.truncf %tanh3A_548 : vector<512x128xf32> to vector<512x128xbf16>
    %get3A_550 = arith.constant 0 : index
    %get3A_551 = arith.constant 0 : index
    %get3A_552 = vector.load %arg101[%get3A_550, %get3A_551] : memref<128x128xbf16, #tpu.memory_space<vmem>>, vector<128x128xbf16>
    %dot_general3A_553 = arith.constant dense<0.000000e+00> : vector<512x128xf32>
    %dot_general3A_554 = tpu.matmul %convert_element_type3A_549, %get3A_552, %dot_general3A_553 {dimension_numbers = #tpu.dot_dimension_numbers<[1], [0], [0], [1], [0, 0, 1, 1], [], []>, transpose_lhs_hint = false} : vector<512x128xbf16>, vector<128x128xbf16>, vector<512x128xf32> -> vector<512x128xf32>
    %get3A_555 = arith.constant 0 : index
    %get3A_556 = vector.load %arg102[%get3A_555] : memref<128xf32, #tpu.memory_space<vmem>>, vector<128xf32>
    %broadcast_in_dim3A_557 = vector.shape_cast %get3A_556 : vector<128xf32> to vector<1x128xf32>
    %add3A_558 = vector.broadcast %broadcast_in_dim3A_557 : vector<1x128xf32> to vector<512x128xf32>
    %add3A_559 = arith.addf %dot_general3A_554, %add3A_558 : vector<512x128xf32>
    %tanh3A_560 = math.tanh %add3A_559 : vector<512x128xf32>
    %convert_element_type3A_561 = arith.truncf %tanh3A_560 : vector<512x128xf32> to vector<512x128xbf16>
    %get3A_562 = arith.constant 0 : index
    %get3A_563 = arith.constant 0 : index
    %get3A_564 = vector.load %arg103[%get3A_562, %get3A_563] : memref<128x1xbf16, #tpu.memory_space<vmem>>, vector<128x1xbf16>
    %dot_general3A_565 = arith.constant dense<0.000000e+00> : vector<512x1xf32>
    %dot_general3A_566 = tpu.matmul %convert_element_type3A_561, %get3A_564, %dot_general3A_565 {dimension_numbers = #tpu.dot_dimension_numbers<[1], [0], [0], [1], [0, 0, 1, 1], [], []>, transpose_lhs_hint = false} : vector<512x128xbf16>, vector<128x1xbf16>, vector<512x1xf32> -> vector<512x1xf32>
    %get3A_567 = arith.constant 0 : index
    %get3A_568 = vector.load %arg104[%get3A_567] : memref<1xf32, #tpu.memory_space<vmem>>, vector<1xf32>
    %broadcast_in_dim3A_569 = vector.shape_cast %get3A_568 : vector<1xf32> to vector<1x1xf32>
    %add3A_570 = vector.broadcast %broadcast_in_dim3A_569 : vector<1x1xf32> to vector<512x1xf32>
    %add3A_571 = arith.addf %dot_general3A_566, %add3A_570 : vector<512x1xf32>
    %broadcast_in_dim3A_572 = arith.constant 0.000000e+00 : f32
    %broadcast_in_dim3A_573 = vector.broadcast %broadcast_in_dim3A_572 : f32 to vector<512x95xf32>
    %concatenate3A_574 = tpu.concatenate %add3A_527, %add3A_571, %broadcast_in_dim3A_573 in 1 : vector<512x32xf32>, vector<512x1xf32>, vector<512x95xf32> -> vector<512x128xf32>
    %swap3A_575 = arith.constant 2048 : index
    %swap3A_576 = arith.constant 0 : index
    %swap3A_577 = vector.load %arg105[%swap3A_575, %swap3A_576] : memref<8192x128xf32, #tpu.memory_space<vmem>>, vector<512x128xf32>
    tpu.vector_store %arg105[%swap3A_575, %swap3A_576], %concatenate3A_574 {strides = array<i32>} : memref<8192x128xf32, #tpu.memory_space<vmem>>, vector<512x128xf32>,
    %get3A_578 = arith.constant 2560 : index
    %get3A_579 = arith.constant 0 : index
    %get3A_580 = vector.load %arg2[%get3A_578, %get3A_579] : memref<8192x128xi32, #tpu.memory_space<vmem>>, vector<512x128xi32>
    %shift_left3A_581 = arith.constant 16 : i32
    %shift_left3A_582 = vector.broadcast %shift_left3A_581 : i32 to vector<512x128xi32>
    %shift_left3A_583 = arith.shli %get3A_580, %shift_left3A_582 : vector<512x128xi32>
    %bitcast_convert_type3A_584 = tpu.bitcast %shift_left3A_583 : vector<512x128xi32> -> vector<512x128xf32>
    %slice3A_585 = vector.extract_strided_slice %get3A_580 {offsets = [0, 0], sizes = [512, 8], strides = [1, 1]} : vector<512x128xi32> to vector<512x8xi32>
    %and3A_586 = arith.constant -65536 : i32
    %and3A_587 = vector.broadcast %and3A_586 : i32 to vector<512x8xi32>
    %and3A_588 = arith.andi %slice3A_585, %and3A_587 : vector<512x8xi32>
    %bitcast_convert_type3A_589 = tpu.bitcast %and3A_588 : vector<512x8xi32> -> vector<512x8xf32>
    %get3A_590 = arith.constant 0 : index
    %get3A_591 = arith.constant 0 : index
    %get3A_592 = arith.constant 0 : index
    %get3A_593 = arith.constant 0 : index
    %get3A_594 = vector.load %arg33[%get3A_590, %get3A_591, %get3A_592, %get3A_593] : memref<1x2x128x128xbf16, #tpu.memory_space<vmem>>, vector<1x1x128x128xbf16>
    %get3A_595 = vector.shape_cast %get3A_594 : vector<1x1x128x128xbf16> to vector<128x128xbf16>
    %dot_general3A_596 = arith.constant dense<0.000000e+00> : vector<512x128xf32>
    %dot_general3A_597 = tpu.matmul %bitcast_convert_type3A_584, %get3A_595, %dot_general3A_596 {dimension_numbers = #tpu.dot_dimension_numbers<[1], [0], [0], [1], [0, 0, 1, 1], [], []>, transpose_lhs_hint = false} : vector<512x128xf32>, vector<128x128xbf16>, vector<512x128xf32> -> vector<512x128xf32>
    %get3A_598 = arith.constant 0 : index
    %get3A_599 = arith.constant 1 : index
    %get3A_600 = arith.constant 0 : index
    %get3A_601 = arith.constant 0 : index
    %get3A_602 = vector.load %arg33[%get3A_598, %get3A_599, %get3A_600, %get3A_601] : memref<1x2x128x128xbf16, #tpu.memory_space<vmem>>, vector<1x1x8x128xbf16>
    %get3A_603 = vector.shape_cast %get3A_602 : vector<1x1x8x128xbf16> to vector<8x128xbf16>
    %dot_general3A_604 = arith.constant dense<0.000000e+00> : vector<512x128xf32>
    %dot_general3A_605 = tpu.matmul %bitcast_convert_type3A_589, %get3A_603, %dot_general3A_604 {dimension_numbers = #tpu.dot_dimension_numbers<[1], [0], [0], [1], [0, 0, 1, 1], [], []>, transpose_lhs_hint = false} : vector<512x8xf32>, vector<8x128xbf16>, vector<512x128xf32> -> vector<512x128xf32>
    %add3A_606 = arith.addf %dot_general3A_597, %dot_general3A_605 : vector<512x128xf32>
    %get3A_607 = arith.constant 0 : index
    %get3A_608 = arith.constant 0 : index
    %get3A_609 = arith.constant 0 : index
    %get3A_610 = vector.load %arg34[%get3A_607, %get3A_608, %get3A_609] : memref<1x1x128xf32, #tpu.memory_space<vmem>>, vector<1x1x128xf32>
    %get3A_611 = vector.shape_cast %get3A_610 : vector<1x1x128xf32> to vector<1x128xf32>
    %add3A_612 = vector.broadcast %get3A_611 : vector<1x128xf32> to vector<512x128xf32>
    %add3A_613 = arith.addf %add3A_606, %add3A_612 : vector<512x128xf32>
    %tanh3A_614 = math.tanh %add3A_613 : vector<512x128xf32>
    %convert_element_type3A_615 = arith.truncf %tanh3A_614 : vector<512x128xf32> to vector<512x128xbf16>
    %get3A_616 = arith.constant 0 : index
    %get3A_617 = arith.constant 0 : index
    %get3A_618 = arith.constant 0 : index
    %get3A_619 = vector.load %arg35[%get3A_616, %get3A_617, %get3A_618] : memref<1x128x128xbf16, #tpu.memory_space<vmem>>, vector<1x128x128xbf16>
    %get3A_620 = vector.shape_cast %get3A_619 : vector<1x128x128xbf16> to vector<128x128xbf16>
    %dot_general3A_621 = arith.constant dense<0.000000e+00> : vector<512x128xf32>
    %dot_general3A_622 = tpu.matmul %convert_element_type3A_615, %get3A_620, %dot_general3A_621 {dimension_numbers = #tpu.dot_dimension_numbers<[1], [0], [0], [1], [0, 0, 1, 1], [], []>, transpose_lhs_hint = false} : vector<512x128xbf16>, vector<128x128xbf16>, vector<512x128xf32> -> vector<512x128xf32>
    %get3A_623 = arith.constant 0 : index
    %get3A_624 = arith.constant 0 : index
    %get3A_625 = arith.constant 0 : index
    %get3A_626 = vector.load %arg36[%get3A_623, %get3A_624, %get3A_625] : memref<1x1x128xf32, #tpu.memory_space<vmem>>, vector<1x1x128xf32>
    %get3A_627 = vector.shape_cast %get3A_626 : vector<1x1x128xf32> to vector<1x128xf32>
    %add3A_628 = vector.broadcast %get3A_627 : vector<1x128xf32> to vector<512x128xf32>
    %add3A_629 = arith.addf %dot_general3A_622, %add3A_628 : vector<512x128xf32>
    %tanh3A_630 = math.tanh %add3A_629 : vector<512x128xf32>
    %convert_element_type3A_631 = arith.truncf %tanh3A_630 : vector<512x128xf32> to vector<512x128xbf16>
    %get3A_632 = arith.constant 0 : index
    %get3A_633 = arith.constant 0 : index
    %get3A_634 = arith.constant 0 : index
    %get3A_635 = vector.load %arg37[%get3A_632, %get3A_633, %get3A_634] : memref<1x128x32xbf16, #tpu.memory_space<vmem>>, vector<1x128x32xbf16>
    %get3A_636 = vector.shape_cast %get3A_635 : vector<1x128x32xbf16> to vector<128x32xbf16>
    %dot_general3A_637 = arith.constant dense<0.000000e+00> : vector<512x32xf32>
    %dot_general3A_638 = tpu.matmul %convert_element_type3A_631, %get3A_636, %dot_general3A_637 {dimension_numbers = #tpu.dot_dimension_numbers<[1], [0], [0], [1], [0, 0, 1, 1], [], []>, transpose_lhs_hint = false} : vector<512x128xbf16>, vector<128x32xbf16>, vector<512x32xf32> -> vector<512x32xf32>
    %get3A_639 = arith.constant 0 : index
    %get3A_640 = arith.constant 0 : index
    %get3A_641 = arith.constant 0 : index
    %get3A_642 = vector.load %arg38[%get3A_639, %get3A_640, %get3A_641] : memref<1x1x32xf32, #tpu.memory_space<vmem>>, vector<1x1x32xf32>
    %get3A_643 = vector.shape_cast %get3A_642 : vector<1x1x32xf32> to vector<1x32xf32>
    %add3A_644 = vector.broadcast %get3A_643 : vector<1x32xf32> to vector<512x32xf32>
    %add3A_645 = arith.addf %dot_general3A_638, %add3A_644 : vector<512x32xf32>
    %get3A_646 = arith.constant 0 : index
    %get3A_647 = arith.constant 0 : index
    %get3A_648 = arith.constant 0 : index
    %get3A_649 = vector.load %arg99[%get3A_646, %get3A_647, %get3A_648] : memref<2x128x128xbf16, #tpu.memory_space<vmem>>, vector<1x128x128xbf16>
    %get3A_650 = vector.shape_cast %get3A_649 : vector<1x128x128xbf16> to vector<128x128xbf16>
    %dot_general3A_651 = arith.constant dense<0.000000e+00> : vector<512x128xf32>
    %dot_general3A_652 = tpu.matmul %bitcast_convert_type3A_584, %get3A_650, %dot_general3A_651 {dimension_numbers = #tpu.dot_dimension_numbers<[1], [0], [0], [1], [0, 0, 1, 1], [], []>, transpose_lhs_hint = false} : vector<512x128xf32>, vector<128x128xbf16>, vector<512x128xf32> -> vector<512x128xf32>
    %get3A_653 = arith.constant 1 : index
    %get3A_654 = arith.constant 0 : index
    %get3A_655 = arith.constant 0 : index
    %get3A_656 = vector.load %arg99[%get3A_653, %get3A_654, %get3A_655] : memref<2x128x128xbf16, #tpu.memory_space<vmem>>, vector<1x8x128xbf16>
    %get3A_657 = vector.shape_cast %get3A_656 : vector<1x8x128xbf16> to vector<8x128xbf16>
    %dot_general3A_658 = arith.constant dense<0.000000e+00> : vector<512x128xf32>
    %dot_general3A_659 = tpu.matmul %bitcast_convert_type3A_589, %get3A_657, %dot_general3A_658 {dimension_numbers = #tpu.dot_dimension_numbers<[1], [0], [0], [1], [0, 0, 1, 1], [], []>, transpose_lhs_hint = false} : vector<512x8xf32>, vector<8x128xbf16>, vector<512x128xf32> -> vector<512x128xf32>
    %add3A_660 = arith.addf %dot_general3A_652, %dot_general3A_659 : vector<512x128xf32>
    %get3A_661 = arith.constant 0 : index
    %get3A_662 = vector.load %arg100[%get3A_661] : memref<128xf32, #tpu.memory_space<vmem>>, vector<128xf32>
    %broadcast_in_dim3A_663 = vector.shape_cast %get3A_662 : vector<128xf32> to vector<1x128xf32>
    %add3A_664 = vector.broadcast %broadcast_in_dim3A_663 : vector<1x128xf32> to vector<512x128xf32>
    %add3A_665 = arith.addf %add3A_660, %add3A_664 : vector<512x128xf32>
    %tanh3A_666 = math.tanh %add3A_665 : vector<512x128xf32>
    %convert_element_type3A_667 = arith.truncf %tanh3A_666 : vector<512x128xf32> to vector<512x128xbf16>
    %get3A_668 = arith.constant 0 : index
    %get3A_669 = arith.constant 0 : index
    %get3A_670 = vector.load %arg101[%get3A_668, %get3A_669] : memref<128x128xbf16, #tpu.memory_space<vmem>>, vector<128x128xbf16>
    %dot_general3A_671 = arith.constant dense<0.000000e+00> : vector<512x128xf32>
    %dot_general3A_672 = tpu.matmul %convert_element_type3A_667, %get3A_670, %dot_general3A_671 {dimension_numbers = #tpu.dot_dimension_numbers<[1], [0], [0], [1], [0, 0, 1, 1], [], []>, transpose_lhs_hint = false} : vector<512x128xbf16>, vector<128x128xbf16>, vector<512x128xf32> -> vector<512x128xf32>
    %get3A_673 = arith.constant 0 : index
    %get3A_674 = vector.load %arg102[%get3A_673] : memref<128xf32, #tpu.memory_space<vmem>>, vector<128xf32>
    %broadcast_in_dim3A_675 = vector.shape_cast %get3A_674 : vector<128xf32> to vector<1x128xf32>
    %add3A_676 = vector.broadcast %broadcast_in_dim3A_675 : vector<1x128xf32> to vector<512x128xf32>
    %add3A_677 = arith.addf %dot_general3A_672, %add3A_676 : vector<512x128xf32>
    %tanh3A_678 = math.tanh %add3A_677 : vector<512x128xf32>
    %convert_element_type3A_679 = arith.truncf %tanh3A_678 : vector<512x128xf32> to vector<512x128xbf16>
    %get3A_680 = arith.constant 0 : index
    %get3A_681 = arith.constant 0 : index
    %get3A_682 = vector.load %arg103[%get3A_680, %get3A_681] : memref<128x1xbf16, #tpu.memory_space<vmem>>, vector<128x1xbf16>
    %dot_general3A_683 = arith.constant dense<0.000000e+00> : vector<512x1xf32>
    %dot_general3A_684 = tpu.matmul %convert_element_type3A_679, %get3A_682, %dot_general3A_683 {dimension_numbers = #tpu.dot_dimension_numbers<[1], [0], [0], [1], [0, 0, 1, 1], [], []>, transpose_lhs_hint = false} : vector<512x128xbf16>, vector<128x1xbf16>, vector<512x1xf32> -> vector<512x1xf32>
    %get3A_685 = arith.constant 0 : index
    %get3A_686 = vector.load %arg104[%get3A_685] : memref<1xf32, #tpu.memory_space<vmem>>, vector<1xf32>
    %broadcast_in_dim3A_687 = vector.shape_cast %get3A_686 : vector<1xf32> to vector<1x1xf32>
    %add3A_688 = vector.broadcast %broadcast_in_dim3A_687 : vector<1x1xf32> to vector<512x1xf32>
    %add3A_689 = arith.addf %dot_general3A_684, %add3A_688 : vector<512x1xf32>
    %broadcast_in_dim3A_690 = arith.constant 0.000000e+00 : f32
    %broadcast_in_dim3A_691 = vector.broadcast %broadcast_in_dim3A_690 : f32 to vector<512x95xf32>
    %concatenate3A_692 = tpu.concatenate %add3A_645, %add3A_689, %broadcast_in_dim3A_691 in 1 : vector<512x32xf32>, vector<512x1xf32>, vector<512x95xf32> -> vector<512x128xf32>
    %swap3A_693 = arith.constant 2560 : index
    %swap3A_694 = arith.constant 0 : index
    %swap3A_695 = vector.load %arg105[%swap3A_693, %swap3A_694] : memref<8192x128xf32, #tpu.memory_space<vmem>>, vector<512x128xf32>
    tpu.vector_store %arg105[%swap3A_693, %swap3A_694], %concatenate3A_692 {strides = array<i32>} : memref<8192x128xf32, #tpu.memory_space<vmem>>, vector<512x128xf32>,
    %get3A_696 = arith.constant 3072 : index
    %get3A_697 = arith.constant 0 : index
    %get3A_698 = vector.load %arg2[%get3A_696, %get3A_697] : memref<8192x128xi32, #tpu.memory_space<vmem>>, vector<512x128xi32>
    %shift_left3A_699 = arith.constant 16 : i32
    %shift_left3A_700 = vector.broadcast %shift_left3A_699 : i32 to vector<512x128xi32>
    %shift_left3A_701 = arith.shli %get3A_698, %shift_left3A_700 : vector<512x128xi32>
    %bitcast_convert_type3A_702 = tpu.bitcast %shift_left3A_701 : vector<512x128xi32> -> vector<512x128xf32>
    %slice3A_703 = vector.extract_strided_slice %get3A_698 {offsets = [0, 0], sizes = [512, 8], strides = [1, 1]} : vector<512x128xi32> to vector<512x8xi32>
    %and3A_704 = arith.constant -65536 : i32
    %and3A_705 = vector.broadcast %and3A_704 : i32 to vector<512x8xi32>
    %and3A_706 = arith.andi %slice3A_703, %and3A_705 : vector<512x8xi32>
    %bitcast_convert_type3A_707 = tpu.bitcast %and3A_706 : vector<512x8xi32> -> vector<512x8xf32>
    %get3A_708 = arith.constant 0 : index
    %get3A_709 = arith.constant 0 : index
    %get3A_710 = arith.constant 0 : index
    %get3A_711 = arith.constant 0 : index
    %get3A_712 = vector.load %arg39[%get3A_708, %get3A_709, %get3A_710, %get3A_711] : memref<1x2x128x128xbf16, #tpu.memory_space<vmem>>, vector<1x1x128x128xbf16>
    %get3A_713 = vector.shape_cast %get3A_712 : vector<1x1x128x128xbf16> to vector<128x128xbf16>
    %dot_general3A_714 = arith.constant dense<0.000000e+00> : vector<512x128xf32>
    %dot_general3A_715 = tpu.matmul %bitcast_convert_type3A_702, %get3A_713, %dot_general3A_714 {dimension_numbers = #tpu.dot_dimension_numbers<[1], [0], [0], [1], [0, 0, 1, 1], [], []>, transpose_lhs_hint = false} : vector<512x128xf32>, vector<128x128xbf16>, vector<512x128xf32> -> vector<512x128xf32>
    %get3A_716 = arith.constant 0 : index
    %get3A_717 = arith.constant 1 : index
    %get3A_718 = arith.constant 0 : index
    %get3A_719 = arith.constant 0 : index
    %get3A_720 = vector.load %arg39[%get3A_716, %get3A_717, %get3A_718, %get3A_719] : memref<1x2x128x128xbf16, #tpu.memory_space<vmem>>, vector<1x1x8x128xbf16>
    %get3A_721 = vector.shape_cast %get3A_720 : vector<1x1x8x128xbf16> to vector<8x128xbf16>
    %dot_general3A_722 = arith.constant dense<0.000000e+00> : vector<512x128xf32>
    %dot_general3A_723 = tpu.matmul %bitcast_convert_type3A_707, %get3A_721, %dot_general3A_722 {dimension_numbers = #tpu.dot_dimension_numbers<[1], [0], [0], [1], [0, 0, 1, 1], [], []>, transpose_lhs_hint = false} : vector<512x8xf32>, vector<8x128xbf16>, vector<512x128xf32> -> vector<512x128xf32>
    %add3A_724 = arith.addf %dot_general3A_715, %dot_general3A_723 : vector<512x128xf32>
    %get3A_725 = arith.constant 0 : index
    %get3A_726 = arith.constant 0 : index
    %get3A_727 = arith.constant 0 : index
    %get3A_728 = vector.load %arg40[%get3A_725, %get3A_726, %get3A_727] : memref<1x1x128xf32, #tpu.memory_space<vmem>>, vector<1x1x128xf32>
    %get3A_729 = vector.shape_cast %get3A_728 : vector<1x1x128xf32> to vector<1x128xf32>
    %add3A_730 = vector.broadcast %get3A_729 : vector<1x128xf32> to vector<512x128xf32>
    %add3A_731 = arith.addf %add3A_724, %add3A_730 : vector<512x128xf32>
    %tanh3A_732 = math.tanh %add3A_731 : vector<512x128xf32>
    %convert_element_type3A_733 = arith.truncf %tanh3A_732 : vector<512x128xf32> to vector<512x128xbf16>
    %get3A_734 = arith.constant 0 : index
    %get3A_735 = arith.constant 0 : index
    %get3A_736 = arith.constant 0 : index
    %get3A_737 = vector.load %arg41[%get3A_734, %get3A_735, %get3A_736] : memref<1x128x128xbf16, #tpu.memory_space<vmem>>, vector<1x128x128xbf16>
    %get3A_738 = vector.shape_cast %get3A_737 : vector<1x128x128xbf16> to vector<128x128xbf16>
    %dot_general3A_739 = arith.constant dense<0.000000e+00> : vector<512x128xf32>
    %dot_general3A_740 = tpu.matmul %convert_element_type3A_733, %get3A_738, %dot_general3A_739 {dimension_numbers = #tpu.dot_dimension_numbers<[1], [0], [0], [1], [0, 0, 1, 1], [], []>, transpose_lhs_hint = false} : vector<512x128xbf16>, vector<128x128xbf16>, vector<512x128xf32> -> vector<512x128xf32>
    %get3A_741 = arith.constant 0 : index
    %get3A_742 = arith.constant 0 : index
    %get3A_743 = arith.constant 0 : index
    %get3A_744 = vector.load %arg42[%get3A_741, %get3A_742, %get3A_743] : memref<1x1x128xf32, #tpu.memory_space<vmem>>, vector<1x1x128xf32>
    %get3A_745 = vector.shape_cast %get3A_744 : vector<1x1x128xf32> to vector<1x128xf32>
    %add3A_746 = vector.broadcast %get3A_745 : vector<1x128xf32> to vector<512x128xf32>
    %add3A_747 = arith.addf %dot_general3A_740, %add3A_746 : vector<512x128xf32>
    %tanh3A_748 = math.tanh %add3A_747 : vector<512x128xf32>
    %convert_element_type3A_749 = arith.truncf %tanh3A_748 : vector<512x128xf32> to vector<512x128xbf16>
    %get3A_750 = arith.constant 0 : index
    %get3A_751 = arith.constant 0 : index
    %get3A_752 = arith.constant 0 : index
    %get3A_753 = vector.load %arg43[%get3A_750, %get3A_751, %get3A_752] : memref<1x128x32xbf16, #tpu.memory_space<vmem>>, vector<1x128x32xbf16>
    %get3A_754 = vector.shape_cast %get3A_753 : vector<1x128x32xbf16> to vector<128x32xbf16>
    %dot_general3A_755 = arith.constant dense<0.000000e+00> : vector<512x32xf32>
    %dot_general3A_756 = tpu.matmul %convert_element_type3A_749, %get3A_754, %dot_general3A_755 {dimension_numbers = #tpu.dot_dimension_numbers<[1], [0], [0], [1], [0, 0, 1, 1], [], []>, transpose_lhs_hint = false} : vector<512x128xbf16>, vector<128x32xbf16>, vector<512x32xf32> -> vector<512x32xf32>
    %get3A_757 = arith.constant 0 : index
    %get3A_758 = arith.constant 0 : index
    %get3A_759 = arith.constant 0 : index
    %get3A_760 = vector.load %arg44[%get3A_757, %get3A_758, %get3A_759] : memref<1x1x32xf32, #tpu.memory_space<vmem>>, vector<1x1x32xf32>
    %get3A_761 = vector.shape_cast %get3A_760 : vector<1x1x32xf32> to vector<1x32xf32>
    %add3A_762 = vector.broadcast %get3A_761 : vector<1x32xf32> to vector<512x32xf32>
    %add3A_763 = arith.addf %dot_general3A_756, %add3A_762 : vector<512x32xf32>
    %get3A_764 = arith.constant 0 : index
    %get3A_765 = arith.constant 0 : index
    %get3A_766 = arith.constant 0 : index
    %get3A_767 = vector.load %arg99[%get3A_764, %get3A_765, %get3A_766] : memref<2x128x128xbf16, #tpu.memory_space<vmem>>, vector<1x128x128xbf16>
    %get3A_768 = vector.shape_cast %get3A_767 : vector<1x128x128xbf16> to vector<128x128xbf16>
    %dot_general3A_769 = arith.constant dense<0.000000e+00> : vector<512x128xf32>
    %dot_general3A_770 = tpu.matmul %bitcast_convert_type3A_702, %get3A_768, %dot_general3A_769 {dimension_numbers = #tpu.dot_dimension_numbers<[1], [0], [0], [1], [0, 0, 1, 1], [], []>, transpose_lhs_hint = false} : vector<512x128xf32>, vector<128x128xbf16>, vector<512x128xf32> -> vector<512x128xf32>
    %get3A_771 = arith.constant 1 : index
    %get3A_772 = arith.constant 0 : index
    %get3A_773 = arith.constant 0 : index
    %get3A_774 = vector.load %arg99[%get3A_771, %get3A_772, %get3A_773] : memref<2x128x128xbf16, #tpu.memory_space<vmem>>, vector<1x8x128xbf16>
    %get3A_775 = vector.shape_cast %get3A_774 : vector<1x8x128xbf16> to vector<8x128xbf16>
    %dot_general3A_776 = arith.constant dense<0.000000e+00> : vector<512x128xf32>
    %dot_general3A_777 = tpu.matmul %bitcast_convert_type3A_707, %get3A_775, %dot_general3A_776 {dimension_numbers = #tpu.dot_dimension_numbers<[1], [0], [0], [1], [0, 0, 1, 1], [], []>, transpose_lhs_hint = false} : vector<512x8xf32>, vector<8x128xbf16>, vector<512x128xf32> -> vector<512x128xf32>
    %add3A_778 = arith.addf %dot_general3A_770, %dot_general3A_777 : vector<512x128xf32>
    %get3A_779 = arith.constant 0 : index
    %get3A_780 = vector.load %arg100[%get3A_779] : memref<128xf32, #tpu.memory_space<vmem>>, vector<128xf32>
    %broadcast_in_dim3A_781 = vector.shape_cast %get3A_780 : vector<128xf32> to vector<1x128xf32>
    %add3A_782 = vector.broadcast %broadcast_in_dim3A_781 : vector<1x128xf32> to vector<512x128xf32>
    %add3A_783 = arith.addf %add3A_778, %add3A_782 : vector<512x128xf32>
    %tanh3A_784 = math.tanh %add3A_783 : vector<512x128xf32>
    %convert_element_type3A_785 = arith.truncf %tanh3A_784 : vector<512x128xf32> to vector<512x128xbf16>
    %get3A_786 = arith.constant 0 : index
    %get3A_787 = arith.constant 0 : index
    %get3A_788 = vector.load %arg101[%get3A_786, %get3A_787] : memref<128x128xbf16, #tpu.memory_space<vmem>>, vector<128x128xbf16>
    %dot_general3A_789 = arith.constant dense<0.000000e+00> : vector<512x128xf32>
    %dot_general3A_790 = tpu.matmul %convert_element_type3A_785, %get3A_788, %dot_general3A_789 {dimension_numbers = #tpu.dot_dimension_numbers<[1], [0], [0], [1], [0, 0, 1, 1], [], []>, transpose_lhs_hint = false} : vector<512x128xbf16>, vector<128x128xbf16>, vector<512x128xf32> -> vector<512x128xf32>
    %get3A_791 = arith.constant 0 : index
    %get3A_792 = vector.load %arg102[%get3A_791] : memref<128xf32, #tpu.memory_space<vmem>>, vector<128xf32>
    %broadcast_in_dim3A_793 = vector.shape_cast %get3A_792 : vector<128xf32> to vector<1x128xf32>
    %add3A_794 = vector.broadcast %broadcast_in_dim3A_793 : vector<1x128xf32> to vector<512x128xf32>
    %add3A_795 = arith.addf %dot_general3A_790, %add3A_794 : vector<512x128xf32>
    %tanh3A_796 = math.tanh %add3A_795 : vector<512x128xf32>
    %convert_element_type3A_797 = arith.truncf %tanh3A_796 : vector<512x128xf32> to vector<512x128xbf16>
    %get3A_798 = arith.constant 0 : index
    %get3A_799 = arith.constant 0 : index
    %get3A_800 = vector.load %arg103[%get3A_798, %get3A_799] : memref<128x1xbf16, #tpu.memory_space<vmem>>, vector<128x1xbf16>
    %dot_general3A_801 = arith.constant dense<0.000000e+00> : vector<512x1xf32>
    %dot_general3A_802 = tpu.matmul %convert_element_type3A_797, %get3A_800, %dot_general3A_801 {dimension_numbers = #tpu.dot_dimension_numbers<[1], [0], [0], [1], [0, 0, 1, 1], [], []>, transpose_lhs_hint = false} : vector<512x128xbf16>, vector<128x1xbf16>, vector<512x1xf32> -> vector<512x1xf32>
    %get3A_803 = arith.constant 0 : index
    %get3A_804 = vector.load %arg104[%get3A_803] : memref<1xf32, #tpu.memory_space<vmem>>, vector<1xf32>
    %broadcast_in_dim3A_805 = vector.shape_cast %get3A_804 : vector<1xf32> to vector<1x1xf32>
    %add3A_806 = vector.broadcast %broadcast_in_dim3A_805 : vector<1x1xf32> to vector<512x1xf32>
    %add3A_807 = arith.addf %dot_general3A_802, %add3A_806 : vector<512x1xf32>
    %broadcast_in_dim3A_808 = arith.constant 0.000000e+00 : f32
    %broadcast_in_dim3A_809 = vector.broadcast %broadcast_in_dim3A_808 : f32 to vector<512x95xf32>
    %concatenate3A_810 = tpu.concatenate %add3A_763, %add3A_807, %broadcast_in_dim3A_809 in 1 : vector<512x32xf32>, vector<512x1xf32>, vector<512x95xf32> -> vector<512x128xf32>
    %swap3A_811 = arith.constant 3072 : index
    %swap3A_812 = arith.constant 0 : index
    %swap3A_813 = vector.load %arg105[%swap3A_811, %swap3A_812] : memref<8192x128xf32, #tpu.memory_space<vmem>>, vector<512x128xf32>
    tpu.vector_store %arg105[%swap3A_811, %swap3A_812], %concatenate3A_810 {strides = array<i32>} : memref<8192x128xf32, #tpu.memory_space<vmem>>, vector<512x128xf32>,
    %get3A_814 = arith.constant 3584 : index
    %get3A_815 = arith.constant 0 : index
    %get3A_816 = vector.load %arg2[%get3A_814, %get3A_815] : memref<8192x128xi32, #tpu.memory_space<vmem>>, vector<512x128xi32>
    %shift_left3A_817 = arith.constant 16 : i32
    %shift_left3A_818 = vector.broadcast %shift_left3A_817 : i32 to vector<512x128xi32>
    %shift_left3A_819 = arith.shli %get3A_816, %shift_left3A_818 : vector<512x128xi32>
    %bitcast_convert_type3A_820 = tpu.bitcast %shift_left3A_819 : vector<512x128xi32> -> vector<512x128xf32>
    %slice3A_821 = vector.extract_strided_slice %get3A_816 {offsets = [0, 0], sizes = [512, 8], strides = [1, 1]} : vector<512x128xi32> to vector<512x8xi32>
    %and3A_822 = arith.constant -65536 : i32
    %and3A_823 = vector.broadcast %and3A_822 : i32 to vector<512x8xi32>
    %and3A_824 = arith.andi %slice3A_821, %and3A_823 : vector<512x8xi32>
    %bitcast_convert_type3A_825 = tpu.bitcast %and3A_824 : vector<512x8xi32> -> vector<512x8xf32>
    %get3A_826 = arith.constant 0 : index
    %get3A_827 = arith.constant 0 : index
    %get3A_828 = arith.constant 0 : index
    %get3A_829 = arith.constant 0 : index
    %get3A_830 = vector.load %arg45[%get3A_826, %get3A_827, %get3A_828, %get3A_829] : memref<1x2x128x128xbf16, #tpu.memory_space<vmem>>, vector<1x1x128x128xbf16>
    %get3A_831 = vector.shape_cast %get3A_830 : vector<1x1x128x128xbf16> to vector<128x128xbf16>
    %dot_general3A_832 = arith.constant dense<0.000000e+00> : vector<512x128xf32>
    %dot_general3A_833 = tpu.matmul %bitcast_convert_type3A_820, %get3A_831, %dot_general3A_832 {dimension_numbers = #tpu.dot_dimension_numbers<[1], [0], [0], [1], [0, 0, 1, 1], [], []>, transpose_lhs_hint = false} : vector<512x128xf32>, vector<128x128xbf16>, vector<512x128xf32> -> vector<512x128xf32>
    %get3A_834 = arith.constant 0 : index
    %get3A_835 = arith.constant 1 : index
    %get3A_836 = arith.constant 0 : index
    %get3A_837 = arith.constant 0 : index
    %get3A_838 = vector.load %arg45[%get3A_834, %get3A_835, %get3A_836, %get3A_837] : memref<1x2x128x128xbf16, #tpu.memory_space<vmem>>, vector<1x1x8x128xbf16>
    %get3A_839 = vector.shape_cast %get3A_838 : vector<1x1x8x128xbf16> to vector<8x128xbf16>
    %dot_general3A_840 = arith.constant dense<0.000000e+00> : vector<512x128xf32>
    %dot_general3A_841 = tpu.matmul %bitcast_convert_type3A_825, %get3A_839, %dot_general3A_840 {dimension_numbers = #tpu.dot_dimension_numbers<[1], [0], [0], [1], [0, 0, 1, 1], [], []>, transpose_lhs_hint = false} : vector<512x8xf32>, vector<8x128xbf16>, vector<512x128xf32> -> vector<512x128xf32>
    %add3A_842 = arith.addf %dot_general3A_833, %dot_general3A_841 : vector<512x128xf32>
    %get3A_843 = arith.constant 0 : index
    %get3A_844 = arith.constant 0 : index
    %get3A_845 = arith.constant 0 : index
    %get3A_846 = vector.load %arg46[%get3A_843, %get3A_844, %get3A_845] : memref<1x1x128xf32, #tpu.memory_space<vmem>>, vector<1x1x128xf32>
    %get3A_847 = vector.shape_cast %get3A_846 : vector<1x1x128xf32> to vector<1x128xf32>
    %add3A_848 = vector.broadcast %get3A_847 : vector<1x128xf32> to vector<512x128xf32>
    %add3A_849 = arith.addf %add3A_842, %add3A_848 : vector<512x128xf32>
    %tanh3A_850 = math.tanh %add3A_849 : vector<512x128xf32>
    %convert_element_type3A_851 = arith.truncf %tanh3A_850 : vector<512x128xf32> to vector<512x128xbf16>
    %get3A_852 = arith.constant 0 : index
    %get3A_853 = arith.constant 0 : index
    %get3A_854 = arith.constant 0 : index
    %get3A_855 = vector.load %arg47[%get3A_852, %get3A_853, %get3A_854] : memref<1x128x128xbf16, #tpu.memory_space<vmem>>, vector<1x128x128xbf16>
    %get3A_856 = vector.shape_cast %get3A_855 : vector<1x128x128xbf16> to vector<128x128xbf16>
    %dot_general3A_857 = arith.constant dense<0.000000e+00> : vector<512x128xf32>
    %dot_general3A_858 = tpu.matmul %convert_element_type3A_851, %get3A_856, %dot_general3A_857 {dimension_numbers = #tpu.dot_dimension_numbers<[1], [0], [0], [1], [0, 0, 1, 1], [], []>, transpose_lhs_hint = false} : vector<512x128xbf16>, vector<128x128xbf16>, vector<512x128xf32> -> vector<512x128xf32>
    %get3A_859 = arith.constant 0 : index
    %get3A_860 = arith.constant 0 : index
    %get3A_861 = arith.constant 0 : index
    %get3A_862 = vector.load %arg48[%get3A_859, %get3A_860, %get3A_861] : memref<1x1x128xf32, #tpu.memory_space<vmem>>, vector<1x1x128xf32>
    %get3A_863 = vector.shape_cast %get3A_862 : vector<1x1x128xf32> to vector<1x128xf32>
    %add3A_864 = vector.broadcast %get3A_863 : vector<1x128xf32> to vector<512x128xf32>
    %add3A_865 = arith.addf %dot_general3A_858, %add3A_864 : vector<512x128xf32>
    %tanh3A_866 = math.tanh %add3A_865 : vector<512x128xf32>
    %convert_element_type3A_867 = arith.truncf %tanh3A_866 : vector<512x128xf32> to vector<512x128xbf16>
    %get3A_868 = arith.constant 0 : index
    %get3A_869 = arith.constant 0 : index
    %get3A_870 = arith.constant 0 : index
    %get3A_871 = vector.load %arg49[%get3A_868, %get3A_869, %get3A_870] : memref<1x128x32xbf16, #tpu.memory_space<vmem>>, vector<1x128x32xbf16>
    %get3A_872 = vector.shape_cast %get3A_871 : vector<1x128x32xbf16> to vector<128x32xbf16>
    %dot_general3A_873 = arith.constant dense<0.000000e+00> : vector<512x32xf32>
    %dot_general3A_874 = tpu.matmul %convert_element_type3A_867, %get3A_872, %dot_general3A_873 {dimension_numbers = #tpu.dot_dimension_numbers<[1], [0], [0], [1], [0, 0, 1, 1], [], []>, transpose_lhs_hint = false} : vector<512x128xbf16>, vector<128x32xbf16>, vector<512x32xf32> -> vector<512x32xf32>
    %get3A_875 = arith.constant 0 : index
    %get3A_876 = arith.constant 0 : index
    %get3A_877 = arith.constant 0 : index
    %get3A_878 = vector.load %arg50[%get3A_875, %get3A_876, %get3A_877] : memref<1x1x32xf32, #tpu.memory_space<vmem>>, vector<1x1x32xf32>
    %get3A_879 = vector.shape_cast %get3A_878 : vector<1x1x32xf32> to vector<1x32xf32>
    %add3A_880 = vector.broadcast %get3A_879 : vector<1x32xf32> to vector<512x32xf32>
    %add3A_881 = arith.addf %dot_general3A_874, %add3A_880 : vector<512x32xf32>
    %get3A_882 = arith.constant 0 : index
    %get3A_883 = arith.constant 0 : index
    %get3A_884 = arith.constant 0 : index
    %get3A_885 = vector.load %arg99[%get3A_882, %get3A_883, %get3A_884] : memref<2x128x128xbf16, #tpu.memory_space<vmem>>, vector<1x128x128xbf16>
    %get3A_886 = vector.shape_cast %get3A_885 : vector<1x128x128xbf16> to vector<128x128xbf16>
    %dot_general3A_887 = arith.constant dense<0.000000e+00> : vector<512x128xf32>
    %dot_general3A_888 = tpu.matmul %bitcast_convert_type3A_820, %get3A_886, %dot_general3A_887 {dimension_numbers = #tpu.dot_dimension_numbers<[1], [0], [0], [1], [0, 0, 1, 1], [], []>, transpose_lhs_hint = false} : vector<512x128xf32>, vector<128x128xbf16>, vector<512x128xf32> -> vector<512x128xf32>
    %get3A_889 = arith.constant 1 : index
    %get3A_890 = arith.constant 0 : index
    %get3A_891 = arith.constant 0 : index
    %get3A_892 = vector.load %arg99[%get3A_889, %get3A_890, %get3A_891] : memref<2x128x128xbf16, #tpu.memory_space<vmem>>, vector<1x8x128xbf16>
    %get3A_893 = vector.shape_cast %get3A_892 : vector<1x8x128xbf16> to vector<8x128xbf16>
    %dot_general3A_894 = arith.constant dense<0.000000e+00> : vector<512x128xf32>
    %dot_general3A_895 = tpu.matmul %bitcast_convert_type3A_825, %get3A_893, %dot_general3A_894 {dimension_numbers = #tpu.dot_dimension_numbers<[1], [0], [0], [1], [0, 0, 1, 1], [], []>, transpose_lhs_hint = false} : vector<512x8xf32>, vector<8x128xbf16>, vector<512x128xf32> -> vector<512x128xf32>
    %add3A_896 = arith.addf %dot_general3A_888, %dot_general3A_895 : vector<512x128xf32>
    %get3A_897 = arith.constant 0 : index
    %get3A_898 = vector.load %arg100[%get3A_897] : memref<128xf32, #tpu.memory_space<vmem>>, vector<128xf32>
    %broadcast_in_dim3A_899 = vector.shape_cast %get3A_898 : vector<128xf32> to vector<1x128xf32>
    %add3A_900 = vector.broadcast %broadcast_in_dim3A_899 : vector<1x128xf32> to vector<512x128xf32>
    %add3A_901 = arith.addf %add3A_896, %add3A_900 : vector<512x128xf32>
    %tanh3A_902 = math.tanh %add3A_901 : vector<512x128xf32>
    %convert_element_type3A_903 = arith.truncf %tanh3A_902 : vector<512x128xf32> to vector<512x128xbf16>
    %get3A_904 = arith.constant 0 : index
    %get3A_905 = arith.constant 0 : index
    %get3A_906 = vector.load %arg101[%get3A_904, %get3A_905] : memref<128x128xbf16, #tpu.memory_space<vmem>>, vector<128x128xbf16>
    %dot_general3A_907 = arith.constant dense<0.000000e+00> : vector<512x128xf32>
    %dot_general3A_908 = tpu.matmul %convert_element_type3A_903, %get3A_906, %dot_general3A_907 {dimension_numbers = #tpu.dot_dimension_numbers<[1], [0], [0], [1], [0, 0, 1, 1], [], []>, transpose_lhs_hint = false} : vector<512x128xbf16>, vector<128x128xbf16>, vector<512x128xf32> -> vector<512x128xf32>
    %get3A_909 = arith.constant 0 : index
    %get3A_910 = vector.load %arg102[%get3A_909] : memref<128xf32, #tpu.memory_space<vmem>>, vector<128xf32>
    %broadcast_in_dim3A_911 = vector.shape_cast %get3A_910 : vector<128xf32> to vector<1x128xf32>
    %add3A_912 = vector.broadcast %broadcast_in_dim3A_911 : vector<1x128xf32> to vector<512x128xf32>
    %add3A_913 = arith.addf %dot_general3A_908, %add3A_912 : vector<512x128xf32>
    %tanh3A_914 = math.tanh %add3A_913 : vector<512x128xf32>
    %convert_element_type3A_915 = arith.truncf %tanh3A_914 : vector<512x128xf32> to vector<512x128xbf16>
    %get3A_916 = arith.constant 0 : index
    %get3A_917 = arith.constant 0 : index
    %get3A_918 = vector.load %arg103[%get3A_916, %get3A_917] : memref<128x1xbf16, #tpu.memory_space<vmem>>, vector<128x1xbf16>
    %dot_general3A_919 = arith.constant dense<0.000000e+00> : vector<512x1xf32>
    %dot_general3A_920 = tpu.matmul %convert_element_type3A_915, %get3A_918, %dot_general3A_919 {dimension_numbers = #tpu.dot_dimension_numbers<[1], [0], [0], [1], [0, 0, 1, 1], [], []>, transpose_lhs_hint = false} : vector<512x128xbf16>, vector<128x1xbf16>, vector<512x1xf32> -> vector<512x1xf32>
    %get3A_921 = arith.constant 0 : index
    %get3A_922 = vector.load %arg104[%get3A_921] : memref<1xf32, #tpu.memory_space<vmem>>, vector<1xf32>
    %broadcast_in_dim3A_923 = vector.shape_cast %get3A_922 : vector<1xf32> to vector<1x1xf32>
    %add3A_924 = vector.broadcast %broadcast_in_dim3A_923 : vector<1x1xf32> to vector<512x1xf32>
    %add3A_925 = arith.addf %dot_general3A_920, %add3A_924 : vector<512x1xf32>
    %broadcast_in_dim3A_926 = arith.constant 0.000000e+00 : f32
    %broadcast_in_dim3A_927 = vector.broadcast %broadcast_in_dim3A_926 : f32 to vector<512x95xf32>
    %concatenate3A_928 = tpu.concatenate %add3A_881, %add3A_925, %broadcast_in_dim3A_927 in 1 : vector<512x32xf32>, vector<512x1xf32>, vector<512x95xf32> -> vector<512x128xf32>
    %swap3A_929 = arith.constant 3584 : index
    %swap3A_930 = arith.constant 0 : index
    %swap3A_931 = vector.load %arg105[%swap3A_929, %swap3A_930] : memref<8192x128xf32, #tpu.memory_space<vmem>>, vector<512x128xf32>
    tpu.vector_store %arg105[%swap3A_929, %swap3A_930], %concatenate3A_928 {strides = array<i32>} : memref<8192x128xf32, #tpu.memory_space<vmem>>, vector<512x128xf32>,
    %get3A_932 = arith.constant 4096 : index
    %get3A_933 = arith.constant 0 : index
    %get3A_934 = vector.load %arg2[%get3A_932, %get3A_933] : memref<8192x128xi32, #tpu.memory_space<vmem>>, vector<512x128xi32>
    %shift_left3A_935 = arith.constant 16 : i32
    %shift_left3A_936 = vector.broadcast %shift_left3A_935 : i32 to vector<512x128xi32>
    %shift_left3A_937 = arith.shli %get3A_934, %shift_left3A_936 : vector<512x128xi32>
    %bitcast_convert_type3A_938 = tpu.bitcast %shift_left3A_937 : vector<512x128xi32> -> vector<512x128xf32>
    %slice3A_939 = vector.extract_strided_slice %get3A_934 {offsets = [0, 0], sizes = [512, 8], strides = [1, 1]} : vector<512x128xi32> to vector<512x8xi32>
    %and3A_940 = arith.constant -65536 : i32
    %and3A_941 = vector.broadcast %and3A_940 : i32 to vector<512x8xi32>
    %and3A_942 = arith.andi %slice3A_939, %and3A_941 : vector<512x8xi32>
    %bitcast_convert_type3A_943 = tpu.bitcast %and3A_942 : vector<512x8xi32> -> vector<512x8xf32>
    %get3A_944 = arith.constant 0 : index
    %get3A_945 = arith.constant 0 : index
    %get3A_946 = arith.constant 0 : index
    %get3A_947 = arith.constant 0 : index
    %get3A_948 = vector.load %arg51[%get3A_944, %get3A_945, %get3A_946, %get3A_947] : memref<1x2x128x128xbf16, #tpu.memory_space<vmem>>, vector<1x1x128x128xbf16>
    %get3A_949 = vector.shape_cast %get3A_948 : vector<1x1x128x128xbf16> to vector<128x128xbf16>
    %dot_general3A_950 = arith.constant dense<0.000000e+00> : vector<512x128xf32>
    %dot_general3A_951 = tpu.matmul %bitcast_convert_type3A_938, %get3A_949, %dot_general3A_950 {dimension_numbers = #tpu.dot_dimension_numbers<[1], [0], [0], [1], [0, 0, 1, 1], [], []>, transpose_lhs_hint = false} : vector<512x128xf32>, vector<128x128xbf16>, vector<512x128xf32> -> vector<512x128xf32>
    %get3A_952 = arith.constant 0 : index
    %get3A_953 = arith.constant 1 : index
    %get3A_954 = arith.constant 0 : index
    %get3A_955 = arith.constant 0 : index
    %get3A_956 = vector.load %arg51[%get3A_952, %get3A_953, %get3A_954, %get3A_955] : memref<1x2x128x128xbf16, #tpu.memory_space<vmem>>, vector<1x1x8x128xbf16>
    %get3A_957 = vector.shape_cast %get3A_956 : vector<1x1x8x128xbf16> to vector<8x128xbf16>
    %dot_general3A_958 = arith.constant dense<0.000000e+00> : vector<512x128xf32>
    %dot_general3A_959 = tpu.matmul %bitcast_convert_type3A_943, %get3A_957, %dot_general3A_958 {dimension_numbers = #tpu.dot_dimension_numbers<[1], [0], [0], [1], [0, 0, 1, 1], [], []>, transpose_lhs_hint = false} : vector<512x8xf32>, vector<8x128xbf16>, vector<512x128xf32> -> vector<512x128xf32>
    %add3A_960 = arith.addf %dot_general3A_951, %dot_general3A_959 : vector<512x128xf32>
    %get3A_961 = arith.constant 0 : index
    %get3A_962 = arith.constant 0 : index
    %get3A_963 = arith.constant 0 : index
    %get3A_964 = vector.load %arg52[%get3A_961, %get3A_962, %get3A_963] : memref<1x1x128xf32, #tpu.memory_space<vmem>>, vector<1x1x128xf32>
    %get3A_965 = vector.shape_cast %get3A_964 : vector<1x1x128xf32> to vector<1x128xf32>
    %add3A_966 = vector.broadcast %get3A_965 : vector<1x128xf32> to vector<512x128xf32>
    %add3A_967 = arith.addf %add3A_960, %add3A_966 : vector<512x128xf32>
    %tanh3A_968 = math.tanh %add3A_967 : vector<512x128xf32>
    %convert_element_type3A_969 = arith.truncf %tanh3A_968 : vector<512x128xf32> to vector<512x128xbf16>
    %get3A_970 = arith.constant 0 : index
    %get3A_971 = arith.constant 0 : index
    %get3A_972 = arith.constant 0 : index
    %get3A_973 = vector.load %arg53[%get3A_970, %get3A_971, %get3A_972] : memref<1x128x128xbf16, #tpu.memory_space<vmem>>, vector<1x128x128xbf16>
    %get3A_974 = vector.shape_cast %get3A_973 : vector<1x128x128xbf16> to vector<128x128xbf16>
    %dot_general3A_975 = arith.constant dense<0.000000e+00> : vector<512x128xf32>
    %dot_general3A_976 = tpu.matmul %convert_element_type3A_969, %get3A_974, %dot_general3A_975 {dimension_numbers = #tpu.dot_dimension_numbers<[1], [0], [0], [1], [0, 0, 1, 1], [], []>, transpose_lhs_hint = false} : vector<512x128xbf16>, vector<128x128xbf16>, vector<512x128xf32> -> vector<512x128xf32>
    %get3A_977 = arith.constant 0 : index
    %get3A_978 = arith.constant 0 : index
    %get3A_979 = arith.constant 0 : index
    %get3A_980 = vector.load %arg54[%get3A_977, %get3A_978, %get3A_979] : memref<1x1x128xf32, #tpu.memory_space<vmem>>, vector<1x1x128xf32>
    %get3A_981 = vector.shape_cast %get3A_980 : vector<1x1x128xf32> to vector<1x128xf32>
    %add3A_982 = vector.broadcast %get3A_981 : vector<1x128xf32> to vector<512x128xf32>
    %add3A_983 = arith.addf %dot_general3A_976, %add3A_982 : vector<512x128xf32>
    %tanh3A_984 = math.tanh %add3A_983 : vector<512x128xf32>
    %convert_element_type3A_985 = arith.truncf %tanh3A_984 : vector<512x128xf32> to vector<512x128xbf16>
    %get3A_986 = arith.constant 0 : index
    %get3A_987 = arith.constant 0 : index
    %get3A_988 = arith.constant 0 : index
    %get3A_989 = vector.load %arg55[%get3A_986, %get3A_987, %get3A_988] : memref<1x128x32xbf16, #tpu.memory_space<vmem>>, vector<1x128x32xbf16>
    %get3A_990 = vector.shape_cast %get3A_989 : vector<1x128x32xbf16> to vector<128x32xbf16>
    %dot_general3A_991 = arith.constant dense<0.000000e+00> : vector<512x32xf32>
    %dot_general3A_992 = tpu.matmul %convert_element_type3A_985, %get3A_990, %dot_general3A_991 {dimension_numbers = #tpu.dot_dimension_numbers<[1], [0], [0], [1], [0, 0, 1, 1], [], []>, transpose_lhs_hint = false} : vector<512x128xbf16>, vector<128x32xbf16>, vector<512x32xf32> -> vector<512x32xf32>
    %get3A_993 = arith.constant 0 : index
    %get3A_994 = arith.constant 0 : index
    %get3A_995 = arith.constant 0 : index
    %get3A_996 = vector.load %arg56[%get3A_993, %get3A_994, %get3A_995] : memref<1x1x32xf32, #tpu.memory_space<vmem>>, vector<1x1x32xf32>
    %get3A_997 = vector.shape_cast %get3A_996 : vector<1x1x32xf32> to vector<1x32xf32>
    %add3A_998 = vector.broadcast %get3A_997 : vector<1x32xf32> to vector<512x32xf32>
    %add3A_999 = arith.addf %dot_general3A_992, %add3A_998 : vector<512x32xf32>
    %get3A_1000 = arith.constant 0 : index
    %get3A_1001 = arith.constant 0 : index
    %get3A_1002 = arith.constant 0 : index
    %get3A_1003 = vector.load %arg99[%get3A_1000, %get3A_1001, %get3A_1002] : memref<2x128x128xbf16, #tpu.memory_space<vmem>>, vector<1x128x128xbf16>
    %get3A_1004 = vector.shape_cast %get3A_1003 : vector<1x128x128xbf16> to vector<128x128xbf16>
    %dot_general3A_1005 = arith.constant dense<0.000000e+00> : vector<512x128xf32>
    %dot_general3A_1006 = tpu.matmul %bitcast_convert_type3A_938, %get3A_1004, %dot_general3A_1005 {dimension_numbers = #tpu.dot_dimension_numbers<[1], [0], [0], [1], [0, 0, 1, 1], [], []>, transpose_lhs_hint = false} : vector<512x128xf32>, vector<128x128xbf16>, vector<512x128xf32> -> vector<512x128xf32>
    %get3A_1007 = arith.constant 1 : index
    %get3A_1008 = arith.constant 0 : index
    %get3A_1009 = arith.constant 0 : index
    %get3A_1010 = vector.load %arg99[%get3A_1007, %get3A_1008, %get3A_1009] : memref<2x128x128xbf16, #tpu.memory_space<vmem>>, vector<1x8x128xbf16>
    %get3A_1011 = vector.shape_cast %get3A_1010 : vector<1x8x128xbf16> to vector<8x128xbf16>
    %dot_general3A_1012 = arith.constant dense<0.000000e+00> : vector<512x128xf32>
    %dot_general3A_1013 = tpu.matmul %bitcast_convert_type3A_943, %get3A_1011, %dot_general3A_1012 {dimension_numbers = #tpu.dot_dimension_numbers<[1], [0], [0], [1], [0, 0, 1, 1], [], []>, transpose_lhs_hint = false} : vector<512x8xf32>, vector<8x128xbf16>, vector<512x128xf32> -> vector<512x128xf32>
    %add3A_1014 = arith.addf %dot_general3A_1006, %dot_general3A_1013 : vector<512x128xf32>
    %get3A_1015 = arith.constant 0 : index
    %get3A_1016 = vector.load %arg100[%get3A_1015] : memref<128xf32, #tpu.memory_space<vmem>>, vector<128xf32>
    %broadcast_in_dim3A_1017 = vector.shape_cast %get3A_1016 : vector<128xf32> to vector<1x128xf32>
    %add3A_1018 = vector.broadcast %broadcast_in_dim3A_1017 : vector<1x128xf32> to vector<512x128xf32>
    %add3A_1019 = arith.addf %add3A_1014, %add3A_1018 : vector<512x128xf32>
    %tanh3A_1020 = math.tanh %add3A_1019 : vector<512x128xf32>
    %convert_element_type3A_1021 = arith.truncf %tanh3A_1020 : vector<512x128xf32> to vector<512x128xbf16>
    %get3A_1022 = arith.constant 0 : index
    %get3A_1023 = arith.constant 0 : index
    %get3A_1024 = vector.load %arg101[%get3A_1022, %get3A_1023] : memref<128x128xbf16, #tpu.memory_space<vmem>>, vector<128x128xbf16>
    %dot_general3A_1025 = arith.constant dense<0.000000e+00> : vector<512x128xf32>
    %dot_general3A_1026 = tpu.matmul %convert_element_type3A_1021, %get3A_1024, %dot_general3A_1025 {dimension_numbers = #tpu.dot_dimension_numbers<[1], [0], [0], [1], [0, 0, 1, 1], [], []>, transpose_lhs_hint = false} : vector<512x128xbf16>, vector<128x128xbf16>, vector<512x128xf32> -> vector<512x128xf32>
    %get3A_1027 = arith.constant 0 : index
    %get3A_1028 = vector.load %arg102[%get3A_1027] : memref<128xf32, #tpu.memory_space<vmem>>, vector<128xf32>
    %broadcast_in_dim3A_1029 = vector.shape_cast %get3A_1028 : vector<128xf32> to vector<1x128xf32>
    %add3A_1030 = vector.broadcast %broadcast_in_dim3A_1029 : vector<1x128xf32> to vector<512x128xf32>
    %add3A_1031 = arith.addf %dot_general3A_1026, %add3A_1030 : vector<512x128xf32>
    %tanh3A_1032 = math.tanh %add3A_1031 : vector<512x128xf32>
    %convert_element_type3A_1033 = arith.truncf %tanh3A_1032 : vector<512x128xf32> to vector<512x128xbf16>
    %get3A_1034 = arith.constant 0 : index
    %get3A_1035 = arith.constant 0 : index
    %get3A_1036 = vector.load %arg103[%get3A_1034, %get3A_1035] : memref<128x1xbf16, #tpu.memory_space<vmem>>, vector<128x1xbf16>
    %dot_general3A_1037 = arith.constant dense<0.000000e+00> : vector<512x1xf32>
    %dot_general3A_1038 = tpu.matmul %convert_element_type3A_1033, %get3A_1036, %dot_general3A_1037 {dimension_numbers = #tpu.dot_dimension_numbers<[1], [0], [0], [1], [0, 0, 1, 1], [], []>, transpose_lhs_hint = false} : vector<512x128xbf16>, vector<128x1xbf16>, vector<512x1xf32> -> vector<512x1xf32>
    %get3A_1039 = arith.constant 0 : index
    %get3A_1040 = vector.load %arg104[%get3A_1039] : memref<1xf32, #tpu.memory_space<vmem>>, vector<1xf32>
    %broadcast_in_dim3A_1041 = vector.shape_cast %get3A_1040 : vector<1xf32> to vector<1x1xf32>
    %add3A_1042 = vector.broadcast %broadcast_in_dim3A_1041 : vector<1x1xf32> to vector<512x1xf32>
    %add3A_1043 = arith.addf %dot_general3A_1038, %add3A_1042 : vector<512x1xf32>
    %broadcast_in_dim3A_1044 = arith.constant 0.000000e+00 : f32
    %broadcast_in_dim3A_1045 = vector.broadcast %broadcast_in_dim3A_1044 : f32 to vector<512x95xf32>
    %concatenate3A_1046 = tpu.concatenate %add3A_999, %add3A_1043, %broadcast_in_dim3A_1045 in 1 : vector<512x32xf32>, vector<512x1xf32>, vector<512x95xf32> -> vector<512x128xf32>
    %swap3A_1047 = arith.constant 4096 : index
    %swap3A_1048 = arith.constant 0 : index
    %swap3A_1049 = vector.load %arg105[%swap3A_1047, %swap3A_1048] : memref<8192x128xf32, #tpu.memory_space<vmem>>, vector<512x128xf32>
    tpu.vector_store %arg105[%swap3A_1047, %swap3A_1048], %concatenate3A_1046 {strides = array<i32>} : memref<8192x128xf32, #tpu.memory_space<vmem>>, vector<512x128xf32>,
    %get3A_1050 = arith.constant 4608 : index
    %get3A_1051 = arith.constant 0 : index
    %get3A_1052 = vector.load %arg2[%get3A_1050, %get3A_1051] : memref<8192x128xi32, #tpu.memory_space<vmem>>, vector<512x128xi32>
    %shift_left3A_1053 = arith.constant 16 : i32
    %shift_left3A_1054 = vector.broadcast %shift_left3A_1053 : i32 to vector<512x128xi32>
    %shift_left3A_1055 = arith.shli %get3A_1052, %shift_left3A_1054 : vector<512x128xi32>
    %bitcast_convert_type3A_1056 = tpu.bitcast %shift_left3A_1055 : vector<512x128xi32> -> vector<512x128xf32>
    %slice3A_1057 = vector.extract_strided_slice %get3A_1052 {offsets = [0, 0], sizes = [512, 8], strides = [1, 1]} : vector<512x128xi32> to vector<512x8xi32>
    %and3A_1058 = arith.constant -65536 : i32
    %and3A_1059 = vector.broadcast %and3A_1058 : i32 to vector<512x8xi32>
    %and3A_1060 = arith.andi %slice3A_1057, %and3A_1059 : vector<512x8xi32>
    %bitcast_convert_type3A_1061 = tpu.bitcast %and3A_1060 : vector<512x8xi32> -> vector<512x8xf32>
    %get3A_1062 = arith.constant 0 : index
    %get3A_1063 = arith.constant 0 : index
    %get3A_1064 = arith.constant 0 : index
    %get3A_1065 = arith.constant 0 : index
    %get3A_1066 = vector.load %arg57[%get3A_1062, %get3A_1063, %get3A_1064, %get3A_1065] : memref<1x2x128x128xbf16, #tpu.memory_space<vmem>>, vector<1x1x128x128xbf16>
    %get3A_1067 = vector.shape_cast %get3A_1066 : vector<1x1x128x128xbf16> to vector<128x128xbf16>
    %dot_general3A_1068 = arith.constant dense<0.000000e+00> : vector<512x128xf32>
    %dot_general3A_1069 = tpu.matmul %bitcast_convert_type3A_1056, %get3A_1067, %dot_general3A_1068 {dimension_numbers = #tpu.dot_dimension_numbers<[1], [0], [0], [1], [0, 0, 1, 1], [], []>, transpose_lhs_hint = false} : vector<512x128xf32>, vector<128x128xbf16>, vector<512x128xf32> -> vector<512x128xf32>
    %get3A_1070 = arith.constant 0 : index
    %get3A_1071 = arith.constant 1 : index
    %get3A_1072 = arith.constant 0 : index
    %get3A_1073 = arith.constant 0 : index
    %get3A_1074 = vector.load %arg57[%get3A_1070, %get3A_1071, %get3A_1072, %get3A_1073] : memref<1x2x128x128xbf16, #tpu.memory_space<vmem>>, vector<1x1x8x128xbf16>
    %get3A_1075 = vector.shape_cast %get3A_1074 : vector<1x1x8x128xbf16> to vector<8x128xbf16>
    %dot_general3A_1076 = arith.constant dense<0.000000e+00> : vector<512x128xf32>
    %dot_general3A_1077 = tpu.matmul %bitcast_convert_type3A_1061, %get3A_1075, %dot_general3A_1076 {dimension_numbers = #tpu.dot_dimension_numbers<[1], [0], [0], [1], [0, 0, 1, 1], [], []>, transpose_lhs_hint = false} : vector<512x8xf32>, vector<8x128xbf16>, vector<512x128xf32> -> vector<512x128xf32>
    %add3A_1078 = arith.addf %dot_general3A_1069, %dot_general3A_1077 : vector<512x128xf32>
    %get3A_1079 = arith.constant 0 : index
    %get3A_1080 = arith.constant 0 : index
    %get3A_1081 = arith.constant 0 : index
    %get3A_1082 = vector.load %arg58[%get3A_1079, %get3A_1080, %get3A_1081] : memref<1x1x128xf32, #tpu.memory_space<vmem>>, vector<1x1x128xf32>
    %get3A_1083 = vector.shape_cast %get3A_1082 : vector<1x1x128xf32> to vector<1x128xf32>
    %add3A_1084 = vector.broadcast %get3A_1083 : vector<1x128xf32> to vector<512x128xf32>
    %add3A_1085 = arith.addf %add3A_1078, %add3A_1084 : vector<512x128xf32>
    %tanh3A_1086 = math.tanh %add3A_1085 : vector<512x128xf32>
    %convert_element_type3A_1087 = arith.truncf %tanh3A_1086 : vector<512x128xf32> to vector<512x128xbf16>
    %get3A_1088 = arith.constant 0 : index
    %get3A_1089 = arith.constant 0 : index
    %get3A_1090 = arith.constant 0 : index
    %get3A_1091 = vector.load %arg59[%get3A_1088, %get3A_1089, %get3A_1090] : memref<1x128x128xbf16, #tpu.memory_space<vmem>>, vector<1x128x128xbf16>
    %get3A_1092 = vector.shape_cast %get3A_1091 : vector<1x128x128xbf16> to vector<128x128xbf16>
    %dot_general3A_1093 = arith.constant dense<0.000000e+00> : vector<512x128xf32>
    %dot_general3A_1094 = tpu.matmul %convert_element_type3A_1087, %get3A_1092, %dot_general3A_1093 {dimension_numbers = #tpu.dot_dimension_numbers<[1], [0], [0], [1], [0, 0, 1, 1], [], []>, transpose_lhs_hint = false} : vector<512x128xbf16>, vector<128x128xbf16>, vector<512x128xf32> -> vector<512x128xf32>
    %get3A_1095 = arith.constant 0 : index
    %get3A_1096 = arith.constant 0 : index
    %get3A_1097 = arith.constant 0 : index
    %get3A_1098 = vector.load %arg60[%get3A_1095, %get3A_1096, %get3A_1097] : memref<1x1x128xf32, #tpu.memory_space<vmem>>, vector<1x1x128xf32>
    %get3A_1099 = vector.shape_cast %get3A_1098 : vector<1x1x128xf32> to vector<1x128xf32>
    %add3A_1100 = vector.broadcast %get3A_1099 : vector<1x128xf32> to vector<512x128xf32>
    %add3A_1101 = arith.addf %dot_general3A_1094, %add3A_1100 : vector<512x128xf32>
    %tanh3A_1102 = math.tanh %add3A_1101 : vector<512x128xf32>
    %convert_element_type3A_1103 = arith.truncf %tanh3A_1102 : vector<512x128xf32> to vector<512x128xbf16>
    %get3A_1104 = arith.constant 0 : index
    %get3A_1105 = arith.constant 0 : index
    %get3A_1106 = arith.constant 0 : index
    %get3A_1107 = vector.load %arg61[%get3A_1104, %get3A_1105, %get3A_1106] : memref<1x128x32xbf16, #tpu.memory_space<vmem>>, vector<1x128x32xbf16>
    %get3A_1108 = vector.shape_cast %get3A_1107 : vector<1x128x32xbf16> to vector<128x32xbf16>
    %dot_general3A_1109 = arith.constant dense<0.000000e+00> : vector<512x32xf32>
    %dot_general3A_1110 = tpu.matmul %convert_element_type3A_1103, %get3A_1108, %dot_general3A_1109 {dimension_numbers = #tpu.dot_dimension_numbers<[1], [0], [0], [1], [0, 0, 1, 1], [], []>, transpose_lhs_hint = false} : vector<512x128xbf16>, vector<128x32xbf16>, vector<512x32xf32> -> vector<512x32xf32>
    %get3A_1111 = arith.constant 0 : index
    %get3A_1112 = arith.constant 0 : index
    %get3A_1113 = arith.constant 0 : index
    %get3A_1114 = vector.load %arg62[%get3A_1111, %get3A_1112, %get3A_1113] : memref<1x1x32xf32, #tpu.memory_space<vmem>>, vector<1x1x32xf32>
    %get3A_1115 = vector.shape_cast %get3A_1114 : vector<1x1x32xf32> to vector<1x32xf32>
    %add3A_1116 = vector.broadcast %get3A_1115 : vector<1x32xf32> to vector<512x32xf32>
    %add3A_1117 = arith.addf %dot_general3A_1110, %add3A_1116 : vector<512x32xf32>
    %get3A_1118 = arith.constant 0 : index
    %get3A_1119 = arith.constant 0 : index
    %get3A_1120 = arith.constant 0 : index
    %get3A_1121 = vector.load %arg99[%get3A_1118, %get3A_1119, %get3A_1120] : memref<2x128x128xbf16, #tpu.memory_space<vmem>>, vector<1x128x128xbf16>
    %get3A_1122 = vector.shape_cast %get3A_1121 : vector<1x128x128xbf16> to vector<128x128xbf16>
    %dot_general3A_1123 = arith.constant dense<0.000000e+00> : vector<512x128xf32>
    %dot_general3A_1124 = tpu.matmul %bitcast_convert_type3A_1056, %get3A_1122, %dot_general3A_1123 {dimension_numbers = #tpu.dot_dimension_numbers<[1], [0], [0], [1], [0, 0, 1, 1], [], []>, transpose_lhs_hint = false} : vector<512x128xf32>, vector<128x128xbf16>, vector<512x128xf32> -> vector<512x128xf32>
    %get3A_1125 = arith.constant 1 : index
    %get3A_1126 = arith.constant 0 : index
    %get3A_1127 = arith.constant 0 : index
    %get3A_1128 = vector.load %arg99[%get3A_1125, %get3A_1126, %get3A_1127] : memref<2x128x128xbf16, #tpu.memory_space<vmem>>, vector<1x8x128xbf16>
    %get3A_1129 = vector.shape_cast %get3A_1128 : vector<1x8x128xbf16> to vector<8x128xbf16>
    %dot_general3A_1130 = arith.constant dense<0.000000e+00> : vector<512x128xf32>
    %dot_general3A_1131 = tpu.matmul %bitcast_convert_type3A_1061, %get3A_1129, %dot_general3A_1130 {dimension_numbers = #tpu.dot_dimension_numbers<[1], [0], [0], [1], [0, 0, 1, 1], [], []>, transpose_lhs_hint = false} : vector<512x8xf32>, vector<8x128xbf16>, vector<512x128xf32> -> vector<512x128xf32>
    %add3A_1132 = arith.addf %dot_general3A_1124, %dot_general3A_1131 : vector<512x128xf32>
    %get3A_1133 = arith.constant 0 : index
    %get3A_1134 = vector.load %arg100[%get3A_1133] : memref<128xf32, #tpu.memory_space<vmem>>, vector<128xf32>
    %broadcast_in_dim3A_1135 = vector.shape_cast %get3A_1134 : vector<128xf32> to vector<1x128xf32>
    %add3A_1136 = vector.broadcast %broadcast_in_dim3A_1135 : vector<1x128xf32> to vector<512x128xf32>
    %add3A_1137 = arith.addf %add3A_1132, %add3A_1136 : vector<512x128xf32>
    %tanh3A_1138 = math.tanh %add3A_1137 : vector<512x128xf32>
    %convert_element_type3A_1139 = arith.truncf %tanh3A_1138 : vector<512x128xf32> to vector<512x128xbf16>
    %get3A_1140 = arith.constant 0 : index
    %get3A_1141 = arith.constant 0 : index
    %get3A_1142 = vector.load %arg101[%get3A_1140, %get3A_1141] : memref<128x128xbf16, #tpu.memory_space<vmem>>, vector<128x128xbf16>
    %dot_general3A_1143 = arith.constant dense<0.000000e+00> : vector<512x128xf32>
    %dot_general3A_1144 = tpu.matmul %convert_element_type3A_1139, %get3A_1142, %dot_general3A_1143 {dimension_numbers = #tpu.dot_dimension_numbers<[1], [0], [0], [1], [0, 0, 1, 1], [], []>, transpose_lhs_hint = false} : vector<512x128xbf16>, vector<128x128xbf16>, vector<512x128xf32> -> vector<512x128xf32>
    %get3A_1145 = arith.constant 0 : index
    %get3A_1146 = vector.load %arg102[%get3A_1145] : memref<128xf32, #tpu.memory_space<vmem>>, vector<128xf32>
    %broadcast_in_dim3A_1147 = vector.shape_cast %get3A_1146 : vector<128xf32> to vector<1x128xf32>
    %add3A_1148 = vector.broadcast %broadcast_in_dim3A_1147 : vector<1x128xf32> to vector<512x128xf32>
    %add3A_1149 = arith.addf %dot_general3A_1144, %add3A_1148 : vector<512x128xf32>
    %tanh3A_1150 = math.tanh %add3A_1149 : vector<512x128xf32>
    %convert_element_type3A_1151 = arith.truncf %tanh3A_1150 : vector<512x128xf32> to vector<512x128xbf16>
    %get3A_1152 = arith.constant 0 : index
    %get3A_1153 = arith.constant 0 : index
    %get3A_1154 = vector.load %arg103[%get3A_1152, %get3A_1153] : memref<128x1xbf16, #tpu.memory_space<vmem>>, vector<128x1xbf16>
    %dot_general3A_1155 = arith.constant dense<0.000000e+00> : vector<512x1xf32>
    %dot_general3A_1156 = tpu.matmul %convert_element_type3A_1151, %get3A_1154, %dot_general3A_1155 {dimension_numbers = #tpu.dot_dimension_numbers<[1], [0], [0], [1], [0, 0, 1, 1], [], []>, transpose_lhs_hint = false} : vector<512x128xbf16>, vector<128x1xbf16>, vector<512x1xf32> -> vector<512x1xf32>
    %get3A_1157 = arith.constant 0 : index
    %get3A_1158 = vector.load %arg104[%get3A_1157] : memref<1xf32, #tpu.memory_space<vmem>>, vector<1xf32>
    %broadcast_in_dim3A_1159 = vector.shape_cast %get3A_1158 : vector<1xf32> to vector<1x1xf32>
    %add3A_1160 = vector.broadcast %broadcast_in_dim3A_1159 : vector<1x1xf32> to vector<512x1xf32>
    %add3A_1161 = arith.addf %dot_general3A_1156, %add3A_1160 : vector<512x1xf32>
    %broadcast_in_dim3A_1162 = arith.constant 0.000000e+00 : f32
    %broadcast_in_dim3A_1163 = vector.broadcast %broadcast_in_dim3A_1162 : f32 to vector<512x95xf32>
    %concatenate3A_1164 = tpu.concatenate %add3A_1117, %add3A_1161, %broadcast_in_dim3A_1163 in 1 : vector<512x32xf32>, vector<512x1xf32>, vector<512x95xf32> -> vector<512x128xf32>
    %swap3A_1165 = arith.constant 4608 : index
    %swap3A_1166 = arith.constant 0 : index
    %swap3A_1167 = vector.load %arg105[%swap3A_1165, %swap3A_1166] : memref<8192x128xf32, #tpu.memory_space<vmem>>, vector<512x128xf32>
    tpu.vector_store %arg105[%swap3A_1165, %swap3A_1166], %concatenate3A_1164 {strides = array<i32>} : memref<8192x128xf32, #tpu.memory_space<vmem>>, vector<512x128xf32>,
    %get3A_1168 = arith.constant 5120 : index
    %get3A_1169 = arith.constant 0 : index
    %get3A_1170 = vector.load %arg2[%get3A_1168, %get3A_1169] : memref<8192x128xi32, #tpu.memory_space<vmem>>, vector<512x128xi32>
    %shift_left3A_1171 = arith.constant 16 : i32
    %shift_left3A_1172 = vector.broadcast %shift_left3A_1171 : i32 to vector<512x128xi32>
    %shift_left3A_1173 = arith.shli %get3A_1170, %shift_left3A_1172 : vector<512x128xi32>
    %bitcast_convert_type3A_1174 = tpu.bitcast %shift_left3A_1173 : vector<512x128xi32> -> vector<512x128xf32>
    %slice3A_1175 = vector.extract_strided_slice %get3A_1170 {offsets = [0, 0], sizes = [512, 8], strides = [1, 1]} : vector<512x128xi32> to vector<512x8xi32>
    %and3A_1176 = arith.constant -65536 : i32
    %and3A_1177 = vector.broadcast %and3A_1176 : i32 to vector<512x8xi32>
    %and3A_1178 = arith.andi %slice3A_1175, %and3A_1177 : vector<512x8xi32>
    %bitcast_convert_type3A_1179 = tpu.bitcast %and3A_1178 : vector<512x8xi32> -> vector<512x8xf32>
    %get3A_1180 = arith.constant 0 : index
    %get3A_1181 = arith.constant 0 : index
    %get3A_1182 = arith.constant 0 : index
    %get3A_1183 = arith.constant 0 : index
    %get3A_1184 = vector.load %arg63[%get3A_1180, %get3A_1181, %get3A_1182, %get3A_1183] : memref<1x2x128x128xbf16, #tpu.memory_space<vmem>>, vector<1x1x128x128xbf16>
    %get3A_1185 = vector.shape_cast %get3A_1184 : vector<1x1x128x128xbf16> to vector<128x128xbf16>
    %dot_general3A_1186 = arith.constant dense<0.000000e+00> : vector<512x128xf32>
    %dot_general3A_1187 = tpu.matmul %bitcast_convert_type3A_1174, %get3A_1185, %dot_general3A_1186 {dimension_numbers = #tpu.dot_dimension_numbers<[1], [0], [0], [1], [0, 0, 1, 1], [], []>, transpose_lhs_hint = false} : vector<512x128xf32>, vector<128x128xbf16>, vector<512x128xf32> -> vector<512x128xf32>
    %get3A_1188 = arith.constant 0 : index
    %get3A_1189 = arith.constant 1 : index
    %get3A_1190 = arith.constant 0 : index
    %get3A_1191 = arith.constant 0 : index
    %get3A_1192 = vector.load %arg63[%get3A_1188, %get3A_1189, %get3A_1190, %get3A_1191] : memref<1x2x128x128xbf16, #tpu.memory_space<vmem>>, vector<1x1x8x128xbf16>
    %get3A_1193 = vector.shape_cast %get3A_1192 : vector<1x1x8x128xbf16> to vector<8x128xbf16>
    %dot_general3A_1194 = arith.constant dense<0.000000e+00> : vector<512x128xf32>
    %dot_general3A_1195 = tpu.matmul %bitcast_convert_type3A_1179, %get3A_1193, %dot_general3A_1194 {dimension_numbers = #tpu.dot_dimension_numbers<[1], [0], [0], [1], [0, 0, 1, 1], [], []>, transpose_lhs_hint = false} : vector<512x8xf32>, vector<8x128xbf16>, vector<512x128xf32> -> vector<512x128xf32>
    %add3A_1196 = arith.addf %dot_general3A_1187, %dot_general3A_1195 : vector<512x128xf32>
    %get3A_1197 = arith.constant 0 : index
    %get3A_1198 = arith.constant 0 : index
    %get3A_1199 = arith.constant 0 : index
    %get3A_1200 = vector.load %arg64[%get3A_1197, %get3A_1198, %get3A_1199] : memref<1x1x128xf32, #tpu.memory_space<vmem>>, vector<1x1x128xf32>
    %get3A_1201 = vector.shape_cast %get3A_1200 : vector<1x1x128xf32> to vector<1x128xf32>
    %add3A_1202 = vector.broadcast %get3A_1201 : vector<1x128xf32> to vector<512x128xf32>
    %add3A_1203 = arith.addf %add3A_1196, %add3A_1202 : vector<512x128xf32>
    %tanh3A_1204 = math.tanh %add3A_1203 : vector<512x128xf32>
    %convert_element_type3A_1205 = arith.truncf %tanh3A_1204 : vector<512x128xf32> to vector<512x128xbf16>
    %get3A_1206 = arith.constant 0 : index
    %get3A_1207 = arith.constant 0 : index
    %get3A_1208 = arith.constant 0 : index
    %get3A_1209 = vector.load %arg65[%get3A_1206, %get3A_1207, %get3A_1208] : memref<1x128x128xbf16, #tpu.memory_space<vmem>>, vector<1x128x128xbf16>
    %get3A_1210 = vector.shape_cast %get3A_1209 : vector<1x128x128xbf16> to vector<128x128xbf16>
    %dot_general3A_1211 = arith.constant dense<0.000000e+00> : vector<512x128xf32>
    %dot_general3A_1212 = tpu.matmul %convert_element_type3A_1205, %get3A_1210, %dot_general3A_1211 {dimension_numbers = #tpu.dot_dimension_numbers<[1], [0], [0], [1], [0, 0, 1, 1], [], []>, transpose_lhs_hint = false} : vector<512x128xbf16>, vector<128x128xbf16>, vector<512x128xf32> -> vector<512x128xf32>
    %get3A_1213 = arith.constant 0 : index
    %get3A_1214 = arith.constant 0 : index
    %get3A_1215 = arith.constant 0 : index
    %get3A_1216 = vector.load %arg66[%get3A_1213, %get3A_1214, %get3A_1215] : memref<1x1x128xf32, #tpu.memory_space<vmem>>, vector<1x1x128xf32>
    %get3A_1217 = vector.shape_cast %get3A_1216 : vector<1x1x128xf32> to vector<1x128xf32>
    %add3A_1218 = vector.broadcast %get3A_1217 : vector<1x128xf32> to vector<512x128xf32>
    %add3A_1219 = arith.addf %dot_general3A_1212, %add3A_1218 : vector<512x128xf32>
    %tanh3A_1220 = math.tanh %add3A_1219 : vector<512x128xf32>
    %convert_element_type3A_1221 = arith.truncf %tanh3A_1220 : vector<512x128xf32> to vector<512x128xbf16>
    %get3A_1222 = arith.constant 0 : index
    %get3A_1223 = arith.constant 0 : index
    %get3A_1224 = arith.constant 0 : index
    %get3A_1225 = vector.load %arg67[%get3A_1222, %get3A_1223, %get3A_1224] : memref<1x128x32xbf16, #tpu.memory_space<vmem>>, vector<1x128x32xbf16>
    %get3A_1226 = vector.shape_cast %get3A_1225 : vector<1x128x32xbf16> to vector<128x32xbf16>
    %dot_general3A_1227 = arith.constant dense<0.000000e+00> : vector<512x32xf32>
    %dot_general3A_1228 = tpu.matmul %convert_element_type3A_1221, %get3A_1226, %dot_general3A_1227 {dimension_numbers = #tpu.dot_dimension_numbers<[1], [0], [0], [1], [0, 0, 1, 1], [], []>, transpose_lhs_hint = false} : vector<512x128xbf16>, vector<128x32xbf16>, vector<512x32xf32> -> vector<512x32xf32>
    %get3A_1229 = arith.constant 0 : index
    %get3A_1230 = arith.constant 0 : index
    %get3A_1231 = arith.constant 0 : index
    %get3A_1232 = vector.load %arg68[%get3A_1229, %get3A_1230, %get3A_1231] : memref<1x1x32xf32, #tpu.memory_space<vmem>>, vector<1x1x32xf32>
    %get3A_1233 = vector.shape_cast %get3A_1232 : vector<1x1x32xf32> to vector<1x32xf32>
    %add3A_1234 = vector.broadcast %get3A_1233 : vector<1x32xf32> to vector<512x32xf32>
    %add3A_1235 = arith.addf %dot_general3A_1228, %add3A_1234 : vector<512x32xf32>
    %get3A_1236 = arith.constant 0 : index
    %get3A_1237 = arith.constant 0 : index
    %get3A_1238 = arith.constant 0 : index
    %get3A_1239 = vector.load %arg99[%get3A_1236, %get3A_1237, %get3A_1238] : memref<2x128x128xbf16, #tpu.memory_space<vmem>>, vector<1x128x128xbf16>
    %get3A_1240 = vector.shape_cast %get3A_1239 : vector<1x128x128xbf16> to vector<128x128xbf16>
    %dot_general3A_1241 = arith.constant dense<0.000000e+00> : vector<512x128xf32>
    %dot_general3A_1242 = tpu.matmul %bitcast_convert_type3A_1174, %get3A_1240, %dot_general3A_1241 {dimension_numbers = #tpu.dot_dimension_numbers<[1], [0], [0], [1], [0, 0, 1, 1], [], []>, transpose_lhs_hint = false} : vector<512x128xf32>, vector<128x128xbf16>, vector<512x128xf32> -> vector<512x128xf32>
    %get3A_1243 = arith.constant 1 : index
    %get3A_1244 = arith.constant 0 : index
    %get3A_1245 = arith.constant 0 : index
    %get3A_1246 = vector.load %arg99[%get3A_1243, %get3A_1244, %get3A_1245] : memref<2x128x128xbf16, #tpu.memory_space<vmem>>, vector<1x8x128xbf16>
    %get3A_1247 = vector.shape_cast %get3A_1246 : vector<1x8x128xbf16> to vector<8x128xbf16>
    %dot_general3A_1248 = arith.constant dense<0.000000e+00> : vector<512x128xf32>
    %dot_general3A_1249 = tpu.matmul %bitcast_convert_type3A_1179, %get3A_1247, %dot_general3A_1248 {dimension_numbers = #tpu.dot_dimension_numbers<[1], [0], [0], [1], [0, 0, 1, 1], [], []>, transpose_lhs_hint = false} : vector<512x8xf32>, vector<8x128xbf16>, vector<512x128xf32> -> vector<512x128xf32>
    %add3A_1250 = arith.addf %dot_general3A_1242, %dot_general3A_1249 : vector<512x128xf32>
    %get3A_1251 = arith.constant 0 : index
    %get3A_1252 = vector.load %arg100[%get3A_1251] : memref<128xf32, #tpu.memory_space<vmem>>, vector<128xf32>
    %broadcast_in_dim3A_1253 = vector.shape_cast %get3A_1252 : vector<128xf32> to vector<1x128xf32>
    %add3A_1254 = vector.broadcast %broadcast_in_dim3A_1253 : vector<1x128xf32> to vector<512x128xf32>
    %add3A_1255 = arith.addf %add3A_1250, %add3A_1254 : vector<512x128xf32>
    %tanh3A_1256 = math.tanh %add3A_1255 : vector<512x128xf32>
    %convert_element_type3A_1257 = arith.truncf %tanh3A_1256 : vector<512x128xf32> to vector<512x128xbf16>
    %get3A_1258 = arith.constant 0 : index
    %get3A_1259 = arith.constant 0 : index
    %get3A_1260 = vector.load %arg101[%get3A_1258, %get3A_1259] : memref<128x128xbf16, #tpu.memory_space<vmem>>, vector<128x128xbf16>
    %dot_general3A_1261 = arith.constant dense<0.000000e+00> : vector<512x128xf32>
    %dot_general3A_1262 = tpu.matmul %convert_element_type3A_1257, %get3A_1260, %dot_general3A_1261 {dimension_numbers = #tpu.dot_dimension_numbers<[1], [0], [0], [1], [0, 0, 1, 1], [], []>, transpose_lhs_hint = false} : vector<512x128xbf16>, vector<128x128xbf16>, vector<512x128xf32> -> vector<512x128xf32>
    %get3A_1263 = arith.constant 0 : index
    %get3A_1264 = vector.load %arg102[%get3A_1263] : memref<128xf32, #tpu.memory_space<vmem>>, vector<128xf32>
    %broadcast_in_dim3A_1265 = vector.shape_cast %get3A_1264 : vector<128xf32> to vector<1x128xf32>
    %add3A_1266 = vector.broadcast %broadcast_in_dim3A_1265 : vector<1x128xf32> to vector<512x128xf32>
    %add3A_1267 = arith.addf %dot_general3A_1262, %add3A_1266 : vector<512x128xf32>
    %tanh3A_1268 = math.tanh %add3A_1267 : vector<512x128xf32>
    %convert_element_type3A_1269 = arith.truncf %tanh3A_1268 : vector<512x128xf32> to vector<512x128xbf16>
    %get3A_1270 = arith.constant 0 : index
    %get3A_1271 = arith.constant 0 : index
    %get3A_1272 = vector.load %arg103[%get3A_1270, %get3A_1271] : memref<128x1xbf16, #tpu.memory_space<vmem>>, vector<128x1xbf16>
    %dot_general3A_1273 = arith.constant dense<0.000000e+00> : vector<512x1xf32>
    %dot_general3A_1274 = tpu.matmul %convert_element_type3A_1269, %get3A_1272, %dot_general3A_1273 {dimension_numbers = #tpu.dot_dimension_numbers<[1], [0], [0], [1], [0, 0, 1, 1], [], []>, transpose_lhs_hint = false} : vector<512x128xbf16>, vector<128x1xbf16>, vector<512x1xf32> -> vector<512x1xf32>
    %get3A_1275 = arith.constant 0 : index
    %get3A_1276 = vector.load %arg104[%get3A_1275] : memref<1xf32, #tpu.memory_space<vmem>>, vector<1xf32>
    %broadcast_in_dim3A_1277 = vector.shape_cast %get3A_1276 : vector<1xf32> to vector<1x1xf32>
    %add3A_1278 = vector.broadcast %broadcast_in_dim3A_1277 : vector<1x1xf32> to vector<512x1xf32>
    %add3A_1279 = arith.addf %dot_general3A_1274, %add3A_1278 : vector<512x1xf32>
    %broadcast_in_dim3A_1280 = arith.constant 0.000000e+00 : f32
    %broadcast_in_dim3A_1281 = vector.broadcast %broadcast_in_dim3A_1280 : f32 to vector<512x95xf32>
    %concatenate3A_1282 = tpu.concatenate %add3A_1235, %add3A_1279, %broadcast_in_dim3A_1281 in 1 : vector<512x32xf32>, vector<512x1xf32>, vector<512x95xf32> -> vector<512x128xf32>
    %swap3A_1283 = arith.constant 5120 : index
    %swap3A_1284 = arith.constant 0 : index
    %swap3A_1285 = vector.load %arg105[%swap3A_1283, %swap3A_1284] : memref<8192x128xf32, #tpu.memory_space<vmem>>, vector<512x128xf32>
    tpu.vector_store %arg105[%swap3A_1283, %swap3A_1284], %concatenate3A_1282 {strides = array<i32>} : memref<8192x128xf32, #tpu.memory_space<vmem>>, vector<512x128xf32>,
    %get3A_1286 = arith.constant 5632 : index
    %get3A_1287 = arith.constant 0 : index
    %get3A_1288 = vector.load %arg2[%get3A_1286, %get3A_1287] : memref<8192x128xi32, #tpu.memory_space<vmem>>, vector<512x128xi32>
    %shift_left3A_1289 = arith.constant 16 : i32
    %shift_left3A_1290 = vector.broadcast %shift_left3A_1289 : i32 to vector<512x128xi32>
    %shift_left3A_1291 = arith.shli %get3A_1288, %shift_left3A_1290 : vector<512x128xi32>
    %bitcast_convert_type3A_1292 = tpu.bitcast %shift_left3A_1291 : vector<512x128xi32> -> vector<512x128xf32>
    %slice3A_1293 = vector.extract_strided_slice %get3A_1288 {offsets = [0, 0], sizes = [512, 8], strides = [1, 1]} : vector<512x128xi32> to vector<512x8xi32>
    %and3A_1294 = arith.constant -65536 : i32
    %and3A_1295 = vector.broadcast %and3A_1294 : i32 to vector<512x8xi32>
    %and3A_1296 = arith.andi %slice3A_1293, %and3A_1295 : vector<512x8xi32>
    %bitcast_convert_type3A_1297 = tpu.bitcast %and3A_1296 : vector<512x8xi32> -> vector<512x8xf32>
    %get3A_1298 = arith.constant 0 : index
    %get3A_1299 = arith.constant 0 : index
    %get3A_1300 = arith.constant 0 : index
    %get3A_1301 = arith.constant 0 : index
    %get3A_1302 = vector.load %arg69[%get3A_1298, %get3A_1299, %get3A_1300, %get3A_1301] : memref<1x2x128x128xbf16, #tpu.memory_space<vmem>>, vector<1x1x128x128xbf16>
    %get3A_1303 = vector.shape_cast %get3A_1302 : vector<1x1x128x128xbf16> to vector<128x128xbf16>
    %dot_general3A_1304 = arith.constant dense<0.000000e+00> : vector<512x128xf32>
    %dot_general3A_1305 = tpu.matmul %bitcast_convert_type3A_1292, %get3A_1303, %dot_general3A_1304 {dimension_numbers = #tpu.dot_dimension_numbers<[1], [0], [0], [1], [0, 0, 1, 1], [], []>, transpose_lhs_hint = false} : vector<512x128xf32>, vector<128x128xbf16>, vector<512x128xf32> -> vector<512x128xf32>
    %get3A_1306 = arith.constant 0 : index
    %get3A_1307 = arith.constant 1 : index
    %get3A_1308 = arith.constant 0 : index
    %get3A_1309 = arith.constant 0 : index
    %get3A_1310 = vector.load %arg69[%get3A_1306, %get3A_1307, %get3A_1308, %get3A_1309] : memref<1x2x128x128xbf16, #tpu.memory_space<vmem>>, vector<1x1x8x128xbf16>
    %get3A_1311 = vector.shape_cast %get3A_1310 : vector<1x1x8x128xbf16> to vector<8x128xbf16>
    %dot_general3A_1312 = arith.constant dense<0.000000e+00> : vector<512x128xf32>
    %dot_general3A_1313 = tpu.matmul %bitcast_convert_type3A_1297, %get3A_1311, %dot_general3A_1312 {dimension_numbers = #tpu.dot_dimension_numbers<[1], [0], [0], [1], [0, 0, 1, 1], [], []>, transpose_lhs_hint = false} : vector<512x8xf32>, vector<8x128xbf16>, vector<512x128xf32> -> vector<512x128xf32>
    %add3A_1314 = arith.addf %dot_general3A_1305, %dot_general3A_1313 : vector<512x128xf32>
    %get3A_1315 = arith.constant 0 : index
    %get3A_1316 = arith.constant 0 : index
    %get3A_1317 = arith.constant 0 : index
    %get3A_1318 = vector.load %arg70[%get3A_1315, %get3A_1316, %get3A_1317] : memref<1x1x128xf32, #tpu.memory_space<vmem>>, vector<1x1x128xf32>
    %get3A_1319 = vector.shape_cast %get3A_1318 : vector<1x1x128xf32> to vector<1x128xf32>
    %add3A_1320 = vector.broadcast %get3A_1319 : vector<1x128xf32> to vector<512x128xf32>
    %add3A_1321 = arith.addf %add3A_1314, %add3A_1320 : vector<512x128xf32>
    %tanh3A_1322 = math.tanh %add3A_1321 : vector<512x128xf32>
    %convert_element_type3A_1323 = arith.truncf %tanh3A_1322 : vector<512x128xf32> to vector<512x128xbf16>
    %get3A_1324 = arith.constant 0 : index
    %get3A_1325 = arith.constant 0 : index
    %get3A_1326 = arith.constant 0 : index
    %get3A_1327 = vector.load %arg71[%get3A_1324, %get3A_1325, %get3A_1326] : memref<1x128x128xbf16, #tpu.memory_space<vmem>>, vector<1x128x128xbf16>
    %get3A_1328 = vector.shape_cast %get3A_1327 : vector<1x128x128xbf16> to vector<128x128xbf16>
    %dot_general3A_1329 = arith.constant dense<0.000000e+00> : vector<512x128xf32>
    %dot_general3A_1330 = tpu.matmul %convert_element_type3A_1323, %get3A_1328, %dot_general3A_1329 {dimension_numbers = #tpu.dot_dimension_numbers<[1], [0], [0], [1], [0, 0, 1, 1], [], []>, transpose_lhs_hint = false} : vector<512x128xbf16>, vector<128x128xbf16>, vector<512x128xf32> -> vector<512x128xf32>
    %get3A_1331 = arith.constant 0 : index
    %get3A_1332 = arith.constant 0 : index
    %get3A_1333 = arith.constant 0 : index
    %get3A_1334 = vector.load %arg72[%get3A_1331, %get3A_1332, %get3A_1333] : memref<1x1x128xf32, #tpu.memory_space<vmem>>, vector<1x1x128xf32>
    %get3A_1335 = vector.shape_cast %get3A_1334 : vector<1x1x128xf32> to vector<1x128xf32>
    %add3A_1336 = vector.broadcast %get3A_1335 : vector<1x128xf32> to vector<512x128xf32>
    %add3A_1337 = arith.addf %dot_general3A_1330, %add3A_1336 : vector<512x128xf32>
    %tanh3A_1338 = math.tanh %add3A_1337 : vector<512x128xf32>
    %convert_element_type3A_1339 = arith.truncf %tanh3A_1338 : vector<512x128xf32> to vector<512x128xbf16>
    %get3A_1340 = arith.constant 0 : index
    %get3A_1341 = arith.constant 0 : index
    %get3A_1342 = arith.constant 0 : index
    %get3A_1343 = vector.load %arg73[%get3A_1340, %get3A_1341, %get3A_1342] : memref<1x128x32xbf16, #tpu.memory_space<vmem>>, vector<1x128x32xbf16>
    %get3A_1344 = vector.shape_cast %get3A_1343 : vector<1x128x32xbf16> to vector<128x32xbf16>
    %dot_general3A_1345 = arith.constant dense<0.000000e+00> : vector<512x32xf32>
    %dot_general3A_1346 = tpu.matmul %convert_element_type3A_1339, %get3A_1344, %dot_general3A_1345 {dimension_numbers = #tpu.dot_dimension_numbers<[1], [0], [0], [1], [0, 0, 1, 1], [], []>, transpose_lhs_hint = false} : vector<512x128xbf16>, vector<128x32xbf16>, vector<512x32xf32> -> vector<512x32xf32>
    %get3A_1347 = arith.constant 0 : index
    %get3A_1348 = arith.constant 0 : index
    %get3A_1349 = arith.constant 0 : index
    %get3A_1350 = vector.load %arg74[%get3A_1347, %get3A_1348, %get3A_1349] : memref<1x1x32xf32, #tpu.memory_space<vmem>>, vector<1x1x32xf32>
    %get3A_1351 = vector.shape_cast %get3A_1350 : vector<1x1x32xf32> to vector<1x32xf32>
    %add3A_1352 = vector.broadcast %get3A_1351 : vector<1x32xf32> to vector<512x32xf32>
    %add3A_1353 = arith.addf %dot_general3A_1346, %add3A_1352 : vector<512x32xf32>
    %get3A_1354 = arith.constant 0 : index
    %get3A_1355 = arith.constant 0 : index
    %get3A_1356 = arith.constant 0 : index
    %get3A_1357 = vector.load %arg99[%get3A_1354, %get3A_1355, %get3A_1356] : memref<2x128x128xbf16, #tpu.memory_space<vmem>>, vector<1x128x128xbf16>
    %get3A_1358 = vector.shape_cast %get3A_1357 : vector<1x128x128xbf16> to vector<128x128xbf16>
    %dot_general3A_1359 = arith.constant dense<0.000000e+00> : vector<512x128xf32>
    %dot_general3A_1360 = tpu.matmul %bitcast_convert_type3A_1292, %get3A_1358, %dot_general3A_1359 {dimension_numbers = #tpu.dot_dimension_numbers<[1], [0], [0], [1], [0, 0, 1, 1], [], []>, transpose_lhs_hint = false} : vector<512x128xf32>, vector<128x128xbf16>, vector<512x128xf32> -> vector<512x128xf32>
    %get3A_1361 = arith.constant 1 : index
    %get3A_1362 = arith.constant 0 : index
    %get3A_1363 = arith.constant 0 : index
    %get3A_1364 = vector.load %arg99[%get3A_1361, %get3A_1362, %get3A_1363] : memref<2x128x128xbf16, #tpu.memory_space<vmem>>, vector<1x8x128xbf16>
    %get3A_1365 = vector.shape_cast %get3A_1364 : vector<1x8x128xbf16> to vector<8x128xbf16>
    %dot_general3A_1366 = arith.constant dense<0.000000e+00> : vector<512x128xf32>
    %dot_general3A_1367 = tpu.matmul %bitcast_convert_type3A_1297, %get3A_1365, %dot_general3A_1366 {dimension_numbers = #tpu.dot_dimension_numbers<[1], [0], [0], [1], [0, 0, 1, 1], [], []>, transpose_lhs_hint = false} : vector<512x8xf32>, vector<8x128xbf16>, vector<512x128xf32> -> vector<512x128xf32>
    %add3A_1368 = arith.addf %dot_general3A_1360, %dot_general3A_1367 : vector<512x128xf32>
    %get3A_1369 = arith.constant 0 : index
    %get3A_1370 = vector.load %arg100[%get3A_1369] : memref<128xf32, #tpu.memory_space<vmem>>, vector<128xf32>
    %broadcast_in_dim3A_1371 = vector.shape_cast %get3A_1370 : vector<128xf32> to vector<1x128xf32>
    %add3A_1372 = vector.broadcast %broadcast_in_dim3A_1371 : vector<1x128xf32> to vector<512x128xf32>
    %add3A_1373 = arith.addf %add3A_1368, %add3A_1372 : vector<512x128xf32>
    %tanh3A_1374 = math.tanh %add3A_1373 : vector<512x128xf32>
    %convert_element_type3A_1375 = arith.truncf %tanh3A_1374 : vector<512x128xf32> to vector<512x128xbf16>
    %get3A_1376 = arith.constant 0 : index
    %get3A_1377 = arith.constant 0 : index
    %get3A_1378 = vector.load %arg101[%get3A_1376, %get3A_1377] : memref<128x128xbf16, #tpu.memory_space<vmem>>, vector<128x128xbf16>
    %dot_general3A_1379 = arith.constant dense<0.000000e+00> : vector<512x128xf32>
    %dot_general3A_1380 = tpu.matmul %convert_element_type3A_1375, %get3A_1378, %dot_general3A_1379 {dimension_numbers = #tpu.dot_dimension_numbers<[1], [0], [0], [1], [0, 0, 1, 1], [], []>, transpose_lhs_hint = false} : vector<512x128xbf16>, vector<128x128xbf16>, vector<512x128xf32> -> vector<512x128xf32>
    %get3A_1381 = arith.constant 0 : index
    %get3A_1382 = vector.load %arg102[%get3A_1381] : memref<128xf32, #tpu.memory_space<vmem>>, vector<128xf32>
    %broadcast_in_dim3A_1383 = vector.shape_cast %get3A_1382 : vector<128xf32> to vector<1x128xf32>
    %add3A_1384 = vector.broadcast %broadcast_in_dim3A_1383 : vector<1x128xf32> to vector<512x128xf32>
    %add3A_1385 = arith.addf %dot_general3A_1380, %add3A_1384 : vector<512x128xf32>
    %tanh3A_1386 = math.tanh %add3A_1385 : vector<512x128xf32>
    %convert_element_type3A_1387 = arith.truncf %tanh3A_1386 : vector<512x128xf32> to vector<512x128xbf16>
    %get3A_1388 = arith.constant 0 : index
    %get3A_1389 = arith.constant 0 : index
    %get3A_1390 = vector.load %arg103[%get3A_1388, %get3A_1389] : memref<128x1xbf16, #tpu.memory_space<vmem>>, vector<128x1xbf16>
    %dot_general3A_1391 = arith.constant dense<0.000000e+00> : vector<512x1xf32>
    %dot_general3A_1392 = tpu.matmul %convert_element_type3A_1387, %get3A_1390, %dot_general3A_1391 {dimension_numbers = #tpu.dot_dimension_numbers<[1], [0], [0], [1], [0, 0, 1, 1], [], []>, transpose_lhs_hint = false} : vector<512x128xbf16>, vector<128x1xbf16>, vector<512x1xf32> -> vector<512x1xf32>
    %get3A_1393 = arith.constant 0 : index
    %get3A_1394 = vector.load %arg104[%get3A_1393] : memref<1xf32, #tpu.memory_space<vmem>>, vector<1xf32>
    %broadcast_in_dim3A_1395 = vector.shape_cast %get3A_1394 : vector<1xf32> to vector<1x1xf32>
    %add3A_1396 = vector.broadcast %broadcast_in_dim3A_1395 : vector<1x1xf32> to vector<512x1xf32>
    %add3A_1397 = arith.addf %dot_general3A_1392, %add3A_1396 : vector<512x1xf32>
    %broadcast_in_dim3A_1398 = arith.constant 0.000000e+00 : f32
    %broadcast_in_dim3A_1399 = vector.broadcast %broadcast_in_dim3A_1398 : f32 to vector<512x95xf32>
    %concatenate3A_1400 = tpu.concatenate %add3A_1353, %add3A_1397, %broadcast_in_dim3A_1399 in 1 : vector<512x32xf32>, vector<512x1xf32>, vector<512x95xf32> -> vector<512x128xf32>
    %swap3A_1401 = arith.constant 5632 : index
    %swap3A_1402 = arith.constant 0 : index
    %swap3A_1403 = vector.load %arg105[%swap3A_1401, %swap3A_1402] : memref<8192x128xf32, #tpu.memory_space<vmem>>, vector<512x128xf32>
    tpu.vector_store %arg105[%swap3A_1401, %swap3A_1402], %concatenate3A_1400 {strides = array<i32>} : memref<8192x128xf32, #tpu.memory_space<vmem>>, vector<512x128xf32>,
    %get3A_1404 = arith.constant 6144 : index
    %get3A_1405 = arith.constant 0 : index
    %get3A_1406 = vector.load %arg2[%get3A_1404, %get3A_1405] : memref<8192x128xi32, #tpu.memory_space<vmem>>, vector<512x128xi32>
    %shift_left3A_1407 = arith.constant 16 : i32
    %shift_left3A_1408 = vector.broadcast %shift_left3A_1407 : i32 to vector<512x128xi32>
    %shift_left3A_1409 = arith.shli %get3A_1406, %shift_left3A_1408 : vector<512x128xi32>
    %bitcast_convert_type3A_1410 = tpu.bitcast %shift_left3A_1409 : vector<512x128xi32> -> vector<512x128xf32>
    %slice3A_1411 = vector.extract_strided_slice %get3A_1406 {offsets = [0, 0], sizes = [512, 8], strides = [1, 1]} : vector<512x128xi32> to vector<512x8xi32>
    %and3A_1412 = arith.constant -65536 : i32
    %and3A_1413 = vector.broadcast %and3A_1412 : i32 to vector<512x8xi32>
    %and3A_1414 = arith.andi %slice3A_1411, %and3A_1413 : vector<512x8xi32>
    %bitcast_convert_type3A_1415 = tpu.bitcast %and3A_1414 : vector<512x8xi32> -> vector<512x8xf32>
    %get3A_1416 = arith.constant 0 : index
    %get3A_1417 = arith.constant 0 : index
    %get3A_1418 = arith.constant 0 : index
    %get3A_1419 = arith.constant 0 : index
    %get3A_1420 = vector.load %arg75[%get3A_1416, %get3A_1417, %get3A_1418, %get3A_1419] : memref<1x2x128x128xbf16, #tpu.memory_space<vmem>>, vector<1x1x128x128xbf16>
    %get3A_1421 = vector.shape_cast %get3A_1420 : vector<1x1x128x128xbf16> to vector<128x128xbf16>
    %dot_general3A_1422 = arith.constant dense<0.000000e+00> : vector<512x128xf32>
    %dot_general3A_1423 = tpu.matmul %bitcast_convert_type3A_1410, %get3A_1421, %dot_general3A_1422 {dimension_numbers = #tpu.dot_dimension_numbers<[1], [0], [0], [1], [0, 0, 1, 1], [], []>, transpose_lhs_hint = false} : vector<512x128xf32>, vector<128x128xbf16>, vector<512x128xf32> -> vector<512x128xf32>
    %get3A_1424 = arith.constant 0 : index
    %get3A_1425 = arith.constant 1 : index
    %get3A_1426 = arith.constant 0 : index
    %get3A_1427 = arith.constant 0 : index
    %get3A_1428 = vector.load %arg75[%get3A_1424, %get3A_1425, %get3A_1426, %get3A_1427] : memref<1x2x128x128xbf16, #tpu.memory_space<vmem>>, vector<1x1x8x128xbf16>
    %get3A_1429 = vector.shape_cast %get3A_1428 : vector<1x1x8x128xbf16> to vector<8x128xbf16>
    %dot_general3A_1430 = arith.constant dense<0.000000e+00> : vector<512x128xf32>
    %dot_general3A_1431 = tpu.matmul %bitcast_convert_type3A_1415, %get3A_1429, %dot_general3A_1430 {dimension_numbers = #tpu.dot_dimension_numbers<[1], [0], [0], [1], [0, 0, 1, 1], [], []>, transpose_lhs_hint = false} : vector<512x8xf32>, vector<8x128xbf16>, vector<512x128xf32> -> vector<512x128xf32>
    %add3A_1432 = arith.addf %dot_general3A_1423, %dot_general3A_1431 : vector<512x128xf32>
    %get3A_1433 = arith.constant 0 : index
    %get3A_1434 = arith.constant 0 : index
    %get3A_1435 = arith.constant 0 : index
    %get3A_1436 = vector.load %arg76[%get3A_1433, %get3A_1434, %get3A_1435] : memref<1x1x128xf32, #tpu.memory_space<vmem>>, vector<1x1x128xf32>
    %get3A_1437 = vector.shape_cast %get3A_1436 : vector<1x1x128xf32> to vector<1x128xf32>
    %add3A_1438 = vector.broadcast %get3A_1437 : vector<1x128xf32> to vector<512x128xf32>
    %add3A_1439 = arith.addf %add3A_1432, %add3A_1438 : vector<512x128xf32>
    %tanh3A_1440 = math.tanh %add3A_1439 : vector<512x128xf32>
    %convert_element_type3A_1441 = arith.truncf %tanh3A_1440 : vector<512x128xf32> to vector<512x128xbf16>
    %get3A_1442 = arith.constant 0 : index
    %get3A_1443 = arith.constant 0 : index
    %get3A_1444 = arith.constant 0 : index
    %get3A_1445 = vector.load %arg77[%get3A_1442, %get3A_1443, %get3A_1444] : memref<1x128x128xbf16, #tpu.memory_space<vmem>>, vector<1x128x128xbf16>
    %get3A_1446 = vector.shape_cast %get3A_1445 : vector<1x128x128xbf16> to vector<128x128xbf16>
    %dot_general3A_1447 = arith.constant dense<0.000000e+00> : vector<512x128xf32>
    %dot_general3A_1448 = tpu.matmul %convert_element_type3A_1441, %get3A_1446, %dot_general3A_1447 {dimension_numbers = #tpu.dot_dimension_numbers<[1], [0], [0], [1], [0, 0, 1, 1], [], []>, transpose_lhs_hint = false} : vector<512x128xbf16>, vector<128x128xbf16>, vector<512x128xf32> -> vector<512x128xf32>
    %get3A_1449 = arith.constant 0 : index
    %get3A_1450 = arith.constant 0 : index
    %get3A_1451 = arith.constant 0 : index
    %get3A_1452 = vector.load %arg78[%get3A_1449, %get3A_1450, %get3A_1451] : memref<1x1x128xf32, #tpu.memory_space<vmem>>, vector<1x1x128xf32>
    %get3A_1453 = vector.shape_cast %get3A_1452 : vector<1x1x128xf32> to vector<1x128xf32>
    %add3A_1454 = vector.broadcast %get3A_1453 : vector<1x128xf32> to vector<512x128xf32>
    %add3A_1455 = arith.addf %dot_general3A_1448, %add3A_1454 : vector<512x128xf32>
    %tanh3A_1456 = math.tanh %add3A_1455 : vector<512x128xf32>
    %convert_element_type3A_1457 = arith.truncf %tanh3A_1456 : vector<512x128xf32> to vector<512x128xbf16>
    %get3A_1458 = arith.constant 0 : index
    %get3A_1459 = arith.constant 0 : index
    %get3A_1460 = arith.constant 0 : index
    %get3A_1461 = vector.load %arg79[%get3A_1458, %get3A_1459, %get3A_1460] : memref<1x128x32xbf16, #tpu.memory_space<vmem>>, vector<1x128x32xbf16>
    %get3A_1462 = vector.shape_cast %get3A_1461 : vector<1x128x32xbf16> to vector<128x32xbf16>
    %dot_general3A_1463 = arith.constant dense<0.000000e+00> : vector<512x32xf32>
    %dot_general3A_1464 = tpu.matmul %convert_element_type3A_1457, %get3A_1462, %dot_general3A_1463 {dimension_numbers = #tpu.dot_dimension_numbers<[1], [0], [0], [1], [0, 0, 1, 1], [], []>, transpose_lhs_hint = false} : vector<512x128xbf16>, vector<128x32xbf16>, vector<512x32xf32> -> vector<512x32xf32>
    %get3A_1465 = arith.constant 0 : index
    %get3A_1466 = arith.constant 0 : index
    %get3A_1467 = arith.constant 0 : index
    %get3A_1468 = vector.load %arg80[%get3A_1465, %get3A_1466, %get3A_1467] : memref<1x1x32xf32, #tpu.memory_space<vmem>>, vector<1x1x32xf32>
    %get3A_1469 = vector.shape_cast %get3A_1468 : vector<1x1x32xf32> to vector<1x32xf32>
    %add3A_1470 = vector.broadcast %get3A_1469 : vector<1x32xf32> to vector<512x32xf32>
    %add3A_1471 = arith.addf %dot_general3A_1464, %add3A_1470 : vector<512x32xf32>
    %get3A_1472 = arith.constant 0 : index
    %get3A_1473 = arith.constant 0 : index
    %get3A_1474 = arith.constant 0 : index
    %get3A_1475 = vector.load %arg99[%get3A_1472, %get3A_1473, %get3A_1474] : memref<2x128x128xbf16, #tpu.memory_space<vmem>>, vector<1x128x128xbf16>
    %get3A_1476 = vector.shape_cast %get3A_1475 : vector<1x128x128xbf16> to vector<128x128xbf16>
    %dot_general3A_1477 = arith.constant dense<0.000000e+00> : vector<512x128xf32>
    %dot_general3A_1478 = tpu.matmul %bitcast_convert_type3A_1410, %get3A_1476, %dot_general3A_1477 {dimension_numbers = #tpu.dot_dimension_numbers<[1], [0], [0], [1], [0, 0, 1, 1], [], []>, transpose_lhs_hint = false} : vector<512x128xf32>, vector<128x128xbf16>, vector<512x128xf32> -> vector<512x128xf32>
    %get3A_1479 = arith.constant 1 : index
    %get3A_1480 = arith.constant 0 : index
    %get3A_1481 = arith.constant 0 : index
    %get3A_1482 = vector.load %arg99[%get3A_1479, %get3A_1480, %get3A_1481] : memref<2x128x128xbf16, #tpu.memory_space<vmem>>, vector<1x8x128xbf16>
    %get3A_1483 = vector.shape_cast %get3A_1482 : vector<1x8x128xbf16> to vector<8x128xbf16>
    %dot_general3A_1484 = arith.constant dense<0.000000e+00> : vector<512x128xf32>
    %dot_general3A_1485 = tpu.matmul %bitcast_convert_type3A_1415, %get3A_1483, %dot_general3A_1484 {dimension_numbers = #tpu.dot_dimension_numbers<[1], [0], [0], [1], [0, 0, 1, 1], [], []>, transpose_lhs_hint = false} : vector<512x8xf32>, vector<8x128xbf16>, vector<512x128xf32> -> vector<512x128xf32>
    %add3A_1486 = arith.addf %dot_general3A_1478, %dot_general3A_1485 : vector<512x128xf32>
    %get3A_1487 = arith.constant 0 : index
    %get3A_1488 = vector.load %arg100[%get3A_1487] : memref<128xf32, #tpu.memory_space<vmem>>, vector<128xf32>
    %broadcast_in_dim3A_1489 = vector.shape_cast %get3A_1488 : vector<128xf32> to vector<1x128xf32>
    %add3A_1490 = vector.broadcast %broadcast_in_dim3A_1489 : vector<1x128xf32> to vector<512x128xf32>
    %add3A_1491 = arith.addf %add3A_1486, %add3A_1490 : vector<512x128xf32>
    %tanh3A_1492 = math.tanh %add3A_1491 : vector<512x128xf32>
    %convert_element_type3A_1493 = arith.truncf %tanh3A_1492 : vector<512x128xf32> to vector<512x128xbf16>
    %get3A_1494 = arith.constant 0 : index
    %get3A_1495 = arith.constant 0 : index
    %get3A_1496 = vector.load %arg101[%get3A_1494, %get3A_1495] : memref<128x128xbf16, #tpu.memory_space<vmem>>, vector<128x128xbf16>
    %dot_general3A_1497 = arith.constant dense<0.000000e+00> : vector<512x128xf32>
    %dot_general3A_1498 = tpu.matmul %convert_element_type3A_1493, %get3A_1496, %dot_general3A_1497 {dimension_numbers = #tpu.dot_dimension_numbers<[1], [0], [0], [1], [0, 0, 1, 1], [], []>, transpose_lhs_hint = false} : vector<512x128xbf16>, vector<128x128xbf16>, vector<512x128xf32> -> vector<512x128xf32>
    %get3A_1499 = arith.constant 0 : index
    %get3A_1500 = vector.load %arg102[%get3A_1499] : memref<128xf32, #tpu.memory_space<vmem>>, vector<128xf32>
    %broadcast_in_dim3A_1501 = vector.shape_cast %get3A_1500 : vector<128xf32> to vector<1x128xf32>
    %add3A_1502 = vector.broadcast %broadcast_in_dim3A_1501 : vector<1x128xf32> to vector<512x128xf32>
    %add3A_1503 = arith.addf %dot_general3A_1498, %add3A_1502 : vector<512x128xf32>
    %tanh3A_1504 = math.tanh %add3A_1503 : vector<512x128xf32>
    %convert_element_type3A_1505 = arith.truncf %tanh3A_1504 : vector<512x128xf32> to vector<512x128xbf16>
    %get3A_1506 = arith.constant 0 : index
    %get3A_1507 = arith.constant 0 : index
    %get3A_1508 = vector.load %arg103[%get3A_1506, %get3A_1507] : memref<128x1xbf16, #tpu.memory_space<vmem>>, vector<128x1xbf16>
    %dot_general3A_1509 = arith.constant dense<0.000000e+00> : vector<512x1xf32>
    %dot_general3A_1510 = tpu.matmul %convert_element_type3A_1505, %get3A_1508, %dot_general3A_1509 {dimension_numbers = #tpu.dot_dimension_numbers<[1], [0], [0], [1], [0, 0, 1, 1], [], []>, transpose_lhs_hint = false} : vector<512x128xbf16>, vector<128x1xbf16>, vector<512x1xf32> -> vector<512x1xf32>
    %get3A_1511 = arith.constant 0 : index
    %get3A_1512 = vector.load %arg104[%get3A_1511] : memref<1xf32, #tpu.memory_space<vmem>>, vector<1xf32>
    %broadcast_in_dim3A_1513 = vector.shape_cast %get3A_1512 : vector<1xf32> to vector<1x1xf32>
    %add3A_1514 = vector.broadcast %broadcast_in_dim3A_1513 : vector<1x1xf32> to vector<512x1xf32>
    %add3A_1515 = arith.addf %dot_general3A_1510, %add3A_1514 : vector<512x1xf32>
    %broadcast_in_dim3A_1516 = arith.constant 0.000000e+00 : f32
    %broadcast_in_dim3A_1517 = vector.broadcast %broadcast_in_dim3A_1516 : f32 to vector<512x95xf32>
    %concatenate3A_1518 = tpu.concatenate %add3A_1471, %add3A_1515, %broadcast_in_dim3A_1517 in 1 : vector<512x32xf32>, vector<512x1xf32>, vector<512x95xf32> -> vector<512x128xf32>
    %swap3A_1519 = arith.constant 6144 : index
    %swap3A_1520 = arith.constant 0 : index
    %swap3A_1521 = vector.load %arg105[%swap3A_1519, %swap3A_1520] : memref<8192x128xf32, #tpu.memory_space<vmem>>, vector<512x128xf32>
    tpu.vector_store %arg105[%swap3A_1519, %swap3A_1520], %concatenate3A_1518 {strides = array<i32>} : memref<8192x128xf32, #tpu.memory_space<vmem>>, vector<512x128xf32>,
    %get3A_1522 = arith.constant 6656 : index
    %get3A_1523 = arith.constant 0 : index
    %get3A_1524 = vector.load %arg2[%get3A_1522, %get3A_1523] : memref<8192x128xi32, #tpu.memory_space<vmem>>, vector<512x128xi32>
    %shift_left3A_1525 = arith.constant 16 : i32
    %shift_left3A_1526 = vector.broadcast %shift_left3A_1525 : i32 to vector<512x128xi32>
    %shift_left3A_1527 = arith.shli %get3A_1524, %shift_left3A_1526 : vector<512x128xi32>
    %bitcast_convert_type3A_1528 = tpu.bitcast %shift_left3A_1527 : vector<512x128xi32> -> vector<512x128xf32>
    %slice3A_1529 = vector.extract_strided_slice %get3A_1524 {offsets = [0, 0], sizes = [512, 8], strides = [1, 1]} : vector<512x128xi32> to vector<512x8xi32>
    %and3A_1530 = arith.constant -65536 : i32
    %and3A_1531 = vector.broadcast %and3A_1530 : i32 to vector<512x8xi32>
    %and3A_1532 = arith.andi %slice3A_1529, %and3A_1531 : vector<512x8xi32>
    %bitcast_convert_type3A_1533 = tpu.bitcast %and3A_1532 : vector<512x8xi32> -> vector<512x8xf32>
    %get3A_1534 = arith.constant 0 : index
    %get3A_1535 = arith.constant 0 : index
    %get3A_1536 = arith.constant 0 : index
    %get3A_1537 = arith.constant 0 : index
    %get3A_1538 = vector.load %arg81[%get3A_1534, %get3A_1535, %get3A_1536, %get3A_1537] : memref<1x2x128x128xbf16, #tpu.memory_space<vmem>>, vector<1x1x128x128xbf16>
    %get3A_1539 = vector.shape_cast %get3A_1538 : vector<1x1x128x128xbf16> to vector<128x128xbf16>
    %dot_general3A_1540 = arith.constant dense<0.000000e+00> : vector<512x128xf32>
    %dot_general3A_1541 = tpu.matmul %bitcast_convert_type3A_1528, %get3A_1539, %dot_general3A_1540 {dimension_numbers = #tpu.dot_dimension_numbers<[1], [0], [0], [1], [0, 0, 1, 1], [], []>, transpose_lhs_hint = false} : vector<512x128xf32>, vector<128x128xbf16>, vector<512x128xf32> -> vector<512x128xf32>
    %get3A_1542 = arith.constant 0 : index
    %get3A_1543 = arith.constant 1 : index
    %get3A_1544 = arith.constant 0 : index
    %get3A_1545 = arith.constant 0 : index
    %get3A_1546 = vector.load %arg81[%get3A_1542, %get3A_1543, %get3A_1544, %get3A_1545] : memref<1x2x128x128xbf16, #tpu.memory_space<vmem>>, vector<1x1x8x128xbf16>
    %get3A_1547 = vector.shape_cast %get3A_1546 : vector<1x1x8x128xbf16> to vector<8x128xbf16>
    %dot_general3A_1548 = arith.constant dense<0.000000e+00> : vector<512x128xf32>
    %dot_general3A_1549 = tpu.matmul %bitcast_convert_type3A_1533, %get3A_1547, %dot_general3A_1548 {dimension_numbers = #tpu.dot_dimension_numbers<[1], [0], [0], [1], [0, 0, 1, 1], [], []>, transpose_lhs_hint = false} : vector<512x8xf32>, vector<8x128xbf16>, vector<512x128xf32> -> vector<512x128xf32>
    %add3A_1550 = arith.addf %dot_general3A_1541, %dot_general3A_1549 : vector<512x128xf32>
    %get3A_1551 = arith.constant 0 : index
    %get3A_1552 = arith.constant 0 : index
    %get3A_1553 = arith.constant 0 : index
    %get3A_1554 = vector.load %arg82[%get3A_1551, %get3A_1552, %get3A_1553] : memref<1x1x128xf32, #tpu.memory_space<vmem>>, vector<1x1x128xf32>
    %get3A_1555 = vector.shape_cast %get3A_1554 : vector<1x1x128xf32> to vector<1x128xf32>
    %add3A_1556 = vector.broadcast %get3A_1555 : vector<1x128xf32> to vector<512x128xf32>
    %add3A_1557 = arith.addf %add3A_1550, %add3A_1556 : vector<512x128xf32>
    %tanh3A_1558 = math.tanh %add3A_1557 : vector<512x128xf32>
    %convert_element_type3A_1559 = arith.truncf %tanh3A_1558 : vector<512x128xf32> to vector<512x128xbf16>
    %get3A_1560 = arith.constant 0 : index
    %get3A_1561 = arith.constant 0 : index
    %get3A_1562 = arith.constant 0 : index
    %get3A_1563 = vector.load %arg83[%get3A_1560, %get3A_1561, %get3A_1562] : memref<1x128x128xbf16, #tpu.memory_space<vmem>>, vector<1x128x128xbf16>
    %get3A_1564 = vector.shape_cast %get3A_1563 : vector<1x128x128xbf16> to vector<128x128xbf16>
    %dot_general3A_1565 = arith.constant dense<0.000000e+00> : vector<512x128xf32>
    %dot_general3A_1566 = tpu.matmul %convert_element_type3A_1559, %get3A_1564, %dot_general3A_1565 {dimension_numbers = #tpu.dot_dimension_numbers<[1], [0], [0], [1], [0, 0, 1, 1], [], []>, transpose_lhs_hint = false} : vector<512x128xbf16>, vector<128x128xbf16>, vector<512x128xf32> -> vector<512x128xf32>
    %get3A_1567 = arith.constant 0 : index
    %get3A_1568 = arith.constant 0 : index
    %get3A_1569 = arith.constant 0 : index
    %get3A_1570 = vector.load %arg84[%get3A_1567, %get3A_1568, %get3A_1569] : memref<1x1x128xf32, #tpu.memory_space<vmem>>, vector<1x1x128xf32>
    %get3A_1571 = vector.shape_cast %get3A_1570 : vector<1x1x128xf32> to vector<1x128xf32>
    %add3A_1572 = vector.broadcast %get3A_1571 : vector<1x128xf32> to vector<512x128xf32>
    %add3A_1573 = arith.addf %dot_general3A_1566, %add3A_1572 : vector<512x128xf32>
    %tanh3A_1574 = math.tanh %add3A_1573 : vector<512x128xf32>
    %convert_element_type3A_1575 = arith.truncf %tanh3A_1574 : vector<512x128xf32> to vector<512x128xbf16>
    %get3A_1576 = arith.constant 0 : index
    %get3A_1577 = arith.constant 0 : index
    %get3A_1578 = arith.constant 0 : index
    %get3A_1579 = vector.load %arg85[%get3A_1576, %get3A_1577, %get3A_1578] : memref<1x128x32xbf16, #tpu.memory_space<vmem>>, vector<1x128x32xbf16>
    %get3A_1580 = vector.shape_cast %get3A_1579 : vector<1x128x32xbf16> to vector<128x32xbf16>
    %dot_general3A_1581 = arith.constant dense<0.000000e+00> : vector<512x32xf32>
    %dot_general3A_1582 = tpu.matmul %convert_element_type3A_1575, %get3A_1580, %dot_general3A_1581 {dimension_numbers = #tpu.dot_dimension_numbers<[1], [0], [0], [1], [0, 0, 1, 1], [], []>, transpose_lhs_hint = false} : vector<512x128xbf16>, vector<128x32xbf16>, vector<512x32xf32> -> vector<512x32xf32>
    %get3A_1583 = arith.constant 0 : index
    %get3A_1584 = arith.constant 0 : index
    %get3A_1585 = arith.constant 0 : index
    %get3A_1586 = vector.load %arg86[%get3A_1583, %get3A_1584, %get3A_1585] : memref<1x1x32xf32, #tpu.memory_space<vmem>>, vector<1x1x32xf32>
    %get3A_1587 = vector.shape_cast %get3A_1586 : vector<1x1x32xf32> to vector<1x32xf32>
    %add3A_1588 = vector.broadcast %get3A_1587 : vector<1x32xf32> to vector<512x32xf32>
    %add3A_1589 = arith.addf %dot_general3A_1582, %add3A_1588 : vector<512x32xf32>
    %get3A_1590 = arith.constant 0 : index
    %get3A_1591 = arith.constant 0 : index
    %get3A_1592 = arith.constant 0 : index
    %get3A_1593 = vector.load %arg99[%get3A_1590, %get3A_1591, %get3A_1592] : memref<2x128x128xbf16, #tpu.memory_space<vmem>>, vector<1x128x128xbf16>
    %get3A_1594 = vector.shape_cast %get3A_1593 : vector<1x128x128xbf16> to vector<128x128xbf16>
    %dot_general3A_1595 = arith.constant dense<0.000000e+00> : vector<512x128xf32>
    %dot_general3A_1596 = tpu.matmul %bitcast_convert_type3A_1528, %get3A_1594, %dot_general3A_1595 {dimension_numbers = #tpu.dot_dimension_numbers<[1], [0], [0], [1], [0, 0, 1, 1], [], []>, transpose_lhs_hint = false} : vector<512x128xf32>, vector<128x128xbf16>, vector<512x128xf32> -> vector<512x128xf32>
    %get3A_1597 = arith.constant 1 : index
    %get3A_1598 = arith.constant 0 : index
    %get3A_1599 = arith.constant 0 : index
    %get3A_1600 = vector.load %arg99[%get3A_1597, %get3A_1598, %get3A_1599] : memref<2x128x128xbf16, #tpu.memory_space<vmem>>, vector<1x8x128xbf16>
    %get3A_1601 = vector.shape_cast %get3A_1600 : vector<1x8x128xbf16> to vector<8x128xbf16>
    %dot_general3A_1602 = arith.constant dense<0.000000e+00> : vector<512x128xf32>
    %dot_general3A_1603 = tpu.matmul %bitcast_convert_type3A_1533, %get3A_1601, %dot_general3A_1602 {dimension_numbers = #tpu.dot_dimension_numbers<[1], [0], [0], [1], [0, 0, 1, 1], [], []>, transpose_lhs_hint = false} : vector<512x8xf32>, vector<8x128xbf16>, vector<512x128xf32> -> vector<512x128xf32>
    %add3A_1604 = arith.addf %dot_general3A_1596, %dot_general3A_1603 : vector<512x128xf32>
    %get3A_1605 = arith.constant 0 : index
    %get3A_1606 = vector.load %arg100[%get3A_1605] : memref<128xf32, #tpu.memory_space<vmem>>, vector<128xf32>
    %broadcast_in_dim3A_1607 = vector.shape_cast %get3A_1606 : vector<128xf32> to vector<1x128xf32>
    %add3A_1608 = vector.broadcast %broadcast_in_dim3A_1607 : vector<1x128xf32> to vector<512x128xf32>
    %add3A_1609 = arith.addf %add3A_1604, %add3A_1608 : vector<512x128xf32>
    %tanh3A_1610 = math.tanh %add3A_1609 : vector<512x128xf32>
    %convert_element_type3A_1611 = arith.truncf %tanh3A_1610 : vector<512x128xf32> to vector<512x128xbf16>
    %get3A_1612 = arith.constant 0 : index
    %get3A_1613 = arith.constant 0 : index
    %get3A_1614 = vector.load %arg101[%get3A_1612, %get3A_1613] : memref<128x128xbf16, #tpu.memory_space<vmem>>, vector<128x128xbf16>
    %dot_general3A_1615 = arith.constant dense<0.000000e+00> : vector<512x128xf32>
    %dot_general3A_1616 = tpu.matmul %convert_element_type3A_1611, %get3A_1614, %dot_general3A_1615 {dimension_numbers = #tpu.dot_dimension_numbers<[1], [0], [0], [1], [0, 0, 1, 1], [], []>, transpose_lhs_hint = false} : vector<512x128xbf16>, vector<128x128xbf16>, vector<512x128xf32> -> vector<512x128xf32>
    %get3A_1617 = arith.constant 0 : index
    %get3A_1618 = vector.load %arg102[%get3A_1617] : memref<128xf32, #tpu.memory_space<vmem>>, vector<128xf32>
    %broadcast_in_dim3A_1619 = vector.shape_cast %get3A_1618 : vector<128xf32> to vector<1x128xf32>
    %add3A_1620 = vector.broadcast %broadcast_in_dim3A_1619 : vector<1x128xf32> to vector<512x128xf32>
    %add3A_1621 = arith.addf %dot_general3A_1616, %add3A_1620 : vector<512x128xf32>
    %tanh3A_1622 = math.tanh %add3A_1621 : vector<512x128xf32>
    %convert_element_type3A_1623 = arith.truncf %tanh3A_1622 : vector<512x128xf32> to vector<512x128xbf16>
    %get3A_1624 = arith.constant 0 : index
    %get3A_1625 = arith.constant 0 : index
    %get3A_1626 = vector.load %arg103[%get3A_1624, %get3A_1625] : memref<128x1xbf16, #tpu.memory_space<vmem>>, vector<128x1xbf16>
    %dot_general3A_1627 = arith.constant dense<0.000000e+00> : vector<512x1xf32>
    %dot_general3A_1628 = tpu.matmul %convert_element_type3A_1623, %get3A_1626, %dot_general3A_1627 {dimension_numbers = #tpu.dot_dimension_numbers<[1], [0], [0], [1], [0, 0, 1, 1], [], []>, transpose_lhs_hint = false} : vector<512x128xbf16>, vector<128x1xbf16>, vector<512x1xf32> -> vector<512x1xf32>
    %get3A_1629 = arith.constant 0 : index
    %get3A_1630 = vector.load %arg104[%get3A_1629] : memref<1xf32, #tpu.memory_space<vmem>>, vector<1xf32>
    %broadcast_in_dim3A_1631 = vector.shape_cast %get3A_1630 : vector<1xf32> to vector<1x1xf32>
    %add3A_1632 = vector.broadcast %broadcast_in_dim3A_1631 : vector<1x1xf32> to vector<512x1xf32>
    %add3A_1633 = arith.addf %dot_general3A_1628, %add3A_1632 : vector<512x1xf32>
    %broadcast_in_dim3A_1634 = arith.constant 0.000000e+00 : f32
    %broadcast_in_dim3A_1635 = vector.broadcast %broadcast_in_dim3A_1634 : f32 to vector<512x95xf32>
    %concatenate3A_1636 = tpu.concatenate %add3A_1589, %add3A_1633, %broadcast_in_dim3A_1635 in 1 : vector<512x32xf32>, vector<512x1xf32>, vector<512x95xf32> -> vector<512x128xf32>
    %swap3A_1637 = arith.constant 6656 : index
    %swap3A_1638 = arith.constant 0 : index
    %swap3A_1639 = vector.load %arg105[%swap3A_1637, %swap3A_1638] : memref<8192x128xf32, #tpu.memory_space<vmem>>, vector<512x128xf32>
    tpu.vector_store %arg105[%swap3A_1637, %swap3A_1638], %concatenate3A_1636 {strides = array<i32>} : memref<8192x128xf32, #tpu.memory_space<vmem>>, vector<512x128xf32>,
    %get3A_1640 = arith.constant 7168 : index
    %get3A_1641 = arith.constant 0 : index
    %get3A_1642 = vector.load %arg2[%get3A_1640, %get3A_1641] : memref<8192x128xi32, #tpu.memory_space<vmem>>, vector<512x128xi32>
    %shift_left3A_1643 = arith.constant 16 : i32
    %shift_left3A_1644 = vector.broadcast %shift_left3A_1643 : i32 to vector<512x128xi32>
    %shift_left3A_1645 = arith.shli %get3A_1642, %shift_left3A_1644 : vector<512x128xi32>
    %bitcast_convert_type3A_1646 = tpu.bitcast %shift_left3A_1645 : vector<512x128xi32> -> vector<512x128xf32>
    %slice3A_1647 = vector.extract_strided_slice %get3A_1642 {offsets = [0, 0], sizes = [512, 8], strides = [1, 1]} : vector<512x128xi32> to vector<512x8xi32>
    %and3A_1648 = arith.constant -65536 : i32
    %and3A_1649 = vector.broadcast %and3A_1648 : i32 to vector<512x8xi32>
    %and3A_1650 = arith.andi %slice3A_1647, %and3A_1649 : vector<512x8xi32>
    %bitcast_convert_type3A_1651 = tpu.bitcast %and3A_1650 : vector<512x8xi32> -> vector<512x8xf32>
    %get3A_1652 = arith.constant 0 : index
    %get3A_1653 = arith.constant 0 : index
    %get3A_1654 = arith.constant 0 : index
    %get3A_1655 = arith.constant 0 : index
    %get3A_1656 = vector.load %arg87[%get3A_1652, %get3A_1653, %get3A_1654, %get3A_1655] : memref<1x2x128x128xbf16, #tpu.memory_space<vmem>>, vector<1x1x128x128xbf16>
    %get3A_1657 = vector.shape_cast %get3A_1656 : vector<1x1x128x128xbf16> to vector<128x128xbf16>
    %dot_general3A_1658 = arith.constant dense<0.000000e+00> : vector<512x128xf32>
    %dot_general3A_1659 = tpu.matmul %bitcast_convert_type3A_1646, %get3A_1657, %dot_general3A_1658 {dimension_numbers = #tpu.dot_dimension_numbers<[1], [0], [0], [1], [0, 0, 1, 1], [], []>, transpose_lhs_hint = false} : vector<512x128xf32>, vector<128x128xbf16>, vector<512x128xf32> -> vector<512x128xf32>
    %get3A_1660 = arith.constant 0 : index
    %get3A_1661 = arith.constant 1 : index
    %get3A_1662 = arith.constant 0 : index
    %get3A_1663 = arith.constant 0 : index
    %get3A_1664 = vector.load %arg87[%get3A_1660, %get3A_1661, %get3A_1662, %get3A_1663] : memref<1x2x128x128xbf16, #tpu.memory_space<vmem>>, vector<1x1x8x128xbf16>
    %get3A_1665 = vector.shape_cast %get3A_1664 : vector<1x1x8x128xbf16> to vector<8x128xbf16>
    %dot_general3A_1666 = arith.constant dense<0.000000e+00> : vector<512x128xf32>
    %dot_general3A_1667 = tpu.matmul %bitcast_convert_type3A_1651, %get3A_1665, %dot_general3A_1666 {dimension_numbers = #tpu.dot_dimension_numbers<[1], [0], [0], [1], [0, 0, 1, 1], [], []>, transpose_lhs_hint = false} : vector<512x8xf32>, vector<8x128xbf16>, vector<512x128xf32> -> vector<512x128xf32>
    %add3A_1668 = arith.addf %dot_general3A_1659, %dot_general3A_1667 : vector<512x128xf32>
    %get3A_1669 = arith.constant 0 : index
    %get3A_1670 = arith.constant 0 : index
    %get3A_1671 = arith.constant 0 : index
    %get3A_1672 = vector.load %arg88[%get3A_1669, %get3A_1670, %get3A_1671] : memref<1x1x128xf32, #tpu.memory_space<vmem>>, vector<1x1x128xf32>
    %get3A_1673 = vector.shape_cast %get3A_1672 : vector<1x1x128xf32> to vector<1x128xf32>
    %add3A_1674 = vector.broadcast %get3A_1673 : vector<1x128xf32> to vector<512x128xf32>
    %add3A_1675 = arith.addf %add3A_1668, %add3A_1674 : vector<512x128xf32>
    %tanh3A_1676 = math.tanh %add3A_1675 : vector<512x128xf32>
    %convert_element_type3A_1677 = arith.truncf %tanh3A_1676 : vector<512x128xf32> to vector<512x128xbf16>
    %get3A_1678 = arith.constant 0 : index
    %get3A_1679 = arith.constant 0 : index
    %get3A_1680 = arith.constant 0 : index
    %get3A_1681 = vector.load %arg89[%get3A_1678, %get3A_1679, %get3A_1680] : memref<1x128x128xbf16, #tpu.memory_space<vmem>>, vector<1x128x128xbf16>
    %get3A_1682 = vector.shape_cast %get3A_1681 : vector<1x128x128xbf16> to vector<128x128xbf16>
    %dot_general3A_1683 = arith.constant dense<0.000000e+00> : vector<512x128xf32>
    %dot_general3A_1684 = tpu.matmul %convert_element_type3A_1677, %get3A_1682, %dot_general3A_1683 {dimension_numbers = #tpu.dot_dimension_numbers<[1], [0], [0], [1], [0, 0, 1, 1], [], []>, transpose_lhs_hint = false} : vector<512x128xbf16>, vector<128x128xbf16>, vector<512x128xf32> -> vector<512x128xf32>
    %get3A_1685 = arith.constant 0 : index
    %get3A_1686 = arith.constant 0 : index
    %get3A_1687 = arith.constant 0 : index
    %get3A_1688 = vector.load %arg90[%get3A_1685, %get3A_1686, %get3A_1687] : memref<1x1x128xf32, #tpu.memory_space<vmem>>, vector<1x1x128xf32>
    %get3A_1689 = vector.shape_cast %get3A_1688 : vector<1x1x128xf32> to vector<1x128xf32>
    %add3A_1690 = vector.broadcast %get3A_1689 : vector<1x128xf32> to vector<512x128xf32>
    %add3A_1691 = arith.addf %dot_general3A_1684, %add3A_1690 : vector<512x128xf32>
    %tanh3A_1692 = math.tanh %add3A_1691 : vector<512x128xf32>
    %convert_element_type3A_1693 = arith.truncf %tanh3A_1692 : vector<512x128xf32> to vector<512x128xbf16>
    %get3A_1694 = arith.constant 0 : index
    %get3A_1695 = arith.constant 0 : index
    %get3A_1696 = arith.constant 0 : index
    %get3A_1697 = vector.load %arg91[%get3A_1694, %get3A_1695, %get3A_1696] : memref<1x128x32xbf16, #tpu.memory_space<vmem>>, vector<1x128x32xbf16>
    %get3A_1698 = vector.shape_cast %get3A_1697 : vector<1x128x32xbf16> to vector<128x32xbf16>
    %dot_general3A_1699 = arith.constant dense<0.000000e+00> : vector<512x32xf32>
    %dot_general3A_1700 = tpu.matmul %convert_element_type3A_1693, %get3A_1698, %dot_general3A_1699 {dimension_numbers = #tpu.dot_dimension_numbers<[1], [0], [0], [1], [0, 0, 1, 1], [], []>, transpose_lhs_hint = false} : vector<512x128xbf16>, vector<128x32xbf16>, vector<512x32xf32> -> vector<512x32xf32>
    %get3A_1701 = arith.constant 0 : index
    %get3A_1702 = arith.constant 0 : index
    %get3A_1703 = arith.constant 0 : index
    %get3A_1704 = vector.load %arg92[%get3A_1701, %get3A_1702, %get3A_1703] : memref<1x1x32xf32, #tpu.memory_space<vmem>>, vector<1x1x32xf32>
    %get3A_1705 = vector.shape_cast %get3A_1704 : vector<1x1x32xf32> to vector<1x32xf32>
    %add3A_1706 = vector.broadcast %get3A_1705 : vector<1x32xf32> to vector<512x32xf32>
    %add3A_1707 = arith.addf %dot_general3A_1700, %add3A_1706 : vector<512x32xf32>
    %get3A_1708 = arith.constant 0 : index
    %get3A_1709 = arith.constant 0 : index
    %get3A_1710 = arith.constant 0 : index
    %get3A_1711 = vector.load %arg99[%get3A_1708, %get3A_1709, %get3A_1710] : memref<2x128x128xbf16, #tpu.memory_space<vmem>>, vector<1x128x128xbf16>
    %get3A_1712 = vector.shape_cast %get3A_1711 : vector<1x128x128xbf16> to vector<128x128xbf16>
    %dot_general3A_1713 = arith.constant dense<0.000000e+00> : vector<512x128xf32>
    %dot_general3A_1714 = tpu.matmul %bitcast_convert_type3A_1646, %get3A_1712, %dot_general3A_1713 {dimension_numbers = #tpu.dot_dimension_numbers<[1], [0], [0], [1], [0, 0, 1, 1], [], []>, transpose_lhs_hint = false} : vector<512x128xf32>, vector<128x128xbf16>, vector<512x128xf32> -> vector<512x128xf32>
    %get3A_1715 = arith.constant 1 : index
    %get3A_1716 = arith.constant 0 : index
    %get3A_1717 = arith.constant 0 : index
    %get3A_1718 = vector.load %arg99[%get3A_1715, %get3A_1716, %get3A_1717] : memref<2x128x128xbf16, #tpu.memory_space<vmem>>, vector<1x8x128xbf16>
    %get3A_1719 = vector.shape_cast %get3A_1718 : vector<1x8x128xbf16> to vector<8x128xbf16>
    %dot_general3A_1720 = arith.constant dense<0.000000e+00> : vector<512x128xf32>
    %dot_general3A_1721 = tpu.matmul %bitcast_convert_type3A_1651, %get3A_1719, %dot_general3A_1720 {dimension_numbers = #tpu.dot_dimension_numbers<[1], [0], [0], [1], [0, 0, 1, 1], [], []>, transpose_lhs_hint = false} : vector<512x8xf32>, vector<8x128xbf16>, vector<512x128xf32> -> vector<512x128xf32>
    %add3A_1722 = arith.addf %dot_general3A_1714, %dot_general3A_1721 : vector<512x128xf32>
    %get3A_1723 = arith.constant 0 : index
    %get3A_1724 = vector.load %arg100[%get3A_1723] : memref<128xf32, #tpu.memory_space<vmem>>, vector<128xf32>
    %broadcast_in_dim3A_1725 = vector.shape_cast %get3A_1724 : vector<128xf32> to vector<1x128xf32>
    %add3A_1726 = vector.broadcast %broadcast_in_dim3A_1725 : vector<1x128xf32> to vector<512x128xf32>
    %add3A_1727 = arith.addf %add3A_1722, %add3A_1726 : vector<512x128xf32>
    %tanh3A_1728 = math.tanh %add3A_1727 : vector<512x128xf32>
    %convert_element_type3A_1729 = arith.truncf %tanh3A_1728 : vector<512x128xf32> to vector<512x128xbf16>
    %get3A_1730 = arith.constant 0 : index
    %get3A_1731 = arith.constant 0 : index
    %get3A_1732 = vector.load %arg101[%get3A_1730, %get3A_1731] : memref<128x128xbf16, #tpu.memory_space<vmem>>, vector<128x128xbf16>
    %dot_general3A_1733 = arith.constant dense<0.000000e+00> : vector<512x128xf32>
    %dot_general3A_1734 = tpu.matmul %convert_element_type3A_1729, %get3A_1732, %dot_general3A_1733 {dimension_numbers = #tpu.dot_dimension_numbers<[1], [0], [0], [1], [0, 0, 1, 1], [], []>, transpose_lhs_hint = false} : vector<512x128xbf16>, vector<128x128xbf16>, vector<512x128xf32> -> vector<512x128xf32>
    %get3A_1735 = arith.constant 0 : index
    %get3A_1736 = vector.load %arg102[%get3A_1735] : memref<128xf32, #tpu.memory_space<vmem>>, vector<128xf32>
    %broadcast_in_dim3A_1737 = vector.shape_cast %get3A_1736 : vector<128xf32> to vector<1x128xf32>
    %add3A_1738 = vector.broadcast %broadcast_in_dim3A_1737 : vector<1x128xf32> to vector<512x128xf32>
    %add3A_1739 = arith.addf %dot_general3A_1734, %add3A_1738 : vector<512x128xf32>
    %tanh3A_1740 = math.tanh %add3A_1739 : vector<512x128xf32>
    %convert_element_type3A_1741 = arith.truncf %tanh3A_1740 : vector<512x128xf32> to vector<512x128xbf16>
    %get3A_1742 = arith.constant 0 : index
    %get3A_1743 = arith.constant 0 : index
    %get3A_1744 = vector.load %arg103[%get3A_1742, %get3A_1743] : memref<128x1xbf16, #tpu.memory_space<vmem>>, vector<128x1xbf16>
    %dot_general3A_1745 = arith.constant dense<0.000000e+00> : vector<512x1xf32>
    %dot_general3A_1746 = tpu.matmul %convert_element_type3A_1741, %get3A_1744, %dot_general3A_1745 {dimension_numbers = #tpu.dot_dimension_numbers<[1], [0], [0], [1], [0, 0, 1, 1], [], []>, transpose_lhs_hint = false} : vector<512x128xbf16>, vector<128x1xbf16>, vector<512x1xf32> -> vector<512x1xf32>
    %get3A_1747 = arith.constant 0 : index
    %get3A_1748 = vector.load %arg104[%get3A_1747] : memref<1xf32, #tpu.memory_space<vmem>>, vector<1xf32>
    %broadcast_in_dim3A_1749 = vector.shape_cast %get3A_1748 : vector<1xf32> to vector<1x1xf32>
    %add3A_1750 = vector.broadcast %broadcast_in_dim3A_1749 : vector<1x1xf32> to vector<512x1xf32>
    %add3A_1751 = arith.addf %dot_general3A_1746, %add3A_1750 : vector<512x1xf32>
    %broadcast_in_dim3A_1752 = arith.constant 0.000000e+00 : f32
    %broadcast_in_dim3A_1753 = vector.broadcast %broadcast_in_dim3A_1752 : f32 to vector<512x95xf32>
    %concatenate3A_1754 = tpu.concatenate %add3A_1707, %add3A_1751, %broadcast_in_dim3A_1753 in 1 : vector<512x32xf32>, vector<512x1xf32>, vector<512x95xf32> -> vector<512x128xf32>
    %swap3A_1755 = arith.constant 7168 : index
    %swap3A_1756 = arith.constant 0 : index
    %swap3A_1757 = vector.load %arg105[%swap3A_1755, %swap3A_1756] : memref<8192x128xf32, #tpu.memory_space<vmem>>, vector<512x128xf32>
    tpu.vector_store %arg105[%swap3A_1755, %swap3A_1756], %concatenate3A_1754 {strides = array<i32>} : memref<8192x128xf32, #tpu.memory_space<vmem>>, vector<512x128xf32>,
    %get3A_1758 = arith.constant 7680 : index
    %get3A_1759 = arith.constant 0 : index
    %get3A_1760 = vector.load %arg2[%get3A_1758, %get3A_1759] : memref<8192x128xi32, #tpu.memory_space<vmem>>, vector<512x128xi32>
    %shift_left3A_1761 = arith.constant 16 : i32
    %shift_left3A_1762 = vector.broadcast %shift_left3A_1761 : i32 to vector<512x128xi32>
    %shift_left3A_1763 = arith.shli %get3A_1760, %shift_left3A_1762 : vector<512x128xi32>
    %bitcast_convert_type3A_1764 = tpu.bitcast %shift_left3A_1763 : vector<512x128xi32> -> vector<512x128xf32>
    %slice3A_1765 = vector.extract_strided_slice %get3A_1760 {offsets = [0, 0], sizes = [512, 8], strides = [1, 1]} : vector<512x128xi32> to vector<512x8xi32>
    %and3A_1766 = arith.constant -65536 : i32
    %and3A_1767 = vector.broadcast %and3A_1766 : i32 to vector<512x8xi32>
    %and3A_1768 = arith.andi %slice3A_1765, %and3A_1767 : vector<512x8xi32>
    %bitcast_convert_type3A_1769 = tpu.bitcast %and3A_1768 : vector<512x8xi32> -> vector<512x8xf32>
    %get3A_1770 = arith.constant 0 : index
    %get3A_1771 = arith.constant 0 : index
    %get3A_1772 = arith.constant 0 : index
    %get3A_1773 = arith.constant 0 : index
    %get3A_1774 = vector.load %arg93[%get3A_1770, %get3A_1771, %get3A_1772, %get3A_1773] : memref<1x2x128x128xbf16, #tpu.memory_space<vmem>>, vector<1x1x128x128xbf16>
    %get3A_1775 = vector.shape_cast %get3A_1774 : vector<1x1x128x128xbf16> to vector<128x128xbf16>
    %dot_general3A_1776 = arith.constant dense<0.000000e+00> : vector<512x128xf32>
    %dot_general3A_1777 = tpu.matmul %bitcast_convert_type3A_1764, %get3A_1775, %dot_general3A_1776 {dimension_numbers = #tpu.dot_dimension_numbers<[1], [0], [0], [1], [0, 0, 1, 1], [], []>, transpose_lhs_hint = false} : vector<512x128xf32>, vector<128x128xbf16>, vector<512x128xf32> -> vector<512x128xf32>
    %get3A_1778 = arith.constant 0 : index
    %get3A_1779 = arith.constant 1 : index
    %get3A_1780 = arith.constant 0 : index
    %get3A_1781 = arith.constant 0 : index
    %get3A_1782 = vector.load %arg93[%get3A_1778, %get3A_1779, %get3A_1780, %get3A_1781] : memref<1x2x128x128xbf16, #tpu.memory_space<vmem>>, vector<1x1x8x128xbf16>
    %get3A_1783 = vector.shape_cast %get3A_1782 : vector<1x1x8x128xbf16> to vector<8x128xbf16>
    %dot_general3A_1784 = arith.constant dense<0.000000e+00> : vector<512x128xf32>
    %dot_general3A_1785 = tpu.matmul %bitcast_convert_type3A_1769, %get3A_1783, %dot_general3A_1784 {dimension_numbers = #tpu.dot_dimension_numbers<[1], [0], [0], [1], [0, 0, 1, 1], [], []>, transpose_lhs_hint = false} : vector<512x8xf32>, vector<8x128xbf16>, vector<512x128xf32> -> vector<512x128xf32>
    %add3A_1786 = arith.addf %dot_general3A_1777, %dot_general3A_1785 : vector<512x128xf32>
    %get3A_1787 = arith.constant 0 : index
    %get3A_1788 = arith.constant 0 : index
    %get3A_1789 = arith.constant 0 : index
    %get3A_1790 = vector.load %arg94[%get3A_1787, %get3A_1788, %get3A_1789] : memref<1x1x128xf32, #tpu.memory_space<vmem>>, vector<1x1x128xf32>
    %get3A_1791 = vector.shape_cast %get3A_1790 : vector<1x1x128xf32> to vector<1x128xf32>
    %add3A_1792 = vector.broadcast %get3A_1791 : vector<1x128xf32> to vector<512x128xf32>
    %add3A_1793 = arith.addf %add3A_1786, %add3A_1792 : vector<512x128xf32>
    %tanh3A_1794 = math.tanh %add3A_1793 : vector<512x128xf32>
    %convert_element_type3A_1795 = arith.truncf %tanh3A_1794 : vector<512x128xf32> to vector<512x128xbf16>
    %get3A_1796 = arith.constant 0 : index
    %get3A_1797 = arith.constant 0 : index
    %get3A_1798 = arith.constant 0 : index
    %get3A_1799 = vector.load %arg95[%get3A_1796, %get3A_1797, %get3A_1798] : memref<1x128x128xbf16, #tpu.memory_space<vmem>>, vector<1x128x128xbf16>
    %get3A_1800 = vector.shape_cast %get3A_1799 : vector<1x128x128xbf16> to vector<128x128xbf16>
    %dot_general3A_1801 = arith.constant dense<0.000000e+00> : vector<512x128xf32>
    %dot_general3A_1802 = tpu.matmul %convert_element_type3A_1795, %get3A_1800, %dot_general3A_1801 {dimension_numbers = #tpu.dot_dimension_numbers<[1], [0], [0], [1], [0, 0, 1, 1], [], []>, transpose_lhs_hint = false} : vector<512x128xbf16>, vector<128x128xbf16>, vector<512x128xf32> -> vector<512x128xf32>
    %get3A_1803 = arith.constant 0 : index
    %get3A_1804 = arith.constant 0 : index
    %get3A_1805 = arith.constant 0 : index
    %get3A_1806 = vector.load %arg96[%get3A_1803, %get3A_1804, %get3A_1805] : memref<1x1x128xf32, #tpu.memory_space<vmem>>, vector<1x1x128xf32>
    %get3A_1807 = vector.shape_cast %get3A_1806 : vector<1x1x128xf32> to vector<1x128xf32>
    %add3A_1808 = vector.broadcast %get3A_1807 : vector<1x128xf32> to vector<512x128xf32>
    %add3A_1809 = arith.addf %dot_general3A_1802, %add3A_1808 : vector<512x128xf32>
    %tanh3A_1810 = math.tanh %add3A_1809 : vector<512x128xf32>
    %convert_element_type3A_1811 = arith.truncf %tanh3A_1810 : vector<512x128xf32> to vector<512x128xbf16>
    %get3A_1812 = arith.constant 0 : index
    %get3A_1813 = arith.constant 0 : index
    %get3A_1814 = arith.constant 0 : index
    %get3A_1815 = vector.load %arg97[%get3A_1812, %get3A_1813, %get3A_1814] : memref<1x128x32xbf16, #tpu.memory_space<vmem>>, vector<1x128x32xbf16>
    %get3A_1816 = vector.shape_cast %get3A_1815 : vector<1x128x32xbf16> to vector<128x32xbf16>
    %dot_general3A_1817 = arith.constant dense<0.000000e+00> : vector<512x32xf32>
    %dot_general3A_1818 = tpu.matmul %convert_element_type3A_1811, %get3A_1816, %dot_general3A_1817 {dimension_numbers = #tpu.dot_dimension_numbers<[1], [0], [0], [1], [0, 0, 1, 1], [], []>, transpose_lhs_hint = false} : vector<512x128xbf16>, vector<128x32xbf16>, vector<512x32xf32> -> vector<512x32xf32>
    %get3A_1819 = arith.constant 0 : index
    %get3A_1820 = arith.constant 0 : index
    %get3A_1821 = arith.constant 0 : index
    %get3A_1822 = vector.load %arg98[%get3A_1819, %get3A_1820, %get3A_1821] : memref<1x1x32xf32, #tpu.memory_space<vmem>>, vector<1x1x32xf32>
    %get3A_1823 = vector.shape_cast %get3A_1822 : vector<1x1x32xf32> to vector<1x32xf32>
    %add3A_1824 = vector.broadcast %get3A_1823 : vector<1x32xf32> to vector<512x32xf32>
    %add3A_1825 = arith.addf %dot_general3A_1818, %add3A_1824 : vector<512x32xf32>
    %get3A_1826 = arith.constant 0 : index
    %get3A_1827 = arith.constant 0 : index
    %get3A_1828 = arith.constant 0 : index
    %get3A_1829 = vector.load %arg99[%get3A_1826, %get3A_1827, %get3A_1828] : memref<2x128x128xbf16, #tpu.memory_space<vmem>>, vector<1x128x128xbf16>
    %get3A_1830 = vector.shape_cast %get3A_1829 : vector<1x128x128xbf16> to vector<128x128xbf16>
    %dot_general3A_1831 = arith.constant dense<0.000000e+00> : vector<512x128xf32>
    %dot_general3A_1832 = tpu.matmul %bitcast_convert_type3A_1764, %get3A_1830, %dot_general3A_1831 {dimension_numbers = #tpu.dot_dimension_numbers<[1], [0], [0], [1], [0, 0, 1, 1], [], []>, transpose_lhs_hint = false} : vector<512x128xf32>, vector<128x128xbf16>, vector<512x128xf32> -> vector<512x128xf32>
    %get3A_1833 = arith.constant 1 : index
    %get3A_1834 = arith.constant 0 : index
    %get3A_1835 = arith.constant 0 : index
    %get3A_1836 = vector.load %arg99[%get3A_1833, %get3A_1834, %get3A_1835] : memref<2x128x128xbf16, #tpu.memory_space<vmem>>, vector<1x8x128xbf16>
    %get3A_1837 = vector.shape_cast %get3A_1836 : vector<1x8x128xbf16> to vector<8x128xbf16>
    %dot_general3A_1838 = arith.constant dense<0.000000e+00> : vector<512x128xf32>
    %dot_general3A_1839 = tpu.matmul %bitcast_convert_type3A_1769, %get3A_1837, %dot_general3A_1838 {dimension_numbers = #tpu.dot_dimension_numbers<[1], [0], [0], [1], [0, 0, 1, 1], [], []>, transpose_lhs_hint = false} : vector<512x8xf32>, vector<8x128xbf16>, vector<512x128xf32> -> vector<512x128xf32>
    %add3A_1840 = arith.addf %dot_general3A_1832, %dot_general3A_1839 : vector<512x128xf32>
    %get3A_1841 = arith.constant 0 : index
    %get3A_1842 = vector.load %arg100[%get3A_1841] : memref<128xf32, #tpu.memory_space<vmem>>, vector<128xf32>
    %broadcast_in_dim3A_1843 = vector.shape_cast %get3A_1842 : vector<128xf32> to vector<1x128xf32>
    %add3A_1844 = vector.broadcast %broadcast_in_dim3A_1843 : vector<1x128xf32> to vector<512x128xf32>
    %add3A_1845 = arith.addf %add3A_1840, %add3A_1844 : vector<512x128xf32>
    %tanh3A_1846 = math.tanh %add3A_1845 : vector<512x128xf32>
    %convert_element_type3A_1847 = arith.truncf %tanh3A_1846 : vector<512x128xf32> to vector<512x128xbf16>
    %get3A_1848 = arith.constant 0 : index
    %get3A_1849 = arith.constant 0 : index
    %get3A_1850 = vector.load %arg101[%get3A_1848, %get3A_1849] : memref<128x128xbf16, #tpu.memory_space<vmem>>, vector<128x128xbf16>
    %dot_general3A_1851 = arith.constant dense<0.000000e+00> : vector<512x128xf32>
    %dot_general3A_1852 = tpu.matmul %convert_element_type3A_1847, %get3A_1850, %dot_general3A_1851 {dimension_numbers = #tpu.dot_dimension_numbers<[1], [0], [0], [1], [0, 0, 1, 1], [], []>, transpose_lhs_hint = false} : vector<512x128xbf16>, vector<128x128xbf16>, vector<512x128xf32> -> vector<512x128xf32>
    %get3A_1853 = arith.constant 0 : index
    %get3A_1854 = vector.load %arg102[%get3A_1853] : memref<128xf32, #tpu.memory_space<vmem>>, vector<128xf32>
    %broadcast_in_dim3A_1855 = vector.shape_cast %get3A_1854 : vector<128xf32> to vector<1x128xf32>
    %add3A_1856 = vector.broadcast %broadcast_in_dim3A_1855 : vector<1x128xf32> to vector<512x128xf32>
    %add3A_1857 = arith.addf %dot_general3A_1852, %add3A_1856 : vector<512x128xf32>
    %tanh3A_1858 = math.tanh %add3A_1857 : vector<512x128xf32>
    %convert_element_type3A_1859 = arith.truncf %tanh3A_1858 : vector<512x128xf32> to vector<512x128xbf16>
    %get3A_1860 = arith.constant 0 : index
    %get3A_1861 = arith.constant 0 : index
    %get3A_1862 = vector.load %arg103[%get3A_1860, %get3A_1861] : memref<128x1xbf16, #tpu.memory_space<vmem>>, vector<128x1xbf16>
    %dot_general3A_1863 = arith.constant dense<0.000000e+00> : vector<512x1xf32>
    %dot_general3A_1864 = tpu.matmul %convert_element_type3A_1859, %get3A_1862, %dot_general3A_1863 {dimension_numbers = #tpu.dot_dimension_numbers<[1], [0], [0], [1], [0, 0, 1, 1], [], []>, transpose_lhs_hint = false} : vector<512x128xbf16>, vector<128x1xbf16>, vector<512x1xf32> -> vector<512x1xf32>
    %get3A_1865 = arith.constant 0 : index
    %get3A_1866 = vector.load %arg104[%get3A_1865] : memref<1xf32, #tpu.memory_space<vmem>>, vector<1xf32>
    %broadcast_in_dim3A_1867 = vector.shape_cast %get3A_1866 : vector<1xf32> to vector<1x1xf32>
    %add3A_1868 = vector.broadcast %broadcast_in_dim3A_1867 : vector<1x1xf32> to vector<512x1xf32>
    %add3A_1869 = arith.addf %dot_general3A_1864, %add3A_1868 : vector<512x1xf32>
    %broadcast_in_dim3A_1870 = arith.constant 0.000000e+00 : f32
    %broadcast_in_dim3A_1871 = vector.broadcast %broadcast_in_dim3A_1870 : f32 to vector<512x95xf32>
    %concatenate3A_1872 = tpu.concatenate %add3A_1825, %add3A_1869, %broadcast_in_dim3A_1871 in 1 : vector<512x32xf32>, vector<512x1xf32>, vector<512x95xf32> -> vector<512x128xf32>
    %swap3A_1873 = arith.constant 7680 : index
    %swap3A_1874 = arith.constant 0 : index
    %swap3A_1875 = vector.load %arg105[%swap3A_1873, %swap3A_1874] : memref<8192x128xf32, #tpu.memory_space<vmem>>, vector<512x128xf32>
    tpu.vector_store %arg105[%swap3A_1873, %swap3A_1874], %concatenate3A_1872 {strides = array<i32>} : memref<8192x128xf32, #tpu.memory_space<vmem>>, vector<512x128xf32>,
    return
  }
  func.func @transform_0(%arg0: i32, %arg1: memref<48xi32, #tpu.memory_space<smem>>) -> (i32, i32) {
    %c0_i32 = arith.constant 0 : i32
    %c0_i32_0 = arith.constant 0 : i32
    return %arg0, %c0_i32 : i32, i32
  }
  func.func @transform_1(%arg0: i32, %arg1: memref<48xi32, #tpu.memory_space<smem>>) -> (i32, i32, i32, i32) {
    %mul3A = arith.constant 16 : i32
    %mul3A_0 = arith.muli %mul3A, %arg0 : i32
    %add3A = arith.constant 0 : i32
    %add3A_1 = arith.addi %mul3A_0, %add3A : i32
    %get3A = arith.index_cast %add3A_1 : i32 to index
    %get3A_2 = memref.load %arg1[%get3A] : memref<48xi32, #tpu.memory_space<smem>>
    %c0_i32 = arith.constant 0 : i32
    %c0_i32_3 = arith.constant 0 : i32
    %c0_i32_4 = arith.constant 0 : i32
    %c0_i32_5 = arith.constant 0 : i32
    return %get3A_2, %c0_i32, %c0_i32_3, %c0_i32_4 : i32, i32, i32, i32
  }
  func.func @transform_2(%arg0: i32, %arg1: memref<48xi32, #tpu.memory_space<smem>>) -> (i32, i32, i32) {
    %mul3A = arith.constant 16 : i32
    %mul3A_0 = arith.muli %mul3A, %arg0 : i32
    %add3A = arith.constant 0 : i32
    %add3A_1 = arith.addi %mul3A_0, %add3A : i32
    %get3A = arith.index_cast %add3A_1 : i32 to index
    %get3A_2 = memref.load %arg1[%get3A] : memref<48xi32, #tpu.memory_space<smem>>
    %c0_i32 = arith.constant 0 : i32
    %c0_i32_3 = arith.constant 0 : i32
    %c0_i32_4 = arith.constant 0 : i32
    return %get3A_2, %c0_i32, %c0_i32_3 : i32, i32, i32
  }
  func.func @transform_3(%arg0: i32, %arg1: memref<48xi32, #tpu.memory_space<smem>>) -> (i32, i32, i32) {
    %mul3A = arith.constant 16 : i32
    %mul3A_0 = arith.muli %mul3A, %arg0 : i32
    %add3A = arith.constant 0 : i32
    %add3A_1 = arith.addi %mul3A_0, %add3A : i32
    %get3A = arith.index_cast %add3A_1 : i32 to index
    %get3A_2 = memref.load %arg1[%get3A] : memref<48xi32, #tpu.memory_space<smem>>
    %c0_i32 = arith.constant 0 : i32
    %c0_i32_3 = arith.constant 0 : i32
    %c0_i32_4 = arith.constant 0 : i32
    return %get3A_2, %c0_i32, %c0_i32_3 : i32, i32, i32
  }
  func.func @transform_4(%arg0: i32, %arg1: memref<48xi32, #tpu.memory_space<smem>>) -> (i32, i32, i32) {
    %mul3A = arith.constant 16 : i32
    %mul3A_0 = arith.muli %mul3A, %arg0 : i32
    %add3A = arith.constant 0 : i32
    %add3A_1 = arith.addi %mul3A_0, %add3A : i32
    %get3A = arith.index_cast %add3A_1 : i32 to index
    %get3A_2 = memref.load %arg1[%get3A] : memref<48xi32, #tpu.memory_space<smem>>
    %c0_i32 = arith.constant 0 : i32
    %c0_i32_3 = arith.constant 0 : i32
    %c0_i32_4 = arith.constant 0 : i32
    return %get3A_2, %c0_i32, %c0_i32_3 : i32, i32, i32
  }
  func.func @transform_5(%arg0: i32, %arg1: memref<48xi32, #tpu.memory_space<smem>>) -> (i32, i32, i32) {
    %mul3A = arith.constant 16 : i32
    %mul3A_0 = arith.muli %mul3A, %arg0 : i32
    %add3A = arith.constant 0 : i32
    %add3A_1 = arith.addi %mul3A_0, %add3A : i32
    %get3A = arith.index_cast %add3A_1 : i32 to index
    %get3A_2 = memref.load %arg1[%get3A] : memref<48xi32, #tpu.memory_space<smem>>
    %c0_i32 = arith.constant 0 : i32
    %c0_i32_3 = arith.constant 0 : i32
    %c0_i32_4 = arith.constant 0 : i32
    return %get3A_2, %c0_i32, %c0_i32_3 : i32, i32, i32
  }
  func.func @transform_6(%arg0: i32, %arg1: memref<48xi32, #tpu.memory_space<smem>>) -> (i32, i32, i32) {
    %mul3A = arith.constant 16 : i32
    %mul3A_0 = arith.muli %mul3A, %arg0 : i32
    %add3A = arith.constant 0 : i32
    %add3A_1 = arith.addi %mul3A_0, %add3A : i32
    %get3A = arith.index_cast %add3A_1 : i32 to index
    %get3A_2 = memref.load %arg1[%get3A] : memref<48xi32, #tpu.memory_space<smem>>
    %c0_i32 = arith.constant 0 : i32
    %c0_i32_3 = arith.constant 0 : i32
    %c0_i32_4 = arith.constant 0 : i32
    return %get3A_2, %c0_i32, %c0_i32_3 : i32, i32, i32
  }
  func.func @transform_7(%arg0: i32, %arg1: memref<48xi32, #tpu.memory_space<smem>>) -> (i32, i32, i32, i32) {
    %mul3A = arith.constant 16 : i32
    %mul3A_0 = arith.muli %mul3A, %arg0 : i32
    %add3A = arith.constant 1 : i32
    %add3A_1 = arith.addi %mul3A_0, %add3A : i32
    %get3A = arith.index_cast %add3A_1 : i32 to index
    %get3A_2 = memref.load %arg1[%get3A] : memref<48xi32, #tpu.memory_space<smem>>
    %c0_i32 = arith.constant 0 : i32
    %c0_i32_3 = arith.constant 0 : i32
    %c0_i32_4 = arith.constant 0 : i32
    %c0_i32_5 = arith.constant 0 : i32
    return %get3A_2, %c0_i32, %c0_i32_3, %c0_i32_4 : i32, i32, i32, i32
  }
  func.func @transform_8(%arg0: i32, %arg1: memref<48xi32, #tpu.memory_space<smem>>) -> (i32, i32, i32) {
    %mul3A = arith.constant 16 : i32
    %mul3A_0 = arith.muli %mul3A, %arg0 : i32
    %add3A = arith.constant 1 : i32
    %add3A_1 = arith.addi %mul3A_0, %add3A : i32
    %get3A = arith.index_cast %add3A_1 : i32 to index
    %get3A_2 = memref.load %arg1[%get3A] : memref<48xi32, #tpu.memory_space<smem>>
    %c0_i32 = arith.constant 0 : i32
    %c0_i32_3 = arith.constant 0 : i32
    %c0_i32_4 = arith.constant 0 : i32
    return %get3A_2, %c0_i32, %c0_i32_3 : i32, i32, i32
  }
  func.func @transform_9(%arg0: i32, %arg1: memref<48xi32, #tpu.memory_space<smem>>) -> (i32, i32, i32) {
    %mul3A = arith.constant 16 : i32
    %mul3A_0 = arith.muli %mul3A, %arg0 : i32
    %add3A = arith.constant 1 : i32
    %add3A_1 = arith.addi %mul3A_0, %add3A : i32
    %get3A = arith.index_cast %add3A_1 : i32 to index
    %get3A_2 = memref.load %arg1[%get3A] : memref<48xi32, #tpu.memory_space<smem>>
    %c0_i32 = arith.constant 0 : i32
    %c0_i32_3 = arith.constant 0 : i32
    %c0_i32_4 = arith.constant 0 : i32
    return %get3A_2, %c0_i32, %c0_i32_3 : i32, i32, i32
  }
  func.func @transform_10(%arg0: i32, %arg1: memref<48xi32, #tpu.memory_space<smem>>) -> (i32, i32, i32) {
    %mul3A = arith.constant 16 : i32
    %mul3A_0 = arith.muli %mul3A, %arg0 : i32
    %add3A = arith.constant 1 : i32
    %add3A_1 = arith.addi %mul3A_0, %add3A : i32
    %get3A = arith.index_cast %add3A_1 : i32 to index
    %get3A_2 = memref.load %arg1[%get3A] : memref<48xi32, #tpu.memory_space<smem>>
    %c0_i32 = arith.constant 0 : i32
    %c0_i32_3 = arith.constant 0 : i32
    %c0_i32_4 = arith.constant 0 : i32
    return %get3A_2, %c0_i32, %c0_i32_3 : i32, i32, i32
  }
  func.func @transform_11(%arg0: i32, %arg1: memref<48xi32, #tpu.memory_space<smem>>) -> (i32, i32, i32) {
    %mul3A = arith.constant 16 : i32
    %mul3A_0 = arith.muli %mul3A, %arg0 : i32
    %add3A = arith.constant 1 : i32
    %add3A_1 = arith.addi %mul3A_0, %add3A : i32
    %get3A = arith.index_cast %add3A_1 : i32 to index
    %get3A_2 = memref.load %arg1[%get3A] : memref<48xi32, #tpu.memory_space<smem>>
    %c0_i32 = arith.constant 0 : i32
    %c0_i32_3 = arith.constant 0 : i32
    %c0_i32_4 = arith.constant 0 : i32
    return %get3A_2, %c0_i32, %c0_i32_3 : i32, i32, i32
  }
  func.func @transform_12(%arg0: i32, %arg1: memref<48xi32, #tpu.memory_space<smem>>) -> (i32, i32, i32) {
    %mul3A = arith.constant 16 : i32
    %mul3A_0 = arith.muli %mul3A, %arg0 : i32
    %add3A = arith.constant 1 : i32
    %add3A_1 = arith.addi %mul3A_0, %add3A : i32
    %get3A = arith.index_cast %add3A_1 : i32 to index
    %get3A_2 = memref.load %arg1[%get3A] : memref<48xi32, #tpu.memory_space<smem>>
    %c0_i32 = arith.constant 0 : i32
    %c0_i32_3 = arith.constant 0 : i32
    %c0_i32_4 = arith.constant 0 : i32
    return %get3A_2, %c0_i32, %c0_i32_3 : i32, i32, i32
  }
  func.func @transform_13(%arg0: i32, %arg1: memref<48xi32, #tpu.memory_space<smem>>) -> (i32, i32, i32, i32) {
    %mul3A = arith.constant 16 : i32
    %mul3A_0 = arith.muli %mul3A, %arg0 : i32
    %add3A = arith.constant 2 : i32
    %add3A_1 = arith.addi %mul3A_0, %add3A : i32
    %get3A = arith.index_cast %add3A_1 : i32 to index
    %get3A_2 = memref.load %arg1[%get3A] : memref<48xi32, #tpu.memory_space<smem>>
    %c0_i32 = arith.constant 0 : i32
    %c0_i32_3 = arith.constant 0 : i32
    %c0_i32_4 = arith.constant 0 : i32
    %c0_i32_5 = arith.constant 0 : i32
    return %get3A_2, %c0_i32, %c0_i32_3, %c0_i32_4 : i32, i32, i32, i32
  }
  func.func @transform_14(%arg0: i32, %arg1: memref<48xi32, #tpu.memory_space<smem>>) -> (i32, i32, i32) {
    %mul3A = arith.constant 16 : i32
    %mul3A_0 = arith.muli %mul3A, %arg0 : i32
    %add3A = arith.constant 2 : i32
    %add3A_1 = arith.addi %mul3A_0, %add3A : i32
    %get3A = arith.index_cast %add3A_1 : i32 to index
    %get3A_2 = memref.load %arg1[%get3A] : memref<48xi32, #tpu.memory_space<smem>>
    %c0_i32 = arith.constant 0 : i32
    %c0_i32_3 = arith.constant 0 : i32
    %c0_i32_4 = arith.constant 0 : i32
    return %get3A_2, %c0_i32, %c0_i32_3 : i32, i32, i32
  }
  func.func @transform_15(%arg0: i32, %arg1: memref<48xi32, #tpu.memory_space<smem>>) -> (i32, i32, i32) {
    %mul3A = arith.constant 16 : i32
    %mul3A_0 = arith.muli %mul3A, %arg0 : i32
    %add3A = arith.constant 2 : i32
    %add3A_1 = arith.addi %mul3A_0, %add3A : i32
    %get3A = arith.index_cast %add3A_1 : i32 to index
    %get3A_2 = memref.load %arg1[%get3A] : memref<48xi32, #tpu.memory_space<smem>>
    %c0_i32 = arith.constant 0 : i32
    %c0_i32_3 = arith.constant 0 : i32
    %c0_i32_4 = arith.constant 0 : i32
    return %get3A_2, %c0_i32, %c0_i32_3 : i32, i32, i32
  }
  func.func @transform_16(%arg0: i32, %arg1: memref<48xi32, #tpu.memory_space<smem>>) -> (i32, i32, i32) {
    %mul3A = arith.constant 16 : i32
    %mul3A_0 = arith.muli %mul3A, %arg0 : i32
    %add3A = arith.constant 2 : i32
    %add3A_1 = arith.addi %mul3A_0, %add3A : i32
    %get3A = arith.index_cast %add3A_1 : i32 to index
    %get3A_2 = memref.load %arg1[%get3A] : memref<48xi32, #tpu.memory_space<smem>>
    %c0_i32 = arith.constant 0 : i32
    %c0_i32_3 = arith.constant 0 : i32
    %c0_i32_4 = arith.constant 0 : i32
    return %get3A_2, %c0_i32, %c0_i32_3 : i32, i32, i32
  }
  func.func @transform_17(%arg0: i32, %arg1: memref<48xi32, #tpu.memory_space<smem>>) -> (i32, i32, i32) {
    %mul3A = arith.constant 16 : i32
    %mul3A_0 = arith.muli %mul3A, %arg0 : i32
    %add3A = arith.constant 2 : i32
    %add3A_1 = arith.addi %mul3A_0, %add3A : i32
    %get3A = arith.index_cast %add3A_1 : i32 to index
    %get3A_2 = memref.load %arg1[%get3A] : memref<48xi32, #tpu.memory_space<smem>>
    %c0_i32 = arith.constant 0 : i32
    %c0_i32_3 = arith.constant 0 : i32
    %c0_i32_4 = arith.constant 0 : i32
    return %get3A_2, %c0_i32, %c0_i32_3 : i32, i32, i32
  }
  func.func @transform_18(%arg0: i32, %arg1: memref<48xi32, #tpu.memory_space<smem>>) -> (i32, i32, i32) {
    %mul3A = arith.constant 16 : i32
    %mul3A_0 = arith.muli %mul3A, %arg0 : i32
    %add3A = arith.constant 2 : i32
    %add3A_1 = arith.addi %mul3A_0, %add3A : i32
    %get3A = arith.index_cast %add3A_1 : i32 to index
    %get3A_2 = memref.load %arg1[%get3A] : memref<48xi32, #tpu.memory_space<smem>>
    %c0_i32 = arith.constant 0 : i32
    %c0_i32_3 = arith.constant 0 : i32
    %c0_i32_4 = arith.constant 0 : i32
    return %get3A_2, %c0_i32, %c0_i32_3 : i32, i32, i32
  }
  func.func @transform_19(%arg0: i32, %arg1: memref<48xi32, #tpu.memory_space<smem>>) -> (i32, i32, i32, i32) {
    %mul3A = arith.constant 16 : i32
    %mul3A_0 = arith.muli %mul3A, %arg0 : i32
    %add3A = arith.constant 3 : i32
    %add3A_1 = arith.addi %mul3A_0, %add3A : i32
    %get3A = arith.index_cast %add3A_1 : i32 to index
    %get3A_2 = memref.load %arg1[%get3A] : memref<48xi32, #tpu.memory_space<smem>>
    %c0_i32 = arith.constant 0 : i32
    %c0_i32_3 = arith.constant 0 : i32
    %c0_i32_4 = arith.constant 0 : i32
    %c0_i32_5 = arith.constant 0 : i32
    return %get3A_2, %c0_i32, %c0_i32_3, %c0_i32_4 : i32, i32, i32, i32
  }
  func.func @transform_20(%arg0: i32, %arg1: memref<48xi32, #tpu.memory_space<smem>>) -> (i32, i32, i32) {
    %mul3A = arith.constant 16 : i32
    %mul3A_0 = arith.muli %mul3A, %arg0 : i32
    %add3A = arith.constant 3 : i32
    %add3A_1 = arith.addi %mul3A_0, %add3A : i32
    %get3A = arith.index_cast %add3A_1 : i32 to index
    %get3A_2 = memref.load %arg1[%get3A] : memref<48xi32, #tpu.memory_space<smem>>
    %c0_i32 = arith.constant 0 : i32
    %c0_i32_3 = arith.constant 0 : i32
    %c0_i32_4 = arith.constant 0 : i32
    return %get3A_2, %c0_i32, %c0_i32_3 : i32, i32, i32
  }
  func.func @transform_21(%arg0: i32, %arg1: memref<48xi32, #tpu.memory_space<smem>>) -> (i32, i32, i32) {
    %mul3A = arith.constant 16 : i32
    %mul3A_0 = arith.muli %mul3A, %arg0 : i32
    %add3A = arith.constant 3 : i32
    %add3A_1 = arith.addi %mul3A_0, %add3A : i32
    %get3A = arith.index_cast %add3A_1 : i32 to index
    %get3A_2 = memref.load %arg1[%get3A] : memref<48xi32, #tpu.memory_space<smem>>
    %c0_i32 = arith.constant 0 : i32
    %c0_i32_3 = arith.constant 0 : i32
    %c0_i32_4 = arith.constant 0 : i32
    return %get3A_2, %c0_i32, %c0_i32_3 : i32, i32, i32
  }
  func.func @transform_22(%arg0: i32, %arg1: memref<48xi32, #tpu.memory_space<smem>>) -> (i32, i32, i32) {
    %mul3A = arith.constant 16 : i32
    %mul3A_0 = arith.muli %mul3A, %arg0 : i32
    %add3A = arith.constant 3 : i32
    %add3A_1 = arith.addi %mul3A_0, %add3A : i32
    %get3A = arith.index_cast %add3A_1 : i32 to index
    %get3A_2 = memref.load %arg1[%get3A] : memref<48xi32, #tpu.memory_space<smem>>
    %c0_i32 = arith.constant 0 : i32
    %c0_i32_3 = arith.constant 0 : i32
    %c0_i32_4 = arith.constant 0 : i32
    return %get3A_2, %c0_i32, %c0_i32_3 : i32, i32, i32
  }
  func.func @transform_23(%arg0: i32, %arg1: memref<48xi32, #tpu.memory_space<smem>>) -> (i32, i32, i32) {
    %mul3A = arith.constant 16 : i32
    %mul3A_0 = arith.muli %mul3A, %arg0 : i32
    %add3A = arith.constant 3 : i32
    %add3A_1 = arith.addi %mul3A_0, %add3A : i32
    %get3A = arith.index_cast %add3A_1 : i32 to index
    %get3A_2 = memref.load %arg1[%get3A] : memref<48xi32, #tpu.memory_space<smem>>
    %c0_i32 = arith.constant 0 : i32
    %c0_i32_3 = arith.constant 0 : i32
    %c0_i32_4 = arith.constant 0 : i32
    return %get3A_2, %c0_i32, %c0_i32_3 : i32, i32, i32
  }
  func.func @transform_24(%arg0: i32, %arg1: memref<48xi32, #tpu.memory_space<smem>>) -> (i32, i32, i32) {
    %mul3A = arith.constant 16 : i32
    %mul3A_0 = arith.muli %mul3A, %arg0 : i32
    %add3A = arith.constant 3 : i32
    %add3A_1 = arith.addi %mul3A_0, %add3A : i32
    %get3A = arith.index_cast %add3A_1 : i32 to index
    %get3A_2 = memref.load %arg1[%get3A] : memref<48xi32, #tpu.memory_space<smem>>
    %c0_i32 = arith.constant 0 : i32
    %c0_i32_3 = arith.constant 0 : i32
    %c0_i32_4 = arith.constant 0 : i32
    return %get3A_2, %c0_i32, %c0_i32_3 : i32, i32, i32
  }
  func.func @transform_25(%arg0: i32, %arg1: memref<48xi32, #tpu.memory_space<smem>>) -> (i32, i32, i32, i32) {
    %mul3A = arith.constant 16 : i32
    %mul3A_0 = arith.muli %mul3A, %arg0 : i32
    %add3A = arith.constant 4 : i32
    %add3A_1 = arith.addi %mul3A_0, %add3A : i32
    %get3A = arith.index_cast %add3A_1 : i32 to index
    %get3A_2 = memref.load %arg1[%get3A] : memref<48xi32, #tpu.memory_space<smem>>
    %c0_i32 = arith.constant 0 : i32
    %c0_i32_3 = arith.constant 0 : i32
    %c0_i32_4 = arith.constant 0 : i32
    %c0_i32_5 = arith.constant 0 : i32
    return %get3A_2, %c0_i32, %c0_i32_3, %c0_i32_4 : i32, i32, i32, i32
  }
  func.func @transform_26(%arg0: i32, %arg1: memref<48xi32, #tpu.memory_space<smem>>) -> (i32, i32, i32) {
    %mul3A = arith.constant 16 : i32
    %mul3A_0 = arith.muli %mul3A, %arg0 : i32
    %add3A = arith.constant 4 : i32
    %add3A_1 = arith.addi %mul3A_0, %add3A : i32
    %get3A = arith.index_cast %add3A_1 : i32 to index
    %get3A_2 = memref.load %arg1[%get3A] : memref<48xi32, #tpu.memory_space<smem>>
    %c0_i32 = arith.constant 0 : i32
    %c0_i32_3 = arith.constant 0 : i32
    %c0_i32_4 = arith.constant 0 : i32
    return %get3A_2, %c0_i32, %c0_i32_3 : i32, i32, i32
  }
  func.func @transform_27(%arg0: i32, %arg1: memref<48xi32, #tpu.memory_space<smem>>) -> (i32, i32, i32) {
    %mul3A = arith.constant 16 : i32
    %mul3A_0 = arith.muli %mul3A, %arg0 : i32
    %add3A = arith.constant 4 : i32
    %add3A_1 = arith.addi %mul3A_0, %add3A : i32
    %get3A = arith.index_cast %add3A_1 : i32 to index
    %get3A_2 = memref.load %arg1[%get3A] : memref<48xi32, #tpu.memory_space<smem>>
    %c0_i32 = arith.constant 0 : i32
    %c0_i32_3 = arith.constant 0 : i32
    %c0_i32_4 = arith.constant 0 : i32
    return %get3A_2, %c0_i32, %c0_i32_3 : i32, i32, i32
  }
  func.func @transform_28(%arg0: i32, %arg1: memref<48xi32, #tpu.memory_space<smem>>) -> (i32, i32, i32) {
    %mul3A = arith.constant 16 : i32
    %mul3A_0 = arith.muli %mul3A, %arg0 : i32
    %add3A = arith.constant 4 : i32
    %add3A_1 = arith.addi %mul3A_0, %add3A : i32
    %get3A = arith.index_cast %add3A_1 : i32 to index
    %get3A_2 = memref.load %arg1[%get3A] : memref<48xi32, #tpu.memory_space<smem>>
    %c0_i32 = arith.constant 0 : i32
    %c0_i32_3 = arith.constant 0 : i32
    %c0_i32_4 = arith.constant 0 : i32
    return %get3A_2, %c0_i32, %c0_i32_3 : i32, i32, i32
  }
  func.func @transform_29(%arg0: i32, %arg1: memref<48xi32, #tpu.memory_space<smem>>) -> (i32, i32, i32) {
    %mul3A = arith.constant 16 : i32
    %mul3A_0 = arith.muli %mul3A, %arg0 : i32
    %add3A = arith.constant 4 : i32
    %add3A_1 = arith.addi %mul3A_0, %add3A : i32
    %get3A = arith.index_cast %add3A_1 : i32 to index
    %get3A_2 = memref.load %arg1[%get3A] : memref<48xi32, #tpu.memory_space<smem>>
    %c0_i32 = arith.constant 0 : i32
    %c0_i32_3 = arith.constant 0 : i32
    %c0_i32_4 = arith.constant 0 : i32
    return %get3A_2, %c0_i32, %c0_i32_3 : i32, i32, i32
  }
  func.func @transform_30(%arg0: i32, %arg1: memref<48xi32, #tpu.memory_space<smem>>) -> (i32, i32, i32) {
    %mul3A = arith.constant 16 : i32
    %mul3A_0 = arith.muli %mul3A, %arg0 : i32
    %add3A = arith.constant 4 : i32
    %add3A_1 = arith.addi %mul3A_0, %add3A : i32
    %get3A = arith.index_cast %add3A_1 : i32 to index
    %get3A_2 = memref.load %arg1[%get3A] : memref<48xi32, #tpu.memory_space<smem>>
    %c0_i32 = arith.constant 0 : i32
    %c0_i32_3 = arith.constant 0 : i32
    %c0_i32_4 = arith.constant 0 : i32
    return %get3A_2, %c0_i32, %c0_i32_3 : i32, i32, i32
  }
  func.func @transform_31(%arg0: i32, %arg1: memref<48xi32, #tpu.memory_space<smem>>) -> (i32, i32, i32, i32) {
    %mul3A = arith.constant 16 : i32
    %mul3A_0 = arith.muli %mul3A, %arg0 : i32
    %add3A = arith.constant 5 : i32
    %add3A_1 = arith.addi %mul3A_0, %add3A : i32
    %get3A = arith.index_cast %add3A_1 : i32 to index
    %get3A_2 = memref.load %arg1[%get3A] : memref<48xi32, #tpu.memory_space<smem>>
    %c0_i32 = arith.constant 0 : i32
    %c0_i32_3 = arith.constant 0 : i32
    %c0_i32_4 = arith.constant 0 : i32
    %c0_i32_5 = arith.constant 0 : i32
    return %get3A_2, %c0_i32, %c0_i32_3, %c0_i32_4 : i32, i32, i32, i32
  }
  func.func @transform_32(%arg0: i32, %arg1: memref<48xi32, #tpu.memory_space<smem>>) -> (i32, i32, i32) {
    %mul3A = arith.constant 16 : i32
    %mul3A_0 = arith.muli %mul3A, %arg0 : i32
    %add3A = arith.constant 5 : i32
    %add3A_1 = arith.addi %mul3A_0, %add3A : i32
    %get3A = arith.index_cast %add3A_1 : i32 to index
    %get3A_2 = memref.load %arg1[%get3A] : memref<48xi32, #tpu.memory_space<smem>>
    %c0_i32 = arith.constant 0 : i32
    %c0_i32_3 = arith.constant 0 : i32
    %c0_i32_4 = arith.constant 0 : i32
    return %get3A_2, %c0_i32, %c0_i32_3 : i32, i32, i32
  }
  func.func @transform_33(%arg0: i32, %arg1: memref<48xi32, #tpu.memory_space<smem>>) -> (i32, i32, i32) {
    %mul3A = arith.constant 16 : i32
    %mul3A_0 = arith.muli %mul3A, %arg0 : i32
    %add3A = arith.constant 5 : i32
    %add3A_1 = arith.addi %mul3A_0, %add3A : i32
    %get3A = arith.index_cast %add3A_1 : i32 to index
    %get3A_2 = memref.load %arg1[%get3A] : memref<48xi32, #tpu.memory_space<smem>>
    %c0_i32 = arith.constant 0 : i32
    %c0_i32_3 = arith.constant 0 : i32
    %c0_i32_4 = arith.constant 0 : i32
    return %get3A_2, %c0_i32, %c0_i32_3 : i32, i32, i32
  }
  func.func @transform_34(%arg0: i32, %arg1: memref<48xi32, #tpu.memory_space<smem>>) -> (i32, i32, i32) {
    %mul3A = arith.constant 16 : i32
    %mul3A_0 = arith.muli %mul3A, %arg0 : i32
    %add3A = arith.constant 5 : i32
    %add3A_1 = arith.addi %mul3A_0, %add3A : i32
    %get3A = arith.index_cast %add3A_1 : i32 to index
    %get3A_2 = memref.load %arg1[%get3A] : memref<48xi32, #tpu.memory_space<smem>>
    %c0_i32 = arith.constant 0 : i32
    %c0_i32_3 = arith.constant 0 : i32
    %c0_i32_4 = arith.constant 0 : i32
    return %get3A_2, %c0_i32, %c0_i32_3 : i32, i32, i32
  }
  func.func @transform_35(%arg0: i32, %arg1: memref<48xi32, #tpu.memory_space<smem>>) -> (i32, i32, i32) {
    %mul3A = arith.constant 16 : i32
    %mul3A_0 = arith.muli %mul3A, %arg0 : i32
    %add3A = arith.constant 5 : i32
    %add3A_1 = arith.addi %mul3A_0, %add3A : i32
    %get3A = arith.index_cast %add3A_1 : i32 to index
    %get3A_2 = memref.load %arg1[%get3A] : memref<48xi32, #tpu.memory_space<smem>>
    %c0_i32 = arith.constant 0 : i32
    %c0_i32_3 = arith.constant 0 : i32
    %c0_i32_4 = arith.constant 0 : i32
    return %get3A_2, %c0_i32, %c0_i32_3 : i32, i32, i32
  }
  func.func @transform_36(%arg0: i32, %arg1: memref<48xi32, #tpu.memory_space<smem>>) -> (i32, i32, i32) {
    %mul3A = arith.constant 16 : i32
    %mul3A_0 = arith.muli %mul3A, %arg0 : i32
    %add3A = arith.constant 5 : i32
    %add3A_1 = arith.addi %mul3A_0, %add3A : i32
    %get3A = arith.index_cast %add3A_1 : i32 to index
    %get3A_2 = memref.load %arg1[%get3A] : memref<48xi32, #tpu.memory_space<smem>>
    %c0_i32 = arith.constant 0 : i32
    %c0_i32_3 = arith.constant 0 : i32
    %c0_i32_4 = arith.constant 0 : i32
    return %get3A_2, %c0_i32, %c0_i32_3 : i32, i32, i32
  }
  func.func @transform_37(%arg0: i32, %arg1: memref<48xi32, #tpu.memory_space<smem>>) -> (i32, i32, i32, i32) {
    %mul3A = arith.constant 16 : i32
    %mul3A_0 = arith.muli %mul3A, %arg0 : i32
    %add3A = arith.constant 6 : i32
    %add3A_1 = arith.addi %mul3A_0, %add3A : i32
    %get3A = arith.index_cast %add3A_1 : i32 to index
    %get3A_2 = memref.load %arg1[%get3A] : memref<48xi32, #tpu.memory_space<smem>>
    %c0_i32 = arith.constant 0 : i32
    %c0_i32_3 = arith.constant 0 : i32
    %c0_i32_4 = arith.constant 0 : i32
    %c0_i32_5 = arith.constant 0 : i32
    return %get3A_2, %c0_i32, %c0_i32_3, %c0_i32_4 : i32, i32, i32, i32
  }
  func.func @transform_38(%arg0: i32, %arg1: memref<48xi32, #tpu.memory_space<smem>>) -> (i32, i32, i32) {
    %mul3A = arith.constant 16 : i32
    %mul3A_0 = arith.muli %mul3A, %arg0 : i32
    %add3A = arith.constant 6 : i32
    %add3A_1 = arith.addi %mul3A_0, %add3A : i32
    %get3A = arith.index_cast %add3A_1 : i32 to index
    %get3A_2 = memref.load %arg1[%get3A] : memref<48xi32, #tpu.memory_space<smem>>
    %c0_i32 = arith.constant 0 : i32
    %c0_i32_3 = arith.constant 0 : i32
    %c0_i32_4 = arith.constant 0 : i32
    return %get3A_2, %c0_i32, %c0_i32_3 : i32, i32, i32
  }
  func.func @transform_39(%arg0: i32, %arg1: memref<48xi32, #tpu.memory_space<smem>>) -> (i32, i32, i32) {
    %mul3A = arith.constant 16 : i32
    %mul3A_0 = arith.muli %mul3A, %arg0 : i32
    %add3A = arith.constant 6 : i32
    %add3A_1 = arith.addi %mul3A_0, %add3A : i32
    %get3A = arith.index_cast %add3A_1 : i32 to index
    %get3A_2 = memref.load %arg1[%get3A] : memref<48xi32, #tpu.memory_space<smem>>
    %c0_i32 = arith.constant 0 : i32
    %c0_i32_3 = arith.constant 0 : i32
    %c0_i32_4 = arith.constant 0 : i32
    return %get3A_2, %c0_i32, %c0_i32_3 : i32, i32, i32
  }
  func.func @transform_40(%arg0: i32, %arg1: memref<48xi32, #tpu.memory_space<smem>>) -> (i32, i32, i32) {
    %mul3A = arith.constant 16 : i32
    %mul3A_0 = arith.muli %mul3A, %arg0 : i32
    %add3A = arith.constant 6 : i32
    %add3A_1 = arith.addi %mul3A_0, %add3A : i32
    %get3A = arith.index_cast %add3A_1 : i32 to index
    %get3A_2 = memref.load %arg1[%get3A] : memref<48xi32, #tpu.memory_space<smem>>
    %c0_i32 = arith.constant 0 : i32
    %c0_i32_3 = arith.constant 0 : i32
    %c0_i32_4 = arith.constant 0 : i32
    return %get3A_2, %c0_i32, %c0_i32_3 : i32, i32, i32
  }
  func.func @transform_41(%arg0: i32, %arg1: memref<48xi32, #tpu.memory_space<smem>>) -> (i32, i32, i32) {
    %mul3A = arith.constant 16 : i32
    %mul3A_0 = arith.muli %mul3A, %arg0 : i32
    %add3A = arith.constant 6 : i32
    %add3A_1 = arith.addi %mul3A_0, %add3A : i32
    %get3A = arith.index_cast %add3A_1 : i32 to index
    %get3A_2 = memref.load %arg1[%get3A] : memref<48xi32, #tpu.memory_space<smem>>
    %c0_i32 = arith.constant 0 : i32
    %c0_i32_3 = arith.constant 0 : i32
    %c0_i32_4 = arith.constant 0 : i32
    return %get3A_2, %c0_i32, %c0_i32_3 : i32, i32, i32
  }
  func.func @transform_42(%arg0: i32, %arg1: memref<48xi32, #tpu.memory_space<smem>>) -> (i32, i32, i32) {
    %mul3A = arith.constant 16 : i32
    %mul3A_0 = arith.muli %mul3A, %arg0 : i32
    %add3A = arith.constant 6 : i32
    %add3A_1 = arith.addi %mul3A_0, %add3A : i32
    %get3A = arith.index_cast %add3A_1 : i32 to index
    %get3A_2 = memref.load %arg1[%get3A] : memref<48xi32, #tpu.memory_space<smem>>
    %c0_i32 = arith.constant 0 : i32
    %c0_i32_3 = arith.constant 0 : i32
    %c0_i32_4 = arith.constant 0 : i32
    return %get3A_2, %c0_i32, %c0_i32_3 : i32, i32, i32
  }
  func.func @transform_43(%arg0: i32, %arg1: memref<48xi32, #tpu.memory_space<smem>>) -> (i32, i32, i32, i32) {
    %mul3A = arith.constant 16 : i32
    %mul3A_0 = arith.muli %mul3A, %arg0 : i32
    %add3A = arith.constant 7 : i32
    %add3A_1 = arith.addi %mul3A_0, %add3A : i32
    %get3A = arith.index_cast %add3A_1 : i32 to index
    %get3A_2 = memref.load %arg1[%get3A] : memref<48xi32, #tpu.memory_space<smem>>
    %c0_i32 = arith.constant 0 : i32
    %c0_i32_3 = arith.constant 0 : i32
    %c0_i32_4 = arith.constant 0 : i32
    %c0_i32_5 = arith.constant 0 : i32
    return %get3A_2, %c0_i32, %c0_i32_3, %c0_i32_4 : i32, i32, i32, i32
  }
  func.func @transform_44(%arg0: i32, %arg1: memref<48xi32, #tpu.memory_space<smem>>) -> (i32, i32, i32) {
    %mul3A = arith.constant 16 : i32
    %mul3A_0 = arith.muli %mul3A, %arg0 : i32
    %add3A = arith.constant 7 : i32
    %add3A_1 = arith.addi %mul3A_0, %add3A : i32
    %get3A = arith.index_cast %add3A_1 : i32 to index
    %get3A_2 = memref.load %arg1[%get3A] : memref<48xi32, #tpu.memory_space<smem>>
    %c0_i32 = arith.constant 0 : i32
    %c0_i32_3 = arith.constant 0 : i32
    %c0_i32_4 = arith.constant 0 : i32
    return %get3A_2, %c0_i32, %c0_i32_3 : i32, i32, i32
  }
  func.func @transform_45(%arg0: i32, %arg1: memref<48xi32, #tpu.memory_space<smem>>) -> (i32, i32, i32) {
    %mul3A = arith.constant 16 : i32
    %mul3A_0 = arith.muli %mul3A, %arg0 : i32
    %add3A = arith.constant 7 : i32
    %add3A_1 = arith.addi %mul3A_0, %add3A : i32
    %get3A = arith.index_cast %add3A_1 : i32 to index
    %get3A_2 = memref.load %arg1[%get3A] : memref<48xi32, #tpu.memory_space<smem>>
    %c0_i32 = arith.constant 0 : i32
    %c0_i32_3 = arith.constant 0 : i32
    %c0_i32_4 = arith.constant 0 : i32
    return %get3A_2, %c0_i32, %c0_i32_3 : i32, i32, i32
  }
  func.func @transform_46(%arg0: i32, %arg1: memref<48xi32, #tpu.memory_space<smem>>) -> (i32, i32, i32) {
    %mul3A = arith.constant 16 : i32
    %mul3A_0 = arith.muli %mul3A, %arg0 : i32
    %add3A = arith.constant 7 : i32
    %add3A_1 = arith.addi %mul3A_0, %add3A : i32
    %get3A = arith.index_cast %add3A_1 : i32 to index
    %get3A_2 = memref.load %arg1[%get3A] : memref<48xi32, #tpu.memory_space<smem>>
    %c0_i32 = arith.constant 0 : i32
    %c0_i32_3 = arith.constant 0 : i32
    %c0_i32_4 = arith.constant 0 : i32
    return %get3A_2, %c0_i32, %c0_i32_3 : i32, i32, i32
  }
  func.func @transform_47(%arg0: i32, %arg1: memref<48xi32, #tpu.memory_space<smem>>) -> (i32, i32, i32) {
    %mul3A = arith.constant 16 : i32
    %mul3A_0 = arith.muli %mul3A, %arg0 : i32
    %add3A = arith.constant 7 : i32
    %add3A_1 = arith.addi %mul3A_0, %add3A : i32
    %get3A = arith.index_cast %add3A_1 : i32 to index
    %get3A_2 = memref.load %arg1[%get3A] : memref<48xi32, #tpu.memory_space<smem>>
    %c0_i32 = arith.constant 0 : i32
    %c0_i32_3 = arith.constant 0 : i32
    %c0_i32_4 = arith.constant 0 : i32
    return %get3A_2, %c0_i32, %c0_i32_3 : i32, i32, i32
  }
  func.func @transform_48(%arg0: i32, %arg1: memref<48xi32, #tpu.memory_space<smem>>) -> (i32, i32, i32) {
    %mul3A = arith.constant 16 : i32
    %mul3A_0 = arith.muli %mul3A, %arg0 : i32
    %add3A = arith.constant 7 : i32
    %add3A_1 = arith.addi %mul3A_0, %add3A : i32
    %get3A = arith.index_cast %add3A_1 : i32 to index
    %get3A_2 = memref.load %arg1[%get3A] : memref<48xi32, #tpu.memory_space<smem>>
    %c0_i32 = arith.constant 0 : i32
    %c0_i32_3 = arith.constant 0 : i32
    %c0_i32_4 = arith.constant 0 : i32
    return %get3A_2, %c0_i32, %c0_i32_3 : i32, i32, i32
  }
  func.func @transform_49(%arg0: i32, %arg1: memref<48xi32, #tpu.memory_space<smem>>) -> (i32, i32, i32, i32) {
    %mul3A = arith.constant 16 : i32
    %mul3A_0 = arith.muli %mul3A, %arg0 : i32
    %add3A = arith.constant 8 : i32
    %add3A_1 = arith.addi %mul3A_0, %add3A : i32
    %get3A = arith.index_cast %add3A_1 : i32 to index
    %get3A_2 = memref.load %arg1[%get3A] : memref<48xi32, #tpu.memory_space<smem>>
    %c0_i32 = arith.constant 0 : i32
    %c0_i32_3 = arith.constant 0 : i32
    %c0_i32_4 = arith.constant 0 : i32
    %c0_i32_5 = arith.constant 0 : i32
    return %get3A_2, %c0_i32, %c0_i32_3, %c0_i32_4 : i32, i32, i32, i32
  }
  func.func @transform_50(%arg0: i32, %arg1: memref<48xi32, #tpu.memory_space<smem>>) -> (i32, i32, i32) {
    %mul3A = arith.constant 16 : i32
    %mul3A_0 = arith.muli %mul3A, %arg0 : i32
    %add3A = arith.constant 8 : i32
    %add3A_1 = arith.addi %mul3A_0, %add3A : i32
    %get3A = arith.index_cast %add3A_1 : i32 to index
    %get3A_2 = memref.load %arg1[%get3A] : memref<48xi32, #tpu.memory_space<smem>>
    %c0_i32 = arith.constant 0 : i32
    %c0_i32_3 = arith.constant 0 : i32
    %c0_i32_4 = arith.constant 0 : i32
    return %get3A_2, %c0_i32, %c0_i32_3 : i32, i32, i32
  }
  func.func @transform_51(%arg0: i32, %arg1: memref<48xi32, #tpu.memory_space<smem>>) -> (i32, i32, i32) {
    %mul3A = arith.constant 16 : i32
    %mul3A_0 = arith.muli %mul3A, %arg0 : i32
    %add3A = arith.constant 8 : i32
    %add3A_1 = arith.addi %mul3A_0, %add3A : i32
    %get3A = arith.index_cast %add3A_1 : i32 to index
    %get3A_2 = memref.load %arg1[%get3A] : memref<48xi32, #tpu.memory_space<smem>>
    %c0_i32 = arith.constant 0 : i32
    %c0_i32_3 = arith.constant 0 : i32
    %c0_i32_4 = arith.constant 0 : i32
    return %get3A_2, %c0_i32, %c0_i32_3 : i32, i32, i32
  }
  func.func @transform_52(%arg0: i32, %arg1: memref<48xi32, #tpu.memory_space<smem>>) -> (i32, i32, i32) {
    %mul3A = arith.constant 16 : i32
    %mul3A_0 = arith.muli %mul3A, %arg0 : i32
    %add3A = arith.constant 8 : i32
    %add3A_1 = arith.addi %mul3A_0, %add3A : i32
    %get3A = arith.index_cast %add3A_1 : i32 to index
    %get3A_2 = memref.load %arg1[%get3A] : memref<48xi32, #tpu.memory_space<smem>>
    %c0_i32 = arith.constant 0 : i32
    %c0_i32_3 = arith.constant 0 : i32
    %c0_i32_4 = arith.constant 0 : i32
    return %get3A_2, %c0_i32, %c0_i32_3 : i32, i32, i32
  }
  func.func @transform_53(%arg0: i32, %arg1: memref<48xi32, #tpu.memory_space<smem>>) -> (i32, i32, i32) {
    %mul3A = arith.constant 16 : i32
    %mul3A_0 = arith.muli %mul3A, %arg0 : i32
    %add3A = arith.constant 8 : i32
    %add3A_1 = arith.addi %mul3A_0, %add3A : i32
    %get3A = arith.index_cast %add3A_1 : i32 to index
    %get3A_2 = memref.load %arg1[%get3A] : memref<48xi32, #tpu.memory_space<smem>>
    %c0_i32 = arith.constant 0 : i32
    %c0_i32_3 = arith.constant 0 : i32
    %c0_i32_4 = arith.constant 0 : i32
    return %get3A_2, %c0_i32, %c0_i32_3 : i32, i32, i32
  }
  func.func @transform_54(%arg0: i32, %arg1: memref<48xi32, #tpu.memory_space<smem>>) -> (i32, i32, i32) {
    %mul3A = arith.constant 16 : i32
    %mul3A_0 = arith.muli %mul3A, %arg0 : i32
    %add3A = arith.constant 8 : i32
    %add3A_1 = arith.addi %mul3A_0, %add3A : i32
    %get3A = arith.index_cast %add3A_1 : i32 to index
    %get3A_2 = memref.load %arg1[%get3A] : memref<48xi32, #tpu.memory_space<smem>>
    %c0_i32 = arith.constant 0 : i32
    %c0_i32_3 = arith.constant 0 : i32
    %c0_i32_4 = arith.constant 0 : i32
    return %get3A_2, %c0_i32, %c0_i32_3 : i32, i32, i32
  }
  func.func @transform_55(%arg0: i32, %arg1: memref<48xi32, #tpu.memory_space<smem>>) -> (i32, i32, i32, i32) {
    %mul3A = arith.constant 16 : i32
    %mul3A_0 = arith.muli %mul3A, %arg0 : i32
    %add3A = arith.constant 9 : i32
    %add3A_1 = arith.addi %mul3A_0, %add3A : i32
    %get3A = arith.index_cast %add3A_1 : i32 to index
    %get3A_2 = memref.load %arg1[%get3A] : memref<48xi32, #tpu.memory_space<smem>>
    %c0_i32 = arith.constant 0 : i32
    %c0_i32_3 = arith.constant 0 : i32
    %c0_i32_4 = arith.constant 0 : i32
    %c0_i32_5 = arith.constant 0 : i32
    return %get3A_2, %c0_i32, %c0_i32_3, %c0_i32_4 : i32, i32, i32, i32
  }
  func.func @transform_56(%arg0: i32, %arg1: memref<48xi32, #tpu.memory_space<smem>>) -> (i32, i32, i32) {
    %mul3A = arith.constant 16 : i32
    %mul3A_0 = arith.muli %mul3A, %arg0 : i32
    %add3A = arith.constant 9 : i32
    %add3A_1 = arith.addi %mul3A_0, %add3A : i32
    %get3A = arith.index_cast %add3A_1 : i32 to index
    %get3A_2 = memref.load %arg1[%get3A] : memref<48xi32, #tpu.memory_space<smem>>
    %c0_i32 = arith.constant 0 : i32
    %c0_i32_3 = arith.constant 0 : i32
    %c0_i32_4 = arith.constant 0 : i32
    return %get3A_2, %c0_i32, %c0_i32_3 : i32, i32, i32
  }
  func.func @transform_57(%arg0: i32, %arg1: memref<48xi32, #tpu.memory_space<smem>>) -> (i32, i32, i32) {
    %mul3A = arith.constant 16 : i32
    %mul3A_0 = arith.muli %mul3A, %arg0 : i32
    %add3A = arith.constant 9 : i32
    %add3A_1 = arith.addi %mul3A_0, %add3A : i32
    %get3A = arith.index_cast %add3A_1 : i32 to index
    %get3A_2 = memref.load %arg1[%get3A] : memref<48xi32, #tpu.memory_space<smem>>
    %c0_i32 = arith.constant 0 : i32
    %c0_i32_3 = arith.constant 0 : i32
    %c0_i32_4 = arith.constant 0 : i32
    return %get3A_2, %c0_i32, %c0_i32_3 : i32, i32, i32
  }
  func.func @transform_58(%arg0: i32, %arg1: memref<48xi32, #tpu.memory_space<smem>>) -> (i32, i32, i32) {
    %mul3A = arith.constant 16 : i32
    %mul3A_0 = arith.muli %mul3A, %arg0 : i32
    %add3A = arith.constant 9 : i32
    %add3A_1 = arith.addi %mul3A_0, %add3A : i32
    %get3A = arith.index_cast %add3A_1 : i32 to index
    %get3A_2 = memref.load %arg1[%get3A] : memref<48xi32, #tpu.memory_space<smem>>
    %c0_i32 = arith.constant 0 : i32
    %c0_i32_3 = arith.constant 0 : i32
    %c0_i32_4 = arith.constant 0 : i32
    return %get3A_2, %c0_i32, %c0_i32_3 : i32, i32, i32
  }
  func.func @transform_59(%arg0: i32, %arg1: memref<48xi32, #tpu.memory_space<smem>>) -> (i32, i32, i32) {
    %mul3A = arith.constant 16 : i32
    %mul3A_0 = arith.muli %mul3A, %arg0 : i32
    %add3A = arith.constant 9 : i32
    %add3A_1 = arith.addi %mul3A_0, %add3A : i32
    %get3A = arith.index_cast %add3A_1 : i32 to index
    %get3A_2 = memref.load %arg1[%get3A] : memref<48xi32, #tpu.memory_space<smem>>
    %c0_i32 = arith.constant 0 : i32
    %c0_i32_3 = arith.constant 0 : i32
    %c0_i32_4 = arith.constant 0 : i32
    return %get3A_2, %c0_i32, %c0_i32_3 : i32, i32, i32
  }
  func.func @transform_60(%arg0: i32, %arg1: memref<48xi32, #tpu.memory_space<smem>>) -> (i32, i32, i32) {
    %mul3A = arith.constant 16 : i32
    %mul3A_0 = arith.muli %mul3A, %arg0 : i32
    %add3A = arith.constant 9 : i32
    %add3A_1 = arith.addi %mul3A_0, %add3A : i32
    %get3A = arith.index_cast %add3A_1 : i32 to index
    %get3A_2 = memref.load %arg1[%get3A] : memref<48xi32, #tpu.memory_space<smem>>
    %c0_i32 = arith.constant 0 : i32
    %c0_i32_3 = arith.constant 0 : i32
    %c0_i32_4 = arith.constant 0 : i32
    return %get3A_2, %c0_i32, %c0_i32_3 : i32, i32, i32
  }
  func.func @transform_61(%arg0: i32, %arg1: memref<48xi32, #tpu.memory_space<smem>>) -> (i32, i32, i32, i32) {
    %mul3A = arith.constant 16 : i32
    %mul3A_0 = arith.muli %mul3A, %arg0 : i32
    %add3A = arith.constant 10 : i32
    %add3A_1 = arith.addi %mul3A_0, %add3A : i32
    %get3A = arith.index_cast %add3A_1 : i32 to index
    %get3A_2 = memref.load %arg1[%get3A] : memref<48xi32, #tpu.memory_space<smem>>
    %c0_i32 = arith.constant 0 : i32
    %c0_i32_3 = arith.constant 0 : i32
    %c0_i32_4 = arith.constant 0 : i32
    %c0_i32_5 = arith.constant 0 : i32
    return %get3A_2, %c0_i32, %c0_i32_3, %c0_i32_4 : i32, i32, i32, i32
  }
  func.func @transform_62(%arg0: i32, %arg1: memref<48xi32, #tpu.memory_space<smem>>) -> (i32, i32, i32) {
    %mul3A = arith.constant 16 : i32
    %mul3A_0 = arith.muli %mul3A, %arg0 : i32
    %add3A = arith.constant 10 : i32
    %add3A_1 = arith.addi %mul3A_0, %add3A : i32
    %get3A = arith.index_cast %add3A_1 : i32 to index
    %get3A_2 = memref.load %arg1[%get3A] : memref<48xi32, #tpu.memory_space<smem>>
    %c0_i32 = arith.constant 0 : i32
    %c0_i32_3 = arith.constant 0 : i32
    %c0_i32_4 = arith.constant 0 : i32
    return %get3A_2, %c0_i32, %c0_i32_3 : i32, i32, i32
  }
  func.func @transform_63(%arg0: i32, %arg1: memref<48xi32, #tpu.memory_space<smem>>) -> (i32, i32, i32) {
    %mul3A = arith.constant 16 : i32
    %mul3A_0 = arith.muli %mul3A, %arg0 : i32
    %add3A = arith.constant 10 : i32
    %add3A_1 = arith.addi %mul3A_0, %add3A : i32
    %get3A = arith.index_cast %add3A_1 : i32 to index
    %get3A_2 = memref.load %arg1[%get3A] : memref<48xi32, #tpu.memory_space<smem>>
    %c0_i32 = arith.constant 0 : i32
    %c0_i32_3 = arith.constant 0 : i32
    %c0_i32_4 = arith.constant 0 : i32
    return %get3A_2, %c0_i32, %c0_i32_3 : i32, i32, i32
  }
  func.func @transform_64(%arg0: i32, %arg1: memref<48xi32, #tpu.memory_space<smem>>) -> (i32, i32, i32) {
    %mul3A = arith.constant 16 : i32
    %mul3A_0 = arith.muli %mul3A, %arg0 : i32
    %add3A = arith.constant 10 : i32
    %add3A_1 = arith.addi %mul3A_0, %add3A : i32
    %get3A = arith.index_cast %add3A_1 : i32 to index
    %get3A_2 = memref.load %arg1[%get3A] : memref<48xi32, #tpu.memory_space<smem>>
    %c0_i32 = arith.constant 0 : i32
    %c0_i32_3 = arith.constant 0 : i32
    %c0_i32_4 = arith.constant 0 : i32
    return %get3A_2, %c0_i32, %c0_i32_3 : i32, i32, i32
  }
  func.func @transform_65(%arg0: i32, %arg1: memref<48xi32, #tpu.memory_space<smem>>) -> (i32, i32, i32) {
    %mul3A = arith.constant 16 : i32
    %mul3A_0 = arith.muli %mul3A, %arg0 : i32
    %add3A = arith.constant 10 : i32
    %add3A_1 = arith.addi %mul3A_0, %add3A : i32
    %get3A = arith.index_cast %add3A_1 : i32 to index
    %get3A_2 = memref.load %arg1[%get3A] : memref<48xi32, #tpu.memory_space<smem>>
    %c0_i32 = arith.constant 0 : i32
    %c0_i32_3 = arith.constant 0 : i32
    %c0_i32_4 = arith.constant 0 : i32
    return %get3A_2, %c0_i32, %c0_i32_3 : i32, i32, i32
  }
  func.func @transform_66(%arg0: i32, %arg1: memref<48xi32, #tpu.memory_space<smem>>) -> (i32, i32, i32) {
    %mul3A = arith.constant 16 : i32
    %mul3A_0 = arith.muli %mul3A, %arg0 : i32
    %add3A = arith.constant 10 : i32
    %add3A_1 = arith.addi %mul3A_0, %add3A : i32
    %get3A = arith.index_cast %add3A_1 : i32 to index
    %get3A_2 = memref.load %arg1[%get3A] : memref<48xi32, #tpu.memory_space<smem>>
    %c0_i32 = arith.constant 0 : i32
    %c0_i32_3 = arith.constant 0 : i32
    %c0_i32_4 = arith.constant 0 : i32
    return %get3A_2, %c0_i32, %c0_i32_3 : i32, i32, i32
  }
  func.func @transform_67(%arg0: i32, %arg1: memref<48xi32, #tpu.memory_space<smem>>) -> (i32, i32, i32, i32) {
    %mul3A = arith.constant 16 : i32
    %mul3A_0 = arith.muli %mul3A, %arg0 : i32
    %add3A = arith.constant 11 : i32
    %add3A_1 = arith.addi %mul3A_0, %add3A : i32
    %get3A = arith.index_cast %add3A_1 : i32 to index
    %get3A_2 = memref.load %arg1[%get3A] : memref<48xi32, #tpu.memory_space<smem>>
    %c0_i32 = arith.constant 0 : i32
    %c0_i32_3 = arith.constant 0 : i32
    %c0_i32_4 = arith.constant 0 : i32
    %c0_i32_5 = arith.constant 0 : i32
    return %get3A_2, %c0_i32, %c0_i32_3, %c0_i32_4 : i32, i32, i32, i32
  }
  func.func @transform_68(%arg0: i32, %arg1: memref<48xi32, #tpu.memory_space<smem>>) -> (i32, i32, i32) {
    %mul3A = arith.constant 16 : i32
    %mul3A_0 = arith.muli %mul3A, %arg0 : i32
    %add3A = arith.constant 11 : i32
    %add3A_1 = arith.addi %mul3A_0, %add3A : i32
    %get3A = arith.index_cast %add3A_1 : i32 to index
    %get3A_2 = memref.load %arg1[%get3A] : memref<48xi32, #tpu.memory_space<smem>>
    %c0_i32 = arith.constant 0 : i32
    %c0_i32_3 = arith.constant 0 : i32
    %c0_i32_4 = arith.constant 0 : i32
    return %get3A_2, %c0_i32, %c0_i32_3 : i32, i32, i32
  }
  func.func @transform_69(%arg0: i32, %arg1: memref<48xi32, #tpu.memory_space<smem>>) -> (i32, i32, i32) {
    %mul3A = arith.constant 16 : i32
    %mul3A_0 = arith.muli %mul3A, %arg0 : i32
    %add3A = arith.constant 11 : i32
    %add3A_1 = arith.addi %mul3A_0, %add3A : i32
    %get3A = arith.index_cast %add3A_1 : i32 to index
    %get3A_2 = memref.load %arg1[%get3A] : memref<48xi32, #tpu.memory_space<smem>>
    %c0_i32 = arith.constant 0 : i32
    %c0_i32_3 = arith.constant 0 : i32
    %c0_i32_4 = arith.constant 0 : i32
    return %get3A_2, %c0_i32, %c0_i32_3 : i32, i32, i32
  }
  func.func @transform_70(%arg0: i32, %arg1: memref<48xi32, #tpu.memory_space<smem>>) -> (i32, i32, i32) {
    %mul3A = arith.constant 16 : i32
    %mul3A_0 = arith.muli %mul3A, %arg0 : i32
    %add3A = arith.constant 11 : i32
    %add3A_1 = arith.addi %mul3A_0, %add3A : i32
    %get3A = arith.index_cast %add3A_1 : i32 to index
    %get3A_2 = memref.load %arg1[%get3A] : memref<48xi32, #tpu.memory_space<smem>>
    %c0_i32 = arith.constant 0 : i32
    %c0_i32_3 = arith.constant 0 : i32
    %c0_i32_4 = arith.constant 0 : i32
    return %get3A_2, %c0_i32, %c0_i32_3 : i32, i32, i32
  }
  func.func @transform_71(%arg0: i32, %arg1: memref<48xi32, #tpu.memory_space<smem>>) -> (i32, i32, i32) {
    %mul3A = arith.constant 16 : i32
    %mul3A_0 = arith.muli %mul3A, %arg0 : i32
    %add3A = arith.constant 11 : i32
    %add3A_1 = arith.addi %mul3A_0, %add3A : i32
    %get3A = arith.index_cast %add3A_1 : i32 to index
    %get3A_2 = memref.load %arg1[%get3A] : memref<48xi32, #tpu.memory_space<smem>>
    %c0_i32 = arith.constant 0 : i32
    %c0_i32_3 = arith.constant 0 : i32
    %c0_i32_4 = arith.constant 0 : i32
    return %get3A_2, %c0_i32, %c0_i32_3 : i32, i32, i32
  }
  func.func @transform_72(%arg0: i32, %arg1: memref<48xi32, #tpu.memory_space<smem>>) -> (i32, i32, i32) {
    %mul3A = arith.constant 16 : i32
    %mul3A_0 = arith.muli %mul3A, %arg0 : i32
    %add3A = arith.constant 11 : i32
    %add3A_1 = arith.addi %mul3A_0, %add3A : i32
    %get3A = arith.index_cast %add3A_1 : i32 to index
    %get3A_2 = memref.load %arg1[%get3A] : memref<48xi32, #tpu.memory_space<smem>>
    %c0_i32 = arith.constant 0 : i32
    %c0_i32_3 = arith.constant 0 : i32
    %c0_i32_4 = arith.constant 0 : i32
    return %get3A_2, %c0_i32, %c0_i32_3 : i32, i32, i32
  }
  func.func @transform_73(%arg0: i32, %arg1: memref<48xi32, #tpu.memory_space<smem>>) -> (i32, i32, i32, i32) {
    %mul3A = arith.constant 16 : i32
    %mul3A_0 = arith.muli %mul3A, %arg0 : i32
    %add3A = arith.constant 12 : i32
    %add3A_1 = arith.addi %mul3A_0, %add3A : i32
    %get3A = arith.index_cast %add3A_1 : i32 to index
    %get3A_2 = memref.load %arg1[%get3A] : memref<48xi32, #tpu.memory_space<smem>>
    %c0_i32 = arith.constant 0 : i32
    %c0_i32_3 = arith.constant 0 : i32
    %c0_i32_4 = arith.constant 0 : i32
    %c0_i32_5 = arith.constant 0 : i32
    return %get3A_2, %c0_i32, %c0_i32_3, %c0_i32_4 : i32, i32, i32, i32
  }
  func.func @transform_74(%arg0: i32, %arg1: memref<48xi32, #tpu.memory_space<smem>>) -> (i32, i32, i32) {
    %mul3A = arith.constant 16 : i32
    %mul3A_0 = arith.muli %mul3A, %arg0 : i32
    %add3A = arith.constant 12 : i32
    %add3A_1 = arith.addi %mul3A_0, %add3A : i32
    %get3A = arith.index_cast %add3A_1 : i32 to index
    %get3A_2 = memref.load %arg1[%get3A] : memref<48xi32, #tpu.memory_space<smem>>
    %c0_i32 = arith.constant 0 : i32
    %c0_i32_3 = arith.constant 0 : i32
    %c0_i32_4 = arith.constant 0 : i32
    return %get3A_2, %c0_i32, %c0_i32_3 : i32, i32, i32
  }
  func.func @transform_75(%arg0: i32, %arg1: memref<48xi32, #tpu.memory_space<smem>>) -> (i32, i32, i32) {
    %mul3A = arith.constant 16 : i32
    %mul3A_0 = arith.muli %mul3A, %arg0 : i32
    %add3A = arith.constant 12 : i32
    %add3A_1 = arith.addi %mul3A_0, %add3A : i32
    %get3A = arith.index_cast %add3A_1 : i32 to index
    %get3A_2 = memref.load %arg1[%get3A] : memref<48xi32, #tpu.memory_space<smem>>
    %c0_i32 = arith.constant 0 : i32
    %c0_i32_3 = arith.constant 0 : i32
    %c0_i32_4 = arith.constant 0 : i32
    return %get3A_2, %c0_i32, %c0_i32_3 : i32, i32, i32
  }
  func.func @transform_76(%arg0: i32, %arg1: memref<48xi32, #tpu.memory_space<smem>>) -> (i32, i32, i32) {
    %mul3A = arith.constant 16 : i32
    %mul3A_0 = arith.muli %mul3A, %arg0 : i32
    %add3A = arith.constant 12 : i32
    %add3A_1 = arith.addi %mul3A_0, %add3A : i32
    %get3A = arith.index_cast %add3A_1 : i32 to index
    %get3A_2 = memref.load %arg1[%get3A] : memref<48xi32, #tpu.memory_space<smem>>
    %c0_i32 = arith.constant 0 : i32
    %c0_i32_3 = arith.constant 0 : i32
    %c0_i32_4 = arith.constant 0 : i32
    return %get3A_2, %c0_i32, %c0_i32_3 : i32, i32, i32
  }
  func.func @transform_77(%arg0: i32, %arg1: memref<48xi32, #tpu.memory_space<smem>>) -> (i32, i32, i32) {
    %mul3A = arith.constant 16 : i32
    %mul3A_0 = arith.muli %mul3A, %arg0 : i32
    %add3A = arith.constant 12 : i32
    %add3A_1 = arith.addi %mul3A_0, %add3A : i32
    %get3A = arith.index_cast %add3A_1 : i32 to index
    %get3A_2 = memref.load %arg1[%get3A] : memref<48xi32, #tpu.memory_space<smem>>
    %c0_i32 = arith.constant 0 : i32
    %c0_i32_3 = arith.constant 0 : i32
    %c0_i32_4 = arith.constant 0 : i32
    return %get3A_2, %c0_i32, %c0_i32_3 : i32, i32, i32
  }
  func.func @transform_78(%arg0: i32, %arg1: memref<48xi32, #tpu.memory_space<smem>>) -> (i32, i32, i32) {
    %mul3A = arith.constant 16 : i32
    %mul3A_0 = arith.muli %mul3A, %arg0 : i32
    %add3A = arith.constant 12 : i32
    %add3A_1 = arith.addi %mul3A_0, %add3A : i32
    %get3A = arith.index_cast %add3A_1 : i32 to index
    %get3A_2 = memref.load %arg1[%get3A] : memref<48xi32, #tpu.memory_space<smem>>
    %c0_i32 = arith.constant 0 : i32
    %c0_i32_3 = arith.constant 0 : i32
    %c0_i32_4 = arith.constant 0 : i32
    return %get3A_2, %c0_i32, %c0_i32_3 : i32, i32, i32
  }
  func.func @transform_79(%arg0: i32, %arg1: memref<48xi32, #tpu.memory_space<smem>>) -> (i32, i32, i32, i32) {
    %mul3A = arith.constant 16 : i32
    %mul3A_0 = arith.muli %mul3A, %arg0 : i32
    %add3A = arith.constant 13 : i32
    %add3A_1 = arith.addi %mul3A_0, %add3A : i32
    %get3A = arith.index_cast %add3A_1 : i32 to index
    %get3A_2 = memref.load %arg1[%get3A] : memref<48xi32, #tpu.memory_space<smem>>
    %c0_i32 = arith.constant 0 : i32
    %c0_i32_3 = arith.constant 0 : i32
    %c0_i32_4 = arith.constant 0 : i32
    %c0_i32_5 = arith.constant 0 : i32
    return %get3A_2, %c0_i32, %c0_i32_3, %c0_i32_4 : i32, i32, i32, i32
  }
  func.func @transform_80(%arg0: i32, %arg1: memref<48xi32, #tpu.memory_space<smem>>) -> (i32, i32, i32) {
    %mul3A = arith.constant 16 : i32
    %mul3A_0 = arith.muli %mul3A, %arg0 : i32
    %add3A = arith.constant 13 : i32
    %add3A_1 = arith.addi %mul3A_0, %add3A : i32
    %get3A = arith.index_cast %add3A_1 : i32 to index
    %get3A_2 = memref.load %arg1[%get3A] : memref<48xi32, #tpu.memory_space<smem>>
    %c0_i32 = arith.constant 0 : i32
    %c0_i32_3 = arith.constant 0 : i32
    %c0_i32_4 = arith.constant 0 : i32
    return %get3A_2, %c0_i32, %c0_i32_3 : i32, i32, i32
  }
  func.func @transform_81(%arg0: i32, %arg1: memref<48xi32, #tpu.memory_space<smem>>) -> (i32, i32, i32) {
    %mul3A = arith.constant 16 : i32
    %mul3A_0 = arith.muli %mul3A, %arg0 : i32
    %add3A = arith.constant 13 : i32
    %add3A_1 = arith.addi %mul3A_0, %add3A : i32
    %get3A = arith.index_cast %add3A_1 : i32 to index
    %get3A_2 = memref.load %arg1[%get3A] : memref<48xi32, #tpu.memory_space<smem>>
    %c0_i32 = arith.constant 0 : i32
    %c0_i32_3 = arith.constant 0 : i32
    %c0_i32_4 = arith.constant 0 : i32
    return %get3A_2, %c0_i32, %c0_i32_3 : i32, i32, i32
  }
  func.func @transform_82(%arg0: i32, %arg1: memref<48xi32, #tpu.memory_space<smem>>) -> (i32, i32, i32) {
    %mul3A = arith.constant 16 : i32
    %mul3A_0 = arith.muli %mul3A, %arg0 : i32
    %add3A = arith.constant 13 : i32
    %add3A_1 = arith.addi %mul3A_0, %add3A : i32
    %get3A = arith.index_cast %add3A_1 : i32 to index
    %get3A_2 = memref.load %arg1[%get3A] : memref<48xi32, #tpu.memory_space<smem>>
    %c0_i32 = arith.constant 0 : i32
    %c0_i32_3 = arith.constant 0 : i32
    %c0_i32_4 = arith.constant 0 : i32
    return %get3A_2, %c0_i32, %c0_i32_3 : i32, i32, i32
  }
  func.func @transform_83(%arg0: i32, %arg1: memref<48xi32, #tpu.memory_space<smem>>) -> (i32, i32, i32) {
    %mul3A = arith.constant 16 : i32
    %mul3A_0 = arith.muli %mul3A, %arg0 : i32
    %add3A = arith.constant 13 : i32
    %add3A_1 = arith.addi %mul3A_0, %add3A : i32
    %get3A = arith.index_cast %add3A_1 : i32 to index
    %get3A_2 = memref.load %arg1[%get3A] : memref<48xi32, #tpu.memory_space<smem>>
    %c0_i32 = arith.constant 0 : i32
    %c0_i32_3 = arith.constant 0 : i32
    %c0_i32_4 = arith.constant 0 : i32
    return %get3A_2, %c0_i32, %c0_i32_3 : i32, i32, i32
  }
  func.func @transform_84(%arg0: i32, %arg1: memref<48xi32, #tpu.memory_space<smem>>) -> (i32, i32, i32) {
    %mul3A = arith.constant 16 : i32
    %mul3A_0 = arith.muli %mul3A, %arg0 : i32
    %add3A = arith.constant 13 : i32
    %add3A_1 = arith.addi %mul3A_0, %add3A : i32
    %get3A = arith.index_cast %add3A_1 : i32 to index
    %get3A_2 = memref.load %arg1[%get3A] : memref<48xi32, #tpu.memory_space<smem>>
    %c0_i32 = arith.constant 0 : i32
    %c0_i32_3 = arith.constant 0 : i32
    %c0_i32_4 = arith.constant 0 : i32
    return %get3A_2, %c0_i32, %c0_i32_3 : i32, i32, i32
  }
  func.func @transform_85(%arg0: i32, %arg1: memref<48xi32, #tpu.memory_space<smem>>) -> (i32, i32, i32, i32) {
    %mul3A = arith.constant 16 : i32
    %mul3A_0 = arith.muli %mul3A, %arg0 : i32
    %add3A = arith.constant 14 : i32
    %add3A_1 = arith.addi %mul3A_0, %add3A : i32
    %get3A = arith.index_cast %add3A_1 : i32 to index
    %get3A_2 = memref.load %arg1[%get3A] : memref<48xi32, #tpu.memory_space<smem>>
    %c0_i32 = arith.constant 0 : i32
    %c0_i32_3 = arith.constant 0 : i32
    %c0_i32_4 = arith.constant 0 : i32
    %c0_i32_5 = arith.constant 0 : i32
    return %get3A_2, %c0_i32, %c0_i32_3, %c0_i32_4 : i32, i32, i32, i32
  }
  func.func @transform_86(%arg0: i32, %arg1: memref<48xi32, #tpu.memory_space<smem>>) -> (i32, i32, i32) {
    %mul3A = arith.constant 16 : i32
    %mul3A_0 = arith.muli %mul3A, %arg0 : i32
    %add3A = arith.constant 14 : i32
    %add3A_1 = arith.addi %mul3A_0, %add3A : i32
    %get3A = arith.index_cast %add3A_1 : i32 to index
    %get3A_2 = memref.load %arg1[%get3A] : memref<48xi32, #tpu.memory_space<smem>>
    %c0_i32 = arith.constant 0 : i32
    %c0_i32_3 = arith.constant 0 : i32
    %c0_i32_4 = arith.constant 0 : i32
    return %get3A_2, %c0_i32, %c0_i32_3 : i32, i32, i32
  }
  func.func @transform_87(%arg0: i32, %arg1: memref<48xi32, #tpu.memory_space<smem>>) -> (i32, i32, i32) {
    %mul3A = arith.constant 16 : i32
    %mul3A_0 = arith.muli %mul3A, %arg0 : i32
    %add3A = arith.constant 14 : i32
    %add3A_1 = arith.addi %mul3A_0, %add3A : i32
    %get3A = arith.index_cast %add3A_1 : i32 to index
    %get3A_2 = memref.load %arg1[%get3A] : memref<48xi32, #tpu.memory_space<smem>>
    %c0_i32 = arith.constant 0 : i32
    %c0_i32_3 = arith.constant 0 : i32
    %c0_i32_4 = arith.constant 0 : i32
    return %get3A_2, %c0_i32, %c0_i32_3 : i32, i32, i32
  }
  func.func @transform_88(%arg0: i32, %arg1: memref<48xi32, #tpu.memory_space<smem>>) -> (i32, i32, i32) {
    %mul3A = arith.constant 16 : i32
    %mul3A_0 = arith.muli %mul3A, %arg0 : i32
    %add3A = arith.constant 14 : i32
    %add3A_1 = arith.addi %mul3A_0, %add3A : i32
    %get3A = arith.index_cast %add3A_1 : i32 to index
    %get3A_2 = memref.load %arg1[%get3A] : memref<48xi32, #tpu.memory_space<smem>>
    %c0_i32 = arith.constant 0 : i32
    %c0_i32_3 = arith.constant 0 : i32
    %c0_i32_4 = arith.constant 0 : i32
    return %get3A_2, %c0_i32, %c0_i32_3 : i32, i32, i32
  }
  func.func @transform_89(%arg0: i32, %arg1: memref<48xi32, #tpu.memory_space<smem>>) -> (i32, i32, i32) {
    %mul3A = arith.constant 16 : i32
    %mul3A_0 = arith.muli %mul3A, %arg0 : i32
    %add3A = arith.constant 14 : i32
    %add3A_1 = arith.addi %mul3A_0, %add3A : i32
    %get3A = arith.index_cast %add3A_1 : i32 to index
    %get3A_2 = memref.load %arg1[%get3A] : memref<48xi32, #tpu.memory_space<smem>>
    %c0_i32 = arith.constant 0 : i32
    %c0_i32_3 = arith.constant 0 : i32
    %c0_i32_4 = arith.constant 0 : i32
    return %get3A_2, %c0_i32, %c0_i32_3 : i32, i32, i32
  }
  func.func @transform_90(%arg0: i32, %arg1: memref<48xi32, #tpu.memory_space<smem>>) -> (i32, i32, i32) {
    %mul3A = arith.constant 16 : i32
    %mul3A_0 = arith.muli %mul3A, %arg0 : i32
    %add3A = arith.constant 14 : i32
    %add3A_1 = arith.addi %mul3A_0, %add3A : i32
    %get3A = arith.index_cast %add3A_1 : i32 to index
    %get3A_2 = memref.load %arg1[%get3A] : memref<48xi32, #tpu.memory_space<smem>>
    %c0_i32 = arith.constant 0 : i32
    %c0_i32_3 = arith.constant 0 : i32
    %c0_i32_4 = arith.constant 0 : i32
    return %get3A_2, %c0_i32, %c0_i32_3 : i32, i32, i32
  }
  func.func @transform_91(%arg0: i32, %arg1: memref<48xi32, #tpu.memory_space<smem>>) -> (i32, i32, i32, i32) {
    %mul3A = arith.constant 16 : i32
    %mul3A_0 = arith.muli %mul3A, %arg0 : i32
    %add3A = arith.constant 15 : i32
    %add3A_1 = arith.addi %mul3A_0, %add3A : i32
    %get3A = arith.index_cast %add3A_1 : i32 to index
    %get3A_2 = memref.load %arg1[%get3A] : memref<48xi32, #tpu.memory_space<smem>>
    %c0_i32 = arith.constant 0 : i32
    %c0_i32_3 = arith.constant 0 : i32
    %c0_i32_4 = arith.constant 0 : i32
    %c0_i32_5 = arith.constant 0 : i32
    return %get3A_2, %c0_i32, %c0_i32_3, %c0_i32_4 : i32, i32, i32, i32
  }
  func.func @transform_92(%arg0: i32, %arg1: memref<48xi32, #tpu.memory_space<smem>>) -> (i32, i32, i32) {
    %mul3A = arith.constant 16 : i32
    %mul3A_0 = arith.muli %mul3A, %arg0 : i32
    %add3A = arith.constant 15 : i32
    %add3A_1 = arith.addi %mul3A_0, %add3A : i32
    %get3A = arith.index_cast %add3A_1 : i32 to index
    %get3A_2 = memref.load %arg1[%get3A] : memref<48xi32, #tpu.memory_space<smem>>
    %c0_i32 = arith.constant 0 : i32
    %c0_i32_3 = arith.constant 0 : i32
    %c0_i32_4 = arith.constant 0 : i32
    return %get3A_2, %c0_i32, %c0_i32_3 : i32, i32, i32
  }
  func.func @transform_93(%arg0: i32, %arg1: memref<48xi32, #tpu.memory_space<smem>>) -> (i32, i32, i32) {
    %mul3A = arith.constant 16 : i32
    %mul3A_0 = arith.muli %mul3A, %arg0 : i32
    %add3A = arith.constant 15 : i32
    %add3A_1 = arith.addi %mul3A_0, %add3A : i32
    %get3A = arith.index_cast %add3A_1 : i32 to index
    %get3A_2 = memref.load %arg1[%get3A] : memref<48xi32, #tpu.memory_space<smem>>
    %c0_i32 = arith.constant 0 : i32
    %c0_i32_3 = arith.constant 0 : i32
    %c0_i32_4 = arith.constant 0 : i32
    return %get3A_2, %c0_i32, %c0_i32_3 : i32, i32, i32
  }
  func.func @transform_94(%arg0: i32, %arg1: memref<48xi32, #tpu.memory_space<smem>>) -> (i32, i32, i32) {
    %mul3A = arith.constant 16 : i32
    %mul3A_0 = arith.muli %mul3A, %arg0 : i32
    %add3A = arith.constant 15 : i32
    %add3A_1 = arith.addi %mul3A_0, %add3A : i32
    %get3A = arith.index_cast %add3A_1 : i32 to index
    %get3A_2 = memref.load %arg1[%get3A] : memref<48xi32, #tpu.memory_space<smem>>
    %c0_i32 = arith.constant 0 : i32
    %c0_i32_3 = arith.constant 0 : i32
    %c0_i32_4 = arith.constant 0 : i32
    return %get3A_2, %c0_i32, %c0_i32_3 : i32, i32, i32
  }
  func.func @transform_95(%arg0: i32, %arg1: memref<48xi32, #tpu.memory_space<smem>>) -> (i32, i32, i32) {
    %mul3A = arith.constant 16 : i32
    %mul3A_0 = arith.muli %mul3A, %arg0 : i32
    %add3A = arith.constant 15 : i32
    %add3A_1 = arith.addi %mul3A_0, %add3A : i32
    %get3A = arith.index_cast %add3A_1 : i32 to index
    %get3A_2 = memref.load %arg1[%get3A] : memref<48xi32, #tpu.memory_space<smem>>
    %c0_i32 = arith.constant 0 : i32
    %c0_i32_3 = arith.constant 0 : i32
    %c0_i32_4 = arith.constant 0 : i32
    return %get3A_2, %c0_i32, %c0_i32_3 : i32, i32, i32
  }
  func.func @transform_96(%arg0: i32, %arg1: memref<48xi32, #tpu.memory_space<smem>>) -> (i32, i32, i32) {
    %mul3A = arith.constant 16 : i32
    %mul3A_0 = arith.muli %mul3A, %arg0 : i32
    %add3A = arith.constant 15 : i32
    %add3A_1 = arith.addi %mul3A_0, %add3A : i32
    %get3A = arith.index_cast %add3A_1 : i32 to index
    %get3A_2 = memref.load %arg1[%get3A] : memref<48xi32, #tpu.memory_space<smem>>
    %c0_i32 = arith.constant 0 : i32
    %c0_i32_3 = arith.constant 0 : i32
    %c0_i32_4 = arith.constant 0 : i32
    return %get3A_2, %c0_i32, %c0_i32_3 : i32, i32, i32
  }
  func.func @transform_97(%arg0: i32, %arg1: memref<48xi32, #tpu.memory_space<smem>>) -> (i32, i32, i32) {
    %c0_i32 = arith.constant 0 : i32
    %c0_i32_0 = arith.constant 0 : i32
    %c0_i32_1 = arith.constant 0 : i32
    %c0_i32_2 = arith.constant 0 : i32
    return %c0_i32, %c0_i32_0, %c0_i32_1 : i32, i32, i32
  }
  func.func @transform_98(%arg0: i32, %arg1: memref<48xi32, #tpu.memory_space<smem>>) -> i32 {
    %c0_i32 = arith.constant 0 : i32
    %c0_i32_0 = arith.constant 0 : i32
    return %c0_i32 : i32
  }
  func.func @transform_99(%arg0: i32, %arg1: memref<48xi32, #tpu.memory_space<smem>>) -> (i32, i32) {
    %c0_i32 = arith.constant 0 : i32
    %c0_i32_0 = arith.constant 0 : i32
    %c0_i32_1 = arith.constant 0 : i32
    return %c0_i32, %c0_i32_0 : i32, i32
  }
  func.func @transform_100(%arg0: i32, %arg1: memref<48xi32, #tpu.memory_space<smem>>) -> i32 {
    %c0_i32 = arith.constant 0 : i32
    %c0_i32_0 = arith.constant 0 : i32
    return %c0_i32 : i32
  }
  func.func @transform_101(%arg0: i32, %arg1: memref<48xi32, #tpu.memory_space<smem>>) -> (i32, i32) {
    %c0_i32 = arith.constant 0 : i32
    %c0_i32_0 = arith.constant 0 : i32
    %c0_i32_1 = arith.constant 0 : i32
    return %c0_i32, %c0_i32_0 : i32, i32
  }
  func.func @transform_102(%arg0: i32, %arg1: memref<48xi32, #tpu.memory_space<smem>>) -> i32 {
    %c0_i32 = arith.constant 0 : i32
    %c0_i32_0 = arith.constant 0 : i32
    return %c0_i32 : i32
  }
  func.func @transform_103(%arg0: i32, %arg1: memref<48xi32, #tpu.memory_space<smem>>) -> (i32, i32) {
    %c0_i32 = arith.constant 0 : i32
    %c0_i32_0 = arith.constant 0 : i32
    return %arg0, %c0_i32 : i32, i32
  }
}

</mosaic_0001>

<sc_bundles>
// kernel: kernel.6.cloned.1.call-start
scs
__scs_entry_jumppad:
0x0: {  	(pc) =	sbr.rel $0x88, $3  }
0x1: {  	(tag) =	ssettag $0x0;
	lr =	simm.s32 $0x1  }
0x2: {  	[smem:$0x3F92] =	sst lr;
	_ =	strace $0xD0000000  }
0x3: {  	_ = 	snop  }
0x4: {  	_ = 	snop  }
0x5: {  	_ = 	snop  }
0x6: {  	_ = 	snop  }
0x7: {  	_ = 	snop  }
__scs_overlays_trampoline_lowered:
0x8: {  	[smem:$0x3FA1] =	sst s0  }
0x9: {  	[smem:$0x3FA2] =	sst s1  }
0xa: {  	[smem:$0x3FA3] =	sst s2  }
0xb: {  	[smem:$0x3FA4] =	sst s3  }
0xc: {  	[smem:$0x3FA5] =	sst s4  }
0xd: {  	[smem:$0x3FA6] =	sst s5  }
0xe: {  	[smem:$0x3FA7] =	sst s6  }
0xf: {  	[smem:$0x3FA8] =	sst s7  }
0x10: {  	[smem:$0x3FA9] =	sst s8  }
0x11: {  	[smem:$0x3FAA] =	sst s9;
	s0 =	simm.s32 @!p0 $0x0  }
0x12: {  	s1 =	sld [smem:$0x3F90];
	s0 =	simm.s32 @p0 $0x1  }
0x13: {  	[smem:$0x3FAB] =	sst s0;
	s0 =	simm.s32 @!p1 $0x0  }
0x14: {  	s2 =	sld [smem:$0x3F8F];
	s0 =	simm.s32 @p1 $0x1  }
0x15: {  	[smem:$0x3FAC] =	sst s0;
	s0 =	simm.s32 @!p2 $0x0  }
0x16: {  	s3 =	sld [smem:$0x3FDB];
	s0 =	simm.s32 @p2 $0x1  }
0x17: {  	s4 =	simm.s32 $0x1BF5;
	[smem:$0x3FAE] =	sst s0  }
0x18: {  	s0 =	sld [smem:$0x3F91];
	_ =	swait.ge [sflag:s4], $0x0  }
0x19: {  	s7 =	sld [smem:$0x3F92]  }
0x1a: {  	s8 =	sadd.s32 $0xFFFFE003, lr  }
0x1b: {  	s9 =	sadd.s32 $0xFFFFFEF7, lr;
	s5 =	simm.s32 $0xFFFFFFFF;
	p2 =	slt.u32 s8, $0xFFFFF086  }
0x1c: {  	p1 =	slt.u32 s9, $0xF7A;
	s5 =	simm.s32 @!p2 $0x0  }
0x1d: {  	s5 =	simm.s32 @p1 $0x1;
	p0 =	seq.s32 s7, s2  }
0x1e: {  	s7 =	smul.u32 @!p0 $0xF7A, s2;
	p2 =	seq.s32 @!p0 s5, $0x0  }
0x1f: {  	s9 =	smul.u32 $0xF7A, s1;
	s8 =	simm.s32 @!p0 $0x1BF5;
	p2 =	por !p2, p0  }
0x20: {  	[sflag:s8] =	ssyncset.s32 @!p0 $0xFFFFF086;
	s6 =	sadd.s32 @!p0 s3, s7;
	s7 =	simm.s32 @!p0 $0x108  }
0x21: {  	s3 =	sadd.s32 s3, s9;
	s6 =	sadd.s32 @!p0 $0x88, s6;
	s7 =	simm.s32 @p2 $0x1082  }
0x22: {  	[simem:s7], [sflag:s8] =	dma.local @!p0 [hbm:s6], $0xF7A  }
0x23: {  	s9 =	sor.u32 $0xD0000000, s2;
	s6 =	simm.s32 $0x108;
	_ =	swait.ge @!p0 [sflag:s8], $0x0  }
0x24: {  	s3 =	sadd.s32 $0x88, s3;
	s6 =	simm.s32 @!p1 $0x1082;
	[sflag:s4] =	ssyncset.s32 $0xFFFFF086  }
0x25: {  	[simem:s6], [sflag:s4] =	dma.local [hbm:s3], $0xF7A  }
0x26: {  	[smem:$0x3F92] =	sst s1;
	(tag) =	ssettag s2;
	_ =	strace s9  }
0x27: {  	s1 =	sld [smem:$0x3FA2]  }
0x28: {  	s2 =	sld [smem:$0x3FA3]  }
0x29: {  	s4 =	sld [smem:$0x3FA5]  }
0x2a: {  	p0 =	seq.s32 s5, $0x0;
	s5 =	sld [smem:$0x3FA6]  }
0x2b: {  	s6 =	sld [smem:$0x3FA7]  }
0x2c: {  	s7 =	sld [smem:$0x3FA8]  }
0x2d: {  	s3 =	simm.s32 $0x108;
	s8 =	sld [smem:$0x3FA9]  }
0x2e: {  	s3 =	simm.s32 @!p0 $0x1082;
	s9 =	sld [smem:$0x3FAA]  }
0x2f: {  	lr =	sadd.s32 s0, s3;
	s0 =	sld [smem:$0x3FA1]  }
0x30: {  	s3 =	sld [smem:$0x3FA4]  }
0x31: {  	[smem:$0x3FAD] =	sst s10  }
0x32: {  	s10 =	sld [smem:$0x3FAB];
	_ =	sdelay $0x3  }
0x33: {  	p0 =	seq.s32 s10, $0x1;
	s10 =	sld [smem:$0x3FAD];
	_ =	sdelay $0x3  }
0x34: {  	[smem:$0x3FAD] =	sst s10  }
0x35: {  	s10 =	sld [smem:$0x3FAC];
	_ =	sdelay $0x3  }
0x36: {  	p1 =	seq.s32 s10, $0x1;
	s10 =	sld [smem:$0x3FAD];
	_ =	sdelay $0x3  }
0x37: {  	[smem:$0x3FAD] =	sst s10  }
0x38: {  	s10 =	sld [smem:$0x3FAE]  }
0x39: {  	_ = 	snop;
	(pc) =	sbr.ind lr, $3  }
0x3a: {  	_ = 	snop  }
0x3b: {  	_ = 	snop  }
0x3c: {  	p2 =	seq.s32 s10, $0x1;
	s10 =	sld [smem:$0x3FAD]  }
0x3d: {  	_ =	shalt  }
0x3e: {  	_ =	shalt  }
0x3f: {  	_ =	shalt  }
0x40: {  	_ =	shalt  }
0x41: {  	_ =	shalt  }
0x42: {  	_ =	shalt  }
0x43: {  	_ =	shalt  }
0x44: {  	_ =	shalt  }
0x45: {  	_ =	shalt  }
0x46: {  	_ =	shalt  }
0x47: {  	_ =	shalt  }
0x48: {  	_ =	shalt  }
0x49: {  	_ =	shalt  }
0x4a: {  	_ =	shalt  }
0x4b: {  	_ =	shalt  }
0x4c: {  	_ =	shalt  }
0x4d: {  	_ =	shalt  }
0x4e: {  	_ =	shalt  }
0x4f: {  	_ =	shalt  }
0x50: {  	_ =	shalt  }
0x51: {  	_ =	shalt  }
0x52: {  	_ =	shalt  }
0x53: {  	_ =	shalt  }
0x54: {  	_ =	shalt  }
0x55: {  	_ =	shalt  }
0x56: {  	_ =	shalt  }
0x57: {  	_ =	shalt  }
0x58: {  	_ =	shalt  }
0x59: {  	_ =	shalt  }
0x5a: {  	_ =	shalt  }
0x5b: {  	_ =	shalt  }
0x5c: {  	_ =	shalt  }
0x5d: {  	_ =	shalt  }
0x5e: {  	_ =	shalt  }
0x5f: {  	_ =	shalt  }
0x60: {  	_ =	shalt  }
0x61: {  	_ =	shalt  }
0x62: {  	_ =	shalt  }
0x63: {  	_ =	shalt  }
0x64: {  	_ =	shalt  }
0x65: {  	_ =	shalt  }
0x66: {  	_ =	shalt  }
0x67: {  	_ =	shalt  }
0x68: {  	_ =	shalt  }
0x69: {  	_ =	shalt  }
0x6a: {  	_ =	shalt  }
0x6b: {  	_ =	shalt  }
0x6c: {  	_ =	shalt  }
0x6d: {  	_ =	shalt  }
0x6e: {  	_ =	shalt  }
0x6f: {  	_ =	shalt  }
0x70: {  	_ =	shalt  }
0x71: {  	_ =	shalt  }
0x72: {  	_ =	shalt  }
0x73: {  	_ =	shalt  }
0x74: {  	_ =	shalt  }
0x75: {  	_ =	shalt  }
0x76: {  	_ =	shalt  }
0x77: {  	_ =	shalt  }
0x78: {  	_ =	shalt  }
0x79: {  	_ =	shalt  }
0x7a: {  	_ =	shalt  }
0x7b: {  	_ =	shalt  }
0x7c: {  	_ =	shalt  }
0x7d: {  	_ =	shalt  }
0x7e: {  	_ =	shalt  }
0x7f: {  	_ =	shalt  }
0x80: {  	_ =	shalt  }
0x81: {  	_ =	shalt  }
0x82: {  	_ =	shalt  }
0x83: {  	_ =	shalt  }
0x84: {  	_ =	shalt  }
0x85: {  	_ =	shalt  }
0x86: {  	_ =	shalt  }
0x87: {  	_ =	shalt  }
.Lfunc_end0:
.L_simem_size_0:
called_computation_lowered:
.L_overlay_start_0:
0x88: {  	s2 =	sld [smem:$0x3FD9]  }
0x89: {  	s3 =	sld [smem:$0x3FFE];
	_ =	sdelay $0x1  }
0x8a: {  	s1 =	srdreg.scid  }
0x8b: {  	s0 =	sand.u32 $0x1, s1  }
0x8c: {  	s17 =	sshll.u32 s0, $0xA;
	s2 =	sadd.s32 s3, s2  }
0x8d: {  	s2 =	sadd.s32 s2, s17  }
0x8e: {  	[smem:$0x3FB9] =	sst s2  }
0x8f: {  	_ = 	snop  }
0x90: {  	s2 =	sld [smem:$0x3FD0];
	(tm) =	ssettm $0x1  }
0x91: {  	s18 =	sld [smem:$0x3FFB];
	_ =	sdelay $0x3  }
0x92: {  	_ =	strace s18  }
0x93: {  	s3 =	sld [smem:$0x3FFC];
	_ =	sdelay $0x3  }
0x94: {  	_ =	strace s3  }
0x95: {  	s3 =	sld [smem:$0x3FFD];
	_ =	sdelay $0x3  }
0x96: {  	_ =	strace s3  }
0x97: {  	_ =	strace $0x8FFFFFFF  }
0x98: {  	s19 =	sld [smem:$0x3FDB];
	_ =	sdelay $0x1  }
0x99: {  	s4 =	simm.s32 $_scs_section_size  }
0x9a: {  	s5 =	simm.s32 $_size__tile_overlayer_lowered;
	s6 =	simm.s32 $_tile_overlayer_lowered  }
0x9b: {  	s22 =	simm.s32 $0x1BFF;
	s21 =	sshll.u32 s6, $0x1;
	s3 =	sadd.s32 s4, s19  }
0x9c: {  	s7 =	simm.s32 $0x0;
	s20 =	sshll.u32 s5, $0x1;
	s5 =	sadd.s32 s21, s3  }
0x9d: {  	[timem:s7], [sflag:s22] =	dma.local [hbm:s5], s20  }
0x9e: {  	_ =	swait.ge [sflag:s22], s20  }
0x9f: {  	s4 =	ssub.s32 $0x0, s20;
	[sflag:s22] =	ssyncset.done $0x0  }
0xa0: {  	[sflag:s22] =	ssyncadd.s32 s4;
	_ =	sdelay $0x1  }
0xa1: {  	s23 =	simm.s32 $0x1B8B  }
0xa2: {  	_ =	swait.ge [sflag:s23], $0x1  }
0xa3: {  	[sflag:s23] =	ssyncset.done $0x0  }
0xa4: {  	s25 =	simm.s32 $0x1B8E;
	s24 =	sld [smem:$0x3FFE];
	[sflag:s23] =	ssyncadd.s32 $0xFFFFFFFF  }
0xa5: {  	s26 =	simm.s32 $execute0_lowered;
	[smem:$0x3FD2] =	sst s25  }
0xa6: {  	s5 =	sshll.u32 s26, $0x1;
	_ =	strace $0x80000046;
	[dreg:$0x1] =	wrdreg $0xFFFFFFFF  }
0xa7: {  	s28 =	simm.s32 $_size_execute0_lowered;
	s3 =	sadd.s32 s3, s5;
	[dreg:$0x0] =	wrdreg $0x0  }
0xa8: {  	s5 =	sshll.u32 s28, $0x1;
	[dreg:$0x2] =	wrdreg s3  }
0xa9: {  	[dreg:$0x3] =	wrdreg s5  }
0xaa: {  	[dreg:$0x4] =	wrdreg $0xC0  }
0xab: {  	_ =	task [dreg:s7], $0x5FFFF  }
0xac: {  	[dreg:$0x1] =	wrdreg $0xFFFFFFFF  }
0xad: {  	[dreg:$0x0] =	wrdreg $0x60  }
0xae: {  	[dreg:$0x2] =	wrdreg s24  }
0xaf: {  	[dreg:$0x3] =	wrdreg s2  }
0xb0: {  	[dreg:$0x4] =	wrdreg $0x9  }
0xb1: {  	_ =	task.clear_ibuf [dreg:s7], $0x5FFFF;
	_ =	strace $0x90000046  }
0xb2: {  	s29 =	simm.s32 $0x9;
	_ =	strace $0x80000048  }
0xb3: {  	_ =	swait.ge [sflag:s29], $0x1  }
0xb4: {  	[sflag:s29] =	ssyncadd.s32 $0xFFFFFFFF  }
0xb5: {  	_ =	strace $0x90000048  }
0xb6: {  	_ =	sfence  }
0xb7: {  	s30 =	sld [smem:$0x0];
	_ =	sdelay $0x2  }
0xb8: {  	s31 =	sshll.u32 s1, $0xD;
	s1 =	sshrl.u32 s1, $0x2  }
0xb9: {  	s3 =	sand.u32 $0x4000, s31;
	s1 =	sadd.s32 s1, s30  }
0xba: {  	s0 =	sor.u32 s3, s0;
	s1 =	sshll.u32 s1, $0x11  }
0xbb: {  	s0 =	sor.u32 s1, s0  }
0xbc: {  	s0 =	sadd.s32 $0x8F2B, s0  }
0xbd: {  	[sflag:s0] =	ssyncadd.remote.s32 $0x1  }
0xbe: {  	_ =	sfence.sel $0xFFFF  }
0xbf: {  	[dreg:$0x0] =	wrdreg $0xFFFFFFFF;
	(pc) =	sbr.abs _section_cstart, $3  }
0xc0: {  	[dreg:$0x1] =	wrdreg $0xFFFFFFFF  }
0xc1: {  	_ =	task.clear_ibuf [dreg:s7], $0x2FFFF;
	_ =	strace $0x9FFFFFFF  }
0xc2: {  	(tm) =	ssettm $0x7FFFFFFF  }
0xc3: {  	_ =	shalt  }
tec
execute0_lowered:
.L_overlay_start_1:
0x0: {  	(tag) =	ssettag $0x1  }
0x1: {  	s7 =	rddreg [dreg:$0x0]  }
0x2: {  	s3 =	rddreg [dreg:$0x1];
	s1 =	srdreg.scid  }
0x3: {  	s0 =	rddreg [dreg:$0x2];
	s2 =	simm.s32 $0x0;
	s15 =	sand.u32 $0x1, s1  }
0x4: {  	[smem:$0x7FF] =	sst s2;
	s1 =	stileid.u32;
	s4 =	sshll.u32 s15, $0x6  }
0x5: {  	_ =	strace $0x80000047;
	s5 =	sshll.u32 s1, $0x7;
	s3 =	sadd.s32 s3, s4  }
0x6: {  	s6 =	sshll.u32 s15, $0xD;
	s4 =	simm.s32 $0x2;
	s3 =	sadd.s32 s5, s3  }
0x7: {  	[tilespmem:s2], [sflag:$0x2] =	stream.linear.gather [hbm4b:s3+s2], $0x200, $0x38;
	[tilespmem:$0x10200] =	vst v63  }
0x8: {  	s31 =	sshll.u32 s1, $0xE;
	s30 =	sadd.s32 s6, s7;
	_ =	swait.ge [sflag:s4], $0x200  }
0x9: {  	s5 =	sadd.s32 s31, s30;
	[sflag:s4] =	ssyncset.done $0x0  }
0xa: {  	s6 =	simm.s32 $0x200;
	s5 =	sadd.s32 $0x2400, s5;
	[sflag:s4] =	ssyncadd.s32 $0xFFFFFE00  }
0xb: {  	[tilespmem:s6], [sflag:$0x2] =	stream.linear.gather [hbm4b:s5+s2], $0x10000, $0x38;
	[tilespmem:$0x10200] =	vst v63  }
0xc: {  	_ =	swait.ge [sflag:s4], $0x10000  }
0xd: {  	[sflag:s4] =	ssyncset.done $0x0  }
0xe: {  	s8 =	simm.s32 $0x80;
	s7 =	sadd.s32 $0x42400, s7;
	[sflag:s4] =	ssyncadd.s32 $0xFFFF0000  }
0xf: {  	[hbm4b:s7+s8] =	stream.indirect.scatter [tilespmem:s6], [sflag:$0x1], $0x80, s2, s8, $0xb8;
	[tilespmem:$0x10200] =	vst v63  }
0x10: {  	s9 =	simm.s32 $0x4200  }
0x11: {  	[hbm4b:s7+s8] =	stream.indirect.scatter [tilespmem:s9], [sflag:$0x1], $0x80, s8, s8, $0xb8;
	[tilespmem:$0x10200] =	vst v63  }
0x12: {  	s10 =	simm.s32 $0x100;
	s11 =	simm.s32 $0x8200  }
0x13: {  	[hbm4b:s7+s8] =	stream.indirect.scatter [tilespmem:s11], [sflag:$0x1], $0x80, s10, s8, $0xb8;
	[tilespmem:$0x10200] =	vst v63  }
0x14: {  	s12 =	simm.s32 $0x180;
	s14 =	simm.s32 $0xC200;
	s13 =	simm.s32 $0x1  }
0x15: {  	[hbm4b:s7+s8] =	stream.indirect.scatter [tilespmem:s14], [sflag:$0x1], $0x80, s12, s8, $0xb8;
	[tilespmem:$0x10200] =	vst v63  }
0x16: {  	_ =	swait.ge [sflag:s13], $0x4000  }
0x17: {  	s15 =	ssub.s32 $0x2, s15;
	[sflag:s13] =	ssyncset.done $0x0  }
0x18: {  	s16 =	sshrl.u32 s15, $0x1;
	[sflag:s13] =	ssyncadd.s32 $0xFFFFC000  }
0x19: {  	s15 =	ssub.s32 s15, s16;
	_ =	swait.ge [sflag:s13], $0x4000  }
0x1a: {  	s15 =	smax.u32 s15, $0x1;
	[sflag:s13] =	ssyncset.done $0x0  }
0x1b: {  	p0 =	sne.s32 s15, $0x1;
	[sflag:s13] =	ssyncadd.s32 $0xFFFFC000  }
.Ltmp0:
0x1c: {  	_ =	swait.ge [sflag:s13], $0x4000;
	(pc) =	sbr.rel @!p0 .LBB2_2-.Ltmp0, $4  }
0x1d: {  	[sflag:s13] =	ssyncset.done $0x0  }
0x1e: {  	[sflag:s13] =	ssyncadd.s32 $0xFFFFC000  }
0x1f: {  	_ =	swait.ge [sflag:s13], $0x4000  }
0x20: {  	s15 =	sadd.s32 $0xFFFFFFFF, s15;
	[sflag:s13] =	ssyncset.done $0x0  }
.LBB2_1:
0x21: {  	p0 =	sne.s32 s15, $0x1;
	s15 =	sadd.s32 $0xFFFFFFFF, s15;
	[sflag:s13] =	ssyncadd.s32 $0xFFFFC000  }
0x22: {  	[tilespmem:s2], [sflag:$0x2] =	stream.linear.gather [hbm4b:s3+s2], $0x200, $0x38;
	[tilespmem:$0x10200] =	vst v63  }
0x23: {  	_ =	swait.ge [sflag:s4], $0x200  }
0x24: {  	[sflag:s4] =	ssyncset.done $0x0  }
0x25: {  	[sflag:s4] =	ssyncadd.s32 $0xFFFFFE00  }
0x26: {  	[tilespmem:s6], [sflag:$0x2] =	stream.linear.gather [hbm4b:s5+s2], $0x10000, $0x38;
	[tilespmem:$0x10200] =	vst v63  }
0x27: {  	_ =	swait.ge [sflag:s4], $0x10000  }
0x28: {  	[sflag:s4] =	ssyncset.done $0x0  }
0x29: {  	[sflag:s4] =	ssyncadd.s32 $0xFFFF0000  }
0x2a: {  	[hbm4b:s7+s8] =	stream.indirect.scatter [tilespmem:s6], [sflag:$0x1], $0x80, s2, s8, $0xb8;
	[tilespmem:$0x10200] =	vst v63  }
0x2b: {  	_ = 	snop  }
0x2c: {  	[hbm4b:s7+s8] =	stream.indirect.scatter [tilespmem:s9], [sflag:$0x1], $0x80, s8, s8, $0xb8;
	[tilespmem:$0x10200] =	vst v63  }
0x2d: {  	_ = 	snop  }
0x2e: {  	[hbm4b:s7+s8] =	stream.indirect.scatter [tilespmem:s11], [sflag:$0x1], $0x80, s10, s8, $0xb8;
	[tilespmem:$0x10200] =	vst v63  }
0x2f: {  	_ = 	snop  }
0x30: {  	[hbm4b:s7+s8] =	stream.indirect.scatter [tilespmem:s14], [sflag:$0x1], $0x80, s12, s8, $0xb8;
	[tilespmem:$0x10200] =	vst v63  }
0x31: {  	_ =	swait.ge [sflag:s13], $0x4000  }
0x32: {  	[sflag:s13] =	ssyncset.done $0x0  }
0x33: {  	[sflag:s13] =	ssyncadd.s32 $0xFFFFC000  }
0x34: {  	_ =	swait.ge [sflag:s13], $0x4000  }
0x35: {  	[sflag:s13] =	ssyncset.done $0x0  }
0x36: {  	[sflag:s13] =	ssyncadd.s32 $0xFFFFC000  }
.Ltmp1:
0x37: {  	_ =	swait.ge [sflag:s13], $0x4000;
	(pc) =	sbr.rel @p0 .LBB2_1-.Ltmp1, $4  }
0x38: {  	[sflag:s13] =	ssyncset.done $0x0  }
0x39: {  	[sflag:s13] =	ssyncadd.s32 $0xFFFFC000  }
0x3a: {  	_ =	swait.ge [sflag:s13], $0x4000  }
0x3b: {  	[sflag:s13] =	ssyncset.done $0x0  }
.LBB2_2:
0x3c: {  	[sflag:s13] =	ssyncadd.s32 $0xFFFFC000  }
0x3d: {  	_ =	sfence.sel $0x180000  }
0x3e: {  	[bflag:$0x0] =	sbarrier.arrive $0xFFFF  }
0x3f: {  	p0 =	sne.s32 s1, $0x0;
	_ =	strace $0x90000047  }
0x40: {  	s0 =	sadd.s32 @!p0 $0x100000, s0;
	[bflag:$0x2] =	sbarrier.arrive $0xFFFF  }
0x41: {  	[sflag:s0] =	ssyncadd.tile.s32 @!p0 $0x1;
	_ =	shalt  }
.Lfunc_end2:
_tile_overlayer_lowered:
.L_overlay_start_2:
0x42: {  	(tag) =	ssettag $0x2  }
0x43: {  	s0 =	rddreg [dreg:$0x0];
	s2 =	stileid.u32  }
0x44: {  	s1 =	rddreg [dreg:$0x1];
	p0 =	sne.s32 s2, $0x0  }
0x45: {  	s3 =	rddreg [dreg:$0x2];
	[bflag:$0x3] =	sbarrier.arrive $0xFFFF;
	s2 =	simm.s32 @!p0 $0x1C02  }
0x46: {  	[timem:s3], [sflag:s2] =	dma.local @!p0 [hbm:s0], s1  }
0x47: {  	s0 =	simm.s32 @!p0 $0x2  }
0x48: {  	_ =	swait.ge @!p0 [sflag:s0], s1  }
0x49: {  	s1 =	ssub.s32 @!p0 $0x0, s1;
	[sflag:s0] =	ssyncset.done @!p0 $0x0  }
0x4a: {  	[sflag:s0] =	ssyncadd.s32 @!p0 s1  }
0x4b: {  	[bflag:$0x3] =	sbarrier.arrive $0xFFFF  }
0x4c: {  	_ =	shalt  }

// kernel: kernel.9.cloned.1.call-start
scs
__scs_entry_jumppad:
0x0: {  	(pc) =	sbr.rel $0x88, $3  }
0x1: {  	(tag) =	ssettag $0x0;
	lr =	simm.s32 $0x1  }
0x2: {  	[smem:$0x3F92] =	sst lr;
	_ =	strace $0xD0000000  }
0x3: {  	_ = 	snop  }
0x4: {  	_ = 	snop  }
0x5: {  	_ = 	snop  }
0x6: {  	_ = 	snop  }
0x7: {  	_ = 	snop  }
__scs_overlays_trampoline_lowered:
0x8: {  	[smem:$0x3FA1] =	sst s0  }
0x9: {  	[smem:$0x3FA2] =	sst s1  }
0xa: {  	[smem:$0x3FA3] =	sst s2  }
0xb: {  	[smem:$0x3FA4] =	sst s3  }
0xc: {  	[smem:$0x3FA5] =	sst s4  }
0xd: {  	[smem:$0x3FA6] =	sst s5  }
0xe: {  	[smem:$0x3FA7] =	sst s6  }
0xf: {  	[smem:$0x3FA8] =	sst s7  }
0x10: {  	[smem:$0x3FA9] =	sst s8  }
0x11: {  	[smem:$0x3FAA] =	sst s9;
	s0 =	simm.s32 @!p0 $0x0  }
0x12: {  	s1 =	sld [smem:$0x3F90];
	s0 =	simm.s32 @p0 $0x1  }
0x13: {  	[smem:$0x3FAB] =	sst s0;
	s0 =	simm.s32 @!p1 $0x0  }
0x14: {  	s2 =	sld [smem:$0x3F8F];
	s0 =	simm.s32 @p1 $0x1  }
0x15: {  	[smem:$0x3FAC] =	sst s0;
	s0 =	simm.s32 @!p2 $0x0  }
0x16: {  	s3 =	sld [smem:$0x3FDB];
	s0 =	simm.s32 @p2 $0x1  }
0x17: {  	s4 =	simm.s32 $0x1BF5;
	[smem:$0x3FAE] =	sst s0  }
0x18: {  	s0 =	sld [smem:$0x3F91];
	_ =	swait.ge [sflag:s4], $0x0  }
0x19: {  	s7 =	sld [smem:$0x3F92]  }
0x1a: {  	s8 =	sadd.s32 $0xFFFFE003, lr  }
0x1b: {  	s9 =	sadd.s32 $0xFFFFFEF7, lr;
	s5 =	simm.s32 $0xFFFFFFFF;
	p2 =	slt.u32 s8, $0xFFFFF086  }
0x1c: {  	p1 =	slt.u32 s9, $0xF7A;
	s5 =	simm.s32 @!p2 $0x0  }
0x1d: {  	s5 =	simm.s32 @p1 $0x1;
	p0 =	seq.s32 s7, s2  }
0x1e: {  	s7 =	smul.u32 @!p0 $0xF7A, s2;
	p2 =	seq.s32 @!p0 s5, $0x0  }
0x1f: {  	s9 =	smul.u32 $0xF7A, s1;
	s8 =	simm.s32 @!p0 $0x1BF5;
	p2 =	por !p2, p0  }
0x20: {  	[sflag:s8] =	ssyncset.s32 @!p0 $0xFFFFF086;
	s6 =	sadd.s32 @!p0 s3, s7;
	s7 =	simm.s32 @!p0 $0x108  }
0x21: {  	s3 =	sadd.s32 s3, s9;
	s6 =	sadd.s32 @!p0 $0x88, s6;
	s7 =	simm.s32 @p2 $0x1082  }
0x22: {  	[simem:s7], [sflag:s8] =	dma.local @!p0 [hbm:s6], $0xF7A  }
0x23: {  	s9 =	sor.u32 $0xD0000000, s2;
	s6 =	simm.s32 $0x108;
	_ =	swait.ge @!p0 [sflag:s8], $0x0  }
0x24: {  	s3 =	sadd.s32 $0x88, s3;
	s6 =	simm.s32 @!p1 $0x1082;
	[sflag:s4] =	ssyncset.s32 $0xFFFFF086  }
0x25: {  	[simem:s6], [sflag:s4] =	dma.local [hbm:s3], $0xF7A  }
0x26: {  	[smem:$0x3F92] =	sst s1;
	(tag) =	ssettag s2;
	_ =	strace s9  }
0x27: {  	s1 =	sld [smem:$0x3FA2]  }
0x28: {  	s2 =	sld [smem:$0x3FA3]  }
0x29: {  	s4 =	sld [smem:$0x3FA5]  }
0x2a: {  	p0 =	seq.s32 s5, $0x0;
	s5 =	sld [smem:$0x3FA6]  }
0x2b: {  	s6 =	sld [smem:$0x3FA7]  }
0x2c: {  	s7 =	sld [smem:$0x3FA8]  }
0x2d: {  	s3 =	simm.s32 $0x108;
	s8 =	sld [smem:$0x3FA9]  }
0x2e: {  	s3 =	simm.s32 @!p0 $0x1082;
	s9 =	sld [smem:$0x3FAA]  }
0x2f: {  	lr =	sadd.s32 s0, s3;
	s0 =	sld [smem:$0x3FA1]  }
0x30: {  	s3 =	sld [smem:$0x3FA4]  }
0x31: {  	[smem:$0x3FAD] =	sst s10  }
0x32: {  	s10 =	sld [smem:$0x3FAB];
	_ =	sdelay $0x3  }
0x33: {  	p0 =	seq.s32 s10, $0x1;
	s10 =	sld [smem:$0x3FAD];
	_ =	sdelay $0x3  }
0x34: {  	[smem:$0x3FAD] =	sst s10  }
0x35: {  	s10 =	sld [smem:$0x3FAC];
	_ =	sdelay $0x3  }
0x36: {  	p1 =	seq.s32 s10, $0x1;
	s10 =	sld [smem:$0x3FAD];
	_ =	sdelay $0x3  }
0x37: {  	[smem:$0x3FAD] =	sst s10  }
0x38: {  	s10 =	sld [smem:$0x3FAE]  }
0x39: {  	_ = 	snop;
	(pc) =	sbr.ind lr, $3  }
0x3a: {  	_ = 	snop  }
0x3b: {  	_ = 	snop  }
0x3c: {  	p2 =	seq.s32 s10, $0x1;
	s10 =	sld [smem:$0x3FAD]  }
0x3d: {  	_ =	shalt  }
0x3e: {  	_ =	shalt  }
0x3f: {  	_ =	shalt  }
0x40: {  	_ =	shalt  }
0x41: {  	_ =	shalt  }
0x42: {  	_ =	shalt  }
0x43: {  	_ =	shalt  }
0x44: {  	_ =	shalt  }
0x45: {  	_ =	shalt  }
0x46: {  	_ =	shalt  }
0x47: {  	_ =	shalt  }
0x48: {  	_ =	shalt  }
0x49: {  	_ =	shalt  }
0x4a: {  	_ =	shalt  }
0x4b: {  	_ =	shalt  }
0x4c: {  	_ =	shalt  }
0x4d: {  	_ =	shalt  }
0x4e: {  	_ =	shalt  }
0x4f: {  	_ =	shalt  }
0x50: {  	_ =	shalt  }
0x51: {  	_ =	shalt  }
0x52: {  	_ =	shalt  }
0x53: {  	_ =	shalt  }
0x54: {  	_ =	shalt  }
0x55: {  	_ =	shalt  }
0x56: {  	_ =	shalt  }
0x57: {  	_ =	shalt  }
0x58: {  	_ =	shalt  }
0x59: {  	_ =	shalt  }
0x5a: {  	_ =	shalt  }
0x5b: {  	_ =	shalt  }
0x5c: {  	_ =	shalt  }
0x5d: {  	_ =	shalt  }
0x5e: {  	_ =	shalt  }
0x5f: {  	_ =	shalt  }
0x60: {  	_ =	shalt  }
0x61: {  	_ =	shalt  }
0x62: {  	_ =	shalt  }
0x63: {  	_ =	shalt  }
0x64: {  	_ =	shalt  }
0x65: {  	_ =	shalt  }
0x66: {  	_ =	shalt  }
0x67: {  	_ =	shalt  }
0x68: {  	_ =	shalt  }
0x69: {  	_ =	shalt  }
0x6a: {  	_ =	shalt  }
0x6b: {  	_ =	shalt  }
0x6c: {  	_ =	shalt  }
0x6d: {  	_ =	shalt  }
0x6e: {  	_ =	shalt  }
0x6f: {  	_ =	shalt  }
0x70: {  	_ =	shalt  }
0x71: {  	_ =	shalt  }
0x72: {  	_ =	shalt  }
0x73: {  	_ =	shalt  }
0x74: {  	_ =	shalt  }
0x75: {  	_ =	shalt  }
0x76: {  	_ =	shalt  }
0x77: {  	_ =	shalt  }
0x78: {  	_ =	shalt  }
0x79: {  	_ =	shalt  }
0x7a: {  	_ =	shalt  }
0x7b: {  	_ =	shalt  }
0x7c: {  	_ =	shalt  }
0x7d: {  	_ =	shalt  }
0x7e: {  	_ =	shalt  }
0x7f: {  	_ =	shalt  }
0x80: {  	_ =	shalt  }
0x81: {  	_ =	shalt  }
0x82: {  	_ =	shalt  }
0x83: {  	_ =	shalt  }
0x84: {  	_ =	shalt  }
0x85: {  	_ =	shalt  }
0x86: {  	_ =	shalt  }
0x87: {  	_ =	shalt  }
.Lfunc_end0:
.L_simem_size_0:
called_computation.1_lowered:
.L_overlay_start_0:
0x88: {  	s2 =	sld [smem:$0x3FD9]  }
0x89: {  	s3 =	sld [smem:$0x3FFE];
	_ =	sdelay $0x1  }
0x8a: {  	s1 =	srdreg.scid  }
0x8b: {  	s0 =	sand.u32 $0x1, s1  }
0x8c: {  	s17 =	sshll.u32 s0, $0xA;
	s2 =	sadd.s32 s3, s2  }
0x8d: {  	s2 =	sadd.s32 s2, s17  }
0x8e: {  	[smem:$0x3FB9] =	sst s2  }
0x8f: {  	_ = 	snop  }
0x90: {  	s2 =	sld [smem:$0x3FD0];
	(tm) =	ssettm $0x1  }
0x91: {  	s18 =	sld [smem:$0x3FFB];
	_ =	sdelay $0x3  }
0x92: {  	_ =	strace s18  }
0x93: {  	s3 =	sld [smem:$0x3FFC];
	_ =	sdelay $0x3  }
0x94: {  	_ =	strace s3  }
0x95: {  	s3 =	sld [smem:$0x3FFD];
	_ =	sdelay $0x3  }
0x96: {  	_ =	strace s3  }
0x97: {  	_ =	strace $0x8FFFFFFF  }
0x98: {  	s19 =	sld [smem:$0x3FDB];
	_ =	sdelay $0x1  }
0x99: {  	s4 =	simm.s32 $_scs_section_size  }
0x9a: {  	s5 =	simm.s32 $_size__tile_overlayer_lowered;
	s6 =	simm.s32 $_tile_overlayer_lowered  }
0x9b: {  	s22 =	simm.s32 $0x1BFF;
	s21 =	sshll.u32 s6, $0x1;
	s3 =	sadd.s32 s4, s19  }
0x9c: {  	s7 =	simm.s32 $0x0;
	s20 =	sshll.u32 s5, $0x1;
	s5 =	sadd.s32 s21, s3  }
0x9d: {  	[timem:s7], [sflag:s22] =	dma.local [hbm:s5], s20  }
0x9e: {  	_ =	swait.ge [sflag:s22], s20  }
0x9f: {  	s4 =	ssub.s32 $0x0, s20;
	[sflag:s22] =	ssyncset.done $0x0  }
0xa0: {  	[sflag:s22] =	ssyncadd.s32 s4;
	_ =	sdelay $0x1  }
0xa1: {  	s23 =	simm.s32 $0x1B8B  }
0xa2: {  	_ =	swait.ge [sflag:s23], $0x1  }
0xa3: {  	[sflag:s23] =	ssyncset.done $0x0  }
0xa4: {  	s25 =	simm.s32 $0x1B8E;
	s24 =	sld [smem:$0x3FFE];
	[sflag:s23] =	ssyncadd.s32 $0xFFFFFFFF  }
0xa5: {  	s26 =	simm.s32 $execute0_lowered;
	[smem:$0x3FD2] =	sst s25  }
0xa6: {  	s5 =	sshll.u32 s26, $0x1;
	_ =	strace $0x80000049;
	[dreg:$0x1] =	wrdreg $0xFFFFFFFF  }
0xa7: {  	s28 =	simm.s32 $_size_execute0_lowered;
	s3 =	sadd.s32 s3, s5;
	[dreg:$0x0] =	wrdreg $0x0  }
0xa8: {  	s5 =	sshll.u32 s28, $0x1;
	[dreg:$0x2] =	wrdreg s3  }
0xa9: {  	[dreg:$0x3] =	wrdreg s5  }
0xaa: {  	[dreg:$0x4] =	wrdreg $0xC0  }
0xab: {  	_ =	task [dreg:s7], $0x5FFFF  }
0xac: {  	[dreg:$0x1] =	wrdreg $0xFFFFFFFF  }
0xad: {  	[dreg:$0x0] =	wrdreg $0x60  }
0xae: {  	[dreg:$0x2] =	wrdreg s24  }
0xaf: {  	[dreg:$0x3] =	wrdreg s2  }
0xb0: {  	[dreg:$0x4] =	wrdreg $0x9  }
0xb1: {  	_ =	task.clear_ibuf [dreg:s7], $0x5FFFF;
	_ =	strace $0x90000049  }
0xb2: {  	s29 =	simm.s32 $0x9;
	_ =	strace $0x8000004B  }
0xb3: {  	_ =	swait.ge [sflag:s29], $0x1  }
0xb4: {  	[sflag:s29] =	ssyncadd.s32 $0xFFFFFFFF  }
0xb5: {  	_ =	strace $0x9000004B  }
0xb6: {  	_ =	sfence  }
0xb7: {  	s30 =	sld [smem:$0x0];
	_ =	sdelay $0x2  }
0xb8: {  	s31 =	sshll.u32 s1, $0xD;
	s1 =	sshrl.u32 s1, $0x2  }
0xb9: {  	s3 =	sand.u32 $0x4000, s31;
	s1 =	sadd.s32 s1, s30  }
0xba: {  	s0 =	sor.u32 s3, s0;
	s1 =	sshll.u32 s1, $0x11  }
0xbb: {  	s0 =	sor.u32 s1, s0  }
0xbc: {  	s0 =	sadd.s32 $0x8F2B, s0  }
0xbd: {  	[sflag:s0] =	ssyncadd.remote.s32 $0x1  }
0xbe: {  	_ =	sfence.sel $0xFFFF  }
0xbf: {  	[dreg:$0x0] =	wrdreg $0xFFFFFFFF;
	(pc) =	sbr.abs _section_cstart, $3  }
0xc0: {  	[dreg:$0x1] =	wrdreg $0xFFFFFFFF  }
0xc1: {  	_ =	task.clear_ibuf [dreg:s7], $0x2FFFF;
	_ =	strace $0x9FFFFFFF  }
0xc2: {  	(tm) =	ssettm $0x7FFFFFFF  }
0xc3: {  	_ =	shalt  }
tec
execute0_lowered:
.L_overlay_start_1:
0x0: {  	(tag) =	ssettag $0x1  }
0x1: {  	s14 =	rddreg [dreg:$0x0]  }
0x2: {  	s3 =	rddreg [dreg:$0x1];
	s1 =	srdreg.scid  }
0x3: {  	s0 =	rddreg [dreg:$0x2];
	s15 =	sand.u32 $0x1, s1  }
0x4: {  	s2 =	simm.s32 $0x0;
	s1 =	stileid.u32;
	s4 =	sshll.u32 s15, $0x6  }
0x5: {  	[smem:$0x7FF] =	sst s2;
	s5 =	sshll.u32 s1, $0x7;
	s3 =	sadd.s32 s3, s4  }
0x6: {  	_ =	strace $0x8000004A;
	s4 =	sadd.s32 s5, s3;
	s3 =	simm.s32 $0x2  }
0x7: {  	[tilespmem:s2], [sflag:$0x2] =	stream.linear.gather [hbm4b:s4+s2], $0x200, $0x38;
	[tilespmem:$0x10200] =	vst v63  }
0x8: {  	_ =	swait.ge [sflag:s3], $0x200  }
0x9: {  	s6 =	simm.s32 $0x80;
	[sflag:s3] =	ssyncset.done $0x0  }
0xa: {  	s7 =	simm.s32 $0x200;
	s5 =	sadd.s32 $0x2400, s14;
	[sflag:s3] =	ssyncadd.s32 $0xFFFFFE00  }
0xb: {  	[tilespmem:s7], [sflag:$0x1] =	stream.indirect.gather [hbm4b:s5+s6], $0x80, s2, s6, $0xb8;
	[tilespmem:$0x10200] =	vst v63  }
0xc: {  	s8 =	simm.s32 $0x4200  }
0xd: {  	[tilespmem:s8], [sflag:$0x1] =	stream.indirect.gather [hbm4b:s5+s6], $0x80, s6, s6, $0xb8;
	[tilespmem:$0x10200] =	vst v63  }
0xe: {  	s9 =	simm.s32 $0x100;
	s10 =	simm.s32 $0x8200  }
0xf: {  	[tilespmem:s10], [sflag:$0x1] =	stream.indirect.gather [hbm4b:s5+s6], $0x80, s9, s6, $0xb8;
	[tilespmem:$0x10200] =	vst v63  }
0x10: {  	s11 =	simm.s32 $0x180;
	s12 =	simm.s32 $0xC200;
	s13 =	simm.s32 $0x1  }
0x11: {  	[tilespmem:s12], [sflag:$0x1] =	stream.indirect.gather [hbm4b:s5+s6], $0x80, s11, s6, $0xb8;
	[tilespmem:$0x10200] =	vst v63  }
0x12: {  	_ =	swait.ge [sflag:s13], $0x4000  }
0x13: {  	[sflag:s13] =	ssyncset.done $0x0  }
0x14: {  	[sflag:s13] =	ssyncadd.s32 $0xFFFFC000  }
0x15: {  	_ =	swait.ge [sflag:s13], $0x4000  }
0x16: {  	[sflag:s13] =	ssyncset.done $0x0  }
0x17: {  	s16 =	sshll.u32 s15, $0xD;
	s15 =	ssub.s32 $0x2, s15;
	[sflag:s13] =	ssyncadd.s32 $0xFFFFC000  }
0x18: {  	s31 =	sshrl.u32 s15, $0x1;
	_ =	swait.ge [sflag:s13], $0x4000  }
0x19: {  	s15 =	ssub.s32 s15, s31;
	[sflag:s13] =	ssyncset.done $0x0  }
0x1a: {  	s17 =	sshll.u32 s1, $0xE;
	s15 =	smax.u32 s15, $0x1;
	[sflag:s13] =	ssyncadd.s32 $0xFFFFC000  }
0x1b: {  	s14 =	sadd.s32 s16, s14;
	p0 =	sne.s32 s15, $0x1;
	_ =	swait.ge [sflag:s13], $0x4000  }
.Ltmp0:
0x1c: {  	s14 =	sadd.s32 s17, s14;
	[sflag:s13] =	ssyncset.done $0x0;
	(pc) =	sbr.rel @!p0 .LBB2_2-.Ltmp0, $4  }
0x1d: {  	s14 =	sadd.s32 $0x62400, s14;
	[sflag:s13] =	ssyncadd.s32 $0xFFFFC000  }
0x1e: {  	[hbm4b:s14+s2] =	stream.linear.scatter [tilespmem:s7], [sflag:$0x2], $0x10000, $0x38;
	[tilespmem:$0x10200] =	vst v63  }
0x1f: {  	_ =	swait.ge [sflag:s3], $0x10000  }
0x20: {  	s15 =	sadd.s32 $0xFFFFFFFF, s15;
	[sflag:s3] =	ssyncset.done $0x0  }
.LBB2_1:
0x21: {  	p0 =	sne.s32 s15, $0x1;
	s15 =	sadd.s32 $0xFFFFFFFF, s15;
	[sflag:s3] =	ssyncadd.s32 $0xFFFF0000  }
0x22: {  	[tilespmem:s2], [sflag:$0x2] =	stream.linear.gather [hbm4b:s4+s2], $0x200, $0x38;
	[tilespmem:$0x10200] =	vst v63  }
0x23: {  	_ =	swait.ge [sflag:s3], $0x200  }
0x24: {  	[sflag:s3] =	ssyncset.done $0x0  }
0x25: {  	[sflag:s3] =	ssyncadd.s32 $0xFFFFFE00  }
0x26: {  	[tilespmem:s7], [sflag:$0x1] =	stream.indirect.gather [hbm4b:s5+s6], $0x80, s2, s6, $0xb8;
	[tilespmem:$0x10200] =	vst v63  }
0x27: {  	_ = 	snop  }
0x28: {  	[tilespmem:s8], [sflag:$0x1] =	stream.indirect.gather [hbm4b:s5+s6], $0x80, s6, s6, $0xb8;
	[tilespmem:$0x10200] =	vst v63  }
0x29: {  	_ = 	snop  }
0x2a: {  	[tilespmem:s10], [sflag:$0x1] =	stream.indirect.gather [hbm4b:s5+s6], $0x80, s9, s6, $0xb8;
	[tilespmem:$0x10200] =	vst v63  }
0x2b: {  	_ = 	snop  }
0x2c: {  	[tilespmem:s12], [sflag:$0x1] =	stream.indirect.gather [hbm4b:s5+s6], $0x80, s11, s6, $0xb8;
	[tilespmem:$0x10200] =	vst v63  }
0x2d: {  	_ =	swait.ge [sflag:s13], $0x4000  }
0x2e: {  	[sflag:s13] =	ssyncset.done $0x0  }
0x2f: {  	[sflag:s13] =	ssyncadd.s32 $0xFFFFC000  }
0x30: {  	_ =	swait.ge [sflag:s13], $0x4000  }
0x31: {  	[sflag:s13] =	ssyncset.done $0x0  }
0x32: {  	[sflag:s13] =	ssyncadd.s32 $0xFFFFC000  }
0x33: {  	_ =	swait.ge [sflag:s13], $0x4000  }
0x34: {  	[sflag:s13] =	ssyncset.done $0x0  }
0x35: {  	[sflag:s13] =	ssyncadd.s32 $0xFFFFC000  }
0x36: {  	_ =	swait.ge [sflag:s13], $0x4000  }
.Ltmp1:
0x37: {  	[sflag:s13] =	ssyncset.done $0x0;
	(pc) =	sbr.rel @p0 .LBB2_1-.Ltmp1, $4  }
0x38: {  	[sflag:s13] =	ssyncadd.s32 $0xFFFFC000  }
0x39: {  	[hbm4b:s14+s2] =	stream.linear.scatter [tilespmem:s7], [sflag:$0x2], $0x10000, $0x38;
	[tilespmem:$0x10200] =	vst v63  }
0x3a: {  	_ =	swait.ge [sflag:s3], $0x10000  }
0x3b: {  	[sflag:s3] =	ssyncset.done $0x0  }
.LBB2_2:
0x3c: {  	[sflag:s3] =	ssyncadd.s32 $0xFFFF0000  }
0x3d: {  	_ =	sfence.sel $0x180000  }
0x3e: {  	[bflag:$0x0] =	sbarrier.arrive $0xFFFF  }
0x3f: {  	p0 =	sne.s32 s1, $0x0;
	_ =	strace $0x9000004A  }
0x40: {  	s0 =	sadd.s32 @!p0 $0x100000, s0;
	[bflag:$0x2] =	sbarrier.arrive $0xFFFF  }
0x41: {  	[sflag:s0] =	ssyncadd.tile.s32 @!p0 $0x1;
	_ =	shalt  }
.Lfunc_end2:
_tile_overlayer_lowered:
.L_overlay_start_2:
0x42: {  	(tag) =	ssettag $0x2  }
0x43: {  	s0 =	rddreg [dreg:$0x0];
	s2 =	stileid.u32  }
0x44: {  	s1 =	rddreg [dreg:$0x1];
	p0 =	sne.s32 s2, $0x0  }
0x45: {  	s3 =	rddreg [dreg:$0x2];
	[bflag:$0x3] =	sbarrier.arrive $0xFFFF;
	s2 =	simm.s32 @!p0 $0x1C02  }
0x46: {  	[timem:s3], [sflag:s2] =	dma.local @!p0 [hbm:s0], s1  }
0x47: {  	s0 =	simm.s32 @!p0 $0x2  }
0x48: {  	_ =	swait.ge @!p0 [sflag:s0], s1  }
0x49: {  	s1 =	ssub.s32 @!p0 $0x0, s1;
	[sflag:s0] =	ssyncset.done @!p0 $0x0  }
0x4a: {  	[sflag:s0] =	ssyncadd.s32 @!p0 s1  }
0x4b: {  	[bflag:$0x3] =	sbarrier.arrive $0xFFFF  }
0x4c: {  	_ =	shalt  }

</sc_bundles>
